<compile_context>
chip_gen: v7x
topology: tpu7x:2x2x1
jax: 0.10.2.dev20260603
libtpu: 0.0.44.dev20260713+nightly
codegen_flags: <defaults>
</compile_context>

<pallas_src>
import functools

import jax
import jax.numpy as jnp
from jax import lax
from jax.experimental import pallas as pl
from jax.experimental.pallas import tpu as pltpu
from jax.experimental.pallas import tpu_sc as plsc

N = 50000
E = 800000
D_IN = 79
D_HID = 64
G = 256
NC = 2
NS = 16
CH = D_HID // NC
CB = 128
NCHUNK = E // CB
FB = 320
NFAT = E // FB
DPIECE = 400
PIECE = 80
BM = 2000
MB = N // BM

_f32 = jnp.float32
_i32 = jnp.int32


@functools.cache
def _mesh():
    return plsc.VectorSubcoreMesh(
        core_axis_name="c", subcore_axis_name="s", num_cores=NC, num_subcores=NS
    )


_SC_PARAMS = pltpu.CompilerParams(use_tc_tiling_on_sc=False)


def _fill_1d(ref, n, value):
    v = jnp.full((16,), value, ref.dtype)

    @pl.loop(0, n // 16)
    def _(i):
        ref[pl.ds(i * 16, 16)] = v


def _fill_2d(ref, nrows, value):
    v = jnp.full((16,), value, ref.dtype)

    @pl.loop(0, nrows)
    def _(r):
        for h in range(CH // 16):
            ref[r, pl.ds(16 * h, 16)] = v


def _split(total, t, nbig):
    base = total // NS
    start = base * t + jnp.minimum(t, nbig)
    cnt = base + (t < nbig).astype(_i32)
    return start, cnt


def _splitw(total, w, n):
    base = total // n
    nbig = total % n
    start = base * w + jnp.minimum(w, nbig)
    cnt = base + (w < nbig).astype(_i32)
    return start, cnt


def _deg_body(dst1d, pdeg, deg_sh, idst0, idst1, ones_v, piece_v, sem):
    c = lax.axis_index("c")
    t = lax.axis_index("s")
    _fill_1d(piece_v, DPIECE, 0.0)
    _fill_1d(ones_v, FB, 1.0)
    p0, pcnt = _split(N // DPIECE, t, (N // DPIECE) % NS)

    @pl.loop(p0, p0 + pcnt)
    def _(p):
        pltpu.sync_copy(piece_v, deg_sh.at[pl.ds(p * DPIECE, DPIECE)])

    plsc.subcore_barrier()

    w = c * NS + t
    f0, cnt = _splitw(NFAT, w, NC * NS)
    npairs = cnt // 2

    def _idx(j):
        return dst1d.at[pl.ds(j * FB, FB)]

    pltpu.async_copy(_idx(f0), idst0, sem)

    @pl.loop(0, npairs)
    def _(i):
        j = f0 + 2 * i
        pltpu.make_async_copy(_idx(j), idst0, sem).wait()
        pltpu.async_copy(_idx(j + 1), idst1, sem)
        pltpu.sync_copy(ones_v, deg_sh.at[idst0], add=True)
        pltpu.make_async_copy(_idx(j + 1), idst1, sem).wait()

        @pl.when(2 * i + 2 < cnt)
        def _():
            pltpu.async_copy(_idx(j + 2), idst0, sem)

        pltpu.sync_copy(ones_v, deg_sh.at[idst1], add=True)

    @pl.when(cnt % 2 == 1)
    def _():
        jl = f0 + cnt - 1
        pltpu.make_async_copy(_idx(jl), idst0, sem).wait()
        pltpu.sync_copy(ones_v, deg_sh.at[idst0], add=True)

    plsc.subcore_barrier()

    @pl.loop(p0, p0 + pcnt)
    def _(p):
        pltpu.sync_copy(deg_sh.at[pl.ds(p * DPIECE, DPIECE)], piece_v)
        pltpu.sync_copy(piece_v, pdeg.at[pl.ds(c * N + p * DPIECE, DPIECE)])


@functools.cache
def _deg_call():
    return pl.kernel(
        _deg_body,
        out_type=jax.ShapeDtypeStruct((NC * N,), _f32),
        mesh=_mesh(),
        compiler_params=_SC_PARAMS,
        scratch_types=[
            pltpu.VMEM_SHARED((N,), _f32),
            pltpu.VMEM((FB,), _i32),
            pltpu.VMEM((FB,), _i32),
            pltpu.VMEM((FB,), _f32),
            pltpu.VMEM((DPIECE,), _f32),
            pltpu.SemaphoreType.DMA,
        ],
    )


def _mm_body(x_ref, w1_ref, pdeg_ref, y_ref, dinv_ref):
    pd = pdeg_ref[...]
    deg = pd[0, 0, 0, :] + pd[1, 0, 0, :] + 1.0
    dinv = lax.rsqrt(deg)
    dinv_ref[...] = dinv.reshape(1, 1, BM)
    xw = jnp.dot(x_ref[...], w1_ref[0], preferred_element_type=_f32)
    y_ref[...] = xw * dinv[:, None]


_mm_call = pl.pallas_call(
    _mm_body,
    grid=(MB, NC),
    in_specs=[
        pl.BlockSpec((BM, D_IN), lambda m, c: (m, 0)),
        pl.BlockSpec((1, D_IN, CH), lambda m, c: (c, 0, 0)),
        pl.BlockSpec((NC, 1, 1, BM), lambda m, c: (0, m, 0, 0)),
    ],
    out_specs=[
        pl.BlockSpec((BM, CH), lambda m, c: (c * MB + m, 0)),
        pl.BlockSpec((1, 1, BM), lambda m, c: (m, 0, 0)),
    ],
    out_shape=[
        jax.ShapeDtypeStruct((NC * N, CH), _f32),
        jax.ShapeDtypeStruct((MB, 1, BM), _f32),
    ],
)


def _gnn_body(
    edges4, yflat, dinv, batch, b1,
    sums_out, cnt_out,
    agg_sh, sums_sh, cnt_sh,
    isrc0, isrc1, isrc2, isrc3, idst0, idst1, idst2, idst3, rows_b,
    aggv, yv, dv, bv, onesv, zv, b1v, sem, sem_s, sem_i,
):
    c = lax.axis_index("c")
    t = lax.axis_index("s")
    coff = c * N

    _fill_2d(aggv, PIECE, 0.0)
    _fill_1d(zv, G, 0.0)
    _fill_1d(onesv, PIECE, 1.0)
    p0, pcnt = _split(N // PIECE, t, (N // PIECE) % NS)

    @pl.loop(p0, p0 + pcnt)
    def _(p):
        pltpu.sync_copy(aggv, agg_sh.at[pl.ds(p * PIECE, PIECE)])

    pltpu.sync_copy(
        aggv.at[pl.ds(0, G // NS)], sums_sh.at[pl.ds(t * (G // NS), G // NS)]
    )

    @pl.when(t == 0)
    def _():
        pltpu.sync_copy(zv, cnt_sh)

    pltpu.sync_copy(b1.at[pl.ds(c * CH, CH)], b1v)
    plsc.subcore_barrier()

    nfq = NFAT // 4
    q0, qcnt = _split(nfq, t, nfq % NS)
    f0 = 4 * q0
    offv = jnp.full((16,), coff, _i32)
    isrcs = (isrc0, isrc1, isrc2, isrc3)
    idsts = (idst0, idst1, idst2, idst3)

    def _fire_idx(f, r):
        pltpu.async_copy(edges4.at[0, pl.ds(f * FB, FB)], isrcs[r], sem_i)
        pltpu.async_copy(edges4.at[1, pl.ds(f * FB, FB)], idsts[r], sem_i)

    def _wait_idx_adjust(f, r):
        si = isrcs[r]
        pltpu.make_async_copy(edges4.at[0, pl.ds(f * FB, FB)], si, sem_i).wait()
        pltpu.make_async_copy(
            edges4.at[1, pl.ds(f * FB, FB)], idsts[r], sem_i
        ).wait()
        for k in range(FB // 16):
            si[pl.ds(k * 16, 16)] = si[pl.ds(k * 16, 16)] + offv

    def _wait_g(r, p):
        pltpu.make_async_copy(yflat.at[isrcs[r]], rows_b.at[p], sem).wait()

    def _fire_g(r, p):
        pltpu.async_copy(yflat.at[isrcs[r]], rows_b.at[p], sem)

    def _fire_s(r, p):
        pltpu.make_async_copy(rows_b.at[p], agg_sh.at[idsts[r]], sem_s).start(
            add=True
        )

    def _wait_s(r, p):
        pltpu.make_async_copy(rows_b.at[p], agg_sh.at[idsts[r]], sem_s).wait()

    for k in range(3):
        _fire_idx(f0 + k, k)
    _wait_idx_adjust(f0, 0)
    _fire_g(0, 0)

    @pl.loop(0, qcnt)
    def _(i):
        for k in range(4):
            p = k % 2
            _wait_g(k, p)
            _fire_s(k, p)
            if k == 0:
                @pl.when(i > 0)
                def _():
                    _wait_s(3, 1)
            else:
                _wait_s(k - 1, 1 - p)
            if k == 3:
                @pl.when(i < qcnt - 1)
                def _():
                    _wait_idx_adjust(f0 + 4 * i + k + 1, 0)
                    _fire_g(0, 1 - p)
            else:
                _wait_idx_adjust(f0 + 4 * i + k + 1, (k + 1) % 4)
                _fire_g((k + 1) % 4, 1 - p)
            if k == 0:
                _fire_idx(f0 + 4 * i + k + 3, 3)
            else:
                @pl.when(i < qcnt - 1)
                def _():
                    _fire_idx(f0 + 4 * i + k + 3, (k + 3) % 4)

    _wait_s(3, 1)

    plsc.subcore_barrier()

    b1a = b1v[pl.ds(0, 16)]
    b1b = b1v[pl.ds(16, 16)]

    @pl.loop(p0, p0 + pcnt)
    def _(p):
        row0 = p * PIECE
        pltpu.sync_copy(agg_sh.at[pl.ds(row0, PIECE)], aggv)
        pltpu.sync_copy(yflat.at[pl.ds(coff + row0, PIECE)], yv)
        pltpu.sync_copy(dinv.at[pl.ds(row0, PIECE)], dv)
        pltpu.sync_copy(batch.at[pl.ds(row0, PIECE)], bv)

        @pl.loop(0, PIECE // 16)
        def _(g):
            dvec = dv[pl.ds(g * 16, 16)]
            for l in range(16):
                r = g * 16 + l
                dsc = dvec[l]
                a0 = aggv[r, pl.ds(0, 16)]
                y0 = yv[r, pl.ds(0, 16)]
                aggv[r, pl.ds(0, 16)] = jnp.maximum(dsc * (a0 + y0) + b1a, 0.0)
                a1 = aggv[r, pl.ds(16, 16)]
                y1 = yv[r, pl.ds(16, 16)]
                aggv[r, pl.ds(16, 16)] = jnp.maximum(dsc * (a1 + y1) + b1b, 0.0)

        pltpu.sync_copy(aggv, sums_sh.at[bv], add=True)
        pltpu.sync_copy(onesv, cnt_sh.at[bv], add=True)

    plsc.subcore_barrier()

    @pl.when(t == 0)
    def _():
        pltpu.sync_copy(sums_sh, rows_b.at[0, pl.ds(0, G)])
        pltpu.sync_copy(rows_b.at[0, pl.ds(0, G)], sums_out.at[c])

    @pl.when(jnp.logical_and(t == 1, c == 0))
    def _():
        pltpu.sync_copy(cnt_sh, zv)
        pltpu.sync_copy(zv, cnt_out)


@functools.cache
def _gnn_call():
    return pl.kernel(
        _gnn_body,
        out_type=(
            jax.ShapeDtypeStruct((NC, G, CH), _f32),
            jax.ShapeDtypeStruct((G,), _f32),
        ),
        mesh=_mesh(),
        compiler_params=_SC_PARAMS,
        scratch_types=[
            pltpu.VMEM_SHARED((N, CH), _f32),
            pltpu.VMEM_SHARED((G, CH), _f32),
            pltpu.VMEM_SHARED((G,), _f32),
            pltpu.VMEM((FB,), _i32),
            pltpu.VMEM((FB,), _i32),
            pltpu.VMEM((FB,), _i32),
            pltpu.VMEM((FB,), _i32),
            pltpu.VMEM((FB,), _i32),
            pltpu.VMEM((FB,), _i32),
            pltpu.VMEM((FB,), _i32),
            pltpu.VMEM((FB,), _i32),
            pltpu.VMEM((2, FB, CH), _f32),
            pltpu.VMEM((PIECE, CH), _f32),
            pltpu.VMEM((PIECE, CH), _f32),
            pltpu.VMEM((PIECE,), _f32),
            pltpu.VMEM((PIECE,), _i32),
            pltpu.VMEM((PIECE,), _f32),
            pltpu.VMEM((G,), _f32),
            pltpu.VMEM((CH,), _f32),
            pltpu.SemaphoreType.DMA,
            pltpu.SemaphoreType.DMA,
            pltpu.SemaphoreType.DMA,
        ],
    )


def _fc_body(sums_ref, cnt_ref, w2_ref, b2_ref, out_ref):
    s = sums_ref[...]
    w2 = w2_ref[...]
    num = jnp.dot(s[0], w2[0:CH, :], preferred_element_type=_f32)
    num = num + jnp.dot(s[1], w2[CH:D_HID, :], preferred_element_type=_f32)
    cnt = jnp.maximum(cnt_ref[...], 1.0)
    out_ref[...] = num / cnt + b2_ref[...]


_fc_call = pl.pallas_call(
    _fc_body,
    out_shape=jax.ShapeDtypeStruct((G, 1), _f32),
)


def kernel(x, edge_index, batch, W1, b1, W2, b2):
    pdeg = _deg_call()(edge_index[1])
    w1s = W1.reshape(D_IN, NC, CH).transpose(1, 0, 2)
    yflat, dinv3 = _mm_call(x, w1s, pdeg.reshape(NC, MB, 1, BM))
    dinv = dinv3.reshape(N)
    sums, counts = _gnn_call()(edge_index, yflat, dinv, batch, b1)
    return _fc_call(sums, counts.reshape(G, 1), W2, b2.reshape(1, 1))

# --- scband reference (transcript-rebuilt; emitter-appended) ---
"""Pipeline reference for scband-drug-gnn-29583734735543 (READ-ONLY COPY).

The authoritative reference and input builder live on the scoring server;
editing this copy changes nothing except your own understanding.
"""

import jax, jax.numpy as jnp
import numpy as np

N = 50000
E = 800000
D_IN = 79
D_HID = 64
D_OUT = 1
NUM_GRAPHS = 256


def setup_inputs(seed: int = 0) -> dict:
    key = jax.random.key(seed)
    ks = jax.random.split(key, 6)
    x = jax.random.normal(ks[0], (N, D_IN), dtype=jnp.float32)
    edge_index = jax.random.randint(ks[1], (2, E), 0, N, dtype=jnp.int32)
    batch = jnp.sort(jax.random.randint(ks[2], (N,), 0, NUM_GRAPHS, dtype=jnp.int32))
    W1 = jax.random.normal(ks[3], (D_IN, D_HID), dtype=jnp.float32) * (1.0 / np.sqrt(D_IN))
    b1 = jnp.zeros((D_HID,), dtype=jnp.float32)
    W2 = jax.random.normal(ks[4], (D_HID, D_OUT), dtype=jnp.float32) * (1.0 / np.sqrt(D_HID))
    b2 = jnp.zeros((D_OUT,), dtype=jnp.float32)
    return {"x": x, "edge_index": edge_index, "batch": batch, "W1": W1, "b1": b1, "W2": W2, "b2": b2}


def reference(x, edge_index, batch, W1, b1, W2, b2):
    n = x.shape[0]
    # GCNConv with add_self_loops=True, normalize=True (PyG defaults)
    loop = jnp.arange(n, dtype=edge_index.dtype)
    src = jnp.concatenate([edge_index[0], loop])
    dst = jnp.concatenate([edge_index[1], loop])
    deg = jnp.zeros((n,), dtype=x.dtype).at[dst].add(1.0)
    deg_inv_sqrt = jnp.where(deg > 0, 1.0 / jnp.sqrt(deg), 0.0)
    norm = deg_inv_sqrt[src] * deg_inv_sqrt[dst]
    xw = x @ W1
    msg = xw[src] * norm[:, None]
    agg = jnp.zeros((n, xw.shape[1]), dtype=x.dtype).at[dst].add(msg)
    h = agg + b1
    h = jax.nn.relu(h)
    # global_mean_pool over batch assignment
    sums = jax.ops.segment_sum(h, batch, num_segments=NUM_GRAPHS)
    counts = jax.ops.segment_sum(jnp.ones((n,), dtype=x.dtype), batch, num_segments=NUM_GRAPHS)
    pooled = sums / jnp.maximum(counts, 1.0)[:, None]
    # fc
    return pooled @ W2 + b2

if __name__ == "__main__":
    import jax
    _d = setup_inputs()
    print(jax.jit(kernel)(*tuple(_d.values())))

</pallas_src>

<mosaic_0001>
#map = affine_map<(d0, d1) -> (0)>
module attributes {stable_mosaic.version = 14 : i64} {
  func.func @_deg_body(%arg0: i32, %arg1: i32, %arg2: memref<800000xi32, #tpu.memory_space<hbm>>, %arg3: memref<100000xf32, #tpu.memory_space<hbm>>, %arg4: memref<50000xf32, #tpu.memory_space<vmem_shared>>, %arg5: memref<320xi32, #tpu.memory_space<vmem>>, %arg6: memref<320xi32, #tpu.memory_space<vmem>>, %arg7: memref<320xf32, #tpu.memory_space<vmem>>, %arg8: memref<400xf32, #tpu.memory_space<vmem>>, %arg9: memref<!tpu.dma_semaphore, #tpu.memory_space<semaphore_mem>>) attributes {dimension_semantics = [#tpu.dimension_semantics<core_parallel>, #tpu.dimension_semantics<subcore_parallel>], iteration_bounds = array<i64: 2, 16>, scalar_prefetch = 0 : i64, scratch_operands = 6 : i64, tpu.core_type = #tpu.core_type<sc_vector_subcore>, window_params = [{transform_indices = #map}, {transform_indices = #map}]} {
    %broadcast_in_dim3A = arith.constant 0.000000e+00 : f32
    %broadcast_in_dim3A_0 = vector.broadcast %broadcast_in_dim3A : f32 to vector<16xf32>
    %scan3A = arith.constant 0 : i32
    %scan3A_1 = arith.constant 25 : i32
    %scan3A_2 = arith.addi %scan3A, %scan3A_1 : i32
    %scan3A_3 = arith.constant 1 : i32
    scf.for %scan3A_123 = %scan3A to %scan3A_2 step %scan3A_3  : i32 {
      %mul3A_124 = arith.constant 1 : i32
      %mul3A_125 = arith.muli %scan3A_123, %mul3A_124 : i32
      %add3A_126 = arith.constant 0 : i32
      %add3A_127 = arith.addi %add3A_126, %mul3A_125 : i32
      %mul3A_128 = arith.constant 16 : i32
      %mul3A_129 = arith.muli %add3A_127, %mul3A_128 : i32
      %swap3A = arith.index_cast %mul3A_129 : i32 to index
      %swap3A_130 = tpu.vector_load %arg8[%swap3A] {strides = array<i32>} : memref<400xf32, #tpu.memory_space<vmem>>, vector<16xf32>,
      %swap3A_131 = vector.shape_cast %swap3A_130 : vector<16xf32> to vector<16xf32>
      %swap3A_132 = vector.shape_cast %broadcast_in_dim3A_0 : vector<16xf32> to vector<16xf32>
      tpu.vector_store %arg8[%swap3A], %swap3A_132 {strides = array<i32>} : memref<400xf32, #tpu.memory_space<vmem>>, vector<16xf32>,
    }
    %scan3A_4 = arith.constant 25 : i32
    %broadcast_in_dim3A_5 = arith.constant 1.000000e+00 : f32
    %broadcast_in_dim3A_6 = vector.broadcast %broadcast_in_dim3A_5 : f32 to vector<16xf32>
    %scan3A_7 = arith.constant 0 : i32
    %scan3A_8 = arith.constant 20 : i32
    %scan3A_9 = arith.addi %scan3A_7, %scan3A_8 : i32
    %scan3A_10 = arith.constant 1 : i32
    scf.for %scan3A_123 = %scan3A_7 to %scan3A_9 step %scan3A_10  : i32 {
      %mul3A_124 = arith.constant 1 : i32
      %mul3A_125 = arith.muli %scan3A_123, %mul3A_124 : i32
      %add3A_126 = arith.constant 0 : i32
      %add3A_127 = arith.addi %add3A_126, %mul3A_125 : i32
      %mul3A_128 = arith.constant 16 : i32
      %mul3A_129 = arith.muli %add3A_127, %mul3A_128 : i32
      %swap3A = arith.index_cast %mul3A_129 : i32 to index
      %swap3A_130 = tpu.vector_load %arg7[%swap3A] {strides = array<i32>} : memref<320xf32, #tpu.memory_space<vmem>>, vector<16xf32>,
      %swap3A_131 = vector.shape_cast %swap3A_130 : vector<16xf32> to vector<16xf32>
      %swap3A_132 = vector.shape_cast %broadcast_in_dim3A_6 : vector<16xf32> to vector<16xf32>
      tpu.vector_store %arg7[%swap3A], %swap3A_132 {strides = array<i32>} : memref<320xf32, #tpu.memory_space<vmem>>, vector<16xf32>,
    }
    %scan3A_11 = arith.constant 20 : i32
    %mul3A = arith.constant 7 : i32
    %mul3A_12 = arith.muli %mul3A, %arg1 : i32
    %min3A = arith.constant 13 : i32
    %min3A_13 = arith.minsi %arg1, %min3A : i32
    %add3A = arith.addi %mul3A_12, %min3A_13 : i32
    %lt3A = arith.constant 13 : i32
    %lt3A_14 = arith.cmpi slt, %arg1, %lt3A : i32
    %convert_element_type3A = arith.extui %lt3A_14 : i1 to i32
    %add3A_15 = arith.constant 7 : i32
    %add3A_16 = arith.addi %add3A_15, %convert_element_type3A : i32
    %add3A_17 = arith.addi %add3A, %add3A_16 : i32
    %sub3A = arith.subi %add3A_17, %add3A : i32
    %sub3A_18 = arith.constant 1 : i32
    %sub3A_19 = arith.constant 1 : i32
    %sub3A_20 = arith.subi %sub3A_18, %sub3A_19 : i32
    %add3A_21 = arith.addi %sub3A, %sub3A_20 : i32
    %div3A = arith.constant 1 : i32
    %div3A_22 = arith.divsi %add3A_21, %div3A : i32
    %while3A = arith.constant 1 : i32
    %while3A_23 = arith.constant 0 : i32
    %while3A_24 = arith.subi %div3A_22, %while3A_23 : i32
    %while3A_25 = arith.addi %while3A_23, %while3A_24 : i32
    %while3A_26 = arith.constant 1 : i32
    %while3A_27 = arith.divsi %while3A_24, %while3A_26 : i32
    %while3A_28 = arith.muli %while3A_27, %while3A_26 : i32
    %while3A_29 = arith.addi %while3A_23, %while3A_28 : i32
    %while3A_30 = arith.constant 1 : i32
    scf.for %while3A_123 = %while3A_23 to %while3A_29 step %while3A_30  : i32 {
      %mul3A_124 = arith.muli %while3A_123, %while3A : i32
      %add3A_125 = arith.addi %add3A, %mul3A_124 : i32
      %mul3A_126 = arith.constant 400 : i32
      %mul3A_127 = arith.muli %add3A_125, %mul3A_126 : i32
      "tpu.region"() ({
        %run_scoped3A = tpu.sem_alloc : memref<!tpu.dma_semaphore, #tpu.memory_space<semaphore_mem>>
        %dma_start3A_128 = tpu.memref_slice %arg4[%mul3A_127] : memref<50000xf32, #tpu.memory_space<vmem_shared>> -> memref<400xf32, #tpu.memory_space<vmem_shared>>
        %dma_start3A_129 = tpu.memref_slice %arg4[%mul3A_127] : memref<50000xf32, #tpu.memory_space<vmem_shared>> -> memref<400xf32, #tpu.memory_space<vmem_shared>>
        tpu.enqueue_dma source(%arg8 : memref<400xf32, #tpu.memory_space<vmem>>) target(%dma_start3A_129 : memref<400xf32, #tpu.memory_space<vmem_shared>>) target_semaphore(%run_scoped3A : memref<!tpu.dma_semaphore, #tpu.memory_space<semaphore_mem>>)
        %dma_wait3A = tpu.memref_slice %arg4[%mul3A_127] : memref<50000xf32, #tpu.memory_space<vmem_shared>> -> memref<400xf32, #tpu.memory_space<vmem_shared>>
        %dma_wait3A_130 = tpu.memref_slice %arg4[%mul3A_127] : memref<50000xf32, #tpu.memory_space<vmem_shared>> -> memref<400xf32, #tpu.memory_space<vmem_shared>>
        tpu.wait_dma2 semaphore(%run_scoped3A : memref<!tpu.dma_semaphore, #tpu.memory_space<semaphore_mem>>) src(%arg8 : memref<400xf32, #tpu.memory_space<vmem>>) dst(%dma_wait3A_130 : memref<400xf32, #tpu.memory_space<vmem_shared>>)
        tpu.yield
      }) : () -> ()
    }
    %while3A_31 = arith.constant 1 : i32
    scf.for %while3A_123 = %while3A_29 to %while3A_25 step %while3A_31  : i32 {
      %mul3A_124 = arith.muli %while3A_123, %while3A : i32
      %add3A_125 = arith.addi %add3A, %mul3A_124 : i32
      %mul3A_126 = arith.constant 400 : i32
      %mul3A_127 = arith.muli %add3A_125, %mul3A_126 : i32
      "tpu.region"() ({
        %run_scoped3A = tpu.sem_alloc : memref<!tpu.dma_semaphore, #tpu.memory_space<semaphore_mem>>
        %dma_start3A_128 = tpu.memref_slice %arg4[%mul3A_127] : memref<50000xf32, #tpu.memory_space<vmem_shared>> -> memref<400xf32, #tpu.memory_space<vmem_shared>>
        %dma_start3A_129 = tpu.memref_slice %arg4[%mul3A_127] : memref<50000xf32, #tpu.memory_space<vmem_shared>> -> memref<400xf32, #tpu.memory_space<vmem_shared>>
        tpu.enqueue_dma source(%arg8 : memref<400xf32, #tpu.memory_space<vmem>>) target(%dma_start3A_129 : memref<400xf32, #tpu.memory_space<vmem_shared>>) target_semaphore(%run_scoped3A : memref<!tpu.dma_semaphore, #tpu.memory_space<semaphore_mem>>)
        %dma_wait3A = tpu.memref_slice %arg4[%mul3A_127] : memref<50000xf32, #tpu.memory_space<vmem_shared>> -> memref<400xf32, #tpu.memory_space<vmem_shared>>
        %dma_wait3A_130 = tpu.memref_slice %arg4[%mul3A_127] : memref<50000xf32, #tpu.memory_space<vmem_shared>> -> memref<400xf32, #tpu.memory_space<vmem_shared>>
        tpu.wait_dma2 semaphore(%run_scoped3A : memref<!tpu.dma_semaphore, #tpu.memory_space<semaphore_mem>>) src(%arg8 : memref<400xf32, #tpu.memory_space<vmem>>) dst(%dma_wait3A_130 : memref<400xf32, #tpu.memory_space<vmem_shared>>)
        tpu.yield
      }) : () -> ()
    }
    %barrier3A = arith.constant 0 : index
    tpu.barrier barrier_id(%barrier3A)
    %mul3A_32 = arith.constant 16 : i32
    %mul3A_33 = arith.muli %arg0, %mul3A_32 : i32
    %add3A_34 = arith.addi %mul3A_33, %arg1 : i32
    %mul3A_35 = arith.constant 78 : i32
    %mul3A_36 = arith.muli %mul3A_35, %add3A_34 : i32
    %min3A_37 = arith.constant 4 : i32
    %min3A_38 = arith.minsi %add3A_34, %min3A_37 : i32
    %add3A_39 = arith.addi %mul3A_36, %min3A_38 : i32
    %lt3A_40 = arith.constant 4 : i32
    %lt3A_41 = arith.cmpi slt, %add3A_34, %lt3A_40 : i32
    %convert_element_type3A_42 = arith.extui %lt3A_41 : i1 to i32
    %add3A_43 = arith.constant 78 : i32
    %add3A_44 = arith.addi %add3A_43, %convert_element_type3A_42 : i32
    %jit3A = arith.constant 2 : i32
    %div3A_45 = arith.divsi %add3A_44, %jit3A : i32
    %sign3A = arith.constant 0 : i32
    %sign3A_46 = arith.cmpi sgt, %add3A_44, %sign3A : i32
    %sign3A_47 = arith.extui %sign3A_46 : i1 to i32
    %sign3A_48 = arith.constant 0 : i32
    %sign3A_49 = arith.cmpi slt, %add3A_44, %sign3A_48 : i32
    %sign3A_50 = arith.extui %sign3A_49 : i1 to i32
    %sign3A_51 = arith.subi %sign3A_47, %sign3A_50 : i32
    %sign3A_52 = arith.constant 0 : i32
    %sign3A_53 = arith.cmpi sgt, %jit3A, %sign3A_52 : i32
    %sign3A_54 = arith.extui %sign3A_53 : i1 to i32
    %sign3A_55 = arith.constant 0 : i32
    %sign3A_56 = arith.cmpi slt, %jit3A, %sign3A_55 : i32
    %sign3A_57 = arith.extui %sign3A_56 : i1 to i32
    %sign3A_58 = arith.subi %sign3A_54, %sign3A_57 : i32
    %ne3A = arith.cmpi ne, %sign3A_51, %sign3A_58 : i32
    %rem3A = arith.remsi %add3A_44, %jit3A : i32
    %ne3A_59 = arith.constant 0 : i32
    %ne3A_60 = arith.cmpi ne, %rem3A, %ne3A_59 : i32
    %and3A = arith.andi %ne3A, %ne3A_60 : i1
    %sub3A_61 = arith.constant 1 : i32
    %sub3A_62 = arith.subi %div3A_45, %sub3A_61 : i32
    %select_n3A = arith.select %and3A, %sub3A_62, %div3A_45 : i32
    %mul3A_63 = arith.constant 320 : i32
    %mul3A_64 = arith.muli %add3A_39, %mul3A_63 : i32
    %dma_start3A = tpu.memref_slice %arg2[%mul3A_64] : memref<800000xi32, #tpu.memory_space<hbm>> -> memref<320xi32, #tpu.memory_space<hbm>>
    %dma_start3A_65 = tpu.memref_slice %arg2[%mul3A_64] : memref<800000xi32, #tpu.memory_space<hbm>> -> memref<320xi32, #tpu.memory_space<hbm>>
    tpu.enqueue_dma source(%dma_start3A_65 : memref<320xi32, #tpu.memory_space<hbm>>) target(%arg5 : memref<320xi32, #tpu.memory_space<vmem>>) target_semaphore(%arg9 : memref<!tpu.dma_semaphore, #tpu.memory_space<semaphore_mem>>)
    %sub3A_66 = arith.constant 0 : i32
    %sub3A_67 = arith.subi %select_n3A, %sub3A_66 : i32
    %sub3A_68 = arith.constant 1 : i32
    %sub3A_69 = arith.constant 1 : i32
    %sub3A_70 = arith.subi %sub3A_68, %sub3A_69 : i32
    %add3A_71 = arith.addi %sub3A_67, %sub3A_70 : i32
    %div3A_72 = arith.constant 1 : i32
    %div3A_73 = arith.divsi %add3A_71, %div3A_72 : i32
    %while3A_74 = arith.constant 1 : i32
    %while3A_75 = arith.constant 0 : i32
    %while3A_76 = arith.constant 0 : i32
    %while3A_77 = arith.subi %div3A_73, %while3A_76 : i32
    %while3A_78 = arith.addi %while3A_76, %while3A_77 : i32
    %while3A_79 = arith.constant 1 : i32
    %while3A_80 = arith.divsi %while3A_77, %while3A_79 : i32
    %while3A_81 = arith.muli %while3A_80, %while3A_79 : i32
    %while3A_82 = arith.addi %while3A_76, %while3A_81 : i32
    %while3A_83 = arith.constant 1 : i32
    scf.for %while3A_123 = %while3A_76 to %while3A_82 step %while3A_83  : i32 {
      %mul3A_124 = arith.muli %while3A_123, %while3A_74 : i32
      %add3A_125 = arith.addi %while3A_75, %mul3A_124 : i32
      %mul3A_126 = arith.constant 2 : i32
      %mul3A_127 = arith.muli %mul3A_126, %add3A_125 : i32
      %add3A_128 = arith.addi %add3A_39, %mul3A_127 : i32
      %mul3A_129 = arith.constant 320 : i32
      %mul3A_130 = arith.muli %add3A_128, %mul3A_129 : i32
      %dma_wait3A = tpu.memref_slice %arg2[%mul3A_130] : memref<800000xi32, #tpu.memory_space<hbm>> -> memref<320xi32, #tpu.memory_space<hbm>>
      %dma_wait3A_131 = tpu.memref_slice %arg2[%mul3A_130] : memref<800000xi32, #tpu.memory_space<hbm>> -> memref<320xi32, #tpu.memory_space<hbm>>
      tpu.wait_dma2 semaphore(%arg9 : memref<!tpu.dma_semaphore, #tpu.memory_space<semaphore_mem>>) src(%dma_wait3A_131 : memref<320xi32, #tpu.memory_space<hbm>>) dst(%arg5 : memref<320xi32, #tpu.memory_space<vmem>>)
      %add3A_132 = arith.constant 1 : i32
      %add3A_133 = arith.addi %add3A_128, %add3A_132 : i32
      %mul3A_134 = arith.constant 320 : i32
      %mul3A_135 = arith.muli %add3A_133, %mul3A_134 : i32
      %dma_start3A_136 = tpu.memref_slice %arg2[%mul3A_135] : memref<800000xi32, #tpu.memory_space<hbm>> -> memref<320xi32, #tpu.memory_space<hbm>>
      %dma_start3A_137 = tpu.memref_slice %arg2[%mul3A_135] : memref<800000xi32, #tpu.memory_space<hbm>> -> memref<320xi32, #tpu.memory_space<hbm>>
      tpu.enqueue_dma source(%dma_start3A_137 : memref<320xi32, #tpu.memory_space<hbm>>) target(%arg6 : memref<320xi32, #tpu.memory_space<vmem>>) target_semaphore(%arg9 : memref<!tpu.dma_semaphore, #tpu.memory_space<semaphore_mem>>)
      "tpu.region"() ({
        %run_scoped3A = tpu.sem_alloc : memref<!tpu.dma_semaphore, #tpu.memory_space<semaphore_mem>>
        %dma_start3A_152 = arith.constant 0 : i32
        %dma_start3A_153 = tpu.memref_slice %arg4[%dma_start3A_152] : memref<50000xf32, #tpu.memory_space<vmem_shared>> -> memref<50000xf32, #tpu.memory_space<vmem_shared>>
        tpu.enqueue_indirect_dma source(%arg7 : memref<320xf32, #tpu.memory_space<vmem>>) target(%dma_start3A_153 : memref<50000xf32, #tpu.memory_space<vmem_shared>>) offsets(%arg5 : memref<320xi32, #tpu.memory_space<vmem>>) semaphore(%run_scoped3A : memref<!tpu.dma_semaphore, #tpu.memory_space<semaphore_mem>>) {add = true}
        %dma_wait3A_154 = arith.constant 0 : i32
        %dma_wait3A_155 = tpu.memref_slice %arg4[%dma_wait3A_154] : memref<50000xf32, #tpu.memory_space<vmem_shared>> -> memref<50000xf32, #tpu.memory_space<vmem_shared>>
        tpu.wait_indirect_dma semaphore(%run_scoped3A : memref<!tpu.dma_semaphore, #tpu.memory_space<semaphore_mem>>) src(%arg7 : memref<320xf32, #tpu.memory_space<vmem>>) dst(%dma_wait3A_155 : memref<50000xf32, #tpu.memory_space<vmem_shared>>)
        tpu.yield
      }) : () -> ()
      %add3A_138 = arith.constant 1 : i32
      %add3A_139 = arith.addi %add3A_128, %add3A_138 : i32
      %mul3A_140 = arith.constant 320 : i32
      %mul3A_141 = arith.muli %add3A_139, %mul3A_140 : i32
      %dma_wait3A_142 = tpu.memref_slice %arg2[%mul3A_141] : memref<800000xi32, #tpu.memory_space<hbm>> -> memref<320xi32, #tpu.memory_space<hbm>>
      %dma_wait3A_143 = tpu.memref_slice %arg2[%mul3A_141] : memref<800000xi32, #tpu.memory_space<hbm>> -> memref<320xi32, #tpu.memory_space<hbm>>
      tpu.wait_dma2 semaphore(%arg9 : memref<!tpu.dma_semaphore, #tpu.memory_space<semaphore_mem>>) src(%dma_wait3A_143 : memref<320xi32, #tpu.memory_space<hbm>>) dst(%arg6 : memref<320xi32, #tpu.memory_space<vmem>>)
      %mul3A_144 = arith.constant 2 : i32
      %mul3A_145 = arith.muli %mul3A_144, %add3A_125 : i32
      %add3A_146 = arith.constant 2 : i32
      %add3A_147 = arith.addi %mul3A_145, %add3A_146 : i32
      %lt3A_148 = arith.cmpi slt, %add3A_147, %add3A_44 : i32
      %convert_element_type3A_149 = arith.extui %lt3A_148 : i1 to i32
      %cond3A_150 = arith.constant 0 : i32
      %cond3A_151 = arith.cmpi ne, %convert_element_type3A_149, %cond3A_150 : i32
      scf.if %cond3A_151 {
        %add3A_152 = arith.constant 2 : i32
        %add3A_153 = arith.addi %add3A_128, %add3A_152 : i32
        %mul3A_154 = arith.constant 320 : i32
        %mul3A_155 = arith.muli %add3A_153, %mul3A_154 : i32
        %dma_start3A_156 = tpu.memref_slice %arg2[%mul3A_155] : memref<800000xi32, #tpu.memory_space<hbm>> -> memref<320xi32, #tpu.memory_space<hbm>>
        %dma_start3A_157 = tpu.memref_slice %arg2[%mul3A_155] : memref<800000xi32, #tpu.memory_space<hbm>> -> memref<320xi32, #tpu.memory_space<hbm>>
        tpu.enqueue_dma source(%dma_start3A_157 : memref<320xi32, #tpu.memory_space<hbm>>) target(%arg5 : memref<320xi32, #tpu.memory_space<vmem>>) target_semaphore(%arg9 : memref<!tpu.dma_semaphore, #tpu.memory_space<semaphore_mem>>)
      } else {
      }
      "tpu.region"() ({
        %run_scoped3A = tpu.sem_alloc : memref<!tpu.dma_semaphore, #tpu.memory_space<semaphore_mem>>
        %dma_start3A_152 = arith.constant 0 : i32
        %dma_start3A_153 = tpu.memref_slice %arg4[%dma_start3A_152] : memref<50000xf32, #tpu.memory_space<vmem_shared>> -> memref<50000xf32, #tpu.memory_space<vmem_shared>>
        tpu.enqueue_indirect_dma source(%arg7 : memref<320xf32, #tpu.memory_space<vmem>>) target(%dma_start3A_153 : memref<50000xf32, #tpu.memory_space<vmem_shared>>) offsets(%arg6 : memref<320xi32, #tpu.memory_space<vmem>>) semaphore(%run_scoped3A : memref<!tpu.dma_semaphore, #tpu.memory_space<semaphore_mem>>) {add = true}
        %dma_wait3A_154 = arith.constant 0 : i32
        %dma_wait3A_155 = tpu.memref_slice %arg4[%dma_wait3A_154] : memref<50000xf32, #tpu.memory_space<vmem_shared>> -> memref<50000xf32, #tpu.memory_space<vmem_shared>>
        tpu.wait_indirect_dma semaphore(%run_scoped3A : memref<!tpu.dma_semaphore, #tpu.memory_space<semaphore_mem>>) src(%arg7 : memref<320xf32, #tpu.memory_space<vmem>>) dst(%dma_wait3A_155 : memref<50000xf32, #tpu.memory_space<vmem_shared>>)
        tpu.yield
      }) : () -> ()
    }
    %while3A_84 = arith.constant 1 : i32
    scf.for %while3A_123 = %while3A_82 to %while3A_78 step %while3A_84  : i32 {
      %mul3A_124 = arith.muli %while3A_123, %while3A_74 : i32
      %add3A_125 = arith.addi %while3A_75, %mul3A_124 : i32
      %mul3A_126 = arith.constant 2 : i32
      %mul3A_127 = arith.muli %mul3A_126, %add3A_125 : i32
      %add3A_128 = arith.addi %add3A_39, %mul3A_127 : i32
      %mul3A_129 = arith.constant 320 : i32
      %mul3A_130 = arith.muli %add3A_128, %mul3A_129 : i32
      %dma_wait3A = tpu.memref_slice %arg2[%mul3A_130] : memref<800000xi32, #tpu.memory_space<hbm>> -> memref<320xi32, #tpu.memory_space<hbm>>
      %dma_wait3A_131 = tpu.memref_slice %arg2[%mul3A_130] : memref<800000xi32, #tpu.memory_space<hbm>> -> memref<320xi32, #tpu.memory_space<hbm>>
      tpu.wait_dma2 semaphore(%arg9 : memref<!tpu.dma_semaphore, #tpu.memory_space<semaphore_mem>>) src(%dma_wait3A_131 : memref<320xi32, #tpu.memory_space<hbm>>) dst(%arg5 : memref<320xi32, #tpu.memory_space<vmem>>)
      %add3A_132 = arith.constant 1 : i32
      %add3A_133 = arith.addi %add3A_128, %add3A_132 : i32
      %mul3A_134 = arith.constant 320 : i32
      %mul3A_135 = arith.muli %add3A_133, %mul3A_134 : i32
      %dma_start3A_136 = tpu.memref_slice %arg2[%mul3A_135] : memref<800000xi32, #tpu.memory_space<hbm>> -> memref<320xi32, #tpu.memory_space<hbm>>
      %dma_start3A_137 = tpu.memref_slice %arg2[%mul3A_135] : memref<800000xi32, #tpu.memory_space<hbm>> -> memref<320xi32, #tpu.memory_space<hbm>>
      tpu.enqueue_dma source(%dma_start3A_137 : memref<320xi32, #tpu.memory_space<hbm>>) target(%arg6 : memref<320xi32, #tpu.memory_space<vmem>>) target_semaphore(%arg9 : memref<!tpu.dma_semaphore, #tpu.memory_space<semaphore_mem>>)
      "tpu.region"() ({
        %run_scoped3A = tpu.sem_alloc : memref<!tpu.dma_semaphore, #tpu.memory_space<semaphore_mem>>
        %dma_start3A_152 = arith.constant 0 : i32
        %dma_start3A_153 = tpu.memref_slice %arg4[%dma_start3A_152] : memref<50000xf32, #tpu.memory_space<vmem_shared>> -> memref<50000xf32, #tpu.memory_space<vmem_shared>>
        tpu.enqueue_indirect_dma source(%arg7 : memref<320xf32, #tpu.memory_space<vmem>>) target(%dma_start3A_153 : memref<50000xf32, #tpu.memory_space<vmem_shared>>) offsets(%arg5 : memref<320xi32, #tpu.memory_space<vmem>>) semaphore(%run_scoped3A : memref<!tpu.dma_semaphore, #tpu.memory_space<semaphore_mem>>) {add = true}
        %dma_wait3A_154 = arith.constant 0 : i32
        %dma_wait3A_155 = tpu.memref_slice %arg4[%dma_wait3A_154] : memref<50000xf32, #tpu.memory_space<vmem_shared>> -> memref<50000xf32, #tpu.memory_space<vmem_shared>>
        tpu.wait_indirect_dma semaphore(%run_scoped3A : memref<!tpu.dma_semaphore, #tpu.memory_space<semaphore_mem>>) src(%arg7 : memref<320xf32, #tpu.memory_space<vmem>>) dst(%dma_wait3A_155 : memref<50000xf32, #tpu.memory_space<vmem_shared>>)
        tpu.yield
      }) : () -> ()
      %add3A_138 = arith.constant 1 : i32
      %add3A_139 = arith.addi %add3A_128, %add3A_138 : i32
      %mul3A_140 = arith.constant 320 : i32
      %mul3A_141 = arith.muli %add3A_139, %mul3A_140 : i32
      %dma_wait3A_142 = tpu.memref_slice %arg2[%mul3A_141] : memref<800000xi32, #tpu.memory_space<hbm>> -> memref<320xi32, #tpu.memory_space<hbm>>
      %dma_wait3A_143 = tpu.memref_slice %arg2[%mul3A_141] : memref<800000xi32, #tpu.memory_space<hbm>> -> memref<320xi32, #tpu.memory_space<hbm>>
      tpu.wait_dma2 semaphore(%arg9 : memref<!tpu.dma_semaphore, #tpu.memory_space<semaphore_mem>>) src(%dma_wait3A_143 : memref<320xi32, #tpu.memory_space<hbm>>) dst(%arg6 : memref<320xi32, #tpu.memory_space<vmem>>)
      %mul3A_144 = arith.constant 2 : i32
      %mul3A_145 = arith.muli %mul3A_144, %add3A_125 : i32
      %add3A_146 = arith.constant 2 : i32
      %add3A_147 = arith.addi %mul3A_145, %add3A_146 : i32
      %lt3A_148 = arith.cmpi slt, %add3A_147, %add3A_44 : i32
      %convert_element_type3A_149 = arith.extui %lt3A_148 : i1 to i32
      %cond3A_150 = arith.constant 0 : i32
      %cond3A_151 = arith.cmpi ne, %convert_element_type3A_149, %cond3A_150 : i32
      scf.if %cond3A_151 {
        %add3A_152 = arith.constant 2 : i32
        %add3A_153 = arith.addi %add3A_128, %add3A_152 : i32
        %mul3A_154 = arith.constant 320 : i32
        %mul3A_155 = arith.muli %add3A_153, %mul3A_154 : i32
        %dma_start3A_156 = tpu.memref_slice %arg2[%mul3A_155] : memref<800000xi32, #tpu.memory_space<hbm>> -> memref<320xi32, #tpu.memory_space<hbm>>
        %dma_start3A_157 = tpu.memref_slice %arg2[%mul3A_155] : memref<800000xi32, #tpu.memory_space<hbm>> -> memref<320xi32, #tpu.memory_space<hbm>>
        tpu.enqueue_dma source(%dma_start3A_157 : memref<320xi32, #tpu.memory_space<hbm>>) target(%arg5 : memref<320xi32, #tpu.memory_space<vmem>>) target_semaphore(%arg9 : memref<!tpu.dma_semaphore, #tpu.memory_space<semaphore_mem>>)
      } else {
      }
      "tpu.region"() ({
        %run_scoped3A = tpu.sem_alloc : memref<!tpu.dma_semaphore, #tpu.memory_space<semaphore_mem>>
        %dma_start3A_152 = arith.constant 0 : i32
        %dma_start3A_153 = tpu.memref_slice %arg4[%dma_start3A_152] : memref<50000xf32, #tpu.memory_space<vmem_shared>> -> memref<50000xf32, #tpu.memory_space<vmem_shared>>
        tpu.enqueue_indirect_dma source(%arg7 : memref<320xf32, #tpu.memory_space<vmem>>) target(%dma_start3A_153 : memref<50000xf32, #tpu.memory_space<vmem_shared>>) offsets(%arg6 : memref<320xi32, #tpu.memory_space<vmem>>) semaphore(%run_scoped3A : memref<!tpu.dma_semaphore, #tpu.memory_space<semaphore_mem>>) {add = true}
        %dma_wait3A_154 = arith.constant 0 : i32
        %dma_wait3A_155 = tpu.memref_slice %arg4[%dma_wait3A_154] : memref<50000xf32, #tpu.memory_space<vmem_shared>> -> memref<50000xf32, #tpu.memory_space<vmem_shared>>
        tpu.wait_indirect_dma semaphore(%run_scoped3A : memref<!tpu.dma_semaphore, #tpu.memory_space<semaphore_mem>>) src(%arg7 : memref<320xf32, #tpu.memory_space<vmem>>) dst(%dma_wait3A_155 : memref<50000xf32, #tpu.memory_space<vmem_shared>>)
        tpu.yield
      }) : () -> ()
    }
    %jit3A_85 = arith.constant 2 : i32
    %eq3A = arith.constant 0 : i32
    %eq3A_86 = arith.cmpi eq, %jit3A_85, %eq3A : i32
    %jit3A_87 = arith.constant 1 : i32
    %select_n3A_88 = arith.select %eq3A_86, %jit3A_87, %jit3A_85 : i32
    %rem3A_89 = arith.remsi %add3A_44, %select_n3A_88 : i32
    %ne3A_90 = arith.constant 0 : i32
    %ne3A_91 = arith.cmpi ne, %rem3A_89, %ne3A_90 : i32
    %lt3A_92 = arith.constant 0 : i32
    %lt3A_93 = arith.cmpi slt, %rem3A_89, %lt3A_92 : i32
    %lt3A_94 = arith.constant 0 : i32
    %lt3A_95 = arith.cmpi slt, %select_n3A_88, %lt3A_94 : i32
    %ne3A_96 = arith.xori %lt3A_93, %lt3A_95 : i1
    %and3A_97 = arith.andi %ne3A_96, %ne3A_91 : i1
    %add3A_98 = arith.addi %rem3A_89, %select_n3A_88 : i32
    %select_n3A_99 = arith.select %and3A_97, %add3A_98, %rem3A_89 : i32
    %eq3A_100 = arith.constant 1 : i32
    %eq3A_101 = arith.cmpi eq, %select_n3A_99, %eq3A_100 : i32
    %convert_element_type3A_102 = arith.extui %eq3A_101 : i1 to i32
    %cond3A = arith.constant 0 : i32
    %cond3A_103 = arith.cmpi ne, %convert_element_type3A_102, %cond3A : i32
    scf.if %cond3A_103 {
      %add3A_123 = arith.addi %add3A_39, %add3A_44 : i32
      %sub3A_124 = arith.constant 1 : i32
      %sub3A_125 = arith.subi %add3A_123, %sub3A_124 : i32
      %mul3A_126 = arith.constant 320 : i32
      %mul3A_127 = arith.muli %sub3A_125, %mul3A_126 : i32
      %dma_wait3A = tpu.memref_slice %arg2[%mul3A_127] : memref<800000xi32, #tpu.memory_space<hbm>> -> memref<320xi32, #tpu.memory_space<hbm>>
      %dma_wait3A_128 = tpu.memref_slice %arg2[%mul3A_127] : memref<800000xi32, #tpu.memory_space<hbm>> -> memref<320xi32, #tpu.memory_space<hbm>>
      tpu.wait_dma2 semaphore(%arg9 : memref<!tpu.dma_semaphore, #tpu.memory_space<semaphore_mem>>) src(%dma_wait3A_128 : memref<320xi32, #tpu.memory_space<hbm>>) dst(%arg5 : memref<320xi32, #tpu.memory_space<vmem>>)
      "tpu.region"() ({
        %run_scoped3A = tpu.sem_alloc : memref<!tpu.dma_semaphore, #tpu.memory_space<semaphore_mem>>
        %dma_start3A_129 = arith.constant 0 : i32
        %dma_start3A_130 = tpu.memref_slice %arg4[%dma_start3A_129] : memref<50000xf32, #tpu.memory_space<vmem_shared>> -> memref<50000xf32, #tpu.memory_space<vmem_shared>>
        tpu.enqueue_indirect_dma source(%arg7 : memref<320xf32, #tpu.memory_space<vmem>>) target(%dma_start3A_130 : memref<50000xf32, #tpu.memory_space<vmem_shared>>) offsets(%arg5 : memref<320xi32, #tpu.memory_space<vmem>>) semaphore(%run_scoped3A : memref<!tpu.dma_semaphore, #tpu.memory_space<semaphore_mem>>) {add = true}
        %dma_wait3A_131 = arith.constant 0 : i32
        %dma_wait3A_132 = tpu.memref_slice %arg4[%dma_wait3A_131] : memref<50000xf32, #tpu.memory_space<vmem_shared>> -> memref<50000xf32, #tpu.memory_space<vmem_shared>>
        tpu.wait_indirect_dma semaphore(%run_scoped3A : memref<!tpu.dma_semaphore, #tpu.memory_space<semaphore_mem>>) src(%arg7 : memref<320xf32, #tpu.memory_space<vmem>>) dst(%dma_wait3A_132 : memref<50000xf32, #tpu.memory_space<vmem_shared>>)
        tpu.yield
      }) : () -> ()
    } else {
    }
    %barrier3A_104 = arith.constant 0 : index
    tpu.barrier barrier_id(%barrier3A_104)
    %add3A_105 = arith.addi %add3A, %add3A_16 : i32
    %sub3A_106 = arith.subi %add3A_105, %add3A : i32
    %sub3A_107 = arith.constant 1 : i32
    %sub3A_108 = arith.constant 1 : i32
    %sub3A_109 = arith.subi %sub3A_107, %sub3A_108 : i32
    %add3A_110 = arith.addi %sub3A_106, %sub3A_109 : i32
    %div3A_111 = arith.constant 1 : i32
    %div3A_112 = arith.divsi %add3A_110, %div3A_111 : i32
    %while3A_113 = arith.constant 1 : i32
    %while3A_114 = arith.constant 0 : i32
    %while3A_115 = arith.subi %div3A_112, %while3A_114 : i32
    %while3A_116 = arith.addi %while3A_114, %while3A_115 : i32
    %while3A_117 = arith.constant 1 : i32
    %while3A_118 = arith.divsi %while3A_115, %while3A_117 : i32
    %while3A_119 = arith.muli %while3A_118, %while3A_117 : i32
    %while3A_120 = arith.addi %while3A_114, %while3A_119 : i32
    %while3A_121 = arith.constant 1 : i32
    scf.for %while3A_123 = %while3A_114 to %while3A_120 step %while3A_121  : i32 {
      %mul3A_124 = arith.muli %while3A_123, %while3A_113 : i32
      %add3A_125 = arith.addi %add3A, %mul3A_124 : i32
      %mul3A_126 = arith.constant 400 : i32
      %mul3A_127 = arith.muli %add3A_125, %mul3A_126 : i32
      "tpu.region"() ({
        %run_scoped3A = tpu.sem_alloc : memref<!tpu.dma_semaphore, #tpu.memory_space<semaphore_mem>>
        %dma_start3A_133 = tpu.memref_slice %arg4[%mul3A_127] : memref<50000xf32, #tpu.memory_space<vmem_shared>> -> memref<400xf32, #tpu.memory_space<vmem_shared>>
        %dma_start3A_134 = tpu.memref_slice %arg4[%mul3A_127] : memref<50000xf32, #tpu.memory_space<vmem_shared>> -> memref<400xf32, #tpu.memory_space<vmem_shared>>
        tpu.enqueue_dma source(%dma_start3A_134 : memref<400xf32, #tpu.memory_space<vmem_shared>>) target(%arg8 : memref<400xf32, #tpu.memory_space<vmem>>) target_semaphore(%run_scoped3A : memref<!tpu.dma_semaphore, #tpu.memory_space<semaphore_mem>>)
        %dma_wait3A = tpu.memref_slice %arg4[%mul3A_127] : memref<50000xf32, #tpu.memory_space<vmem_shared>> -> memref<400xf32, #tpu.memory_space<vmem_shared>>
        %dma_wait3A_135 = tpu.memref_slice %arg4[%mul3A_127] : memref<50000xf32, #tpu.memory_space<vmem_shared>> -> memref<400xf32, #tpu.memory_space<vmem_shared>>
        tpu.wait_dma2 semaphore(%run_scoped3A : memref<!tpu.dma_semaphore, #tpu.memory_space<semaphore_mem>>) src(%dma_wait3A_135 : memref<400xf32, #tpu.memory_space<vmem_shared>>) dst(%arg8 : memref<400xf32, #tpu.memory_space<vmem>>)
        tpu.yield
      }) : () -> ()
      %mul3A_128 = arith.constant 50000 : i32
      %mul3A_129 = arith.muli %arg0, %mul3A_128 : i32
      %mul3A_130 = arith.constant 400 : i32
      %mul3A_131 = arith.muli %add3A_125, %mul3A_130 : i32
      %add3A_132 = arith.addi %mul3A_129, %mul3A_131 : i32
      "tpu.region"() ({
        %run_scoped3A = tpu.sem_alloc : memref<!tpu.dma_semaphore, #tpu.memory_space<semaphore_mem>>
        %dma_start3A_133 = tpu.memref_slice %arg3[%add3A_132] : memref<100000xf32, #tpu.memory_space<hbm>> -> memref<400xf32, #tpu.memory_space<hbm>>
        %dma_start3A_134 = tpu.memref_slice %arg3[%add3A_132] : memref<100000xf32, #tpu.memory_space<hbm>> -> memref<400xf32, #tpu.memory_space<hbm>>
        tpu.enqueue_dma source(%arg8 : memref<400xf32, #tpu.memory_space<vmem>>) target(%dma_start3A_134 : memref<400xf32, #tpu.memory_space<hbm>>) target_semaphore(%run_scoped3A : memref<!tpu.dma_semaphore, #tpu.memory_space<semaphore_mem>>)
        %dma_wait3A = tpu.memref_slice %arg3[%add3A_132] : memref<100000xf32, #tpu.memory_space<hbm>> -> memref<400xf32, #tpu.memory_space<hbm>>
        %dma_wait3A_135 = tpu.memref_slice %arg3[%add3A_132] : memref<100000xf32, #tpu.memory_space<hbm>> -> memref<400xf32, #tpu.memory_space<hbm>>
        tpu.wait_dma2 semaphore(%run_scoped3A : memref<!tpu.dma_semaphore, #tpu.memory_space<semaphore_mem>>) src(%arg8 : memref<400xf32, #tpu.memory_space<vmem>>) dst(%dma_wait3A_135 : memref<400xf32, #tpu.memory_space<hbm>>)
        tpu.yield
      }) : () -> ()
    }
    %while3A_122 = arith.constant 1 : i32
    scf.for %while3A_123 = %while3A_120 to %while3A_116 step %while3A_122  : i32 {
      %mul3A_124 = arith.muli %while3A_123, %while3A_113 : i32
      %add3A_125 = arith.addi %add3A, %mul3A_124 : i32
      %mul3A_126 = arith.constant 400 : i32
      %mul3A_127 = arith.muli %add3A_125, %mul3A_126 : i32
      "tpu.region"() ({
        %run_scoped3A = tpu.sem_alloc : memref<!tpu.dma_semaphore, #tpu.memory_space<semaphore_mem>>
        %dma_start3A_133 = tpu.memref_slice %arg4[%mul3A_127] : memref<50000xf32, #tpu.memory_space<vmem_shared>> -> memref<400xf32, #tpu.memory_space<vmem_shared>>
        %dma_start3A_134 = tpu.memref_slice %arg4[%mul3A_127] : memref<50000xf32, #tpu.memory_space<vmem_shared>> -> memref<400xf32, #tpu.memory_space<vmem_shared>>
        tpu.enqueue_dma source(%dma_start3A_134 : memref<400xf32, #tpu.memory_space<vmem_shared>>) target(%arg8 : memref<400xf32, #tpu.memory_space<vmem>>) target_semaphore(%run_scoped3A : memref<!tpu.dma_semaphore, #tpu.memory_space<semaphore_mem>>)
        %dma_wait3A = tpu.memref_slice %arg4[%mul3A_127] : memref<50000xf32, #tpu.memory_space<vmem_shared>> -> memref<400xf32, #tpu.memory_space<vmem_shared>>
        %dma_wait3A_135 = tpu.memref_slice %arg4[%mul3A_127] : memref<50000xf32, #tpu.memory_space<vmem_shared>> -> memref<400xf32, #tpu.memory_space<vmem_shared>>
        tpu.wait_dma2 semaphore(%run_scoped3A : memref<!tpu.dma_semaphore, #tpu.memory_space<semaphore_mem>>) src(%dma_wait3A_135 : memref<400xf32, #tpu.memory_space<vmem_shared>>) dst(%arg8 : memref<400xf32, #tpu.memory_space<vmem>>)
        tpu.yield
      }) : () -> ()
      %mul3A_128 = arith.constant 50000 : i32
      %mul3A_129 = arith.muli %arg0, %mul3A_128 : i32
      %mul3A_130 = arith.constant 400 : i32
      %mul3A_131 = arith.muli %add3A_125, %mul3A_130 : i32
      %add3A_132 = arith.addi %mul3A_129, %mul3A_131 : i32
      "tpu.region"() ({
        %run_scoped3A = tpu.sem_alloc : memref<!tpu.dma_semaphore, #tpu.memory_space<semaphore_mem>>
        %dma_start3A_133 = tpu.memref_slice %arg3[%add3A_132] : memref<100000xf32, #tpu.memory_space<hbm>> -> memref<400xf32, #tpu.memory_space<hbm>>
        %dma_start3A_134 = tpu.memref_slice %arg3[%add3A_132] : memref<100000xf32, #tpu.memory_space<hbm>> -> memref<400xf32, #tpu.memory_space<hbm>>
        tpu.enqueue_dma source(%arg8 : memref<400xf32, #tpu.memory_space<vmem>>) target(%dma_start3A_134 : memref<400xf32, #tpu.memory_space<hbm>>) target_semaphore(%run_scoped3A : memref<!tpu.dma_semaphore, #tpu.memory_space<semaphore_mem>>)
        %dma_wait3A = tpu.memref_slice %arg3[%add3A_132] : memref<100000xf32, #tpu.memory_space<hbm>> -> memref<400xf32, #tpu.memory_space<hbm>>
        %dma_wait3A_135 = tpu.memref_slice %arg3[%add3A_132] : memref<100000xf32, #tpu.memory_space<hbm>> -> memref<400xf32, #tpu.memory_space<hbm>>
        tpu.wait_dma2 semaphore(%run_scoped3A : memref<!tpu.dma_semaphore, #tpu.memory_space<semaphore_mem>>) src(%arg8 : memref<400xf32, #tpu.memory_space<vmem>>) dst(%dma_wait3A_135 : memref<400xf32, #tpu.memory_space<hbm>>)
        tpu.yield
      }) : () -> ()
    }
    return
  }
}

#map = affine_map<(d0, d1) -> (0, 0)>
#map1 = affine_map<(d0, d1) -> (0)>
#map2 = affine_map<(d0, d1) -> (0, 0, 0)>
module attributes {stable_mosaic.version = 14 : i64} {
  func.func @_gnn_body(%arg0: i32, %arg1: i32, %arg2: memref<2x800000xi32, #tpu.memory_space<hbm>>, %arg3: memref<100000x32xf32, #tpu.memory_space<hbm>>, %arg4: memref<50000xf32, #tpu.memory_space<hbm>>, %arg5: memref<50000xi32, #tpu.memory_space<hbm>>, %arg6: memref<64xf32, #tpu.memory_space<hbm>>, %arg7: memref<2x256x32xf32, #tpu.memory_space<hbm>>, %arg8: memref<256xf32, #tpu.memory_space<hbm>>, %arg9: memref<50000x32xf32, #tpu.memory_space<vmem_shared>>, %arg10: memref<256x32xf32, #tpu.memory_space<vmem_shared>>, %arg11: memref<256xf32, #tpu.memory_space<vmem_shared>>, %arg12: memref<320xi32, #tpu.memory_space<vmem>>, %arg13: memref<320xi32, #tpu.memory_space<vmem>>, %arg14: memref<320xi32, #tpu.memory_space<vmem>>, %arg15: memref<320xi32, #tpu.memory_space<vmem>>, %arg16: memref<320xi32, #tpu.memory_space<vmem>>, %arg17: memref<320xi32, #tpu.memory_space<vmem>>, %arg18: memref<320xi32, #tpu.memory_space<vmem>>, %arg19: memref<320xi32, #tpu.memory_space<vmem>>, %arg20: memref<2x320x32xf32, #tpu.memory_space<vmem>>, %arg21: memref<80x32xf32, #tpu.memory_space<vmem>>, %arg22: memref<80x32xf32, #tpu.memory_space<vmem>>, %arg23: memref<80xf32, #tpu.memory_space<vmem>>, %arg24: memref<80xi32, #tpu.memory_space<vmem>>, %arg25: memref<80xf32, #tpu.memory_space<vmem>>, %arg26: memref<256xf32, #tpu.memory_space<vmem>>, %arg27: memref<32xf32, #tpu.memory_space<vmem>>, %arg28: memref<!tpu.dma_semaphore, #tpu.memory_space<semaphore_mem>>, %arg29: memref<!tpu.dma_semaphore, #tpu.memory_space<semaphore_mem>>, %arg30: memref<!tpu.dma_semaphore, #tpu.memory_space<semaphore_mem>>) attributes {dimension_semantics = [#tpu.dimension_semantics<core_parallel>, #tpu.dimension_semantics<subcore_parallel>], iteration_bounds = array<i64: 2, 16>, scalar_prefetch = 0 : i64, scratch_operands = 22 : i64, tpu.core_type = #tpu.core_type<sc_vector_subcore>, window_params = [{transform_indices = #map}, {transform_indices = #map}, {transform_indices = #map1}, {transform_indices = #map1}, {transform_indices = #map1}, {transform_indices = #map2}, {transform_indices = #map1}]} {
    %mul3A = arith.constant 50000 : i32
    %mul3A_0 = arith.muli %arg0, %mul3A : i32
    %broadcast_in_dim3A = arith.constant 0.000000e+00 : f32
    %broadcast_in_dim3A_1 = vector.broadcast %broadcast_in_dim3A : f32 to vector<16xf32>
    %scan3A = arith.constant 0 : i32
    %scan3A_2 = arith.constant 80 : i32
    %scan3A_3 = arith.addi %scan3A, %scan3A_2 : i32
    %scan3A_4 = arith.constant 1 : i32
    scf.for %scan3A_352 = %scan3A to %scan3A_3 step %scan3A_4  : i32 {
      %mul3A_353 = arith.constant 1 : i32
      %mul3A_354 = arith.muli %scan3A_352, %mul3A_353 : i32
      %add3A_355 = arith.constant 0 : i32
      %add3A_356 = arith.addi %add3A_355, %mul3A_354 : i32
      %swap3A_357 = arith.index_cast %add3A_356 : i32 to index
      %swap3A_358 = arith.constant 0 : index
      %swap3A_359 = tpu.vector_load %arg21[%swap3A_357, %swap3A_358] {strides = array<i32>} : memref<80x32xf32, #tpu.memory_space<vmem>>, vector<1x16xf32>,
      %swap3A_360 = vector.shape_cast %swap3A_359 : vector<1x16xf32> to vector<16xf32>
      %swap3A_361 = vector.shape_cast %broadcast_in_dim3A_1 : vector<16xf32> to vector<1x16xf32>
      tpu.vector_store %arg21[%swap3A_357, %swap3A_358], %swap3A_361 {strides = array<i32>} : memref<80x32xf32, #tpu.memory_space<vmem>>, vector<1x16xf32>,
      %swap3A_362 = arith.index_cast %add3A_356 : i32 to index
      %swap3A_363 = arith.constant 16 : index
      %swap3A_364 = tpu.vector_load %arg21[%swap3A_362, %swap3A_363] {strides = array<i32>} : memref<80x32xf32, #tpu.memory_space<vmem>>, vector<1x16xf32>,
      %swap3A_365 = vector.shape_cast %swap3A_364 : vector<1x16xf32> to vector<16xf32>
      %swap3A_366 = vector.shape_cast %broadcast_in_dim3A_1 : vector<16xf32> to vector<1x16xf32>
      tpu.vector_store %arg21[%swap3A_362, %swap3A_363], %swap3A_366 {strides = array<i32>} : memref<80x32xf32, #tpu.memory_space<vmem>>, vector<1x16xf32>,
    }
    %scan3A_5 = arith.constant 80 : i32
    %broadcast_in_dim3A_6 = arith.constant 0.000000e+00 : f32
    %broadcast_in_dim3A_7 = vector.broadcast %broadcast_in_dim3A_6 : f32 to vector<16xf32>
    %scan3A_8 = arith.constant 0 : i32
    %scan3A_9 = arith.constant 16 : i32
    %scan3A_10 = arith.addi %scan3A_8, %scan3A_9 : i32
    %scan3A_11 = arith.constant 1 : i32
    scf.for %scan3A_352 = %scan3A_8 to %scan3A_10 step %scan3A_11  : i32 {
      %mul3A_353 = arith.constant 1 : i32
      %mul3A_354 = arith.muli %scan3A_352, %mul3A_353 : i32
      %add3A_355 = arith.constant 0 : i32
      %add3A_356 = arith.addi %add3A_355, %mul3A_354 : i32
      %mul3A_357 = arith.constant 16 : i32
      %mul3A_358 = arith.muli %add3A_356, %mul3A_357 : i32
      %swap3A_359 = arith.index_cast %mul3A_358 : i32 to index
      %swap3A_360 = tpu.vector_load %arg26[%swap3A_359] {strides = array<i32>} : memref<256xf32, #tpu.memory_space<vmem>>, vector<16xf32>,
      %swap3A_361 = vector.shape_cast %swap3A_360 : vector<16xf32> to vector<16xf32>
      %swap3A_362 = vector.shape_cast %broadcast_in_dim3A_7 : vector<16xf32> to vector<16xf32>
      tpu.vector_store %arg26[%swap3A_359], %swap3A_362 {strides = array<i32>} : memref<256xf32, #tpu.memory_space<vmem>>, vector<16xf32>,
    }
    %scan3A_12 = arith.constant 16 : i32
    %broadcast_in_dim3A_13 = arith.constant 1.000000e+00 : f32
    %broadcast_in_dim3A_14 = vector.broadcast %broadcast_in_dim3A_13 : f32 to vector<16xf32>
    %scan3A_15 = arith.constant 0 : i32
    %scan3A_16 = arith.constant 5 : i32
    %scan3A_17 = arith.addi %scan3A_15, %scan3A_16 : i32
    %scan3A_18 = arith.constant 1 : i32
    scf.for %scan3A_352 = %scan3A_15 to %scan3A_17 step %scan3A_18  : i32 {
      %mul3A_353 = arith.constant 1 : i32
      %mul3A_354 = arith.muli %scan3A_352, %mul3A_353 : i32
      %add3A_355 = arith.constant 0 : i32
      %add3A_356 = arith.addi %add3A_355, %mul3A_354 : i32
      %mul3A_357 = arith.constant 16 : i32
      %mul3A_358 = arith.muli %add3A_356, %mul3A_357 : i32
      %swap3A_359 = arith.index_cast %mul3A_358 : i32 to index
      %swap3A_360 = tpu.vector_load %arg25[%swap3A_359] {strides = array<i32>} : memref<80xf32, #tpu.memory_space<vmem>>, vector<16xf32>,
      %swap3A_361 = vector.shape_cast %swap3A_360 : vector<16xf32> to vector<16xf32>
      %swap3A_362 = vector.shape_cast %broadcast_in_dim3A_14 : vector<16xf32> to vector<16xf32>
      tpu.vector_store %arg25[%swap3A_359], %swap3A_362 {strides = array<i32>} : memref<80xf32, #tpu.memory_space<vmem>>, vector<16xf32>,
    }
    %scan3A_19 = arith.constant 5 : i32
    %mul3A_20 = arith.constant 39 : i32
    %mul3A_21 = arith.muli %mul3A_20, %arg1 : i32
    %min3A = arith.constant 1 : i32
    %min3A_22 = arith.minsi %arg1, %min3A : i32
    %add3A = arith.addi %mul3A_21, %min3A_22 : i32
    %lt3A = arith.constant 1 : i32
    %lt3A_23 = arith.cmpi slt, %arg1, %lt3A : i32
    %convert_element_type3A = arith.extui %lt3A_23 : i1 to i32
    %add3A_24 = arith.constant 39 : i32
    %add3A_25 = arith.addi %add3A_24, %convert_element_type3A : i32
    %add3A_26 = arith.addi %add3A, %add3A_25 : i32
    %sub3A = arith.subi %add3A_26, %add3A : i32
    %sub3A_27 = arith.constant 1 : i32
    %sub3A_28 = arith.constant 1 : i32
    %sub3A_29 = arith.subi %sub3A_27, %sub3A_28 : i32
    %add3A_30 = arith.addi %sub3A, %sub3A_29 : i32
    %div3A = arith.constant 1 : i32
    %div3A_31 = arith.divsi %add3A_30, %div3A : i32
    %while3A = arith.constant 1 : i32
    %while3A_32 = arith.constant 0 : i32
    %while3A_33 = arith.subi %div3A_31, %while3A_32 : i32
    %while3A_34 = arith.addi %while3A_32, %while3A_33 : i32
    %while3A_35 = arith.constant 1 : i32
    %while3A_36 = arith.divsi %while3A_33, %while3A_35 : i32
    %while3A_37 = arith.muli %while3A_36, %while3A_35 : i32
    %while3A_38 = arith.addi %while3A_32, %while3A_37 : i32
    %while3A_39 = arith.constant 1 : i32
    scf.for %while3A_352 = %while3A_32 to %while3A_38 step %while3A_39  : i32 {
      %mul3A_353 = arith.muli %while3A_352, %while3A : i32
      %add3A_354 = arith.addi %add3A, %mul3A_353 : i32
      %mul3A_355 = arith.constant 80 : i32
      %mul3A_356 = arith.muli %add3A_354, %mul3A_355 : i32
      "tpu.region"() ({
        %run_scoped3A = tpu.sem_alloc : memref<!tpu.dma_semaphore, #tpu.memory_space<semaphore_mem>>
        %dma_start3A_357 = arith.constant 0 : i32
        %dma_start3A_358 = tpu.memref_slice %arg9[%mul3A_356, %dma_start3A_357] : memref<50000x32xf32, #tpu.memory_space<vmem_shared>> -> memref<80x32xf32, #tpu.memory_space<vmem_shared>>
        %dma_start3A_359 = arith.constant 0 : i32
        %dma_start3A_360 = tpu.memref_slice %arg9[%mul3A_356, %dma_start3A_359] : memref<50000x32xf32, #tpu.memory_space<vmem_shared>> -> memref<80x32xf32, #tpu.memory_space<vmem_shared>>
        tpu.enqueue_dma source(%arg21 : memref<80x32xf32, #tpu.memory_space<vmem>>) target(%dma_start3A_360 : memref<80x32xf32, #tpu.memory_space<vmem_shared>>) target_semaphore(%run_scoped3A : memref<!tpu.dma_semaphore, #tpu.memory_space<semaphore_mem>>)
        %dma_wait3A_361 = arith.constant 0 : i32
        %dma_wait3A_362 = tpu.memref_slice %arg9[%mul3A_356, %dma_wait3A_361] : memref<50000x32xf32, #tpu.memory_space<vmem_shared>> -> memref<80x32xf32, #tpu.memory_space<vmem_shared>>
        %dma_wait3A_363 = arith.constant 0 : i32
        %dma_wait3A_364 = tpu.memref_slice %arg9[%mul3A_356, %dma_wait3A_363] : memref<50000x32xf32, #tpu.memory_space<vmem_shared>> -> memref<80x32xf32, #tpu.memory_space<vmem_shared>>
        tpu.wait_dma2 semaphore(%run_scoped3A : memref<!tpu.dma_semaphore, #tpu.memory_space<semaphore_mem>>) src(%arg21 : memref<80x32xf32, #tpu.memory_space<vmem>>) dst(%dma_wait3A_364 : memref<80x32xf32, #tpu.memory_space<vmem_shared>>)
        tpu.yield
      }) : () -> ()
    }
    %while3A_40 = arith.constant 1 : i32
    scf.for %while3A_352 = %while3A_38 to %while3A_34 step %while3A_40  : i32 {
      %mul3A_353 = arith.muli %while3A_352, %while3A : i32
      %add3A_354 = arith.addi %add3A, %mul3A_353 : i32
      %mul3A_355 = arith.constant 80 : i32
      %mul3A_356 = arith.muli %add3A_354, %mul3A_355 : i32
      "tpu.region"() ({
        %run_scoped3A = tpu.sem_alloc : memref<!tpu.dma_semaphore, #tpu.memory_space<semaphore_mem>>
        %dma_start3A_357 = arith.constant 0 : i32
        %dma_start3A_358 = tpu.memref_slice %arg9[%mul3A_356, %dma_start3A_357] : memref<50000x32xf32, #tpu.memory_space<vmem_shared>> -> memref<80x32xf32, #tpu.memory_space<vmem_shared>>
        %dma_start3A_359 = arith.constant 0 : i32
        %dma_start3A_360 = tpu.memref_slice %arg9[%mul3A_356, %dma_start3A_359] : memref<50000x32xf32, #tpu.memory_space<vmem_shared>> -> memref<80x32xf32, #tpu.memory_space<vmem_shared>>
        tpu.enqueue_dma source(%arg21 : memref<80x32xf32, #tpu.memory_space<vmem>>) target(%dma_start3A_360 : memref<80x32xf32, #tpu.memory_space<vmem_shared>>) target_semaphore(%run_scoped3A : memref<!tpu.dma_semaphore, #tpu.memory_space<semaphore_mem>>)
        %dma_wait3A_361 = arith.constant 0 : i32
        %dma_wait3A_362 = tpu.memref_slice %arg9[%mul3A_356, %dma_wait3A_361] : memref<50000x32xf32, #tpu.memory_space<vmem_shared>> -> memref<80x32xf32, #tpu.memory_space<vmem_shared>>
        %dma_wait3A_363 = arith.constant 0 : i32
        %dma_wait3A_364 = tpu.memref_slice %arg9[%mul3A_356, %dma_wait3A_363] : memref<50000x32xf32, #tpu.memory_space<vmem_shared>> -> memref<80x32xf32, #tpu.memory_space<vmem_shared>>
        tpu.wait_dma2 semaphore(%run_scoped3A : memref<!tpu.dma_semaphore, #tpu.memory_space<semaphore_mem>>) src(%arg21 : memref<80x32xf32, #tpu.memory_space<vmem>>) dst(%dma_wait3A_364 : memref<80x32xf32, #tpu.memory_space<vmem_shared>>)
        tpu.yield
      }) : () -> ()
    }
    %mul3A_41 = arith.constant 16 : i32
    %mul3A_42 = arith.muli %arg1, %mul3A_41 : i32
    "tpu.region"() ({
      %run_scoped3A = tpu.sem_alloc : memref<!tpu.dma_semaphore, #tpu.memory_space<semaphore_mem>>
      %dma_start3A_352 = arith.constant 0 : i32
      %dma_start3A_353 = arith.constant 0 : i32
      %dma_start3A_354 = tpu.memref_slice %arg21[%dma_start3A_352, %dma_start3A_353] : memref<80x32xf32, #tpu.memory_space<vmem>> -> memref<16x32xf32, #tpu.memory_space<vmem>>
      %dma_start3A_355 = arith.constant 0 : i32
      %dma_start3A_356 = tpu.memref_slice %arg10[%mul3A_42, %dma_start3A_355] : memref<256x32xf32, #tpu.memory_space<vmem_shared>> -> memref<16x32xf32, #tpu.memory_space<vmem_shared>>
      %dma_start3A_357 = arith.constant 0 : i32
      %dma_start3A_358 = tpu.memref_slice %arg10[%mul3A_42, %dma_start3A_357] : memref<256x32xf32, #tpu.memory_space<vmem_shared>> -> memref<16x32xf32, #tpu.memory_space<vmem_shared>>
      %dma_start3A_359 = arith.constant 0 : i32
      %dma_start3A_360 = arith.constant 0 : i32
      %dma_start3A_361 = tpu.memref_slice %arg21[%dma_start3A_359, %dma_start3A_360] : memref<80x32xf32, #tpu.memory_space<vmem>> -> memref<16x32xf32, #tpu.memory_space<vmem>>
      tpu.enqueue_dma source(%dma_start3A_361 : memref<16x32xf32, #tpu.memory_space<vmem>>) target(%dma_start3A_358 : memref<16x32xf32, #tpu.memory_space<vmem_shared>>) target_semaphore(%run_scoped3A : memref<!tpu.dma_semaphore, #tpu.memory_space<semaphore_mem>>)
      %dma_wait3A_362 = arith.constant 0 : i32
      %dma_wait3A_363 = arith.constant 0 : i32
      %dma_wait3A_364 = tpu.memref_slice %arg21[%dma_wait3A_362, %dma_wait3A_363] : memref<80x32xf32, #tpu.memory_space<vmem>> -> memref<16x32xf32, #tpu.memory_space<vmem>>
      %dma_wait3A_365 = arith.constant 0 : i32
      %dma_wait3A_366 = tpu.memref_slice %arg10[%mul3A_42, %dma_wait3A_365] : memref<256x32xf32, #tpu.memory_space<vmem_shared>> -> memref<16x32xf32, #tpu.memory_space<vmem_shared>>
      %dma_wait3A_367 = arith.constant 0 : i32
      %dma_wait3A_368 = tpu.memref_slice %arg10[%mul3A_42, %dma_wait3A_367] : memref<256x32xf32, #tpu.memory_space<vmem_shared>> -> memref<16x32xf32, #tpu.memory_space<vmem_shared>>
      %dma_wait3A_369 = arith.constant 0 : i32
      %dma_wait3A_370 = arith.constant 0 : i32
      %dma_wait3A_371 = tpu.memref_slice %arg21[%dma_wait3A_369, %dma_wait3A_370] : memref<80x32xf32, #tpu.memory_space<vmem>> -> memref<16x32xf32, #tpu.memory_space<vmem>>
      tpu.wait_dma2 semaphore(%run_scoped3A : memref<!tpu.dma_semaphore, #tpu.memory_space<semaphore_mem>>) src(%dma_wait3A_371 : memref<16x32xf32, #tpu.memory_space<vmem>>) dst(%dma_wait3A_368 : memref<16x32xf32, #tpu.memory_space<vmem_shared>>)
      tpu.yield
    }) : () -> ()
    %eq3A = arith.constant 0 : i32
    %eq3A_43 = arith.cmpi eq, %arg1, %eq3A : i32
    %convert_element_type3A_44 = arith.extui %eq3A_43 : i1 to i32
    %cond3A = arith.constant 0 : i32
    %cond3A_45 = arith.cmpi ne, %convert_element_type3A_44, %cond3A : i32
    scf.if %cond3A_45 {
      "tpu.region"() ({
        %run_scoped3A = tpu.sem_alloc : memref<!tpu.dma_semaphore, #tpu.memory_space<semaphore_mem>>
        tpu.enqueue_dma source(%arg26 : memref<256xf32, #tpu.memory_space<vmem>>) target(%arg11 : memref<256xf32, #tpu.memory_space<vmem_shared>>) target_semaphore(%run_scoped3A : memref<!tpu.dma_semaphore, #tpu.memory_space<semaphore_mem>>)
        tpu.wait_dma2 semaphore(%run_scoped3A : memref<!tpu.dma_semaphore, #tpu.memory_space<semaphore_mem>>) src(%arg26 : memref<256xf32, #tpu.memory_space<vmem>>) dst(%arg11 : memref<256xf32, #tpu.memory_space<vmem_shared>>)
        tpu.yield
      }) : () -> ()
    } else {
    }
    %mul3A_46 = arith.constant 32 : i32
    %mul3A_47 = arith.muli %arg0, %mul3A_46 : i32
    "tpu.region"() ({
      %run_scoped3A = tpu.sem_alloc : memref<!tpu.dma_semaphore, #tpu.memory_space<semaphore_mem>>
      %dma_start3A_352 = tpu.memref_slice %arg6[%mul3A_47] : memref<64xf32, #tpu.memory_space<hbm>> -> memref<32xf32, #tpu.memory_space<hbm>>
      %dma_start3A_353 = tpu.memref_slice %arg6[%mul3A_47] : memref<64xf32, #tpu.memory_space<hbm>> -> memref<32xf32, #tpu.memory_space<hbm>>
      tpu.enqueue_dma source(%dma_start3A_353 : memref<32xf32, #tpu.memory_space<hbm>>) target(%arg27 : memref<32xf32, #tpu.memory_space<vmem>>) target_semaphore(%run_scoped3A : memref<!tpu.dma_semaphore, #tpu.memory_space<semaphore_mem>>)
      %dma_wait3A_354 = tpu.memref_slice %arg6[%mul3A_47] : memref<64xf32, #tpu.memory_space<hbm>> -> memref<32xf32, #tpu.memory_space<hbm>>
      %dma_wait3A_355 = tpu.memref_slice %arg6[%mul3A_47] : memref<64xf32, #tpu.memory_space<hbm>> -> memref<32xf32, #tpu.memory_space<hbm>>
      tpu.wait_dma2 semaphore(%run_scoped3A : memref<!tpu.dma_semaphore, #tpu.memory_space<semaphore_mem>>) src(%dma_wait3A_355 : memref<32xf32, #tpu.memory_space<hbm>>) dst(%arg27 : memref<32xf32, #tpu.memory_space<vmem>>)
      tpu.yield
    }) : () -> ()
    %barrier3A = arith.constant 0 : index
    tpu.barrier barrier_id(%barrier3A)
    %mul3A_48 = arith.constant 39 : i32
    %mul3A_49 = arith.muli %mul3A_48, %arg1 : i32
    %min3A_50 = arith.constant 1 : i32
    %min3A_51 = arith.minsi %arg1, %min3A_50 : i32
    %add3A_52 = arith.addi %mul3A_49, %min3A_51 : i32
    %lt3A_53 = arith.constant 1 : i32
    %lt3A_54 = arith.cmpi slt, %arg1, %lt3A_53 : i32
    %convert_element_type3A_55 = arith.extui %lt3A_54 : i1 to i32
    %add3A_56 = arith.constant 39 : i32
    %add3A_57 = arith.addi %add3A_56, %convert_element_type3A_55 : i32
    %mul3A_58 = arith.constant 4 : i32
    %mul3A_59 = arith.muli %mul3A_58, %add3A_52 : i32
    %broadcast_in_dim3A_60 = vector.broadcast %mul3A_0 : i32 to vector<16xi32>
    %add3A_61 = arith.constant 0 : i32
    %add3A_62 = arith.addi %mul3A_59, %add3A_61 : i32
    %mul3A_63 = arith.constant 320 : i32
    %mul3A_64 = arith.muli %add3A_62, %mul3A_63 : i32
    %dma_start3A = arith.constant 0 : i32
    %dma_start3A_65 = tpu.memref_slice %arg2[%dma_start3A, %mul3A_64] : memref<2x800000xi32, #tpu.memory_space<hbm>> -> memref<1x320xi32, #tpu.memory_space<hbm>>
    %dma_start3A_66 = tpu.memref_squeeze %dma_start3A_65 : memref<1x320xi32, #tpu.memory_space<hbm>> -> memref<320xi32, #tpu.memory_space<hbm>>
    %dma_start3A_67 = tpu.memref_slice %arg2[%dma_start3A, %mul3A_64] : memref<2x800000xi32, #tpu.memory_space<hbm>> -> memref<1x320xi32, #tpu.memory_space<hbm>>
    %dma_start3A_68 = tpu.memref_squeeze %dma_start3A_67 : memref<1x320xi32, #tpu.memory_space<hbm>> -> memref<320xi32, #tpu.memory_space<hbm>>
    tpu.enqueue_dma source(%dma_start3A_68 : memref<320xi32, #tpu.memory_space<hbm>>) target(%arg12 : memref<320xi32, #tpu.memory_space<vmem>>) target_semaphore(%arg30 : memref<!tpu.dma_semaphore, #tpu.memory_space<semaphore_mem>>)
    %mul3A_69 = arith.constant 320 : i32
    %mul3A_70 = arith.muli %add3A_62, %mul3A_69 : i32
    %dma_start3A_71 = arith.constant 1 : i32
    %dma_start3A_72 = tpu.memref_slice %arg2[%dma_start3A_71, %mul3A_70] : memref<2x800000xi32, #tpu.memory_space<hbm>> -> memref<1x320xi32, #tpu.memory_space<hbm>>
    %dma_start3A_73 = tpu.memref_squeeze %dma_start3A_72 : memref<1x320xi32, #tpu.memory_space<hbm>> -> memref<320xi32, #tpu.memory_space<hbm>>
    %dma_start3A_74 = tpu.memref_slice %arg2[%dma_start3A_71, %mul3A_70] : memref<2x800000xi32, #tpu.memory_space<hbm>> -> memref<1x320xi32, #tpu.memory_space<hbm>>
    %dma_start3A_75 = tpu.memref_squeeze %dma_start3A_74 : memref<1x320xi32, #tpu.memory_space<hbm>> -> memref<320xi32, #tpu.memory_space<hbm>>
    tpu.enqueue_dma source(%dma_start3A_75 : memref<320xi32, #tpu.memory_space<hbm>>) target(%arg16 : memref<320xi32, #tpu.memory_space<vmem>>) target_semaphore(%arg30 : memref<!tpu.dma_semaphore, #tpu.memory_space<semaphore_mem>>)
    %add3A_76 = arith.constant 1 : i32
    %add3A_77 = arith.addi %mul3A_59, %add3A_76 : i32
    %mul3A_78 = arith.constant 320 : i32
    %mul3A_79 = arith.muli %add3A_77, %mul3A_78 : i32
    %dma_start3A_80 = arith.constant 0 : i32
    %dma_start3A_81 = tpu.memref_slice %arg2[%dma_start3A_80, %mul3A_79] : memref<2x800000xi32, #tpu.memory_space<hbm>> -> memref<1x320xi32, #tpu.memory_space<hbm>>
    %dma_start3A_82 = tpu.memref_squeeze %dma_start3A_81 : memref<1x320xi32, #tpu.memory_space<hbm>> -> memref<320xi32, #tpu.memory_space<hbm>>
    %dma_start3A_83 = tpu.memref_slice %arg2[%dma_start3A_80, %mul3A_79] : memref<2x800000xi32, #tpu.memory_space<hbm>> -> memref<1x320xi32, #tpu.memory_space<hbm>>
    %dma_start3A_84 = tpu.memref_squeeze %dma_start3A_83 : memref<1x320xi32, #tpu.memory_space<hbm>> -> memref<320xi32, #tpu.memory_space<hbm>>
    tpu.enqueue_dma source(%dma_start3A_84 : memref<320xi32, #tpu.memory_space<hbm>>) target(%arg13 : memref<320xi32, #tpu.memory_space<vmem>>) target_semaphore(%arg30 : memref<!tpu.dma_semaphore, #tpu.memory_space<semaphore_mem>>)
    %mul3A_85 = arith.constant 320 : i32
    %mul3A_86 = arith.muli %add3A_77, %mul3A_85 : i32
    %dma_start3A_87 = arith.constant 1 : i32
    %dma_start3A_88 = tpu.memref_slice %arg2[%dma_start3A_87, %mul3A_86] : memref<2x800000xi32, #tpu.memory_space<hbm>> -> memref<1x320xi32, #tpu.memory_space<hbm>>
    %dma_start3A_89 = tpu.memref_squeeze %dma_start3A_88 : memref<1x320xi32, #tpu.memory_space<hbm>> -> memref<320xi32, #tpu.memory_space<hbm>>
    %dma_start3A_90 = tpu.memref_slice %arg2[%dma_start3A_87, %mul3A_86] : memref<2x800000xi32, #tpu.memory_space<hbm>> -> memref<1x320xi32, #tpu.memory_space<hbm>>
    %dma_start3A_91 = tpu.memref_squeeze %dma_start3A_90 : memref<1x320xi32, #tpu.memory_space<hbm>> -> memref<320xi32, #tpu.memory_space<hbm>>
    tpu.enqueue_dma source(%dma_start3A_91 : memref<320xi32, #tpu.memory_space<hbm>>) target(%arg17 : memref<320xi32, #tpu.memory_space<vmem>>) target_semaphore(%arg30 : memref<!tpu.dma_semaphore, #tpu.memory_space<semaphore_mem>>)
    %add3A_92 = arith.constant 2 : i32
    %add3A_93 = arith.addi %mul3A_59, %add3A_92 : i32
    %mul3A_94 = arith.constant 320 : i32
    %mul3A_95 = arith.muli %add3A_93, %mul3A_94 : i32
    %dma_start3A_96 = arith.constant 0 : i32
    %dma_start3A_97 = tpu.memref_slice %arg2[%dma_start3A_96, %mul3A_95] : memref<2x800000xi32, #tpu.memory_space<hbm>> -> memref<1x320xi32, #tpu.memory_space<hbm>>
    %dma_start3A_98 = tpu.memref_squeeze %dma_start3A_97 : memref<1x320xi32, #tpu.memory_space<hbm>> -> memref<320xi32, #tpu.memory_space<hbm>>
    %dma_start3A_99 = tpu.memref_slice %arg2[%dma_start3A_96, %mul3A_95] : memref<2x800000xi32, #tpu.memory_space<hbm>> -> memref<1x320xi32, #tpu.memory_space<hbm>>
    %dma_start3A_100 = tpu.memref_squeeze %dma_start3A_99 : memref<1x320xi32, #tpu.memory_space<hbm>> -> memref<320xi32, #tpu.memory_space<hbm>>
    tpu.enqueue_dma source(%dma_start3A_100 : memref<320xi32, #tpu.memory_space<hbm>>) target(%arg14 : memref<320xi32, #tpu.memory_space<vmem>>) target_semaphore(%arg30 : memref<!tpu.dma_semaphore, #tpu.memory_space<semaphore_mem>>)
    %mul3A_101 = arith.constant 320 : i32
    %mul3A_102 = arith.muli %add3A_93, %mul3A_101 : i32
    %dma_start3A_103 = arith.constant 1 : i32
    %dma_start3A_104 = tpu.memref_slice %arg2[%dma_start3A_103, %mul3A_102] : memref<2x800000xi32, #tpu.memory_space<hbm>> -> memref<1x320xi32, #tpu.memory_space<hbm>>
    %dma_start3A_105 = tpu.memref_squeeze %dma_start3A_104 : memref<1x320xi32, #tpu.memory_space<hbm>> -> memref<320xi32, #tpu.memory_space<hbm>>
    %dma_start3A_106 = tpu.memref_slice %arg2[%dma_start3A_103, %mul3A_102] : memref<2x800000xi32, #tpu.memory_space<hbm>> -> memref<1x320xi32, #tpu.memory_space<hbm>>
    %dma_start3A_107 = tpu.memref_squeeze %dma_start3A_106 : memref<1x320xi32, #tpu.memory_space<hbm>> -> memref<320xi32, #tpu.memory_space<hbm>>
    tpu.enqueue_dma source(%dma_start3A_107 : memref<320xi32, #tpu.memory_space<hbm>>) target(%arg18 : memref<320xi32, #tpu.memory_space<vmem>>) target_semaphore(%arg30 : memref<!tpu.dma_semaphore, #tpu.memory_space<semaphore_mem>>)
    %mul3A_108 = arith.constant 320 : i32
    %mul3A_109 = arith.muli %mul3A_59, %mul3A_108 : i32
    %dma_wait3A = arith.constant 0 : i32
    %dma_wait3A_110 = tpu.memref_slice %arg2[%dma_wait3A, %mul3A_109] : memref<2x800000xi32, #tpu.memory_space<hbm>> -> memref<1x320xi32, #tpu.memory_space<hbm>>
    %dma_wait3A_111 = tpu.memref_squeeze %dma_wait3A_110 : memref<1x320xi32, #tpu.memory_space<hbm>> -> memref<320xi32, #tpu.memory_space<hbm>>
    %dma_wait3A_112 = tpu.memref_slice %arg2[%dma_wait3A, %mul3A_109] : memref<2x800000xi32, #tpu.memory_space<hbm>> -> memref<1x320xi32, #tpu.memory_space<hbm>>
    %dma_wait3A_113 = tpu.memref_squeeze %dma_wait3A_112 : memref<1x320xi32, #tpu.memory_space<hbm>> -> memref<320xi32, #tpu.memory_space<hbm>>
    tpu.wait_dma2 semaphore(%arg30 : memref<!tpu.dma_semaphore, #tpu.memory_space<semaphore_mem>>) src(%dma_wait3A_113 : memref<320xi32, #tpu.memory_space<hbm>>) dst(%arg12 : memref<320xi32, #tpu.memory_space<vmem>>)
    %mul3A_114 = arith.constant 320 : i32
    %mul3A_115 = arith.muli %mul3A_59, %mul3A_114 : i32
    %dma_wait3A_116 = arith.constant 1 : i32
    %dma_wait3A_117 = tpu.memref_slice %arg2[%dma_wait3A_116, %mul3A_115] : memref<2x800000xi32, #tpu.memory_space<hbm>> -> memref<1x320xi32, #tpu.memory_space<hbm>>
    %dma_wait3A_118 = tpu.memref_squeeze %dma_wait3A_117 : memref<1x320xi32, #tpu.memory_space<hbm>> -> memref<320xi32, #tpu.memory_space<hbm>>
    %dma_wait3A_119 = tpu.memref_slice %arg2[%dma_wait3A_116, %mul3A_115] : memref<2x800000xi32, #tpu.memory_space<hbm>> -> memref<1x320xi32, #tpu.memory_space<hbm>>
    %dma_wait3A_120 = tpu.memref_squeeze %dma_wait3A_119 : memref<1x320xi32, #tpu.memory_space<hbm>> -> memref<320xi32, #tpu.memory_space<hbm>>
    tpu.wait_dma2 semaphore(%arg30 : memref<!tpu.dma_semaphore, #tpu.memory_space<semaphore_mem>>) src(%dma_wait3A_120 : memref<320xi32, #tpu.memory_space<hbm>>) dst(%arg16 : memref<320xi32, #tpu.memory_space<vmem>>)
    %get3A = arith.constant 0 : index
    %get3A_121 = tpu.vector_load %arg12[%get3A] {strides = array<i32>} : memref<320xi32, #tpu.memory_space<vmem>>, vector<16xi32>,
    %get3A_122 = vector.shape_cast %get3A_121 : vector<16xi32> to vector<16xi32>
    %add3A_123 = arith.addi %get3A_122, %broadcast_in_dim3A_60 : vector<16xi32>
    %swap3A = arith.constant 0 : index
    %swap3A_124 = tpu.vector_load %arg12[%swap3A] {strides = array<i32>} : memref<320xi32, #tpu.memory_space<vmem>>, vector<16xi32>,
    %swap3A_125 = vector.shape_cast %swap3A_124 : vector<16xi32> to vector<16xi32>
    %swap3A_126 = vector.shape_cast %add3A_123 : vector<16xi32> to vector<16xi32>
    tpu.vector_store %arg12[%swap3A], %swap3A_126 {strides = array<i32>} : memref<320xi32, #tpu.memory_space<vmem>>, vector<16xi32>,
    %get3A_127 = arith.constant 16 : index
    %get3A_128 = tpu.vector_load %arg12[%get3A_127] {strides = array<i32>} : memref<320xi32, #tpu.memory_space<vmem>>, vector<16xi32>,
    %get3A_129 = vector.shape_cast %get3A_128 : vector<16xi32> to vector<16xi32>
    %add3A_130 = arith.addi %get3A_129, %broadcast_in_dim3A_60 : vector<16xi32>
    %swap3A_131 = arith.constant 16 : index
    %swap3A_132 = tpu.vector_load %arg12[%swap3A_131] {strides = array<i32>} : memref<320xi32, #tpu.memory_space<vmem>>, vector<16xi32>,
    %swap3A_133 = vector.shape_cast %swap3A_132 : vector<16xi32> to vector<16xi32>
    %swap3A_134 = vector.shape_cast %add3A_130 : vector<16xi32> to vector<16xi32>
    tpu.vector_store %arg12[%swap3A_131], %swap3A_134 {strides = array<i32>} : memref<320xi32, #tpu.memory_space<vmem>>, vector<16xi32>,
    %get3A_135 = arith.constant 32 : index
    %get3A_136 = tpu.vector_load %arg12[%get3A_135] {strides = array<i32>} : memref<320xi32, #tpu.memory_space<vmem>>, vector<16xi32>,
    %get3A_137 = vector.shape_cast %get3A_136 : vector<16xi32> to vector<16xi32>
    %add3A_138 = arith.addi %get3A_137, %broadcast_in_dim3A_60 : vector<16xi32>
    %swap3A_139 = arith.constant 32 : index
    %swap3A_140 = tpu.vector_load %arg12[%swap3A_139] {strides = array<i32>} : memref<320xi32, #tpu.memory_space<vmem>>, vector<16xi32>,
    %swap3A_141 = vector.shape_cast %swap3A_140 : vector<16xi32> to vector<16xi32>
    %swap3A_142 = vector.shape_cast %add3A_138 : vector<16xi32> to vector<16xi32>
    tpu.vector_store %arg12[%swap3A_139], %swap3A_142 {strides = array<i32>} : memref<320xi32, #tpu.memory_space<vmem>>, vector<16xi32>,
    %get3A_143 = arith.constant 48 : index
    %get3A_144 = tpu.vector_load %arg12[%get3A_143] {strides = array<i32>} : memref<320xi32, #tpu.memory_space<vmem>>, vector<16xi32>,
    %get3A_145 = vector.shape_cast %get3A_144 : vector<16xi32> to vector<16xi32>
    %add3A_146 = arith.addi %get3A_145, %broadcast_in_dim3A_60 : vector<16xi32>
    %swap3A_147 = arith.constant 48 : index
    %swap3A_148 = tpu.vector_load %arg12[%swap3A_147] {strides = array<i32>} : memref<320xi32, #tpu.memory_space<vmem>>, vector<16xi32>,
    %swap3A_149 = vector.shape_cast %swap3A_148 : vector<16xi32> to vector<16xi32>
    %swap3A_150 = vector.shape_cast %add3A_146 : vector<16xi32> to vector<16xi32>
    tpu.vector_store %arg12[%swap3A_147], %swap3A_150 {strides = array<i32>} : memref<320xi32, #tpu.memory_space<vmem>>, vector<16xi32>,
    %get3A_151 = arith.constant 64 : index
    %get3A_152 = tpu.vector_load %arg12[%get3A_151] {strides = array<i32>} : memref<320xi32, #tpu.memory_space<vmem>>, vector<16xi32>,
    %get3A_153 = vector.shape_cast %get3A_152 : vector<16xi32> to vector<16xi32>
    %add3A_154 = arith.addi %get3A_153, %broadcast_in_dim3A_60 : vector<16xi32>
    %swap3A_155 = arith.constant 64 : index
    %swap3A_156 = tpu.vector_load %arg12[%swap3A_155] {strides = array<i32>} : memref<320xi32, #tpu.memory_space<vmem>>, vector<16xi32>,
    %swap3A_157 = vector.shape_cast %swap3A_156 : vector<16xi32> to vector<16xi32>
    %swap3A_158 = vector.shape_cast %add3A_154 : vector<16xi32> to vector<16xi32>
    tpu.vector_store %arg12[%swap3A_155], %swap3A_158 {strides = array<i32>} : memref<320xi32, #tpu.memory_space<vmem>>, vector<16xi32>,
    %get3A_159 = arith.constant 80 : index
    %get3A_160 = tpu.vector_load %arg12[%get3A_159] {strides = array<i32>} : memref<320xi32, #tpu.memory_space<vmem>>, vector<16xi32>,
    %get3A_161 = vector.shape_cast %get3A_160 : vector<16xi32> to vector<16xi32>
    %add3A_162 = arith.addi %get3A_161, %broadcast_in_dim3A_60 : vector<16xi32>
    %swap3A_163 = arith.constant 80 : index
    %swap3A_164 = tpu.vector_load %arg12[%swap3A_163] {strides = array<i32>} : memref<320xi32, #tpu.memory_space<vmem>>, vector<16xi32>,
    %swap3A_165 = vector.shape_cast %swap3A_164 : vector<16xi32> to vector<16xi32>
    %swap3A_166 = vector.shape_cast %add3A_162 : vector<16xi32> to vector<16xi32>
    tpu.vector_store %arg12[%swap3A_163], %swap3A_166 {strides = array<i32>} : memref<320xi32, #tpu.memory_space<vmem>>, vector<16xi32>,
    %get3A_167 = arith.constant 96 : index
    %get3A_168 = tpu.vector_load %arg12[%get3A_167] {strides = array<i32>} : memref<320xi32, #tpu.memory_space<vmem>>, vector<16xi32>,
    %get3A_169 = vector.shape_cast %get3A_168 : vector<16xi32> to vector<16xi32>
    %add3A_170 = arith.addi %get3A_169, %broadcast_in_dim3A_60 : vector<16xi32>
    %swap3A_171 = arith.constant 96 : index
    %swap3A_172 = tpu.vector_load %arg12[%swap3A_171] {strides = array<i32>} : memref<320xi32, #tpu.memory_space<vmem>>, vector<16xi32>,
    %swap3A_173 = vector.shape_cast %swap3A_172 : vector<16xi32> to vector<16xi32>
    %swap3A_174 = vector.shape_cast %add3A_170 : vector<16xi32> to vector<16xi32>
    tpu.vector_store %arg12[%swap3A_171], %swap3A_174 {strides = array<i32>} : memref<320xi32, #tpu.memory_space<vmem>>, vector<16xi32>,
    %get3A_175 = arith.constant 112 : index
    %get3A_176 = tpu.vector_load %arg12[%get3A_175] {strides = array<i32>} : memref<320xi32, #tpu.memory_space<vmem>>, vector<16xi32>,
    %get3A_177 = vector.shape_cast %get3A_176 : vector<16xi32> to vector<16xi32>
    %add3A_178 = arith.addi %get3A_177, %broadcast_in_dim3A_60 : vector<16xi32>
    %swap3A_179 = arith.constant 112 : index
    %swap3A_180 = tpu.vector_load %arg12[%swap3A_179] {strides = array<i32>} : memref<320xi32, #tpu.memory_space<vmem>>, vector<16xi32>,
    %swap3A_181 = vector.shape_cast %swap3A_180 : vector<16xi32> to vector<16xi32>
    %swap3A_182 = vector.shape_cast %add3A_178 : vector<16xi32> to vector<16xi32>
    tpu.vector_store %arg12[%swap3A_179], %swap3A_182 {strides = array<i32>} : memref<320xi32, #tpu.memory_space<vmem>>, vector<16xi32>,
    %get3A_183 = arith.constant 128 : index
    %get3A_184 = tpu.vector_load %arg12[%get3A_183] {strides = array<i32>} : memref<320xi32, #tpu.memory_space<vmem>>, vector<16xi32>,
    %get3A_185 = vector.shape_cast %get3A_184 : vector<16xi32> to vector<16xi32>
    %add3A_186 = arith.addi %get3A_185, %broadcast_in_dim3A_60 : vector<16xi32>
    %swap3A_187 = arith.constant 128 : index
    %swap3A_188 = tpu.vector_load %arg12[%swap3A_187] {strides = array<i32>} : memref<320xi32, #tpu.memory_space<vmem>>, vector<16xi32>,
    %swap3A_189 = vector.shape_cast %swap3A_188 : vector<16xi32> to vector<16xi32>
    %swap3A_190 = vector.shape_cast %add3A_186 : vector<16xi32> to vector<16xi32>
    tpu.vector_store %arg12[%swap3A_187], %swap3A_190 {strides = array<i32>} : memref<320xi32, #tpu.memory_space<vmem>>, vector<16xi32>,
    %get3A_191 = arith.constant 144 : index
    %get3A_192 = tpu.vector_load %arg12[%get3A_191] {strides = array<i32>} : memref<320xi32, #tpu.memory_space<vmem>>, vector<16xi32>,
    %get3A_193 = vector.shape_cast %get3A_192 : vector<16xi32> to vector<16xi32>
    %add3A_194 = arith.addi %get3A_193, %broadcast_in_dim3A_60 : vector<16xi32>
    %swap3A_195 = arith.constant 144 : index
    %swap3A_196 = tpu.vector_load %arg12[%swap3A_195] {strides = array<i32>} : memref<320xi32, #tpu.memory_space<vmem>>, vector<16xi32>,
    %swap3A_197 = vector.shape_cast %swap3A_196 : vector<16xi32> to vector<16xi32>
    %swap3A_198 = vector.shape_cast %add3A_194 : vector<16xi32> to vector<16xi32>
    tpu.vector_store %arg12[%swap3A_195], %swap3A_198 {strides = array<i32>} : memref<320xi32, #tpu.memory_space<vmem>>, vector<16xi32>,
    %get3A_199 = arith.constant 160 : index
    %get3A_200 = tpu.vector_load %arg12[%get3A_199] {strides = array<i32>} : memref<320xi32, #tpu.memory_space<vmem>>, vector<16xi32>,
    %get3A_201 = vector.shape_cast %get3A_200 : vector<16xi32> to vector<16xi32>
    %add3A_202 = arith.addi %get3A_201, %broadcast_in_dim3A_60 : vector<16xi32>
    %swap3A_203 = arith.constant 160 : index
    %swap3A_204 = tpu.vector_load %arg12[%swap3A_203] {strides = array<i32>} : memref<320xi32, #tpu.memory_space<vmem>>, vector<16xi32>,
    %swap3A_205 = vector.shape_cast %swap3A_204 : vector<16xi32> to vector<16xi32>
    %swap3A_206 = vector.shape_cast %add3A_202 : vector<16xi32> to vector<16xi32>
    tpu.vector_store %arg12[%swap3A_203], %swap3A_206 {strides = array<i32>} : memref<320xi32, #tpu.memory_space<vmem>>, vector<16xi32>,
    %get3A_207 = arith.constant 176 : index
    %get3A_208 = tpu.vector_load %arg12[%get3A_207] {strides = array<i32>} : memref<320xi32, #tpu.memory_space<vmem>>, vector<16xi32>,
    %get3A_209 = vector.shape_cast %get3A_208 : vector<16xi32> to vector<16xi32>
    %add3A_210 = arith.addi %get3A_209, %broadcast_in_dim3A_60 : vector<16xi32>
    %swap3A_211 = arith.constant 176 : index
    %swap3A_212 = tpu.vector_load %arg12[%swap3A_211] {strides = array<i32>} : memref<320xi32, #tpu.memory_space<vmem>>, vector<16xi32>,
    %swap3A_213 = vector.shape_cast %swap3A_212 : vector<16xi32> to vector<16xi32>
    %swap3A_214 = vector.shape_cast %add3A_210 : vector<16xi32> to vector<16xi32>
    tpu.vector_store %arg12[%swap3A_211], %swap3A_214 {strides = array<i32>} : memref<320xi32, #tpu.memory_space<vmem>>, vector<16xi32>,
    %get3A_215 = arith.constant 192 : index
    %get3A_216 = tpu.vector_load %arg12[%get3A_215] {strides = array<i32>} : memref<320xi32, #tpu.memory_space<vmem>>, vector<16xi32>,
    %get3A_217 = vector.shape_cast %get3A_216 : vector<16xi32> to vector<16xi32>
    %add3A_218 = arith.addi %get3A_217, %broadcast_in_dim3A_60 : vector<16xi32>
    %swap3A_219 = arith.constant 192 : index
    %swap3A_220 = tpu.vector_load %arg12[%swap3A_219] {strides = array<i32>} : memref<320xi32, #tpu.memory_space<vmem>>, vector<16xi32>,
    %swap3A_221 = vector.shape_cast %swap3A_220 : vector<16xi32> to vector<16xi32>
    %swap3A_222 = vector.shape_cast %add3A_218 : vector<16xi32> to vector<16xi32>
    tpu.vector_store %arg12[%swap3A_219], %swap3A_222 {strides = array<i32>} : memref<320xi32, #tpu.memory_space<vmem>>, vector<16xi32>,
    %get3A_223 = arith.constant 208 : index
    %get3A_224 = tpu.vector_load %arg12[%get3A_223] {strides = array<i32>} : memref<320xi32, #tpu.memory_space<vmem>>, vector<16xi32>,
    %get3A_225 = vector.shape_cast %get3A_224 : vector<16xi32> to vector<16xi32>
    %add3A_226 = arith.addi %get3A_225, %broadcast_in_dim3A_60 : vector<16xi32>
    %swap3A_227 = arith.constant 208 : index
    %swap3A_228 = tpu.vector_load %arg12[%swap3A_227] {strides = array<i32>} : memref<320xi32, #tpu.memory_space<vmem>>, vector<16xi32>,
    %swap3A_229 = vector.shape_cast %swap3A_228 : vector<16xi32> to vector<16xi32>
    %swap3A_230 = vector.shape_cast %add3A_226 : vector<16xi32> to vector<16xi32>
    tpu.vector_store %arg12[%swap3A_227], %swap3A_230 {strides = array<i32>} : memref<320xi32, #tpu.memory_space<vmem>>, vector<16xi32>,
    %get3A_231 = arith.constant 224 : index
    %get3A_232 = tpu.vector_load %arg12[%get3A_231] {strides = array<i32>} : memref<320xi32, #tpu.memory_space<vmem>>, vector<16xi32>,
    %get3A_233 = vector.shape_cast %get3A_232 : vector<16xi32> to vector<16xi32>
    %add3A_234 = arith.addi %get3A_233, %broadcast_in_dim3A_60 : vector<16xi32>
    %swap3A_235 = arith.constant 224 : index
    %swap3A_236 = tpu.vector_load %arg12[%swap3A_235] {strides = array<i32>} : memref<320xi32, #tpu.memory_space<vmem>>, vector<16xi32>,
    %swap3A_237 = vector.shape_cast %swap3A_236 : vector<16xi32> to vector<16xi32>
    %swap3A_238 = vector.shape_cast %add3A_234 : vector<16xi32> to vector<16xi32>
    tpu.vector_store %arg12[%swap3A_235], %swap3A_238 {strides = array<i32>} : memref<320xi32, #tpu.memory_space<vmem>>, vector<16xi32>,
    %get3A_239 = arith.constant 240 : index
    %get3A_240 = tpu.vector_load %arg12[%get3A_239] {strides = array<i32>} : memref<320xi32, #tpu.memory_space<vmem>>, vector<16xi32>,
    %get3A_241 = vector.shape_cast %get3A_240 : vector<16xi32> to vector<16xi32>
    %add3A_242 = arith.addi %get3A_241, %broadcast_in_dim3A_60 : vector<16xi32>
    %swap3A_243 = arith.constant 240 : index
    %swap3A_244 = tpu.vector_load %arg12[%swap3A_243] {strides = array<i32>} : memref<320xi32, #tpu.memory_space<vmem>>, vector<16xi32>,
    %swap3A_245 = vector.shape_cast %swap3A_244 : vector<16xi32> to vector<16xi32>
    %swap3A_246 = vector.shape_cast %add3A_242 : vector<16xi32> to vector<16xi32>
    tpu.vector_store %arg12[%swap3A_243], %swap3A_246 {strides = array<i32>} : memref<320xi32, #tpu.memory_space<vmem>>, vector<16xi32>,
    %get3A_247 = arith.constant 256 : index
    %get3A_248 = tpu.vector_load %arg12[%get3A_247] {strides = array<i32>} : memref<320xi32, #tpu.memory_space<vmem>>, vector<16xi32>,
    %get3A_249 = vector.shape_cast %get3A_248 : vector<16xi32> to vector<16xi32>
    %add3A_250 = arith.addi %get3A_249, %broadcast_in_dim3A_60 : vector<16xi32>
    %swap3A_251 = arith.constant 256 : index
    %swap3A_252 = tpu.vector_load %arg12[%swap3A_251] {strides = array<i32>} : memref<320xi32, #tpu.memory_space<vmem>>, vector<16xi32>,
    %swap3A_253 = vector.shape_cast %swap3A_252 : vector<16xi32> to vector<16xi32>
    %swap3A_254 = vector.shape_cast %add3A_250 : vector<16xi32> to vector<16xi32>
    tpu.vector_store %arg12[%swap3A_251], %swap3A_254 {strides = array<i32>} : memref<320xi32, #tpu.memory_space<vmem>>, vector<16xi32>,
    %get3A_255 = arith.constant 272 : index
    %get3A_256 = tpu.vector_load %arg12[%get3A_255] {strides = array<i32>} : memref<320xi32, #tpu.memory_space<vmem>>, vector<16xi32>,
    %get3A_257 = vector.shape_cast %get3A_256 : vector<16xi32> to vector<16xi32>
    %add3A_258 = arith.addi %get3A_257, %broadcast_in_dim3A_60 : vector<16xi32>
    %swap3A_259 = arith.constant 272 : index
    %swap3A_260 = tpu.vector_load %arg12[%swap3A_259] {strides = array<i32>} : memref<320xi32, #tpu.memory_space<vmem>>, vector<16xi32>,
    %swap3A_261 = vector.shape_cast %swap3A_260 : vector<16xi32> to vector<16xi32>
    %swap3A_262 = vector.shape_cast %add3A_258 : vector<16xi32> to vector<16xi32>
    tpu.vector_store %arg12[%swap3A_259], %swap3A_262 {strides = array<i32>} : memref<320xi32, #tpu.memory_space<vmem>>, vector<16xi32>,
    %get3A_263 = arith.constant 288 : index
    %get3A_264 = tpu.vector_load %arg12[%get3A_263] {strides = array<i32>} : memref<320xi32, #tpu.memory_space<vmem>>, vector<16xi32>,
    %get3A_265 = vector.shape_cast %get3A_264 : vector<16xi32> to vector<16xi32>
    %add3A_266 = arith.addi %get3A_265, %broadcast_in_dim3A_60 : vector<16xi32>
    %swap3A_267 = arith.constant 288 : index
    %swap3A_268 = tpu.vector_load %arg12[%swap3A_267] {strides = array<i32>} : memref<320xi32, #tpu.memory_space<vmem>>, vector<16xi32>,
    %swap3A_269 = vector.shape_cast %swap3A_268 : vector<16xi32> to vector<16xi32>
    %swap3A_270 = vector.shape_cast %add3A_266 : vector<16xi32> to vector<16xi32>
    tpu.vector_store %arg12[%swap3A_267], %swap3A_270 {strides = array<i32>} : memref<320xi32, #tpu.memory_space<vmem>>, vector<16xi32>,
    %get3A_271 = arith.constant 304 : index
    %get3A_272 = tpu.vector_load %arg12[%get3A_271] {strides = array<i32>} : memref<320xi32, #tpu.memory_space<vmem>>, vector<16xi32>,
    %get3A_273 = vector.shape_cast %get3A_272 : vector<16xi32> to vector<16xi32>
    %add3A_274 = arith.addi %get3A_273, %broadcast_in_dim3A_60 : vector<16xi32>
    %swap3A_275 = arith.constant 304 : index
    %swap3A_276 = tpu.vector_load %arg12[%swap3A_275] {strides = array<i32>} : memref<320xi32, #tpu.memory_space<vmem>>, vector<16xi32>,
    %swap3A_277 = vector.shape_cast %swap3A_276 : vector<16xi32> to vector<16xi32>
    %swap3A_278 = vector.shape_cast %add3A_274 : vector<16xi32> to vector<16xi32>
    tpu.vector_store %arg12[%swap3A_275], %swap3A_278 {strides = array<i32>} : memref<320xi32, #tpu.memory_space<vmem>>, vector<16xi32>,
    %dma_start3A_279 = arith.constant 0 : i32
    %dma_start3A_280 = arith.constant 0 : i32
    %dma_start3A_281 = arith.constant 0 : i32
    %dma_start3A_282 = tpu.memref_slice %arg20[%dma_start3A_279, %dma_start3A_280, %dma_start3A_281] : memref<2x320x32xf32, #tpu.memory_space<vmem>> -> memref<1x320x32xf32, #tpu.memory_space<vmem>>
    %dma_start3A_283 = tpu.memref_squeeze %dma_start3A_282 : memref<1x320x32xf32, #tpu.memory_space<vmem>> -> memref<320x32xf32, #tpu.memory_space<vmem>>
    %dma_start3A_284 = arith.constant 0 : i32
    %dma_start3A_285 = arith.constant 0 : i32
    %dma_start3A_286 = tpu.memref_slice %arg3[%dma_start3A_284, %dma_start3A_285] : memref<100000x32xf32, #tpu.memory_space<hbm>> -> memref<100000x32xf32, #tpu.memory_space<hbm>>
    tpu.enqueue_indirect_dma source(%dma_start3A_286 : memref<100000x32xf32, #tpu.memory_space<hbm>>) target(%dma_start3A_283 : memref<320x32xf32, #tpu.memory_space<vmem>>) offsets(%arg12 : memref<320xi32, #tpu.memory_space<vmem>>) semaphore(%arg28 : memref<!tpu.dma_semaphore, #tpu.memory_space<semaphore_mem>>)
    %sub3A_287 = arith.constant 0 : i32
    %sub3A_288 = arith.subi %add3A_57, %sub3A_287 : i32
    %sub3A_289 = arith.constant 1 : i32
    %sub3A_290 = arith.constant 1 : i32
    %sub3A_291 = arith.subi %sub3A_289, %sub3A_290 : i32
    %add3A_292 = arith.addi %sub3A_288, %sub3A_291 : i32
    %div3A_293 = arith.constant 1 : i32
    %div3A_294 = arith.divsi %add3A_292, %div3A_293 : i32
    %while3A_295 = arith.constant 1 : i32
    %while3A_296 = arith.constant 0 : i32
    %while3A_297 = arith.constant 0 : i32
    %while3A_298 = arith.subi %div3A_294, %while3A_297 : i32
    %while3A_299 = arith.addi %while3A_297, %while3A_298 : i32
    %while3A_300 = arith.constant 1 : i32
    %while3A_301 = arith.divsi %while3A_298, %while3A_300 : i32
    %while3A_302 = arith.muli %while3A_301, %while3A_300 : i32
    %while3A_303 = arith.addi %while3A_297, %while3A_302 : i32
    %while3A_304 = arith.constant 1 : i32
    scf.for %while3A_352 = %while3A_297 to %while3A_303 step %while3A_304  : i32 {
      %mul3A_353 = arith.muli %while3A_352, %while3A_295 : i32
      %add3A_354 = arith.addi %while3A_296, %mul3A_353 : i32
      %dma_wait3A_355 = arith.constant 0 : i32
      %dma_wait3A_356 = arith.constant 0 : i32
      %dma_wait3A_357 = arith.constant 0 : i32
      %dma_wait3A_358 = tpu.memref_slice %arg20[%dma_wait3A_355, %dma_wait3A_356, %dma_wait3A_357] : memref<2x320x32xf32, #tpu.memory_space<vmem>> -> memref<1x320x32xf32, #tpu.memory_space<vmem>>
      %dma_wait3A_359 = tpu.memref_squeeze %dma_wait3A_358 : memref<1x320x32xf32, #tpu.memory_space<vmem>> -> memref<320x32xf32, #tpu.memory_space<vmem>>
      %dma_wait3A_360 = arith.constant 0 : i32
      %dma_wait3A_361 = arith.constant 0 : i32
      %dma_wait3A_362 = tpu.memref_slice %arg3[%dma_wait3A_360, %dma_wait3A_361] : memref<100000x32xf32, #tpu.memory_space<hbm>> -> memref<100000x32xf32, #tpu.memory_space<hbm>>
      tpu.wait_indirect_dma semaphore(%arg28 : memref<!tpu.dma_semaphore, #tpu.memory_space<semaphore_mem>>) src(%dma_wait3A_362 : memref<100000x32xf32, #tpu.memory_space<hbm>>) dst(%dma_wait3A_359 : memref<320x32xf32, #tpu.memory_space<vmem>>)
      %dma_start3A_363 = arith.constant 0 : i32
      %dma_start3A_364 = arith.constant 0 : i32
      %dma_start3A_365 = arith.constant 0 : i32
      %dma_start3A_366 = tpu.memref_slice %arg20[%dma_start3A_363, %dma_start3A_364, %dma_start3A_365] : memref<2x320x32xf32, #tpu.memory_space<vmem>> -> memref<1x320x32xf32, #tpu.memory_space<vmem>>
      %dma_start3A_367 = tpu.memref_squeeze %dma_start3A_366 : memref<1x320x32xf32, #tpu.memory_space<vmem>> -> memref<320x32xf32, #tpu.memory_space<vmem>>
      %dma_start3A_368 = arith.constant 0 : i32
      %dma_start3A_369 = arith.constant 0 : i32
      %dma_start3A_370 = tpu.memref_slice %arg9[%dma_start3A_368, %dma_start3A_369] : memref<50000x32xf32, #tpu.memory_space<vmem_shared>> -> memref<50000x32xf32, #tpu.memory_space<vmem_shared>>
      tpu.enqueue_indirect_dma source(%dma_start3A_367 : memref<320x32xf32, #tpu.memory_space<vmem>>) target(%dma_start3A_370 : memref<50000x32xf32, #tpu.memory_space<vmem_shared>>) offsets(%arg16 : memref<320xi32, #tpu.memory_space<vmem>>) semaphore(%arg29 : memref<!tpu.dma_semaphore, #tpu.memory_space<semaphore_mem>>) {add = true}
      %gt3A = arith.constant 0 : i32
      %gt3A_371 = arith.cmpi sgt, %add3A_354, %gt3A : i32
      %convert_element_type3A_372 = arith.extui %gt3A_371 : i1 to i32
      %cond3A_373 = arith.constant 0 : i32
      %cond3A_374 = arith.cmpi ne, %convert_element_type3A_372, %cond3A_373 : i32
      scf.if %cond3A_374 {
        %dma_wait3A_1059 = arith.constant 1 : i32
        %dma_wait3A_1060 = arith.constant 0 : i32
        %dma_wait3A_1061 = arith.constant 0 : i32
        %dma_wait3A_1062 = tpu.memref_slice %arg20[%dma_wait3A_1059, %dma_wait3A_1060, %dma_wait3A_1061] : memref<2x320x32xf32, #tpu.memory_space<vmem>> -> memref<1x320x32xf32, #tpu.memory_space<vmem>>
        %dma_wait3A_1063 = tpu.memref_squeeze %dma_wait3A_1062 : memref<1x320x32xf32, #tpu.memory_space<vmem>> -> memref<320x32xf32, #tpu.memory_space<vmem>>
        %dma_wait3A_1064 = arith.constant 0 : i32
        %dma_wait3A_1065 = arith.constant 0 : i32
        %dma_wait3A_1066 = tpu.memref_slice %arg9[%dma_wait3A_1064, %dma_wait3A_1065] : memref<50000x32xf32, #tpu.memory_space<vmem_shared>> -> memref<50000x32xf32, #tpu.memory_space<vmem_shared>>
        tpu.wait_indirect_dma semaphore(%arg29 : memref<!tpu.dma_semaphore, #tpu.memory_space<semaphore_mem>>) src(%dma_wait3A_1063 : memref<320x32xf32, #tpu.memory_space<vmem>>) dst(%dma_wait3A_1066 : memref<50000x32xf32, #tpu.memory_space<vmem_shared>>)
      } else {
      }
      %mul3A_375 = arith.constant 4 : i32
      %mul3A_376 = arith.muli %mul3A_375, %add3A_354 : i32
      %add3A_377 = arith.addi %mul3A_59, %mul3A_376 : i32
      %add3A_378 = arith.constant 0 : i32
      %add3A_379 = arith.addi %add3A_377, %add3A_378 : i32
      %add3A_380 = arith.constant 1 : i32
      %add3A_381 = arith.addi %add3A_379, %add3A_380 : i32
      %mul3A_382 = arith.constant 320 : i32
      %mul3A_383 = arith.muli %add3A_381, %mul3A_382 : i32
      %dma_wait3A_384 = arith.constant 0 : i32
      %dma_wait3A_385 = tpu.memref_slice %arg2[%dma_wait3A_384, %mul3A_383] : memref<2x800000xi32, #tpu.memory_space<hbm>> -> memref<1x320xi32, #tpu.memory_space<hbm>>
      %dma_wait3A_386 = tpu.memref_squeeze %dma_wait3A_385 : memref<1x320xi32, #tpu.memory_space<hbm>> -> memref<320xi32, #tpu.memory_space<hbm>>
      %dma_wait3A_387 = tpu.memref_slice %arg2[%dma_wait3A_384, %mul3A_383] : memref<2x800000xi32, #tpu.memory_space<hbm>> -> memref<1x320xi32, #tpu.memory_space<hbm>>
      %dma_wait3A_388 = tpu.memref_squeeze %dma_wait3A_387 : memref<1x320xi32, #tpu.memory_space<hbm>> -> memref<320xi32, #tpu.memory_space<hbm>>
      tpu.wait_dma2 semaphore(%arg30 : memref<!tpu.dma_semaphore, #tpu.memory_space<semaphore_mem>>) src(%dma_wait3A_388 : memref<320xi32, #tpu.memory_space<hbm>>) dst(%arg13 : memref<320xi32, #tpu.memory_space<vmem>>)
      %mul3A_389 = arith.constant 320 : i32
      %mul3A_390 = arith.muli %add3A_381, %mul3A_389 : i32
      %dma_wait3A_391 = arith.constant 1 : i32
      %dma_wait3A_392 = tpu.memref_slice %arg2[%dma_wait3A_391, %mul3A_390] : memref<2x800000xi32, #tpu.memory_space<hbm>> -> memref<1x320xi32, #tpu.memory_space<hbm>>
      %dma_wait3A_393 = tpu.memref_squeeze %dma_wait3A_392 : memref<1x320xi32, #tpu.memory_space<hbm>> -> memref<320xi32, #tpu.memory_space<hbm>>
      %dma_wait3A_394 = tpu.memref_slice %arg2[%dma_wait3A_391, %mul3A_390] : memref<2x800000xi32, #tpu.memory_space<hbm>> -> memref<1x320xi32, #tpu.memory_space<hbm>>
      %dma_wait3A_395 = tpu.memref_squeeze %dma_wait3A_394 : memref<1x320xi32, #tpu.memory_space<hbm>> -> memref<320xi32, #tpu.memory_space<hbm>>
      tpu.wait_dma2 semaphore(%arg30 : memref<!tpu.dma_semaphore, #tpu.memory_space<semaphore_mem>>) src(%dma_wait3A_395 : memref<320xi32, #tpu.memory_space<hbm>>) dst(%arg17 : memref<320xi32, #tpu.memory_space<vmem>>)
      %get3A_396 = arith.constant 0 : index
      %get3A_397 = tpu.vector_load %arg13[%get3A_396] {strides = array<i32>} : memref<320xi32, #tpu.memory_space<vmem>>, vector<16xi32>,
      %get3A_398 = vector.shape_cast %get3A_397 : vector<16xi32> to vector<16xi32>
      %add3A_399 = arith.addi %get3A_398, %broadcast_in_dim3A_60 : vector<16xi32>
      %swap3A_400 = arith.constant 0 : index
      %swap3A_401 = tpu.vector_load %arg13[%swap3A_400] {strides = array<i32>} : memref<320xi32, #tpu.memory_space<vmem>>, vector<16xi32>,
      %swap3A_402 = vector.shape_cast %swap3A_401 : vector<16xi32> to vector<16xi32>
      %swap3A_403 = vector.shape_cast %add3A_399 : vector<16xi32> to vector<16xi32>
      tpu.vector_store %arg13[%swap3A_400], %swap3A_403 {strides = array<i32>} : memref<320xi32, #tpu.memory_space<vmem>>, vector<16xi32>,
      %get3A_404 = arith.constant 16 : index
      %get3A_405 = tpu.vector_load %arg13[%get3A_404] {strides = array<i32>} : memref<320xi32, #tpu.memory_space<vmem>>, vector<16xi32>,
      %get3A_406 = vector.shape_cast %get3A_405 : vector<16xi32> to vector<16xi32>
      %add3A_407 = arith.addi %get3A_406, %broadcast_in_dim3A_60 : vector<16xi32>
      %swap3A_408 = arith.constant 16 : index
      %swap3A_409 = tpu.vector_load %arg13[%swap3A_408] {strides = array<i32>} : memref<320xi32, #tpu.memory_space<vmem>>, vector<16xi32>,
      %swap3A_410 = vector.shape_cast %swap3A_409 : vector<16xi32> to vector<16xi32>
      %swap3A_411 = vector.shape_cast %add3A_407 : vector<16xi32> to vector<16xi32>
      tpu.vector_store %arg13[%swap3A_408], %swap3A_411 {strides = array<i32>} : memref<320xi32, #tpu.memory_space<vmem>>, vector<16xi32>,
      %get3A_412 = arith.constant 32 : index
      %get3A_413 = tpu.vector_load %arg13[%get3A_412] {strides = array<i32>} : memref<320xi32, #tpu.memory_space<vmem>>, vector<16xi32>,
      %get3A_414 = vector.shape_cast %get3A_413 : vector<16xi32> to vector<16xi32>
      %add3A_415 = arith.addi %get3A_414, %broadcast_in_dim3A_60 : vector<16xi32>
      %swap3A_416 = arith.constant 32 : index
      %swap3A_417 = tpu.vector_load %arg13[%swap3A_416] {strides = array<i32>} : memref<320xi32, #tpu.memory_space<vmem>>, vector<16xi32>,
      %swap3A_418 = vector.shape_cast %swap3A_417 : vector<16xi32> to vector<16xi32>
      %swap3A_419 = vector.shape_cast %add3A_415 : vector<16xi32> to vector<16xi32>
      tpu.vector_store %arg13[%swap3A_416], %swap3A_419 {strides = array<i32>} : memref<320xi32, #tpu.memory_space<vmem>>, vector<16xi32>,
      %get3A_420 = arith.constant 48 : index
      %get3A_421 = tpu.vector_load %arg13[%get3A_420] {strides = array<i32>} : memref<320xi32, #tpu.memory_space<vmem>>, vector<16xi32>,
      %get3A_422 = vector.shape_cast %get3A_421 : vector<16xi32> to vector<16xi32>
      %add3A_423 = arith.addi %get3A_422, %broadcast_in_dim3A_60 : vector<16xi32>
      %swap3A_424 = arith.constant 48 : index
      %swap3A_425 = tpu.vector_load %arg13[%swap3A_424] {strides = array<i32>} : memref<320xi32, #tpu.memory_space<vmem>>, vector<16xi32>,
      %swap3A_426 = vector.shape_cast %swap3A_425 : vector<16xi32> to vector<16xi32>
      %swap3A_427 = vector.shape_cast %add3A_423 : vector<16xi32> to vector<16xi32>
      tpu.vector_store %arg13[%swap3A_424], %swap3A_427 {strides = array<i32>} : memref<320xi32, #tpu.memory_space<vmem>>, vector<16xi32>,
      %get3A_428 = arith.constant 64 : index
      %get3A_429 = tpu.vector_load %arg13[%get3A_428] {strides = array<i32>} : memref<320xi32, #tpu.memory_space<vmem>>, vector<16xi32>,
      %get3A_430 = vector.shape_cast %get3A_429 : vector<16xi32> to vector<16xi32>
      %add3A_431 = arith.addi %get3A_430, %broadcast_in_dim3A_60 : vector<16xi32>
      %swap3A_432 = arith.constant 64 : index
      %swap3A_433 = tpu.vector_load %arg13[%swap3A_432] {strides = array<i32>} : memref<320xi32, #tpu.memory_space<vmem>>, vector<16xi32>,
      %swap3A_434 = vector.shape_cast %swap3A_433 : vector<16xi32> to vector<16xi32>
      %swap3A_435 = vector.shape_cast %add3A_431 : vector<16xi32> to vector<16xi32>
      tpu.vector_store %arg13[%swap3A_432], %swap3A_435 {strides = array<i32>} : memref<320xi32, #tpu.memory_space<vmem>>, vector<16xi32>,
      %get3A_436 = arith.constant 80 : index
      %get3A_437 = tpu.vector_load %arg13[%get3A_436] {strides = array<i32>} : memref<320xi32, #tpu.memory_space<vmem>>, vector<16xi32>,
      %get3A_438 = vector.shape_cast %get3A_437 : vector<16xi32> to vector<16xi32>
      %add3A_439 = arith.addi %get3A_438, %broadcast_in_dim3A_60 : vector<16xi32>
      %swap3A_440 = arith.constant 80 : index
      %swap3A_441 = tpu.vector_load %arg13[%swap3A_440] {strides = array<i32>} : memref<320xi32, #tpu.memory_space<vmem>>, vector<16xi32>,
      %swap3A_442 = vector.shape_cast %swap3A_441 : vector<16xi32> to vector<16xi32>
      %swap3A_443 = vector.shape_cast %add3A_439 : vector<16xi32> to vector<16xi32>
      tpu.vector_store %arg13[%swap3A_440], %swap3A_443 {strides = array<i32>} : memref<320xi32, #tpu.memory_space<vmem>>, vector<16xi32>,
      %get3A_444 = arith.constant 96 : index
      %get3A_445 = tpu.vector_load %arg13[%get3A_444] {strides = array<i32>} : memref<320xi32, #tpu.memory_space<vmem>>, vector<16xi32>,
      %get3A_446 = vector.shape_cast %get3A_445 : vector<16xi32> to vector<16xi32>
      %add3A_447 = arith.addi %get3A_446, %broadcast_in_dim3A_60 : vector<16xi32>
      %swap3A_448 = arith.constant 96 : index
      %swap3A_449 = tpu.vector_load %arg13[%swap3A_448] {strides = array<i32>} : memref<320xi32, #tpu.memory_space<vmem>>, vector<16xi32>,
      %swap3A_450 = vector.shape_cast %swap3A_449 : vector<16xi32> to vector<16xi32>
      %swap3A_451 = vector.shape_cast %add3A_447 : vector<16xi32> to vector<16xi32>
      tpu.vector_store %arg13[%swap3A_448], %swap3A_451 {strides = array<i32>} : memref<320xi32, #tpu.memory_space<vmem>>, vector<16xi32>,
      %get3A_452 = arith.constant 112 : index
      %get3A_453 = tpu.vector_load %arg13[%get3A_452] {strides = array<i32>} : memref<320xi32, #tpu.memory_space<vmem>>, vector<16xi32>,
      %get3A_454 = vector.shape_cast %get3A_453 : vector<16xi32> to vector<16xi32>
      %add3A_455 = arith.addi %get3A_454, %broadcast_in_dim3A_60 : vector<16xi32>
      %swap3A_456 = arith.constant 112 : index
      %swap3A_457 = tpu.vector_load %arg13[%swap3A_456] {strides = array<i32>} : memref<320xi32, #tpu.memory_space<vmem>>, vector<16xi32>,
      %swap3A_458 = vector.shape_cast %swap3A_457 : vector<16xi32> to vector<16xi32>
      %swap3A_459 = vector.shape_cast %add3A_455 : vector<16xi32> to vector<16xi32>
      tpu.vector_store %arg13[%swap3A_456], %swap3A_459 {strides = array<i32>} : memref<320xi32, #tpu.memory_space<vmem>>, vector<16xi32>,
      %get3A_460 = arith.constant 128 : index
      %get3A_461 = tpu.vector_load %arg13[%get3A_460] {strides = array<i32>} : memref<320xi32, #tpu.memory_space<vmem>>, vector<16xi32>,
      %get3A_462 = vector.shape_cast %get3A_461 : vector<16xi32> to vector<16xi32>
      %add3A_463 = arith.addi %get3A_462, %broadcast_in_dim3A_60 : vector<16xi32>
      %swap3A_464 = arith.constant 128 : index
      %swap3A_465 = tpu.vector_load %arg13[%swap3A_464] {strides = array<i32>} : memref<320xi32, #tpu.memory_space<vmem>>, vector<16xi32>,
      %swap3A_466 = vector.shape_cast %swap3A_465 : vector<16xi32> to vector<16xi32>
      %swap3A_467 = vector.shape_cast %add3A_463 : vector<16xi32> to vector<16xi32>
      tpu.vector_store %arg13[%swap3A_464], %swap3A_467 {strides = array<i32>} : memref<320xi32, #tpu.memory_space<vmem>>, vector<16xi32>,
      %get3A_468 = arith.constant 144 : index
      %get3A_469 = tpu.vector_load %arg13[%get3A_468] {strides = array<i32>} : memref<320xi32, #tpu.memory_space<vmem>>, vector<16xi32>,
      %get3A_470 = vector.shape_cast %get3A_469 : vector<16xi32> to vector<16xi32>
      %add3A_471 = arith.addi %get3A_470, %broadcast_in_dim3A_60 : vector<16xi32>
      %swap3A_472 = arith.constant 144 : index
      %swap3A_473 = tpu.vector_load %arg13[%swap3A_472] {strides = array<i32>} : memref<320xi32, #tpu.memory_space<vmem>>, vector<16xi32>,
      %swap3A_474 = vector.shape_cast %swap3A_473 : vector<16xi32> to vector<16xi32>
      %swap3A_475 = vector.shape_cast %add3A_471 : vector<16xi32> to vector<16xi32>
      tpu.vector_store %arg13[%swap3A_472], %swap3A_475 {strides = array<i32>} : memref<320xi32, #tpu.memory_space<vmem>>, vector<16xi32>,
      %get3A_476 = arith.constant 160 : index
      %get3A_477 = tpu.vector_load %arg13[%get3A_476] {strides = array<i32>} : memref<320xi32, #tpu.memory_space<vmem>>, vector<16xi32>,
      %get3A_478 = vector.shape_cast %get3A_477 : vector<16xi32> to vector<16xi32>
      %add3A_479 = arith.addi %get3A_478, %broadcast_in_dim3A_60 : vector<16xi32>
      %swap3A_480 = arith.constant 160 : index
      %swap3A_481 = tpu.vector_load %arg13[%swap3A_480] {strides = array<i32>} : memref<320xi32, #tpu.memory_space<vmem>>, vector<16xi32>,
      %swap3A_482 = vector.shape_cast %swap3A_481 : vector<16xi32> to vector<16xi32>
      %swap3A_483 = vector.shape_cast %add3A_479 : vector<16xi32> to vector<16xi32>
      tpu.vector_store %arg13[%swap3A_480], %swap3A_483 {strides = array<i32>} : memref<320xi32, #tpu.memory_space<vmem>>, vector<16xi32>,
      %get3A_484 = arith.constant 176 : index
      %get3A_485 = tpu.vector_load %arg13[%get3A_484] {strides = array<i32>} : memref<320xi32, #tpu.memory_space<vmem>>, vector<16xi32>,
      %get3A_486 = vector.shape_cast %get3A_485 : vector<16xi32> to vector<16xi32>
      %add3A_487 = arith.addi %get3A_486, %broadcast_in_dim3A_60 : vector<16xi32>
      %swap3A_488 = arith.constant 176 : index
      %swap3A_489 = tpu.vector_load %arg13[%swap3A_488] {strides = array<i32>} : memref<320xi32, #tpu.memory_space<vmem>>, vector<16xi32>,
      %swap3A_490 = vector.shape_cast %swap3A_489 : vector<16xi32> to vector<16xi32>
      %swap3A_491 = vector.shape_cast %add3A_487 : vector<16xi32> to vector<16xi32>
      tpu.vector_store %arg13[%swap3A_488], %swap3A_491 {strides = array<i32>} : memref<320xi32, #tpu.memory_space<vmem>>, vector<16xi32>,
      %get3A_492 = arith.constant 192 : index
      %get3A_493 = tpu.vector_load %arg13[%get3A_492] {strides = array<i32>} : memref<320xi32, #tpu.memory_space<vmem>>, vector<16xi32>,
      %get3A_494 = vector.shape_cast %get3A_493 : vector<16xi32> to vector<16xi32>
      %add3A_495 = arith.addi %get3A_494, %broadcast_in_dim3A_60 : vector<16xi32>
      %swap3A_496 = arith.constant 192 : index
      %swap3A_497 = tpu.vector_load %arg13[%swap3A_496] {strides = array<i32>} : memref<320xi32, #tpu.memory_space<vmem>>, vector<16xi32>,
      %swap3A_498 = vector.shape_cast %swap3A_497 : vector<16xi32> to vector<16xi32>
      %swap3A_499 = vector.shape_cast %add3A_495 : vector<16xi32> to vector<16xi32>
      tpu.vector_store %arg13[%swap3A_496], %swap3A_499 {strides = array<i32>} : memref<320xi32, #tpu.memory_space<vmem>>, vector<16xi32>,
      %get3A_500 = arith.constant 208 : index
      %get3A_501 = tpu.vector_load %arg13[%get3A_500] {strides = array<i32>} : memref<320xi32, #tpu.memory_space<vmem>>, vector<16xi32>,
      %get3A_502 = vector.shape_cast %get3A_501 : vector<16xi32> to vector<16xi32>
      %add3A_503 = arith.addi %get3A_502, %broadcast_in_dim3A_60 : vector<16xi32>
      %swap3A_504 = arith.constant 208 : index
      %swap3A_505 = tpu.vector_load %arg13[%swap3A_504] {strides = array<i32>} : memref<320xi32, #tpu.memory_space<vmem>>, vector<16xi32>,
      %swap3A_506 = vector.shape_cast %swap3A_505 : vector<16xi32> to vector<16xi32>
      %swap3A_507 = vector.shape_cast %add3A_503 : vector<16xi32> to vector<16xi32>
      tpu.vector_store %arg13[%swap3A_504], %swap3A_507 {strides = array<i32>} : memref<320xi32, #tpu.memory_space<vmem>>, vector<16xi32>,
      %get3A_508 = arith.constant 224 : index
      %get3A_509 = tpu.vector_load %arg13[%get3A_508] {strides = array<i32>} : memref<320xi32, #tpu.memory_space<vmem>>, vector<16xi32>,
      %get3A_510 = vector.shape_cast %get3A_509 : vector<16xi32> to vector<16xi32>
      %add3A_511 = arith.addi %get3A_510, %broadcast_in_dim3A_60 : vector<16xi32>
      %swap3A_512 = arith.constant 224 : index
      %swap3A_513 = tpu.vector_load %arg13[%swap3A_512] {strides = array<i32>} : memref<320xi32, #tpu.memory_space<vmem>>, vector<16xi32>,
      %swap3A_514 = vector.shape_cast %swap3A_513 : vector<16xi32> to vector<16xi32>
      %swap3A_515 = vector.shape_cast %add3A_511 : vector<16xi32> to vector<16xi32>
      tpu.vector_store %arg13[%swap3A_512], %swap3A_515 {strides = array<i32>} : memref<320xi32, #tpu.memory_space<vmem>>, vector<16xi32>,
      %get3A_516 = arith.constant 240 : index
      %get3A_517 = tpu.vector_load %arg13[%get3A_516] {strides = array<i32>} : memref<320xi32, #tpu.memory_space<vmem>>, vector<16xi32>,
      %get3A_518 = vector.shape_cast %get3A_517 : vector<16xi32> to vector<16xi32>
      %add3A_519 = arith.addi %get3A_518, %broadcast_in_dim3A_60 : vector<16xi32>
      %swap3A_520 = arith.constant 240 : index
      %swap3A_521 = tpu.vector_load %arg13[%swap3A_520] {strides = array<i32>} : memref<320xi32, #tpu.memory_space<vmem>>, vector<16xi32>,
      %swap3A_522 = vector.shape_cast %swap3A_521 : vector<16xi32> to vector<16xi32>
      %swap3A_523 = vector.shape_cast %add3A_519 : vector<16xi32> to vector<16xi32>
      tpu.vector_store %arg13[%swap3A_520], %swap3A_523 {strides = array<i32>} : memref<320xi32, #tpu.memory_space<vmem>>, vector<16xi32>,
      %get3A_524 = arith.constant 256 : index
      %get3A_525 = tpu.vector_load %arg13[%get3A_524] {strides = array<i32>} : memref<320xi32, #tpu.memory_space<vmem>>, vector<16xi32>,
      %get3A_526 = vector.shape_cast %get3A_525 : vector<16xi32> to vector<16xi32>
      %add3A_527 = arith.addi %get3A_526, %broadcast_in_dim3A_60 : vector<16xi32>
      %swap3A_528 = arith.constant 256 : index
      %swap3A_529 = tpu.vector_load %arg13[%swap3A_528] {strides = array<i32>} : memref<320xi32, #tpu.memory_space<vmem>>, vector<16xi32>,
      %swap3A_530 = vector.shape_cast %swap3A_529 : vector<16xi32> to vector<16xi32>
      %swap3A_531 = vector.shape_cast %add3A_527 : vector<16xi32> to vector<16xi32>
      tpu.vector_store %arg13[%swap3A_528], %swap3A_531 {strides = array<i32>} : memref<320xi32, #tpu.memory_space<vmem>>, vector<16xi32>,
      %get3A_532 = arith.constant 272 : index
      %get3A_533 = tpu.vector_load %arg13[%get3A_532] {strides = array<i32>} : memref<320xi32, #tpu.memory_space<vmem>>, vector<16xi32>,
      %get3A_534 = vector.shape_cast %get3A_533 : vector<16xi32> to vector<16xi32>
      %add3A_535 = arith.addi %get3A_534, %broadcast_in_dim3A_60 : vector<16xi32>
      %swap3A_536 = arith.constant 272 : index
      %swap3A_537 = tpu.vector_load %arg13[%swap3A_536] {strides = array<i32>} : memref<320xi32, #tpu.memory_space<vmem>>, vector<16xi32>,
      %swap3A_538 = vector.shape_cast %swap3A_537 : vector<16xi32> to vector<16xi32>
      %swap3A_539 = vector.shape_cast %add3A_535 : vector<16xi32> to vector<16xi32>
      tpu.vector_store %arg13[%swap3A_536], %swap3A_539 {strides = array<i32>} : memref<320xi32, #tpu.memory_space<vmem>>, vector<16xi32>,
      %get3A_540 = arith.constant 288 : index
      %get3A_541 = tpu.vector_load %arg13[%get3A_540] {strides = array<i32>} : memref<320xi32, #tpu.memory_space<vmem>>, vector<16xi32>,
      %get3A_542 = vector.shape_cast %get3A_541 : vector<16xi32> to vector<16xi32>
      %add3A_543 = arith.addi %get3A_542, %broadcast_in_dim3A_60 : vector<16xi32>
      %swap3A_544 = arith.constant 288 : index
      %swap3A_545 = tpu.vector_load %arg13[%swap3A_544] {strides = array<i32>} : memref<320xi32, #tpu.memory_space<vmem>>, vector<16xi32>,
      %swap3A_546 = vector.shape_cast %swap3A_545 : vector<16xi32> to vector<16xi32>
      %swap3A_547 = vector.shape_cast %add3A_543 : vector<16xi32> to vector<16xi32>
      tpu.vector_store %arg13[%swap3A_544], %swap3A_547 {strides = array<i32>} : memref<320xi32, #tpu.memory_space<vmem>>, vector<16xi32>,
      %get3A_548 = arith.constant 304 : index
      %get3A_549 = tpu.vector_load %arg13[%get3A_548] {strides = array<i32>} : memref<320xi32, #tpu.memory_space<vmem>>, vector<16xi32>,
      %get3A_550 = vector.shape_cast %get3A_549 : vector<16xi32> to vector<16xi32>
      %add3A_551 = arith.addi %get3A_550, %broadcast_in_dim3A_60 : vector<16xi32>
      %swap3A_552 = arith.constant 304 : index
      %swap3A_553 = tpu.vector_load %arg13[%swap3A_552] {strides = array<i32>} : memref<320xi32, #tpu.memory_space<vmem>>, vector<16xi32>,
      %swap3A_554 = vector.shape_cast %swap3A_553 : vector<16xi32> to vector<16xi32>
      %swap3A_555 = vector.shape_cast %add3A_551 : vector<16xi32> to vector<16xi32>
      tpu.vector_store %arg13[%swap3A_552], %swap3A_555 {strides = array<i32>} : memref<320xi32, #tpu.memory_space<vmem>>, vector<16xi32>,
      %dma_start3A_556 = arith.constant 1 : i32
      %dma_start3A_557 = arith.constant 0 : i32
      %dma_start3A_558 = arith.constant 0 : i32
      %dma_start3A_559 = tpu.memref_slice %arg20[%dma_start3A_556, %dma_start3A_557, %dma_start3A_558] : memref<2x320x32xf32, #tpu.memory_space<vmem>> -> memref<1x320x32xf32, #tpu.memory_space<vmem>>
      %dma_start3A_560 = tpu.memref_squeeze %dma_start3A_559 : memref<1x320x32xf32, #tpu.memory_space<vmem>> -> memref<320x32xf32, #tpu.memory_space<vmem>>
      %dma_start3A_561 = arith.constant 0 : i32
      %dma_start3A_562 = arith.constant 0 : i32
      %dma_start3A_563 = tpu.memref_slice %arg3[%dma_start3A_561, %dma_start3A_562] : memref<100000x32xf32, #tpu.memory_space<hbm>> -> memref<100000x32xf32, #tpu.memory_space<hbm>>
      tpu.enqueue_indirect_dma source(%dma_start3A_563 : memref<100000x32xf32, #tpu.memory_space<hbm>>) target(%dma_start3A_560 : memref<320x32xf32, #tpu.memory_space<vmem>>) offsets(%arg13 : memref<320xi32, #tpu.memory_space<vmem>>) semaphore(%arg28 : memref<!tpu.dma_semaphore, #tpu.memory_space<semaphore_mem>>)
      %mul3A_564 = arith.constant 4 : i32
      %mul3A_565 = arith.muli %mul3A_564, %add3A_354 : i32
      %add3A_566 = arith.addi %mul3A_59, %mul3A_565 : i32
      %add3A_567 = arith.constant 0 : i32
      %add3A_568 = arith.addi %add3A_566, %add3A_567 : i32
      %add3A_569 = arith.constant 3 : i32
      %add3A_570 = arith.addi %add3A_568, %add3A_569 : i32
      %mul3A_571 = arith.constant 320 : i32
      %mul3A_572 = arith.muli %add3A_570, %mul3A_571 : i32
      %dma_start3A_573 = arith.constant 0 : i32
      %dma_start3A_574 = tpu.memref_slice %arg2[%dma_start3A_573, %mul3A_572] : memref<2x800000xi32, #tpu.memory_space<hbm>> -> memref<1x320xi32, #tpu.memory_space<hbm>>
      %dma_start3A_575 = tpu.memref_squeeze %dma_start3A_574 : memref<1x320xi32, #tpu.memory_space<hbm>> -> memref<320xi32, #tpu.memory_space<hbm>>
      %dma_start3A_576 = tpu.memref_slice %arg2[%dma_start3A_573, %mul3A_572] : memref<2x800000xi32, #tpu.memory_space<hbm>> -> memref<1x320xi32, #tpu.memory_space<hbm>>
      %dma_start3A_577 = tpu.memref_squeeze %dma_start3A_576 : memref<1x320xi32, #tpu.memory_space<hbm>> -> memref<320xi32, #tpu.memory_space<hbm>>
      tpu.enqueue_dma source(%dma_start3A_577 : memref<320xi32, #tpu.memory_space<hbm>>) target(%arg15 : memref<320xi32, #tpu.memory_space<vmem>>) target_semaphore(%arg30 : memref<!tpu.dma_semaphore, #tpu.memory_space<semaphore_mem>>)
      %mul3A_578 = arith.constant 320 : i32
      %mul3A_579 = arith.muli %add3A_570, %mul3A_578 : i32
      %dma_start3A_580 = arith.constant 1 : i32
      %dma_start3A_581 = tpu.memref_slice %arg2[%dma_start3A_580, %mul3A_579] : memref<2x800000xi32, #tpu.memory_space<hbm>> -> memref<1x320xi32, #tpu.memory_space<hbm>>
      %dma_start3A_582 = tpu.memref_squeeze %dma_start3A_581 : memref<1x320xi32, #tpu.memory_space<hbm>> -> memref<320xi32, #tpu.memory_space<hbm>>
      %dma_start3A_583 = tpu.memref_slice %arg2[%dma_start3A_580, %mul3A_579] : memref<2x800000xi32, #tpu.memory_space<hbm>> -> memref<1x320xi32, #tpu.memory_space<hbm>>
      %dma_start3A_584 = tpu.memref_squeeze %dma_start3A_583 : memref<1x320xi32, #tpu.memory_space<hbm>> -> memref<320xi32, #tpu.memory_space<hbm>>
      tpu.enqueue_dma source(%dma_start3A_584 : memref<320xi32, #tpu.memory_space<hbm>>) target(%arg19 : memref<320xi32, #tpu.memory_space<vmem>>) target_semaphore(%arg30 : memref<!tpu.dma_semaphore, #tpu.memory_space<semaphore_mem>>)
      %dma_wait3A_585 = arith.constant 1 : i32
      %dma_wait3A_586 = arith.constant 0 : i32
      %dma_wait3A_587 = arith.constant 0 : i32
      %dma_wait3A_588 = tpu.memref_slice %arg20[%dma_wait3A_585, %dma_wait3A_586, %dma_wait3A_587] : memref<2x320x32xf32, #tpu.memory_space<vmem>> -> memref<1x320x32xf32, #tpu.memory_space<vmem>>
      %dma_wait3A_589 = tpu.memref_squeeze %dma_wait3A_588 : memref<1x320x32xf32, #tpu.memory_space<vmem>> -> memref<320x32xf32, #tpu.memory_space<vmem>>
      %dma_wait3A_590 = arith.constant 0 : i32
      %dma_wait3A_591 = arith.constant 0 : i32
      %dma_wait3A_592 = tpu.memref_slice %arg3[%dma_wait3A_590, %dma_wait3A_591] : memref<100000x32xf32, #tpu.memory_space<hbm>> -> memref<100000x32xf32, #tpu.memory_space<hbm>>
      tpu.wait_indirect_dma semaphore(%arg28 : memref<!tpu.dma_semaphore, #tpu.memory_space<semaphore_mem>>) src(%dma_wait3A_592 : memref<100000x32xf32, #tpu.memory_space<hbm>>) dst(%dma_wait3A_589 : memref<320x32xf32, #tpu.memory_space<vmem>>)
      %dma_start3A_593 = arith.constant 1 : i32
      %dma_start3A_594 = arith.constant 0 : i32
      %dma_start3A_595 = arith.constant 0 : i32
      %dma_start3A_596 = tpu.memref_slice %arg20[%dma_start3A_593, %dma_start3A_594, %dma_start3A_595] : memref<2x320x32xf32, #tpu.memory_space<vmem>> -> memref<1x320x32xf32, #tpu.memory_space<vmem>>
      %dma_start3A_597 = tpu.memref_squeeze %dma_start3A_596 : memref<1x320x32xf32, #tpu.memory_space<vmem>> -> memref<320x32xf32, #tpu.memory_space<vmem>>
      %dma_start3A_598 = arith.constant 0 : i32
      %dma_start3A_599 = arith.constant 0 : i32
      %dma_start3A_600 = tpu.memref_slice %arg9[%dma_start3A_598, %dma_start3A_599] : memref<50000x32xf32, #tpu.memory_space<vmem_shared>> -> memref<50000x32xf32, #tpu.memory_space<vmem_shared>>
      tpu.enqueue_indirect_dma source(%dma_start3A_597 : memref<320x32xf32, #tpu.memory_space<vmem>>) target(%dma_start3A_600 : memref<50000x32xf32, #tpu.memory_space<vmem_shared>>) offsets(%arg17 : memref<320xi32, #tpu.memory_space<vmem>>) semaphore(%arg29 : memref<!tpu.dma_semaphore, #tpu.memory_space<semaphore_mem>>) {add = true}
      %dma_wait3A_601 = arith.constant 0 : i32
      %dma_wait3A_602 = arith.constant 0 : i32
      %dma_wait3A_603 = arith.constant 0 : i32
      %dma_wait3A_604 = tpu.memref_slice %arg20[%dma_wait3A_601, %dma_wait3A_602, %dma_wait3A_603] : memref<2x320x32xf32, #tpu.memory_space<vmem>> -> memref<1x320x32xf32, #tpu.memory_space<vmem>>
      %dma_wait3A_605 = tpu.memref_squeeze %dma_wait3A_604 : memref<1x320x32xf32, #tpu.memory_space<vmem>> -> memref<320x32xf32, #tpu.memory_space<vmem>>
      %dma_wait3A_606 = arith.constant 0 : i32
      %dma_wait3A_607 = arith.constant 0 : i32
      %dma_wait3A_608 = tpu.memref_slice %arg9[%dma_wait3A_606, %dma_wait3A_607] : memref<50000x32xf32, #tpu.memory_space<vmem_shared>> -> memref<50000x32xf32, #tpu.memory_space<vmem_shared>>
      tpu.wait_indirect_dma semaphore(%arg29 : memref<!tpu.dma_semaphore, #tpu.memory_space<semaphore_mem>>) src(%dma_wait3A_605 : memref<320x32xf32, #tpu.memory_space<vmem>>) dst(%dma_wait3A_608 : memref<50000x32xf32, #tpu.memory_space<vmem_shared>>)
      %mul3A_609 = arith.constant 4 : i32
      %mul3A_610 = arith.muli %mul3A_609, %add3A_354 : i32
      %add3A_611 = arith.addi %mul3A_59, %mul3A_610 : i32
      %add3A_612 = arith.constant 1 : i32
      %add3A_613 = arith.addi %add3A_611, %add3A_612 : i32
      %add3A_614 = arith.constant 1 : i32
      %add3A_615 = arith.addi %add3A_613, %add3A_614 : i32
      %mul3A_616 = arith.constant 320 : i32
      %mul3A_617 = arith.muli %add3A_615, %mul3A_616 : i32
      %dma_wait3A_618 = arith.constant 0 : i32
      %dma_wait3A_619 = tpu.memref_slice %arg2[%dma_wait3A_618, %mul3A_617] : memref<2x800000xi32, #tpu.memory_space<hbm>> -> memref<1x320xi32, #tpu.memory_space<hbm>>
      %dma_wait3A_620 = tpu.memref_squeeze %dma_wait3A_619 : memref<1x320xi32, #tpu.memory_space<hbm>> -> memref<320xi32, #tpu.memory_space<hbm>>
      %dma_wait3A_621 = tpu.memref_slice %arg2[%dma_wait3A_618, %mul3A_617] : memref<2x800000xi32, #tpu.memory_space<hbm>> -> memref<1x320xi32, #tpu.memory_space<hbm>>
      %dma_wait3A_622 = tpu.memref_squeeze %dma_wait3A_621 : memref<1x320xi32, #tpu.memory_space<hbm>> -> memref<320xi32, #tpu.memory_space<hbm>>
      tpu.wait_dma2 semaphore(%arg30 : memref<!tpu.dma_semaphore, #tpu.memory_space<semaphore_mem>>) src(%dma_wait3A_622 : memref<320xi32, #tpu.memory_space<hbm>>) dst(%arg14 : memref<320xi32, #tpu.memory_space<vmem>>)
      %mul3A_623 = arith.constant 320 : i32
      %mul3A_624 = arith.muli %add3A_615, %mul3A_623 : i32
      %dma_wait3A_625 = arith.constant 1 : i32
      %dma_wait3A_626 = tpu.memref_slice %arg2[%dma_wait3A_625, %mul3A_624] : memref<2x800000xi32, #tpu.memory_space<hbm>> -> memref<1x320xi32, #tpu.memory_space<hbm>>
      %dma_wait3A_627 = tpu.memref_squeeze %dma_wait3A_626 : memref<1x320xi32, #tpu.memory_space<hbm>> -> memref<320xi32, #tpu.memory_space<hbm>>
      %dma_wait3A_628 = tpu.memref_slice %arg2[%dma_wait3A_625, %mul3A_624] : memref<2x800000xi32, #tpu.memory_space<hbm>> -> memref<1x320xi32, #tpu.memory_space<hbm>>
      %dma_wait3A_629 = tpu.memref_squeeze %dma_wait3A_628 : memref<1x320xi32, #tpu.memory_space<hbm>> -> memref<320xi32, #tpu.memory_space<hbm>>
      tpu.wait_dma2 semaphore(%arg30 : memref<!tpu.dma_semaphore, #tpu.memory_space<semaphore_mem>>) src(%dma_wait3A_629 : memref<320xi32, #tpu.memory_space<hbm>>) dst(%arg18 : memref<320xi32, #tpu.memory_space<vmem>>)
      %get3A_630 = arith.constant 0 : index
      %get3A_631 = tpu.vector_load %arg14[%get3A_630] {strides = array<i32>} : memref<320xi32, #tpu.memory_space<vmem>>, vector<16xi32>,
      %get3A_632 = vector.shape_cast %get3A_631 : vector<16xi32> to vector<16xi32>
      %add3A_633 = arith.addi %get3A_632, %broadcast_in_dim3A_60 : vector<16xi32>
      %swap3A_634 = arith.constant 0 : index
      %swap3A_635 = tpu.vector_load %arg14[%swap3A_634] {strides = array<i32>} : memref<320xi32, #tpu.memory_space<vmem>>, vector<16xi32>,
      %swap3A_636 = vector.shape_cast %swap3A_635 : vector<16xi32> to vector<16xi32>
      %swap3A_637 = vector.shape_cast %add3A_633 : vector<16xi32> to vector<16xi32>
      tpu.vector_store %arg14[%swap3A_634], %swap3A_637 {strides = array<i32>} : memref<320xi32, #tpu.memory_space<vmem>>, vector<16xi32>,
      %get3A_638 = arith.constant 16 : index
      %get3A_639 = tpu.vector_load %arg14[%get3A_638] {strides = array<i32>} : memref<320xi32, #tpu.memory_space<vmem>>, vector<16xi32>,
      %get3A_640 = vector.shape_cast %get3A_639 : vector<16xi32> to vector<16xi32>
      %add3A_641 = arith.addi %get3A_640, %broadcast_in_dim3A_60 : vector<16xi32>
      %swap3A_642 = arith.constant 16 : index
      %swap3A_643 = tpu.vector_load %arg14[%swap3A_642] {strides = array<i32>} : memref<320xi32, #tpu.memory_space<vmem>>, vector<16xi32>,
      %swap3A_644 = vector.shape_cast %swap3A_643 : vector<16xi32> to vector<16xi32>
      %swap3A_645 = vector.shape_cast %add3A_641 : vector<16xi32> to vector<16xi32>
      tpu.vector_store %arg14[%swap3A_642], %swap3A_645 {strides = array<i32>} : memref<320xi32, #tpu.memory_space<vmem>>, vector<16xi32>,
      %get3A_646 = arith.constant 32 : index
      %get3A_647 = tpu.vector_load %arg14[%get3A_646] {strides = array<i32>} : memref<320xi32, #tpu.memory_space<vmem>>, vector<16xi32>,
      %get3A_648 = vector.shape_cast %get3A_647 : vector<16xi32> to vector<16xi32>
      %add3A_649 = arith.addi %get3A_648, %broadcast_in_dim3A_60 : vector<16xi32>
      %swap3A_650 = arith.constant 32 : index
      %swap3A_651 = tpu.vector_load %arg14[%swap3A_650] {strides = array<i32>} : memref<320xi32, #tpu.memory_space<vmem>>, vector<16xi32>,
      %swap3A_652 = vector.shape_cast %swap3A_651 : vector<16xi32> to vector<16xi32>
      %swap3A_653 = vector.shape_cast %add3A_649 : vector<16xi32> to vector<16xi32>
      tpu.vector_store %arg14[%swap3A_650], %swap3A_653 {strides = array<i32>} : memref<320xi32, #tpu.memory_space<vmem>>, vector<16xi32>,
      %get3A_654 = arith.constant 48 : index
      %get3A_655 = tpu.vector_load %arg14[%get3A_654] {strides = array<i32>} : memref<320xi32, #tpu.memory_space<vmem>>, vector<16xi32>,
      %get3A_656 = vector.shape_cast %get3A_655 : vector<16xi32> to vector<16xi32>
      %add3A_657 = arith.addi %get3A_656, %broadcast_in_dim3A_60 : vector<16xi32>
      %swap3A_658 = arith.constant 48 : index
      %swap3A_659 = tpu.vector_load %arg14[%swap3A_658] {strides = array<i32>} : memref<320xi32, #tpu.memory_space<vmem>>, vector<16xi32>,
      %swap3A_660 = vector.shape_cast %swap3A_659 : vector<16xi32> to vector<16xi32>
      %swap3A_661 = vector.shape_cast %add3A_657 : vector<16xi32> to vector<16xi32>
      tpu.vector_store %arg14[%swap3A_658], %swap3A_661 {strides = array<i32>} : memref<320xi32, #tpu.memory_space<vmem>>, vector<16xi32>,
      %get3A_662 = arith.constant 64 : index
      %get3A_663 = tpu.vector_load %arg14[%get3A_662] {strides = array<i32>} : memref<320xi32, #tpu.memory_space<vmem>>, vector<16xi32>,
      %get3A_664 = vector.shape_cast %get3A_663 : vector<16xi32> to vector<16xi32>
      %add3A_665 = arith.addi %get3A_664, %broadcast_in_dim3A_60 : vector<16xi32>
      %swap3A_666 = arith.constant 64 : index
      %swap3A_667 = tpu.vector_load %arg14[%swap3A_666] {strides = array<i32>} : memref<320xi32, #tpu.memory_space<vmem>>, vector<16xi32>,
      %swap3A_668 = vector.shape_cast %swap3A_667 : vector<16xi32> to vector<16xi32>
      %swap3A_669 = vector.shape_cast %add3A_665 : vector<16xi32> to vector<16xi32>
      tpu.vector_store %arg14[%swap3A_666], %swap3A_669 {strides = array<i32>} : memref<320xi32, #tpu.memory_space<vmem>>, vector<16xi32>,
      %get3A_670 = arith.constant 80 : index
      %get3A_671 = tpu.vector_load %arg14[%get3A_670] {strides = array<i32>} : memref<320xi32, #tpu.memory_space<vmem>>, vector<16xi32>,
      %get3A_672 = vector.shape_cast %get3A_671 : vector<16xi32> to vector<16xi32>
      %add3A_673 = arith.addi %get3A_672, %broadcast_in_dim3A_60 : vector<16xi32>
      %swap3A_674 = arith.constant 80 : index
      %swap3A_675 = tpu.vector_load %arg14[%swap3A_674] {strides = array<i32>} : memref<320xi32, #tpu.memory_space<vmem>>, vector<16xi32>,
      %swap3A_676 = vector.shape_cast %swap3A_675 : vector<16xi32> to vector<16xi32>
      %swap3A_677 = vector.shape_cast %add3A_673 : vector<16xi32> to vector<16xi32>
      tpu.vector_store %arg14[%swap3A_674], %swap3A_677 {strides = array<i32>} : memref<320xi32, #tpu.memory_space<vmem>>, vector<16xi32>,
      %get3A_678 = arith.constant 96 : index
      %get3A_679 = tpu.vector_load %arg14[%get3A_678] {strides = array<i32>} : memref<320xi32, #tpu.memory_space<vmem>>, vector<16xi32>,
      %get3A_680 = vector.shape_cast %get3A_679 : vector<16xi32> to vector<16xi32>
      %add3A_681 = arith.addi %get3A_680, %broadcast_in_dim3A_60 : vector<16xi32>
      %swap3A_682 = arith.constant 96 : index
      %swap3A_683 = tpu.vector_load %arg14[%swap3A_682] {strides = array<i32>} : memref<320xi32, #tpu.memory_space<vmem>>, vector<16xi32>,
      %swap3A_684 = vector.shape_cast %swap3A_683 : vector<16xi32> to vector<16xi32>
      %swap3A_685 = vector.shape_cast %add3A_681 : vector<16xi32> to vector<16xi32>
      tpu.vector_store %arg14[%swap3A_682], %swap3A_685 {strides = array<i32>} : memref<320xi32, #tpu.memory_space<vmem>>, vector<16xi32>,
      %get3A_686 = arith.constant 112 : index
      %get3A_687 = tpu.vector_load %arg14[%get3A_686] {strides = array<i32>} : memref<320xi32, #tpu.memory_space<vmem>>, vector<16xi32>,
      %get3A_688 = vector.shape_cast %get3A_687 : vector<16xi32> to vector<16xi32>
      %add3A_689 = arith.addi %get3A_688, %broadcast_in_dim3A_60 : vector<16xi32>
      %swap3A_690 = arith.constant 112 : index
      %swap3A_691 = tpu.vector_load %arg14[%swap3A_690] {strides = array<i32>} : memref<320xi32, #tpu.memory_space<vmem>>, vector<16xi32>,
      %swap3A_692 = vector.shape_cast %swap3A_691 : vector<16xi32> to vector<16xi32>
      %swap3A_693 = vector.shape_cast %add3A_689 : vector<16xi32> to vector<16xi32>
      tpu.vector_store %arg14[%swap3A_690], %swap3A_693 {strides = array<i32>} : memref<320xi32, #tpu.memory_space<vmem>>, vector<16xi32>,
      %get3A_694 = arith.constant 128 : index
      %get3A_695 = tpu.vector_load %arg14[%get3A_694] {strides = array<i32>} : memref<320xi32, #tpu.memory_space<vmem>>, vector<16xi32>,
      %get3A_696 = vector.shape_cast %get3A_695 : vector<16xi32> to vector<16xi32>
      %add3A_697 = arith.addi %get3A_696, %broadcast_in_dim3A_60 : vector<16xi32>
      %swap3A_698 = arith.constant 128 : index
      %swap3A_699 = tpu.vector_load %arg14[%swap3A_698] {strides = array<i32>} : memref<320xi32, #tpu.memory_space<vmem>>, vector<16xi32>,
      %swap3A_700 = vector.shape_cast %swap3A_699 : vector<16xi32> to vector<16xi32>
      %swap3A_701 = vector.shape_cast %add3A_697 : vector<16xi32> to vector<16xi32>
      tpu.vector_store %arg14[%swap3A_698], %swap3A_701 {strides = array<i32>} : memref<320xi32, #tpu.memory_space<vmem>>, vector<16xi32>,
      %get3A_702 = arith.constant 144 : index
      %get3A_703 = tpu.vector_load %arg14[%get3A_702] {strides = array<i32>} : memref<320xi32, #tpu.memory_space<vmem>>, vector<16xi32>,
      %get3A_704 = vector.shape_cast %get3A_703 : vector<16xi32> to vector<16xi32>
      %add3A_705 = arith.addi %get3A_704, %broadcast_in_dim3A_60 : vector<16xi32>
      %swap3A_706 = arith.constant 144 : index
      %swap3A_707 = tpu.vector_load %arg14[%swap3A_706] {strides = array<i32>} : memref<320xi32, #tpu.memory_space<vmem>>, vector<16xi32>,
      %swap3A_708 = vector.shape_cast %swap3A_707 : vector<16xi32> to vector<16xi32>
      %swap3A_709 = vector.shape_cast %add3A_705 : vector<16xi32> to vector<16xi32>
      tpu.vector_store %arg14[%swap3A_706], %swap3A_709 {strides = array<i32>} : memref<320xi32, #tpu.memory_space<vmem>>, vector<16xi32>,
      %get3A_710 = arith.constant 160 : index
      %get3A_711 = tpu.vector_load %arg14[%get3A_710] {strides = array<i32>} : memref<320xi32, #tpu.memory_space<vmem>>, vector<16xi32>,
      %get3A_712 = vector.shape_cast %get3A_711 : vector<16xi32> to vector<16xi32>
      %add3A_713 = arith.addi %get3A_712, %broadcast_in_dim3A_60 : vector<16xi32>
      %swap3A_714 = arith.constant 160 : index
      %swap3A_715 = tpu.vector_load %arg14[%swap3A_714] {strides = array<i32>} : memref<320xi32, #tpu.memory_space<vmem>>, vector<16xi32>,
      %swap3A_716 = vector.shape_cast %swap3A_715 : vector<16xi32> to vector<16xi32>
      %swap3A_717 = vector.shape_cast %add3A_713 : vector<16xi32> to vector<16xi32>
      tpu.vector_store %arg14[%swap3A_714], %swap3A_717 {strides = array<i32>} : memref<320xi32, #tpu.memory_space<vmem>>, vector<16xi32>,
      %get3A_718 = arith.constant 176 : index
      %get3A_719 = tpu.vector_load %arg14[%get3A_718] {strides = array<i32>} : memref<320xi32, #tpu.memory_space<vmem>>, vector<16xi32>,
      %get3A_720 = vector.shape_cast %get3A_719 : vector<16xi32> to vector<16xi32>
      %add3A_721 = arith.addi %get3A_720, %broadcast_in_dim3A_60 : vector<16xi32>
      %swap3A_722 = arith.constant 176 : index
      %swap3A_723 = tpu.vector_load %arg14[%swap3A_722] {strides = array<i32>} : memref<320xi32, #tpu.memory_space<vmem>>, vector<16xi32>,
      %swap3A_724 = vector.shape_cast %swap3A_723 : vector<16xi32> to vector<16xi32>
      %swap3A_725 = vector.shape_cast %add3A_721 : vector<16xi32> to vector<16xi32>
      tpu.vector_store %arg14[%swap3A_722], %swap3A_725 {strides = array<i32>} : memref<320xi32, #tpu.memory_space<vmem>>, vector<16xi32>,
      %get3A_726 = arith.constant 192 : index
      %get3A_727 = tpu.vector_load %arg14[%get3A_726] {strides = array<i32>} : memref<320xi32, #tpu.memory_space<vmem>>, vector<16xi32>,
      %get3A_728 = vector.shape_cast %get3A_727 : vector<16xi32> to vector<16xi32>
      %add3A_729 = arith.addi %get3A_728, %broadcast_in_dim3A_60 : vector<16xi32>
      %swap3A_730 = arith.constant 192 : index
      %swap3A_731 = tpu.vector_load %arg14[%swap3A_730] {strides = array<i32>} : memref<320xi32, #tpu.memory_space<vmem>>, vector<16xi32>,
      %swap3A_732 = vector.shape_cast %swap3A_731 : vector<16xi32> to vector<16xi32>
      %swap3A_733 = vector.shape_cast %add3A_729 : vector<16xi32> to vector<16xi32>
      tpu.vector_store %arg14[%swap3A_730], %swap3A_733 {strides = array<i32>} : memref<320xi32, #tpu.memory_space<vmem>>, vector<16xi32>,
      %get3A_734 = arith.constant 208 : index
      %get3A_735 = tpu.vector_load %arg14[%get3A_734] {strides = array<i32>} : memref<320xi32, #tpu.memory_space<vmem>>, vector<16xi32>,
      %get3A_736 = vector.shape_cast %get3A_735 : vector<16xi32> to vector<16xi32>
      %add3A_737 = arith.addi %get3A_736, %broadcast_in_dim3A_60 : vector<16xi32>
      %swap3A_738 = arith.constant 208 : index
      %swap3A_739 = tpu.vector_load %arg14[%swap3A_738] {strides = array<i32>} : memref<320xi32, #tpu.memory_space<vmem>>, vector<16xi32>,
      %swap3A_740 = vector.shape_cast %swap3A_739 : vector<16xi32> to vector<16xi32>
      %swap3A_741 = vector.shape_cast %add3A_737 : vector<16xi32> to vector<16xi32>
      tpu.vector_store %arg14[%swap3A_738], %swap3A_741 {strides = array<i32>} : memref<320xi32, #tpu.memory_space<vmem>>, vector<16xi32>,
      %get3A_742 = arith.constant 224 : index
      %get3A_743 = tpu.vector_load %arg14[%get3A_742] {strides = array<i32>} : memref<320xi32, #tpu.memory_space<vmem>>, vector<16xi32>,
      %get3A_744 = vector.shape_cast %get3A_743 : vector<16xi32> to vector<16xi32>
      %add3A_745 = arith.addi %get3A_744, %broadcast_in_dim3A_60 : vector<16xi32>
      %swap3A_746 = arith.constant 224 : index
      %swap3A_747 = tpu.vector_load %arg14[%swap3A_746] {strides = array<i32>} : memref<320xi32, #tpu.memory_space<vmem>>, vector<16xi32>,
      %swap3A_748 = vector.shape_cast %swap3A_747 : vector<16xi32> to vector<16xi32>
      %swap3A_749 = vector.shape_cast %add3A_745 : vector<16xi32> to vector<16xi32>
      tpu.vector_store %arg14[%swap3A_746], %swap3A_749 {strides = array<i32>} : memref<320xi32, #tpu.memory_space<vmem>>, vector<16xi32>,
      %get3A_750 = arith.constant 240 : index
      %get3A_751 = tpu.vector_load %arg14[%get3A_750] {strides = array<i32>} : memref<320xi32, #tpu.memory_space<vmem>>, vector<16xi32>,
      %get3A_752 = vector.shape_cast %get3A_751 : vector<16xi32> to vector<16xi32>
      %add3A_753 = arith.addi %get3A_752, %broadcast_in_dim3A_60 : vector<16xi32>
      %swap3A_754 = arith.constant 240 : index
      %swap3A_755 = tpu.vector_load %arg14[%swap3A_754] {strides = array<i32>} : memref<320xi32, #tpu.memory_space<vmem>>, vector<16xi32>,
      %swap3A_756 = vector.shape_cast %swap3A_755 : vector<16xi32> to vector<16xi32>
      %swap3A_757 = vector.shape_cast %add3A_753 : vector<16xi32> to vector<16xi32>
      tpu.vector_store %arg14[%swap3A_754], %swap3A_757 {strides = array<i32>} : memref<320xi32, #tpu.memory_space<vmem>>, vector<16xi32>,
      %get3A_758 = arith.constant 256 : index
      %get3A_759 = tpu.vector_load %arg14[%get3A_758] {strides = array<i32>} : memref<320xi32, #tpu.memory_space<vmem>>, vector<16xi32>,
      %get3A_760 = vector.shape_cast %get3A_759 : vector<16xi32> to vector<16xi32>
      %add3A_761 = arith.addi %get3A_760, %broadcast_in_dim3A_60 : vector<16xi32>
      %swap3A_762 = arith.constant 256 : index
      %swap3A_763 = tpu.vector_load %arg14[%swap3A_762] {strides = array<i32>} : memref<320xi32, #tpu.memory_space<vmem>>, vector<16xi32>,
      %swap3A_764 = vector.shape_cast %swap3A_763 : vector<16xi32> to vector<16xi32>
      %swap3A_765 = vector.shape_cast %add3A_761 : vector<16xi32> to vector<16xi32>
      tpu.vector_store %arg14[%swap3A_762], %swap3A_765 {strides = array<i32>} : memref<320xi32, #tpu.memory_space<vmem>>, vector<16xi32>,
      %get3A_766 = arith.constant 272 : index
      %get3A_767 = tpu.vector_load %arg14[%get3A_766] {strides = array<i32>} : memref<320xi32, #tpu.memory_space<vmem>>, vector<16xi32>,
      %get3A_768 = vector.shape_cast %get3A_767 : vector<16xi32> to vector<16xi32>
      %add3A_769 = arith.addi %get3A_768, %broadcast_in_dim3A_60 : vector<16xi32>
      %swap3A_770 = arith.constant 272 : index
      %swap3A_771 = tpu.vector_load %arg14[%swap3A_770] {strides = array<i32>} : memref<320xi32, #tpu.memory_space<vmem>>, vector<16xi32>,
      %swap3A_772 = vector.shape_cast %swap3A_771 : vector<16xi32> to vector<16xi32>
      %swap3A_773 = vector.shape_cast %add3A_769 : vector<16xi32> to vector<16xi32>
      tpu.vector_store %arg14[%swap3A_770], %swap3A_773 {strides = array<i32>} : memref<320xi32, #tpu.memory_space<vmem>>, vector<16xi32>,
      %get3A_774 = arith.constant 288 : index
      %get3A_775 = tpu.vector_load %arg14[%get3A_774] {strides = array<i32>} : memref<320xi32, #tpu.memory_space<vmem>>, vector<16xi32>,
      %get3A_776 = vector.shape_cast %get3A_775 : vector<16xi32> to vector<16xi32>
      %add3A_777 = arith.addi %get3A_776, %broadcast_in_dim3A_60 : vector<16xi32>
      %swap3A_778 = arith.constant 288 : index
      %swap3A_779 = tpu.vector_load %arg14[%swap3A_778] {strides = array<i32>} : memref<320xi32, #tpu.memory_space<vmem>>, vector<16xi32>,
      %swap3A_780 = vector.shape_cast %swap3A_779 : vector<16xi32> to vector<16xi32>
      %swap3A_781 = vector.shape_cast %add3A_777 : vector<16xi32> to vector<16xi32>
      tpu.vector_store %arg14[%swap3A_778], %swap3A_781 {strides = array<i32>} : memref<320xi32, #tpu.memory_space<vmem>>, vector<16xi32>,
      %get3A_782 = arith.constant 304 : index
      %get3A_783 = tpu.vector_load %arg14[%get3A_782] {strides = array<i32>} : memref<320xi32, #tpu.memory_space<vmem>>, vector<16xi32>,
      %get3A_784 = vector.shape_cast %get3A_783 : vector<16xi32> to vector<16xi32>
      %add3A_785 = arith.addi %get3A_784, %broadcast_in_dim3A_60 : vector<16xi32>
      %swap3A_786 = arith.constant 304 : index
      %swap3A_787 = tpu.vector_load %arg14[%swap3A_786] {strides = array<i32>} : memref<320xi32, #tpu.memory_space<vmem>>, vector<16xi32>,
      %swap3A_788 = vector.shape_cast %swap3A_787 : vector<16xi32> to vector<16xi32>
      %swap3A_789 = vector.shape_cast %add3A_785 : vector<16xi32> to vector<16xi32>
      tpu.vector_store %arg14[%swap3A_786], %swap3A_789 {strides = array<i32>} : memref<320xi32, #tpu.memory_space<vmem>>, vector<16xi32>,
      %dma_start3A_790 = arith.constant 0 : i32
      %dma_start3A_791 = arith.constant 0 : i32
      %dma_start3A_792 = arith.constant 0 : i32
      %dma_start3A_793 = tpu.memref_slice %arg20[%dma_start3A_790, %dma_start3A_791, %dma_start3A_792] : memref<2x320x32xf32, #tpu.memory_space<vmem>> -> memref<1x320x32xf32, #tpu.memory_space<vmem>>
      %dma_start3A_794 = tpu.memref_squeeze %dma_start3A_793 : memref<1x320x32xf32, #tpu.memory_space<vmem>> -> memref<320x32xf32, #tpu.memory_space<vmem>>
      %dma_start3A_795 = arith.constant 0 : i32
      %dma_start3A_796 = arith.constant 0 : i32
      %dma_start3A_797 = tpu.memref_slice %arg3[%dma_start3A_795, %dma_start3A_796] : memref<100000x32xf32, #tpu.memory_space<hbm>> -> memref<100000x32xf32, #tpu.memory_space<hbm>>
      tpu.enqueue_indirect_dma source(%dma_start3A_797 : memref<100000x32xf32, #tpu.memory_space<hbm>>) target(%dma_start3A_794 : memref<320x32xf32, #tpu.memory_space<vmem>>) offsets(%arg14 : memref<320xi32, #tpu.memory_space<vmem>>) semaphore(%arg28 : memref<!tpu.dma_semaphore, #tpu.memory_space<semaphore_mem>>)
      %sub3A_798 = arith.constant 1 : i32
      %sub3A_799 = arith.subi %add3A_57, %sub3A_798 : i32
      %lt3A_800 = arith.cmpi slt, %add3A_354, %sub3A_799 : i32
      %convert_element_type3A_801 = arith.extui %lt3A_800 : i1 to i32
      %cond3A_802 = arith.constant 0 : i32
      %cond3A_803 = arith.cmpi ne, %convert_element_type3A_801, %cond3A_802 : i32
      scf.if %cond3A_803 {
        %mul3A_1059 = arith.constant 4 : i32
        %mul3A_1060 = arith.muli %mul3A_1059, %add3A_354 : i32
        %add3A_1061 = arith.addi %mul3A_59, %mul3A_1060 : i32
        %add3A_1062 = arith.constant 1 : i32
        %add3A_1063 = arith.addi %add3A_1061, %add3A_1062 : i32
        %add3A_1064 = arith.constant 3 : i32
        %add3A_1065 = arith.addi %add3A_1063, %add3A_1064 : i32
        %mul3A_1066 = arith.constant 320 : i32
        %mul3A_1067 = arith.muli %add3A_1065, %mul3A_1066 : i32
        %dma_start3A_1068 = arith.constant 0 : i32
        %dma_start3A_1069 = tpu.memref_slice %arg2[%dma_start3A_1068, %mul3A_1067] : memref<2x800000xi32, #tpu.memory_space<hbm>> -> memref<1x320xi32, #tpu.memory_space<hbm>>
        %dma_start3A_1070 = tpu.memref_squeeze %dma_start3A_1069 : memref<1x320xi32, #tpu.memory_space<hbm>> -> memref<320xi32, #tpu.memory_space<hbm>>
        %dma_start3A_1071 = tpu.memref_slice %arg2[%dma_start3A_1068, %mul3A_1067] : memref<2x800000xi32, #tpu.memory_space<hbm>> -> memref<1x320xi32, #tpu.memory_space<hbm>>
        %dma_start3A_1072 = tpu.memref_squeeze %dma_start3A_1071 : memref<1x320xi32, #tpu.memory_space<hbm>> -> memref<320xi32, #tpu.memory_space<hbm>>
        tpu.enqueue_dma source(%dma_start3A_1072 : memref<320xi32, #tpu.memory_space<hbm>>) target(%arg12 : memref<320xi32, #tpu.memory_space<vmem>>) target_semaphore(%arg30 : memref<!tpu.dma_semaphore, #tpu.memory_space<semaphore_mem>>)
        %mul3A_1073 = arith.constant 320 : i32
        %mul3A_1074 = arith.muli %add3A_1065, %mul3A_1073 : i32
        %dma_start3A_1075 = arith.constant 1 : i32
        %dma_start3A_1076 = tpu.memref_slice %arg2[%dma_start3A_1075, %mul3A_1074] : memref<2x800000xi32, #tpu.memory_space<hbm>> -> memref<1x320xi32, #tpu.memory_space<hbm>>
        %dma_start3A_1077 = tpu.memref_squeeze %dma_start3A_1076 : memref<1x320xi32, #tpu.memory_space<hbm>> -> memref<320xi32, #tpu.memory_space<hbm>>
        %dma_start3A_1078 = tpu.memref_slice %arg2[%dma_start3A_1075, %mul3A_1074] : memref<2x800000xi32, #tpu.memory_space<hbm>> -> memref<1x320xi32, #tpu.memory_space<hbm>>
        %dma_start3A_1079 = tpu.memref_squeeze %dma_start3A_1078 : memref<1x320xi32, #tpu.memory_space<hbm>> -> memref<320xi32, #tpu.memory_space<hbm>>
        tpu.enqueue_dma source(%dma_start3A_1079 : memref<320xi32, #tpu.memory_space<hbm>>) target(%arg16 : memref<320xi32, #tpu.memory_space<vmem>>) target_semaphore(%arg30 : memref<!tpu.dma_semaphore, #tpu.memory_space<semaphore_mem>>)
      } else {
      }
      %dma_wait3A_804 = arith.constant 0 : i32
      %dma_wait3A_805 = arith.constant 0 : i32
      %dma_wait3A_806 = arith.constant 0 : i32
      %dma_wait3A_807 = tpu.memref_slice %arg20[%dma_wait3A_804, %dma_wait3A_805, %dma_wait3A_806] : memref<2x320x32xf32, #tpu.memory_space<vmem>> -> memref<1x320x32xf32, #tpu.memory_space<vmem>>
      %dma_wait3A_808 = tpu.memref_squeeze %dma_wait3A_807 : memref<1x320x32xf32, #tpu.memory_space<vmem>> -> memref<320x32xf32, #tpu.memory_space<vmem>>
      %dma_wait3A_809 = arith.constant 0 : i32
      %dma_wait3A_810 = arith.constant 0 : i32
      %dma_wait3A_811 = tpu.memref_slice %arg3[%dma_wait3A_809, %dma_wait3A_810] : memref<100000x32xf32, #tpu.memory_space<hbm>> -> memref<100000x32xf32, #tpu.memory_space<hbm>>
      tpu.wait_indirect_dma semaphore(%arg28 : memref<!tpu.dma_semaphore, #tpu.memory_space<semaphore_mem>>) src(%dma_wait3A_811 : memref<100000x32xf32, #tpu.memory_space<hbm>>) dst(%dma_wait3A_808 : memref<320x32xf32, #tpu.memory_space<vmem>>)
      %dma_start3A_812 = arith.constant 0 : i32
      %dma_start3A_813 = arith.constant 0 : i32
      %dma_start3A_814 = arith.constant 0 : i32
      %dma_start3A_815 = tpu.memref_slice %arg20[%dma_start3A_812, %dma_start3A_813, %dma_start3A_814] : memref<2x320x32xf32, #tpu.memory_space<vmem>> -> memref<1x320x32xf32, #tpu.memory_space<vmem>>
      %dma_start3A_816 = tpu.memref_squeeze %dma_start3A_815 : memref<1x320x32xf32, #tpu.memory_space<vmem>> -> memref<320x32xf32, #tpu.memory_space<vmem>>
      %dma_start3A_817 = arith.constant 0 : i32
      %dma_start3A_818 = arith.constant 0 : i32
      %dma_start3A_819 = tpu.memref_slice %arg9[%dma_start3A_817, %dma_start3A_818] : memref<50000x32xf32, #tpu.memory_space<vmem_shared>> -> memref<50000x32xf32, #tpu.memory_space<vmem_shared>>
      tpu.enqueue_indirect_dma source(%dma_start3A_816 : memref<320x32xf32, #tpu.memory_space<vmem>>) target(%dma_start3A_819 : memref<50000x32xf32, #tpu.memory_space<vmem_shared>>) offsets(%arg18 : memref<320xi32, #tpu.memory_space<vmem>>) semaphore(%arg29 : memref<!tpu.dma_semaphore, #tpu.memory_space<semaphore_mem>>) {add = true}
      %dma_wait3A_820 = arith.constant 1 : i32
      %dma_wait3A_821 = arith.constant 0 : i32
      %dma_wait3A_822 = arith.constant 0 : i32
      %dma_wait3A_823 = tpu.memref_slice %arg20[%dma_wait3A_820, %dma_wait3A_821, %dma_wait3A_822] : memref<2x320x32xf32, #tpu.memory_space<vmem>> -> memref<1x320x32xf32, #tpu.memory_space<vmem>>
      %dma_wait3A_824 = tpu.memref_squeeze %dma_wait3A_823 : memref<1x320x32xf32, #tpu.memory_space<vmem>> -> memref<320x32xf32, #tpu.memory_space<vmem>>
      %dma_wait3A_825 = arith.constant 0 : i32
      %dma_wait3A_826 = arith.constant 0 : i32
      %dma_wait3A_827 = tpu.memref_slice %arg9[%dma_wait3A_825, %dma_wait3A_826] : memref<50000x32xf32, #tpu.memory_space<vmem_shared>> -> memref<50000x32xf32, #tpu.memory_space<vmem_shared>>
      tpu.wait_indirect_dma semaphore(%arg29 : memref<!tpu.dma_semaphore, #tpu.memory_space<semaphore_mem>>) src(%dma_wait3A_824 : memref<320x32xf32, #tpu.memory_space<vmem>>) dst(%dma_wait3A_827 : memref<50000x32xf32, #tpu.memory_space<vmem_shared>>)
      %mul3A_828 = arith.constant 4 : i32
      %mul3A_829 = arith.muli %mul3A_828, %add3A_354 : i32
      %add3A_830 = arith.addi %mul3A_59, %mul3A_829 : i32
      %add3A_831 = arith.constant 2 : i32
      %add3A_832 = arith.addi %add3A_830, %add3A_831 : i32
      %add3A_833 = arith.constant 1 : i32
      %add3A_834 = arith.addi %add3A_832, %add3A_833 : i32
      %mul3A_835 = arith.constant 320 : i32
      %mul3A_836 = arith.muli %add3A_834, %mul3A_835 : i32
      %dma_wait3A_837 = arith.constant 0 : i32
      %dma_wait3A_838 = tpu.memref_slice %arg2[%dma_wait3A_837, %mul3A_836] : memref<2x800000xi32, #tpu.memory_space<hbm>> -> memref<1x320xi32, #tpu.memory_space<hbm>>
      %dma_wait3A_839 = tpu.memref_squeeze %dma_wait3A_838 : memref<1x320xi32, #tpu.memory_space<hbm>> -> memref<320xi32, #tpu.memory_space<hbm>>
      %dma_wait3A_840 = tpu.memref_slice %arg2[%dma_wait3A_837, %mul3A_836] : memref<2x800000xi32, #tpu.memory_space<hbm>> -> memref<1x320xi32, #tpu.memory_space<hbm>>
      %dma_wait3A_841 = tpu.memref_squeeze %dma_wait3A_840 : memref<1x320xi32, #tpu.memory_space<hbm>> -> memref<320xi32, #tpu.memory_space<hbm>>
      tpu.wait_dma2 semaphore(%arg30 : memref<!tpu.dma_semaphore, #tpu.memory_space<semaphore_mem>>) src(%dma_wait3A_841 : memref<320xi32, #tpu.memory_space<hbm>>) dst(%arg15 : memref<320xi32, #tpu.memory_space<vmem>>)
      %mul3A_842 = arith.constant 320 : i32
      %mul3A_843 = arith.muli %add3A_834, %mul3A_842 : i32
      %dma_wait3A_844 = arith.constant 1 : i32
      %dma_wait3A_845 = tpu.memref_slice %arg2[%dma_wait3A_844, %mul3A_843] : memref<2x800000xi32, #tpu.memory_space<hbm>> -> memref<1x320xi32, #tpu.memory_space<hbm>>
      %dma_wait3A_846 = tpu.memref_squeeze %dma_wait3A_845 : memref<1x320xi32, #tpu.memory_space<hbm>> -> memref<320xi32, #tpu.memory_space<hbm>>
      %dma_wait3A_847 = tpu.memref_slice %arg2[%dma_wait3A_844, %mul3A_843] : memref<2x800000xi32, #tpu.memory_space<hbm>> -> memref<1x320xi32, #tpu.memory_space<hbm>>
      %dma_wait3A_848 = tpu.memref_squeeze %dma_wait3A_847 : memref<1x320xi32, #tpu.memory_space<hbm>> -> memref<320xi32, #tpu.memory_space<hbm>>
      tpu.wait_dma2 semaphore(%arg30 : memref<!tpu.dma_semaphore, #tpu.memory_space<semaphore_mem>>) src(%dma_wait3A_848 : memref<320xi32, #tpu.memory_space<hbm>>) dst(%arg19 : memref<320xi32, #tpu.memory_space<vmem>>)
      %get3A_849 = arith.constant 0 : index
      %get3A_850 = tpu.vector_load %arg15[%get3A_849] {strides = array<i32>} : memref<320xi32, #tpu.memory_space<vmem>>, vector<16xi32>,
      %get3A_851 = vector.shape_cast %get3A_850 : vector<16xi32> to vector<16xi32>
      %add3A_852 = arith.addi %get3A_851, %broadcast_in_dim3A_60 : vector<16xi32>
      %swap3A_853 = arith.constant 0 : index
      %swap3A_854 = tpu.vector_load %arg15[%swap3A_853] {strides = array<i32>} : memref<320xi32, #tpu.memory_space<vmem>>, vector<16xi32>,
      %swap3A_855 = vector.shape_cast %swap3A_854 : vector<16xi32> to vector<16xi32>
      %swap3A_856 = vector.shape_cast %add3A_852 : vector<16xi32> to vector<16xi32>
      tpu.vector_store %arg15[%swap3A_853], %swap3A_856 {strides = array<i32>} : memref<320xi32, #tpu.memory_space<vmem>>, vector<16xi32>,
      %get3A_857 = arith.constant 16 : index
      %get3A_858 = tpu.vector_load %arg15[%get3A_857] {strides = array<i32>} : memref<320xi32, #tpu.memory_space<vmem>>, vector<16xi32>,
      %get3A_859 = vector.shape_cast %get3A_858 : vector<16xi32> to vector<16xi32>
      %add3A_860 = arith.addi %get3A_859, %broadcast_in_dim3A_60 : vector<16xi32>
      %swap3A_861 = arith.constant 16 : index
      %swap3A_862 = tpu.vector_load %arg15[%swap3A_861] {strides = array<i32>} : memref<320xi32, #tpu.memory_space<vmem>>, vector<16xi32>,
      %swap3A_863 = vector.shape_cast %swap3A_862 : vector<16xi32> to vector<16xi32>
      %swap3A_864 = vector.shape_cast %add3A_860 : vector<16xi32> to vector<16xi32>
      tpu.vector_store %arg15[%swap3A_861], %swap3A_864 {strides = array<i32>} : memref<320xi32, #tpu.memory_space<vmem>>, vector<16xi32>,
      %get3A_865 = arith.constant 32 : index
      %get3A_866 = tpu.vector_load %arg15[%get3A_865] {strides = array<i32>} : memref<320xi32, #tpu.memory_space<vmem>>, vector<16xi32>,
      %get3A_867 = vector.shape_cast %get3A_866 : vector<16xi32> to vector<16xi32>
      %add3A_868 = arith.addi %get3A_867, %broadcast_in_dim3A_60 : vector<16xi32>
      %swap3A_869 = arith.constant 32 : index
      %swap3A_870 = tpu.vector_load %arg15[%swap3A_869] {strides = array<i32>} : memref<320xi32, #tpu.memory_space<vmem>>, vector<16xi32>,
      %swap3A_871 = vector.shape_cast %swap3A_870 : vector<16xi32> to vector<16xi32>
      %swap3A_872 = vector.shape_cast %add3A_868 : vector<16xi32> to vector<16xi32>
      tpu.vector_store %arg15[%swap3A_869], %swap3A_872 {strides = array<i32>} : memref<320xi32, #tpu.memory_space<vmem>>, vector<16xi32>,
      %get3A_873 = arith.constant 48 : index
      %get3A_874 = tpu.vector_load %arg15[%get3A_873] {strides = array<i32>} : memref<320xi32, #tpu.memory_space<vmem>>, vector<16xi32>,
      %get3A_875 = vector.shape_cast %get3A_874 : vector<16xi32> to vector<16xi32>
      %add3A_876 = arith.addi %get3A_875, %broadcast_in_dim3A_60 : vector<16xi32>
      %swap3A_877 = arith.constant 48 : index
      %swap3A_878 = tpu.vector_load %arg15[%swap3A_877] {strides = array<i32>} : memref<320xi32, #tpu.memory_space<vmem>>, vector<16xi32>,
      %swap3A_879 = vector.shape_cast %swap3A_878 : vector<16xi32> to vector<16xi32>
      %swap3A_880 = vector.shape_cast %add3A_876 : vector<16xi32> to vector<16xi32>
      tpu.vector_store %arg15[%swap3A_877], %swap3A_880 {strides = array<i32>} : memref<320xi32, #tpu.memory_space<vmem>>, vector<16xi32>,
      %get3A_881 = arith.constant 64 : index
      %get3A_882 = tpu.vector_load %arg15[%get3A_881] {strides = array<i32>} : memref<320xi32, #tpu.memory_space<vmem>>, vector<16xi32>,
      %get3A_883 = vector.shape_cast %get3A_882 : vector<16xi32> to vector<16xi32>
      %add3A_884 = arith.addi %get3A_883, %broadcast_in_dim3A_60 : vector<16xi32>
      %swap3A_885 = arith.constant 64 : index
      %swap3A_886 = tpu.vector_load %arg15[%swap3A_885] {strides = array<i32>} : memref<320xi32, #tpu.memory_space<vmem>>, vector<16xi32>,
      %swap3A_887 = vector.shape_cast %swap3A_886 : vector<16xi32> to vector<16xi32>
      %swap3A_888 = vector.shape_cast %add3A_884 : vector<16xi32> to vector<16xi32>
      tpu.vector_store %arg15[%swap3A_885], %swap3A_888 {strides = array<i32>} : memref<320xi32, #tpu.memory_space<vmem>>, vector<16xi32>,
      %get3A_889 = arith.constant 80 : index
      %get3A_890 = tpu.vector_load %arg15[%get3A_889] {strides = array<i32>} : memref<320xi32, #tpu.memory_space<vmem>>, vector<16xi32>,
      %get3A_891 = vector.shape_cast %get3A_890 : vector<16xi32> to vector<16xi32>
      %add3A_892 = arith.addi %get3A_891, %broadcast_in_dim3A_60 : vector<16xi32>
      %swap3A_893 = arith.constant 80 : index
      %swap3A_894 = tpu.vector_load %arg15[%swap3A_893] {strides = array<i32>} : memref<320xi32, #tpu.memory_space<vmem>>, vector<16xi32>,
      %swap3A_895 = vector.shape_cast %swap3A_894 : vector<16xi32> to vector<16xi32>
      %swap3A_896 = vector.shape_cast %add3A_892 : vector<16xi32> to vector<16xi32>
      tpu.vector_store %arg15[%swap3A_893], %swap3A_896 {strides = array<i32>} : memref<320xi32, #tpu.memory_space<vmem>>, vector<16xi32>,
      %get3A_897 = arith.constant 96 : index
      %get3A_898 = tpu.vector_load %arg15[%get3A_897] {strides = array<i32>} : memref<320xi32, #tpu.memory_space<vmem>>, vector<16xi32>,
      %get3A_899 = vector.shape_cast %get3A_898 : vector<16xi32> to vector<16xi32>
      %add3A_900 = arith.addi %get3A_899, %broadcast_in_dim3A_60 : vector<16xi32>
      %swap3A_901 = arith.constant 96 : index
      %swap3A_902 = tpu.vector_load %arg15[%swap3A_901] {strides = array<i32>} : memref<320xi32, #tpu.memory_space<vmem>>, vector<16xi32>,
      %swap3A_903 = vector.shape_cast %swap3A_902 : vector<16xi32> to vector<16xi32>
      %swap3A_904 = vector.shape_cast %add3A_900 : vector<16xi32> to vector<16xi32>
      tpu.vector_store %arg15[%swap3A_901], %swap3A_904 {strides = array<i32>} : memref<320xi32, #tpu.memory_space<vmem>>, vector<16xi32>,
      %get3A_905 = arith.constant 112 : index
      %get3A_906 = tpu.vector_load %arg15[%get3A_905] {strides = array<i32>} : memref<320xi32, #tpu.memory_space<vmem>>, vector<16xi32>,
      %get3A_907 = vector.shape_cast %get3A_906 : vector<16xi32> to vector<16xi32>
      %add3A_908 = arith.addi %get3A_907, %broadcast_in_dim3A_60 : vector<16xi32>
      %swap3A_909 = arith.constant 112 : index
      %swap3A_910 = tpu.vector_load %arg15[%swap3A_909] {strides = array<i32>} : memref<320xi32, #tpu.memory_space<vmem>>, vector<16xi32>,
      %swap3A_911 = vector.shape_cast %swap3A_910 : vector<16xi32> to vector<16xi32>
      %swap3A_912 = vector.shape_cast %add3A_908 : vector<16xi32> to vector<16xi32>
      tpu.vector_store %arg15[%swap3A_909], %swap3A_912 {strides = array<i32>} : memref<320xi32, #tpu.memory_space<vmem>>, vector<16xi32>,
      %get3A_913 = arith.constant 128 : index
      %get3A_914 = tpu.vector_load %arg15[%get3A_913] {strides = array<i32>} : memref<320xi32, #tpu.memory_space<vmem>>, vector<16xi32>,
      %get3A_915 = vector.shape_cast %get3A_914 : vector<16xi32> to vector<16xi32>
      %add3A_916 = arith.addi %get3A_915, %broadcast_in_dim3A_60 : vector<16xi32>
      %swap3A_917 = arith.constant 128 : index
      %swap3A_918 = tpu.vector_load %arg15[%swap3A_917] {strides = array<i32>} : memref<320xi32, #tpu.memory_space<vmem>>, vector<16xi32>,
      %swap3A_919 = vector.shape_cast %swap3A_918 : vector<16xi32> to vector<16xi32>
      %swap3A_920 = vector.shape_cast %add3A_916 : vector<16xi32> to vector<16xi32>
      tpu.vector_store %arg15[%swap3A_917], %swap3A_920 {strides = array<i32>} : memref<320xi32, #tpu.memory_space<vmem>>, vector<16xi32>,
      %get3A_921 = arith.constant 144 : index
      %get3A_922 = tpu.vector_load %arg15[%get3A_921] {strides = array<i32>} : memref<320xi32, #tpu.memory_space<vmem>>, vector<16xi32>,
      %get3A_923 = vector.shape_cast %get3A_922 : vector<16xi32> to vector<16xi32>
      %add3A_924 = arith.addi %get3A_923, %broadcast_in_dim3A_60 : vector<16xi32>
      %swap3A_925 = arith.constant 144 : index
      %swap3A_926 = tpu.vector_load %arg15[%swap3A_925] {strides = array<i32>} : memref<320xi32, #tpu.memory_space<vmem>>, vector<16xi32>,
      %swap3A_927 = vector.shape_cast %swap3A_926 : vector<16xi32> to vector<16xi32>
      %swap3A_928 = vector.shape_cast %add3A_924 : vector<16xi32> to vector<16xi32>
      tpu.vector_store %arg15[%swap3A_925], %swap3A_928 {strides = array<i32>} : memref<320xi32, #tpu.memory_space<vmem>>, vector<16xi32>,
      %get3A_929 = arith.constant 160 : index
      %get3A_930 = tpu.vector_load %arg15[%get3A_929] {strides = array<i32>} : memref<320xi32, #tpu.memory_space<vmem>>, vector<16xi32>,
      %get3A_931 = vector.shape_cast %get3A_930 : vector<16xi32> to vector<16xi32>
      %add3A_932 = arith.addi %get3A_931, %broadcast_in_dim3A_60 : vector<16xi32>
      %swap3A_933 = arith.constant 160 : index
      %swap3A_934 = tpu.vector_load %arg15[%swap3A_933] {strides = array<i32>} : memref<320xi32, #tpu.memory_space<vmem>>, vector<16xi32>,
      %swap3A_935 = vector.shape_cast %swap3A_934 : vector<16xi32> to vector<16xi32>
      %swap3A_936 = vector.shape_cast %add3A_932 : vector<16xi32> to vector<16xi32>
      tpu.vector_store %arg15[%swap3A_933], %swap3A_936 {strides = array<i32>} : memref<320xi32, #tpu.memory_space<vmem>>, vector<16xi32>,
      %get3A_937 = arith.constant 176 : index
      %get3A_938 = tpu.vector_load %arg15[%get3A_937] {strides = array<i32>} : memref<320xi32, #tpu.memory_space<vmem>>, vector<16xi32>,
      %get3A_939 = vector.shape_cast %get3A_938 : vector<16xi32> to vector<16xi32>
      %add3A_940 = arith.addi %get3A_939, %broadcast_in_dim3A_60 : vector<16xi32>
      %swap3A_941 = arith.constant 176 : index
      %swap3A_942 = tpu.vector_load %arg15[%swap3A_941] {strides = array<i32>} : memref<320xi32, #tpu.memory_space<vmem>>, vector<16xi32>,
      %swap3A_943 = vector.shape_cast %swap3A_942 : vector<16xi32> to vector<16xi32>
      %swap3A_944 = vector.shape_cast %add3A_940 : vector<16xi32> to vector<16xi32>
      tpu.vector_store %arg15[%swap3A_941], %swap3A_944 {strides = array<i32>} : memref<320xi32, #tpu.memory_space<vmem>>, vector<16xi32>,
      %get3A_945 = arith.constant 192 : index
      %get3A_946 = tpu.vector_load %arg15[%get3A_945] {strides = array<i32>} : memref<320xi32, #tpu.memory_space<vmem>>, vector<16xi32>,
      %get3A_947 = vector.shape_cast %get3A_946 : vector<16xi32> to vector<16xi32>
      %add3A_948 = arith.addi %get3A_947, %broadcast_in_dim3A_60 : vector<16xi32>
      %swap3A_949 = arith.constant 192 : index
      %swap3A_950 = tpu.vector_load %arg15[%swap3A_949] {strides = array<i32>} : memref<320xi32, #tpu.memory_space<vmem>>, vector<16xi32>,
      %swap3A_951 = vector.shape_cast %swap3A_950 : vector<16xi32> to vector<16xi32>
      %swap3A_952 = vector.shape_cast %add3A_948 : vector<16xi32> to vector<16xi32>
      tpu.vector_store %arg15[%swap3A_949], %swap3A_952 {strides = array<i32>} : memref<320xi32, #tpu.memory_space<vmem>>, vector<16xi32>,
      %get3A_953 = arith.constant 208 : index
      %get3A_954 = tpu.vector_load %arg15[%get3A_953] {strides = array<i32>} : memref<320xi32, #tpu.memory_space<vmem>>, vector<16xi32>,
      %get3A_955 = vector.shape_cast %get3A_954 : vector<16xi32> to vector<16xi32>
      %add3A_956 = arith.addi %get3A_955, %broadcast_in_dim3A_60 : vector<16xi32>
      %swap3A_957 = arith.constant 208 : index
      %swap3A_958 = tpu.vector_load %arg15[%swap3A_957] {strides = array<i32>} : memref<320xi32, #tpu.memory_space<vmem>>, vector<16xi32>,
      %swap3A_959 = vector.shape_cast %swap3A_958 : vector<16xi32> to vector<16xi32>
      %swap3A_960 = vector.shape_cast %add3A_956 : vector<16xi32> to vector<16xi32>
      tpu.vector_store %arg15[%swap3A_957], %swap3A_960 {strides = array<i32>} : memref<320xi32, #tpu.memory_space<vmem>>, vector<16xi32>,
      %get3A_961 = arith.constant 224 : index
      %get3A_962 = tpu.vector_load %arg15[%get3A_961] {strides = array<i32>} : memref<320xi32, #tpu.memory_space<vmem>>, vector<16xi32>,
      %get3A_963 = vector.shape_cast %get3A_962 : vector<16xi32> to vector<16xi32>
      %add3A_964 = arith.addi %get3A_963, %broadcast_in_dim3A_60 : vector<16xi32>
      %swap3A_965 = arith.constant 224 : index
      %swap3A_966 = tpu.vector_load %arg15[%swap3A_965] {strides = array<i32>} : memref<320xi32, #tpu.memory_space<vmem>>, vector<16xi32>,
      %swap3A_967 = vector.shape_cast %swap3A_966 : vector<16xi32> to vector<16xi32>
      %swap3A_968 = vector.shape_cast %add3A_964 : vector<16xi32> to vector<16xi32>
      tpu.vector_store %arg15[%swap3A_965], %swap3A_968 {strides = array<i32>} : memref<320xi32, #tpu.memory_space<vmem>>, vector<16xi32>,
      %get3A_969 = arith.constant 240 : index
      %get3A_970 = tpu.vector_load %arg15[%get3A_969] {strides = array<i32>} : memref<320xi32, #tpu.memory_space<vmem>>, vector<16xi32>,
      %get3A_971 = vector.shape_cast %get3A_970 : vector<16xi32> to vector<16xi32>
      %add3A_972 = arith.addi %get3A_971, %broadcast_in_dim3A_60 : vector<16xi32>
      %swap3A_973 = arith.constant 240 : index
      %swap3A_974 = tpu.vector_load %arg15[%swap3A_973] {strides = array<i32>} : memref<320xi32, #tpu.memory_space<vmem>>, vector<16xi32>,
      %swap3A_975 = vector.shape_cast %swap3A_974 : vector<16xi32> to vector<16xi32>
      %swap3A_976 = vector.shape_cast %add3A_972 : vector<16xi32> to vector<16xi32>
      tpu.vector_store %arg15[%swap3A_973], %swap3A_976 {strides = array<i32>} : memref<320xi32, #tpu.memory_space<vmem>>, vector<16xi32>,
      %get3A_977 = arith.constant 256 : index
      %get3A_978 = tpu.vector_load %arg15[%get3A_977] {strides = array<i32>} : memref<320xi32, #tpu.memory_space<vmem>>, vector<16xi32>,
      %get3A_979 = vector.shape_cast %get3A_978 : vector<16xi32> to vector<16xi32>
      %add3A_980 = arith.addi %get3A_979, %broadcast_in_dim3A_60 : vector<16xi32>
      %swap3A_981 = arith.constant 256 : index
      %swap3A_982 = tpu.vector_load %arg15[%swap3A_981] {strides = array<i32>} : memref<320xi32, #tpu.memory_space<vmem>>, vector<16xi32>,
      %swap3A_983 = vector.shape_cast %swap3A_982 : vector<16xi32> to vector<16xi32>
      %swap3A_984 = vector.shape_cast %add3A_980 : vector<16xi32> to vector<16xi32>
      tpu.vector_store %arg15[%swap3A_981], %swap3A_984 {strides = array<i32>} : memref<320xi32, #tpu.memory_space<vmem>>, vector<16xi32>,
      %get3A_985 = arith.constant 272 : index
      %get3A_986 = tpu.vector_load %arg15[%get3A_985] {strides = array<i32>} : memref<320xi32, #tpu.memory_space<vmem>>, vector<16xi32>,
      %get3A_987 = vector.shape_cast %get3A_986 : vector<16xi32> to vector<16xi32>
      %add3A_988 = arith.addi %get3A_987, %broadcast_in_dim3A_60 : vector<16xi32>
      %swap3A_989 = arith.constant 272 : index
      %swap3A_990 = tpu.vector_load %arg15[%swap3A_989] {strides = array<i32>} : memref<320xi32, #tpu.memory_space<vmem>>, vector<16xi32>,
      %swap3A_991 = vector.shape_cast %swap3A_990 : vector<16xi32> to vector<16xi32>
      %swap3A_992 = vector.shape_cast %add3A_988 : vector<16xi32> to vector<16xi32>
      tpu.vector_store %arg15[%swap3A_989], %swap3A_992 {strides = array<i32>} : memref<320xi32, #tpu.memory_space<vmem>>, vector<16xi32>,
      %get3A_993 = arith.constant 288 : index
      %get3A_994 = tpu.vector_load %arg15[%get3A_993] {strides = array<i32>} : memref<320xi32, #tpu.memory_space<vmem>>, vector<16xi32>,
      %get3A_995 = vector.shape_cast %get3A_994 : vector<16xi32> to vector<16xi32>
      %add3A_996 = arith.addi %get3A_995, %broadcast_in_dim3A_60 : vector<16xi32>
      %swap3A_997 = arith.constant 288 : index
      %swap3A_998 = tpu.vector_load %arg15[%swap3A_997] {strides = array<i32>} : memref<320xi32, #tpu.memory_space<vmem>>, vector<16xi32>,
      %swap3A_999 = vector.shape_cast %swap3A_998 : vector<16xi32> to vector<16xi32>
      %swap3A_1000 = vector.shape_cast %add3A_996 : vector<16xi32> to vector<16xi32>
      tpu.vector_store %arg15[%swap3A_997], %swap3A_1000 {strides = array<i32>} : memref<320xi32, #tpu.memory_space<vmem>>, vector<16xi32>,
      %get3A_1001 = arith.constant 304 : index
      %get3A_1002 = tpu.vector_load %arg15[%get3A_1001] {strides = array<i32>} : memref<320xi32, #tpu.memory_space<vmem>>, vector<16xi32>,
      %get3A_1003 = vector.shape_cast %get3A_1002 : vector<16xi32> to vector<16xi32>
      %add3A_1004 = arith.addi %get3A_1003, %broadcast_in_dim3A_60 : vector<16xi32>
      %swap3A_1005 = arith.constant 304 : index
      %swap3A_1006 = tpu.vector_load %arg15[%swap3A_1005] {strides = array<i32>} : memref<320xi32, #tpu.memory_space<vmem>>, vector<16xi32>,
      %swap3A_1007 = vector.shape_cast %swap3A_1006 : vector<16xi32> to vector<16xi32>
      %swap3A_1008 = vector.shape_cast %add3A_1004 : vector<16xi32> to vector<16xi32>
      tpu.vector_store %arg15[%swap3A_1005], %swap3A_1008 {strides = array<i32>} : memref<320xi32, #tpu.memory_space<vmem>>, vector<16xi32>,
      %dma_start3A_1009 = arith.constant 1 : i32
      %dma_start3A_1010 = arith.constant 0 : i32
      %dma_start3A_1011 = arith.constant 0 : i32
      %dma_start3A_1012 = tpu.memref_slice %arg20[%dma_start3A_1009, %dma_start3A_1010, %dma_start3A_1011] : memref<2x320x32xf32, #tpu.memory_space<vmem>> -> memref<1x320x32xf32, #tpu.memory_space<vmem>>
      %dma_start3A_1013 = tpu.memref_squeeze %dma_start3A_1012 : memref<1x320x32xf32, #tpu.memory_space<vmem>> -> memref<320x32xf32, #tpu.memory_space<vmem>>
      %dma_start3A_1014 = arith.constant 0 : i32
      %dma_start3A_1015 = arith.constant 0 : i32
      %dma_start3A_1016 = tpu.memref_slice %arg3[%dma_start3A_1014, %dma_start3A_1015] : memref<100000x32xf32, #tpu.memory_space<hbm>> -> memref<100000x32xf32, #tpu.memory_space<hbm>>
      tpu.enqueue_indirect_dma source(%dma_start3A_1016 : memref<100000x32xf32, #tpu.memory_space<hbm>>) target(%dma_start3A_1013 : memref<320x32xf32, #tpu.memory_space<vmem>>) offsets(%arg15 : memref<320xi32, #tpu.memory_space<vmem>>) semaphore(%arg28 : memref<!tpu.dma_semaphore, #tpu.memory_space<semaphore_mem>>)
      %sub3A_1017 = arith.constant 1 : i32
      %sub3A_1018 = arith.subi %add3A_57, %sub3A_1017 : i32
      %lt3A_1019 = arith.cmpi slt, %add3A_354, %sub3A_1018 : i32
      %convert_element_type3A_1020 = arith.extui %lt3A_1019 : i1 to i32
      %cond3A_1021 = arith.constant 0 : i32
      %cond3A_1022 = arith.cmpi ne, %convert_element_type3A_1020, %cond3A_1021 : i32
      scf.if %cond3A_1022 {
        %mul3A_1059 = arith.constant 4 : i32
        %mul3A_1060 = arith.muli %mul3A_1059, %add3A_354 : i32
        %add3A_1061 = arith.addi %mul3A_59, %mul3A_1060 : i32
        %add3A_1062 = arith.constant 2 : i32
        %add3A_1063 = arith.addi %add3A_1061, %add3A_1062 : i32
        %add3A_1064 = arith.constant 3 : i32
        %add3A_1065 = arith.addi %add3A_1063, %add3A_1064 : i32
        %mul3A_1066 = arith.constant 320 : i32
        %mul3A_1067 = arith.muli %add3A_1065, %mul3A_1066 : i32
        %dma_start3A_1068 = arith.constant 0 : i32
        %dma_start3A_1069 = tpu.memref_slice %arg2[%dma_start3A_1068, %mul3A_1067] : memref<2x800000xi32, #tpu.memory_space<hbm>> -> memref<1x320xi32, #tpu.memory_space<hbm>>
        %dma_start3A_1070 = tpu.memref_squeeze %dma_start3A_1069 : memref<1x320xi32, #tpu.memory_space<hbm>> -> memref<320xi32, #tpu.memory_space<hbm>>
        %dma_start3A_1071 = tpu.memref_slice %arg2[%dma_start3A_1068, %mul3A_1067] : memref<2x800000xi32, #tpu.memory_space<hbm>> -> memref<1x320xi32, #tpu.memory_space<hbm>>
        %dma_start3A_1072 = tpu.memref_squeeze %dma_start3A_1071 : memref<1x320xi32, #tpu.memory_space<hbm>> -> memref<320xi32, #tpu.memory_space<hbm>>
        tpu.enqueue_dma source(%dma_start3A_1072 : memref<320xi32, #tpu.memory_space<hbm>>) target(%arg13 : memref<320xi32, #tpu.memory_space<vmem>>) target_semaphore(%arg30 : memref<!tpu.dma_semaphore, #tpu.memory_space<semaphore_mem>>)
        %mul3A_1073 = arith.constant 320 : i32
        %mul3A_1074 = arith.muli %add3A_1065, %mul3A_1073 : i32
        %dma_start3A_1075 = arith.constant 1 : i32
        %dma_start3A_1076 = tpu.memref_slice %arg2[%dma_start3A_1075, %mul3A_1074] : memref<2x800000xi32, #tpu.memory_space<hbm>> -> memref<1x320xi32, #tpu.memory_space<hbm>>
        %dma_start3A_1077 = tpu.memref_squeeze %dma_start3A_1076 : memref<1x320xi32, #tpu.memory_space<hbm>> -> memref<320xi32, #tpu.memory_space<hbm>>
        %dma_start3A_1078 = tpu.memref_slice %arg2[%dma_start3A_1075, %mul3A_1074] : memref<2x800000xi32, #tpu.memory_space<hbm>> -> memref<1x320xi32, #tpu.memory_space<hbm>>
        %dma_start3A_1079 = tpu.memref_squeeze %dma_start3A_1078 : memref<1x320xi32, #tpu.memory_space<hbm>> -> memref<320xi32, #tpu.memory_space<hbm>>
        tpu.enqueue_dma source(%dma_start3A_1079 : memref<320xi32, #tpu.memory_space<hbm>>) target(%arg17 : memref<320xi32, #tpu.memory_space<vmem>>) target_semaphore(%arg30 : memref<!tpu.dma_semaphore, #tpu.memory_space<semaphore_mem>>)
      } else {
      }
      %dma_wait3A_1023 = arith.constant 1 : i32
      %dma_wait3A_1024 = arith.constant 0 : i32
      %dma_wait3A_1025 = arith.constant 0 : i32
      %dma_wait3A_1026 = tpu.memref_slice %arg20[%dma_wait3A_1023, %dma_wait3A_1024, %dma_wait3A_1025] : memref<2x320x32xf32, #tpu.memory_space<vmem>> -> memref<1x320x32xf32, #tpu.memory_space<vmem>>
      %dma_wait3A_1027 = tpu.memref_squeeze %dma_wait3A_1026 : memref<1x320x32xf32, #tpu.memory_space<vmem>> -> memref<320x32xf32, #tpu.memory_space<vmem>>
      %dma_wait3A_1028 = arith.constant 0 : i32
      %dma_wait3A_1029 = arith.constant 0 : i32
      %dma_wait3A_1030 = tpu.memref_slice %arg3[%dma_wait3A_1028, %dma_wait3A_1029] : memref<100000x32xf32, #tpu.memory_space<hbm>> -> memref<100000x32xf32, #tpu.memory_space<hbm>>
      tpu.wait_indirect_dma semaphore(%arg28 : memref<!tpu.dma_semaphore, #tpu.memory_space<semaphore_mem>>) src(%dma_wait3A_1030 : memref<100000x32xf32, #tpu.memory_space<hbm>>) dst(%dma_wait3A_1027 : memref<320x32xf32, #tpu.memory_space<vmem>>)
      %dma_start3A_1031 = arith.constant 1 : i32
      %dma_start3A_1032 = arith.constant 0 : i32
      %dma_start3A_1033 = arith.constant 0 : i32
      %dma_start3A_1034 = tpu.memref_slice %arg20[%dma_start3A_1031, %dma_start3A_1032, %dma_start3A_1033] : memref<2x320x32xf32, #tpu.memory_space<vmem>> -> memref<1x320x32xf32, #tpu.memory_space<vmem>>
      %dma_start3A_1035 = tpu.memref_squeeze %dma_start3A_1034 : memref<1x320x32xf32, #tpu.memory_space<vmem>> -> memref<320x32xf32, #tpu.memory_space<vmem>>
      %dma_start3A_1036 = arith.constant 0 : i32
      %dma_start3A_1037 = arith.constant 0 : i32
      %dma_start3A_1038 = tpu.memref_slice %arg9[%dma_start3A_1036, %dma_start3A_1037] : memref<50000x32xf32, #tpu.memory_space<vmem_shared>> -> memref<50000x32xf32, #tpu.memory_space<vmem_shared>>
      tpu.enqueue_indirect_dma source(%dma_start3A_1035 : memref<320x32xf32, #tpu.memory_space<vmem>>) target(%dma_start3A_1038 : memref<50000x32xf32, #tpu.memory_space<vmem_shared>>) offsets(%arg19 : memref<320xi32, #tpu.memory_space<vmem>>) semaphore(%arg29 : memref<!tpu.dma_semaphore, #tpu.memory_space<semaphore_mem>>) {add = true}
      %dma_wait3A_1039 = arith.constant 0 : i32
      %dma_wait3A_1040 = arith.constant 0 : i32
      %dma_wait3A_1041 = arith.constant 0 : i32
      %dma_wait3A_1042 = tpu.memref_slice %arg20[%dma_wait3A_1039, %dma_wait3A_1040, %dma_wait3A_1041] : memref<2x320x32xf32, #tpu.memory_space<vmem>> -> memref<1x320x32xf32, #tpu.memory_space<vmem>>
      %dma_wait3A_1043 = tpu.memref_squeeze %dma_wait3A_1042 : memref<1x320x32xf32, #tpu.memory_space<vmem>> -> memref<320x32xf32, #tpu.memory_space<vmem>>
      %dma_wait3A_1044 = arith.constant 0 : i32
      %dma_wait3A_1045 = arith.constant 0 : i32
      %dma_wait3A_1046 = tpu.memref_slice %arg9[%dma_wait3A_1044, %dma_wait3A_1045] : memref<50000x32xf32, #tpu.memory_space<vmem_shared>> -> memref<50000x32xf32, #tpu.memory_space<vmem_shared>>
      tpu.wait_indirect_dma semaphore(%arg29 : memref<!tpu.dma_semaphore, #tpu.memory_space<semaphore_mem>>) src(%dma_wait3A_1043 : memref<320x32xf32, #tpu.memory_space<vmem>>) dst(%dma_wait3A_1046 : memref<50000x32xf32, #tpu.memory_space<vmem_shared>>)
      %sub3A_1047 = arith.constant 1 : i32
      %sub3A_1048 = arith.subi %add3A_57, %sub3A_1047 : i32
      %lt3A_1049 = arith.cmpi slt, %add3A_354, %sub3A_1048 : i32
      %convert_element_type3A_1050 = arith.extui %lt3A_1049 : i1 to i32
      %cond3A_1051 = arith.constant 0 : i32
      %cond3A_1052 = arith.cmpi ne, %convert_element_type3A_1050, %cond3A_1051 : i32
      scf.if %cond3A_1052 {
        %mul3A_1059 = arith.constant 4 : i32
        %mul3A_1060 = arith.muli %mul3A_1059, %add3A_354 : i32
        %add3A_1061 = arith.addi %mul3A_59, %mul3A_1060 : i32
        %add3A_1062 = arith.constant 3 : i32
        %add3A_1063 = arith.addi %add3A_1061, %add3A_1062 : i32
        %add3A_1064 = arith.constant 1 : i32
        %add3A_1065 = arith.addi %add3A_1063, %add3A_1064 : i32
        %mul3A_1066 = arith.constant 320 : i32
        %mul3A_1067 = arith.muli %add3A_1065, %mul3A_1066 : i32
        %dma_wait3A_1068 = arith.constant 0 : i32
        %dma_wait3A_1069 = tpu.memref_slice %arg2[%dma_wait3A_1068, %mul3A_1067] : memref<2x800000xi32, #tpu.memory_space<hbm>> -> memref<1x320xi32, #tpu.memory_space<hbm>>
        %dma_wait3A_1070 = tpu.memref_squeeze %dma_wait3A_1069 : memref<1x320xi32, #tpu.memory_space<hbm>> -> memref<320xi32, #tpu.memory_space<hbm>>
        %dma_wait3A_1071 = tpu.memref_slice %arg2[%dma_wait3A_1068, %mul3A_1067] : memref<2x800000xi32, #tpu.memory_space<hbm>> -> memref<1x320xi32, #tpu.memory_space<hbm>>
        %dma_wait3A_1072 = tpu.memref_squeeze %dma_wait3A_1071 : memref<1x320xi32, #tpu.memory_space<hbm>> -> memref<320xi32, #tpu.memory_space<hbm>>
        tpu.wait_dma2 semaphore(%arg30 : memref<!tpu.dma_semaphore, #tpu.memory_space<semaphore_mem>>) src(%dma_wait3A_1072 : memref<320xi32, #tpu.memory_space<hbm>>) dst(%arg12 : memref<320xi32, #tpu.memory_space<vmem>>)
        %mul3A_1073 = arith.constant 320 : i32
        %mul3A_1074 = arith.muli %add3A_1065, %mul3A_1073 : i32
        %dma_wait3A_1075 = arith.constant 1 : i32
        %dma_wait3A_1076 = tpu.memref_slice %arg2[%dma_wait3A_1075, %mul3A_1074] : memref<2x800000xi32, #tpu.memory_space<hbm>> -> memref<1x320xi32, #tpu.memory_space<hbm>>
        %dma_wait3A_1077 = tpu.memref_squeeze %dma_wait3A_1076 : memref<1x320xi32, #tpu.memory_space<hbm>> -> memref<320xi32, #tpu.memory_space<hbm>>
        %dma_wait3A_1078 = tpu.memref_slice %arg2[%dma_wait3A_1075, %mul3A_1074] : memref<2x800000xi32, #tpu.memory_space<hbm>> -> memref<1x320xi32, #tpu.memory_space<hbm>>
        %dma_wait3A_1079 = tpu.memref_squeeze %dma_wait3A_1078 : memref<1x320xi32, #tpu.memory_space<hbm>> -> memref<320xi32, #tpu.memory_space<hbm>>
        tpu.wait_dma2 semaphore(%arg30 : memref<!tpu.dma_semaphore, #tpu.memory_space<semaphore_mem>>) src(%dma_wait3A_1079 : memref<320xi32, #tpu.memory_space<hbm>>) dst(%arg16 : memref<320xi32, #tpu.memory_space<vmem>>)
        %get3A_1080 = arith.constant 0 : index
        %get3A_1081 = tpu.vector_load %arg12[%get3A_1080] {strides = array<i32>} : memref<320xi32, #tpu.memory_space<vmem>>, vector<16xi32>,
        %get3A_1082 = vector.shape_cast %get3A_1081 : vector<16xi32> to vector<16xi32>
        %add3A_1083 = arith.addi %get3A_1082, %broadcast_in_dim3A_60 : vector<16xi32>
        %swap3A_1084 = arith.constant 0 : index
        %swap3A_1085 = tpu.vector_load %arg12[%swap3A_1084] {strides = array<i32>} : memref<320xi32, #tpu.memory_space<vmem>>, vector<16xi32>,
        %swap3A_1086 = vector.shape_cast %swap3A_1085 : vector<16xi32> to vector<16xi32>
        %swap3A_1087 = vector.shape_cast %add3A_1083 : vector<16xi32> to vector<16xi32>
        tpu.vector_store %arg12[%swap3A_1084], %swap3A_1087 {strides = array<i32>} : memref<320xi32, #tpu.memory_space<vmem>>, vector<16xi32>,
        %get3A_1088 = arith.constant 16 : index
        %get3A_1089 = tpu.vector_load %arg12[%get3A_1088] {strides = array<i32>} : memref<320xi32, #tpu.memory_space<vmem>>, vector<16xi32>,
        %get3A_1090 = vector.shape_cast %get3A_1089 : vector<16xi32> to vector<16xi32>
        %add3A_1091 = arith.addi %get3A_1090, %broadcast_in_dim3A_60 : vector<16xi32>
        %swap3A_1092 = arith.constant 16 : index
        %swap3A_1093 = tpu.vector_load %arg12[%swap3A_1092] {strides = array<i32>} : memref<320xi32, #tpu.memory_space<vmem>>, vector<16xi32>,
        %swap3A_1094 = vector.shape_cast %swap3A_1093 : vector<16xi32> to vector<16xi32>
        %swap3A_1095 = vector.shape_cast %add3A_1091 : vector<16xi32> to vector<16xi32>
        tpu.vector_store %arg12[%swap3A_1092], %swap3A_1095 {strides = array<i32>} : memref<320xi32, #tpu.memory_space<vmem>>, vector<16xi32>,
        %get3A_1096 = arith.constant 32 : index
        %get3A_1097 = tpu.vector_load %arg12[%get3A_1096] {strides = array<i32>} : memref<320xi32, #tpu.memory_space<vmem>>, vector<16xi32>,
        %get3A_1098 = vector.shape_cast %get3A_1097 : vector<16xi32> to vector<16xi32>
        %add3A_1099 = arith.addi %get3A_1098, %broadcast_in_dim3A_60 : vector<16xi32>
        %swap3A_1100 = arith.constant 32 : index
        %swap3A_1101 = tpu.vector_load %arg12[%swap3A_1100] {strides = array<i32>} : memref<320xi32, #tpu.memory_space<vmem>>, vector<16xi32>,
        %swap3A_1102 = vector.shape_cast %swap3A_1101 : vector<16xi32> to vector<16xi32>
        %swap3A_1103 = vector.shape_cast %add3A_1099 : vector<16xi32> to vector<16xi32>
        tpu.vector_store %arg12[%swap3A_1100], %swap3A_1103 {strides = array<i32>} : memref<320xi32, #tpu.memory_space<vmem>>, vector<16xi32>,
        %get3A_1104 = arith.constant 48 : index
        %get3A_1105 = tpu.vector_load %arg12[%get3A_1104] {strides = array<i32>} : memref<320xi32, #tpu.memory_space<vmem>>, vector<16xi32>,
        %get3A_1106 = vector.shape_cast %get3A_1105 : vector<16xi32> to vector<16xi32>
        %add3A_1107 = arith.addi %get3A_1106, %broadcast_in_dim3A_60 : vector<16xi32>
        %swap3A_1108 = arith.constant 48 : index
        %swap3A_1109 = tpu.vector_load %arg12[%swap3A_1108] {strides = array<i32>} : memref<320xi32, #tpu.memory_space<vmem>>, vector<16xi32>,
        %swap3A_1110 = vector.shape_cast %swap3A_1109 : vector<16xi32> to vector<16xi32>
        %swap3A_1111 = vector.shape_cast %add3A_1107 : vector<16xi32> to vector<16xi32>
        tpu.vector_store %arg12[%swap3A_1108], %swap3A_1111 {strides = array<i32>} : memref<320xi32, #tpu.memory_space<vmem>>, vector<16xi32>,
        %get3A_1112 = arith.constant 64 : index
        %get3A_1113 = tpu.vector_load %arg12[%get3A_1112] {strides = array<i32>} : memref<320xi32, #tpu.memory_space<vmem>>, vector<16xi32>,
        %get3A_1114 = vector.shape_cast %get3A_1113 : vector<16xi32> to vector<16xi32>
        %add3A_1115 = arith.addi %get3A_1114, %broadcast_in_dim3A_60 : vector<16xi32>
        %swap3A_1116 = arith.constant 64 : index
        %swap3A_1117 = tpu.vector_load %arg12[%swap3A_1116] {strides = array<i32>} : memref<320xi32, #tpu.memory_space<vmem>>, vector<16xi32>,
        %swap3A_1118 = vector.shape_cast %swap3A_1117 : vector<16xi32> to vector<16xi32>
        %swap3A_1119 = vector.shape_cast %add3A_1115 : vector<16xi32> to vector<16xi32>
        tpu.vector_store %arg12[%swap3A_1116], %swap3A_1119 {strides = array<i32>} : memref<320xi32, #tpu.memory_space<vmem>>, vector<16xi32>,
        %get3A_1120 = arith.constant 80 : index
        %get3A_1121 = tpu.vector_load %arg12[%get3A_1120] {strides = array<i32>} : memref<320xi32, #tpu.memory_space<vmem>>, vector<16xi32>,
        %get3A_1122 = vector.shape_cast %get3A_1121 : vector<16xi32> to vector<16xi32>
        %add3A_1123 = arith.addi %get3A_1122, %broadcast_in_dim3A_60 : vector<16xi32>
        %swap3A_1124 = arith.constant 80 : index
        %swap3A_1125 = tpu.vector_load %arg12[%swap3A_1124] {strides = array<i32>} : memref<320xi32, #tpu.memory_space<vmem>>, vector<16xi32>,
        %swap3A_1126 = vector.shape_cast %swap3A_1125 : vector<16xi32> to vector<16xi32>
        %swap3A_1127 = vector.shape_cast %add3A_1123 : vector<16xi32> to vector<16xi32>
        tpu.vector_store %arg12[%swap3A_1124], %swap3A_1127 {strides = array<i32>} : memref<320xi32, #tpu.memory_space<vmem>>, vector<16xi32>,
        %get3A_1128 = arith.constant 96 : index
        %get3A_1129 = tpu.vector_load %arg12[%get3A_1128] {strides = array<i32>} : memref<320xi32, #tpu.memory_space<vmem>>, vector<16xi32>,
        %get3A_1130 = vector.shape_cast %get3A_1129 : vector<16xi32> to vector<16xi32>
        %add3A_1131 = arith.addi %get3A_1130, %broadcast_in_dim3A_60 : vector<16xi32>
        %swap3A_1132 = arith.constant 96 : index
        %swap3A_1133 = tpu.vector_load %arg12[%swap3A_1132] {strides = array<i32>} : memref<320xi32, #tpu.memory_space<vmem>>, vector<16xi32>,
        %swap3A_1134 = vector.shape_cast %swap3A_1133 : vector<16xi32> to vector<16xi32>
        %swap3A_1135 = vector.shape_cast %add3A_1131 : vector<16xi32> to vector<16xi32>
        tpu.vector_store %arg12[%swap3A_1132], %swap3A_1135 {strides = array<i32>} : memref<320xi32, #tpu.memory_space<vmem>>, vector<16xi32>,
        %get3A_1136 = arith.constant 112 : index
        %get3A_1137 = tpu.vector_load %arg12[%get3A_1136] {strides = array<i32>} : memref<320xi32, #tpu.memory_space<vmem>>, vector<16xi32>,
        %get3A_1138 = vector.shape_cast %get3A_1137 : vector<16xi32> to vector<16xi32>
        %add3A_1139 = arith.addi %get3A_1138, %broadcast_in_dim3A_60 : vector<16xi32>
        %swap3A_1140 = arith.constant 112 : index
        %swap3A_1141 = tpu.vector_load %arg12[%swap3A_1140] {strides = array<i32>} : memref<320xi32, #tpu.memory_space<vmem>>, vector<16xi32>,
        %swap3A_1142 = vector.shape_cast %swap3A_1141 : vector<16xi32> to vector<16xi32>
        %swap3A_1143 = vector.shape_cast %add3A_1139 : vector<16xi32> to vector<16xi32>
        tpu.vector_store %arg12[%swap3A_1140], %swap3A_1143 {strides = array<i32>} : memref<320xi32, #tpu.memory_space<vmem>>, vector<16xi32>,
        %get3A_1144 = arith.constant 128 : index
        %get3A_1145 = tpu.vector_load %arg12[%get3A_1144] {strides = array<i32>} : memref<320xi32, #tpu.memory_space<vmem>>, vector<16xi32>,
        %get3A_1146 = vector.shape_cast %get3A_1145 : vector<16xi32> to vector<16xi32>
        %add3A_1147 = arith.addi %get3A_1146, %broadcast_in_dim3A_60 : vector<16xi32>
        %swap3A_1148 = arith.constant 128 : index
        %swap3A_1149 = tpu.vector_load %arg12[%swap3A_1148] {strides = array<i32>} : memref<320xi32, #tpu.memory_space<vmem>>, vector<16xi32>,
        %swap3A_1150 = vector.shape_cast %swap3A_1149 : vector<16xi32> to vector<16xi32>
        %swap3A_1151 = vector.shape_cast %add3A_1147 : vector<16xi32> to vector<16xi32>
        tpu.vector_store %arg12[%swap3A_1148], %swap3A_1151 {strides = array<i32>} : memref<320xi32, #tpu.memory_space<vmem>>, vector<16xi32>,
        %get3A_1152 = arith.constant 144 : index
        %get3A_1153 = tpu.vector_load %arg12[%get3A_1152] {strides = array<i32>} : memref<320xi32, #tpu.memory_space<vmem>>, vector<16xi32>,
        %get3A_1154 = vector.shape_cast %get3A_1153 : vector<16xi32> to vector<16xi32>
        %add3A_1155 = arith.addi %get3A_1154, %broadcast_in_dim3A_60 : vector<16xi32>
        %swap3A_1156 = arith.constant 144 : index
        %swap3A_1157 = tpu.vector_load %arg12[%swap3A_1156] {strides = array<i32>} : memref<320xi32, #tpu.memory_space<vmem>>, vector<16xi32>,
        %swap3A_1158 = vector.shape_cast %swap3A_1157 : vector<16xi32> to vector<16xi32>
        %swap3A_1159 = vector.shape_cast %add3A_1155 : vector<16xi32> to vector<16xi32>
        tpu.vector_store %arg12[%swap3A_1156], %swap3A_1159 {strides = array<i32>} : memref<320xi32, #tpu.memory_space<vmem>>, vector<16xi32>,
        %get3A_1160 = arith.constant 160 : index
        %get3A_1161 = tpu.vector_load %arg12[%get3A_1160] {strides = array<i32>} : memref<320xi32, #tpu.memory_space<vmem>>, vector<16xi32>,
        %get3A_1162 = vector.shape_cast %get3A_1161 : vector<16xi32> to vector<16xi32>
        %add3A_1163 = arith.addi %get3A_1162, %broadcast_in_dim3A_60 : vector<16xi32>
        %swap3A_1164 = arith.constant 160 : index
        %swap3A_1165 = tpu.vector_load %arg12[%swap3A_1164] {strides = array<i32>} : memref<320xi32, #tpu.memory_space<vmem>>, vector<16xi32>,
        %swap3A_1166 = vector.shape_cast %swap3A_1165 : vector<16xi32> to vector<16xi32>
        %swap3A_1167 = vector.shape_cast %add3A_1163 : vector<16xi32> to vector<16xi32>
        tpu.vector_store %arg12[%swap3A_1164], %swap3A_1167 {strides = array<i32>} : memref<320xi32, #tpu.memory_space<vmem>>, vector<16xi32>,
        %get3A_1168 = arith.constant 176 : index
        %get3A_1169 = tpu.vector_load %arg12[%get3A_1168] {strides = array<i32>} : memref<320xi32, #tpu.memory_space<vmem>>, vector<16xi32>,
        %get3A_1170 = vector.shape_cast %get3A_1169 : vector<16xi32> to vector<16xi32>
        %add3A_1171 = arith.addi %get3A_1170, %broadcast_in_dim3A_60 : vector<16xi32>
        %swap3A_1172 = arith.constant 176 : index
        %swap3A_1173 = tpu.vector_load %arg12[%swap3A_1172] {strides = array<i32>} : memref<320xi32, #tpu.memory_space<vmem>>, vector<16xi32>,
        %swap3A_1174 = vector.shape_cast %swap3A_1173 : vector<16xi32> to vector<16xi32>
        %swap3A_1175 = vector.shape_cast %add3A_1171 : vector<16xi32> to vector<16xi32>
        tpu.vector_store %arg12[%swap3A_1172], %swap3A_1175 {strides = array<i32>} : memref<320xi32, #tpu.memory_space<vmem>>, vector<16xi32>,
        %get3A_1176 = arith.constant 192 : index
        %get3A_1177 = tpu.vector_load %arg12[%get3A_1176] {strides = array<i32>} : memref<320xi32, #tpu.memory_space<vmem>>, vector<16xi32>,
        %get3A_1178 = vector.shape_cast %get3A_1177 : vector<16xi32> to vector<16xi32>
        %add3A_1179 = arith.addi %get3A_1178, %broadcast_in_dim3A_60 : vector<16xi32>
        %swap3A_1180 = arith.constant 192 : index
        %swap3A_1181 = tpu.vector_load %arg12[%swap3A_1180] {strides = array<i32>} : memref<320xi32, #tpu.memory_space<vmem>>, vector<16xi32>,
        %swap3A_1182 = vector.shape_cast %swap3A_1181 : vector<16xi32> to vector<16xi32>
        %swap3A_1183 = vector.shape_cast %add3A_1179 : vector<16xi32> to vector<16xi32>
        tpu.vector_store %arg12[%swap3A_1180], %swap3A_1183 {strides = array<i32>} : memref<320xi32, #tpu.memory_space<vmem>>, vector<16xi32>,
        %get3A_1184 = arith.constant 208 : index
        %get3A_1185 = tpu.vector_load %arg12[%get3A_1184] {strides = array<i32>} : memref<320xi32, #tpu.memory_space<vmem>>, vector<16xi32>,
        %get3A_1186 = vector.shape_cast %get3A_1185 : vector<16xi32> to vector<16xi32>
        %add3A_1187 = arith.addi %get3A_1186, %broadcast_in_dim3A_60 : vector<16xi32>
        %swap3A_1188 = arith.constant 208 : index
        %swap3A_1189 = tpu.vector_load %arg12[%swap3A_1188] {strides = array<i32>} : memref<320xi32, #tpu.memory_space<vmem>>, vector<16xi32>,
        %swap3A_1190 = vector.shape_cast %swap3A_1189 : vector<16xi32> to vector<16xi32>
        %swap3A_1191 = vector.shape_cast %add3A_1187 : vector<16xi32> to vector<16xi32>
        tpu.vector_store %arg12[%swap3A_1188], %swap3A_1191 {strides = array<i32>} : memref<320xi32, #tpu.memory_space<vmem>>, vector<16xi32>,
        %get3A_1192 = arith.constant 224 : index
        %get3A_1193 = tpu.vector_load %arg12[%get3A_1192] {strides = array<i32>} : memref<320xi32, #tpu.memory_space<vmem>>, vector<16xi32>,
        %get3A_1194 = vector.shape_cast %get3A_1193 : vector<16xi32> to vector<16xi32>
        %add3A_1195 = arith.addi %get3A_1194, %broadcast_in_dim3A_60 : vector<16xi32>
        %swap3A_1196 = arith.constant 224 : index
        %swap3A_1197 = tpu.vector_load %arg12[%swap3A_1196] {strides = array<i32>} : memref<320xi32, #tpu.memory_space<vmem>>, vector<16xi32>,
        %swap3A_1198 = vector.shape_cast %swap3A_1197 : vector<16xi32> to vector<16xi32>
        %swap3A_1199 = vector.shape_cast %add3A_1195 : vector<16xi32> to vector<16xi32>
        tpu.vector_store %arg12[%swap3A_1196], %swap3A_1199 {strides = array<i32>} : memref<320xi32, #tpu.memory_space<vmem>>, vector<16xi32>,
        %get3A_1200 = arith.constant 240 : index
        %get3A_1201 = tpu.vector_load %arg12[%get3A_1200] {strides = array<i32>} : memref<320xi32, #tpu.memory_space<vmem>>, vector<16xi32>,
        %get3A_1202 = vector.shape_cast %get3A_1201 : vector<16xi32> to vector<16xi32>
        %add3A_1203 = arith.addi %get3A_1202, %broadcast_in_dim3A_60 : vector<16xi32>
        %swap3A_1204 = arith.constant 240 : index
        %swap3A_1205 = tpu.vector_load %arg12[%swap3A_1204] {strides = array<i32>} : memref<320xi32, #tpu.memory_space<vmem>>, vector<16xi32>,
        %swap3A_1206 = vector.shape_cast %swap3A_1205 : vector<16xi32> to vector<16xi32>
        %swap3A_1207 = vector.shape_cast %add3A_1203 : vector<16xi32> to vector<16xi32>
        tpu.vector_store %arg12[%swap3A_1204], %swap3A_1207 {strides = array<i32>} : memref<320xi32, #tpu.memory_space<vmem>>, vector<16xi32>,
        %get3A_1208 = arith.constant 256 : index
        %get3A_1209 = tpu.vector_load %arg12[%get3A_1208] {strides = array<i32>} : memref<320xi32, #tpu.memory_space<vmem>>, vector<16xi32>,
        %get3A_1210 = vector.shape_cast %get3A_1209 : vector<16xi32> to vector<16xi32>
        %add3A_1211 = arith.addi %get3A_1210, %broadcast_in_dim3A_60 : vector<16xi32>
        %swap3A_1212 = arith.constant 256 : index
        %swap3A_1213 = tpu.vector_load %arg12[%swap3A_1212] {strides = array<i32>} : memref<320xi32, #tpu.memory_space<vmem>>, vector<16xi32>,
        %swap3A_1214 = vector.shape_cast %swap3A_1213 : vector<16xi32> to vector<16xi32>
        %swap3A_1215 = vector.shape_cast %add3A_1211 : vector<16xi32> to vector<16xi32>
        tpu.vector_store %arg12[%swap3A_1212], %swap3A_1215 {strides = array<i32>} : memref<320xi32, #tpu.memory_space<vmem>>, vector<16xi32>,
        %get3A_1216 = arith.constant 272 : index
        %get3A_1217 = tpu.vector_load %arg12[%get3A_1216] {strides = array<i32>} : memref<320xi32, #tpu.memory_space<vmem>>, vector<16xi32>,
        %get3A_1218 = vector.shape_cast %get3A_1217 : vector<16xi32> to vector<16xi32>
        %add3A_1219 = arith.addi %get3A_1218, %broadcast_in_dim3A_60 : vector<16xi32>
        %swap3A_1220 = arith.constant 272 : index
        %swap3A_1221 = tpu.vector_load %arg12[%swap3A_1220] {strides = array<i32>} : memref<320xi32, #tpu.memory_space<vmem>>, vector<16xi32>,
        %swap3A_1222 = vector.shape_cast %swap3A_1221 : vector<16xi32> to vector<16xi32>
        %swap3A_1223 = vector.shape_cast %add3A_1219 : vector<16xi32> to vector<16xi32>
        tpu.vector_store %arg12[%swap3A_1220], %swap3A_1223 {strides = array<i32>} : memref<320xi32, #tpu.memory_space<vmem>>, vector<16xi32>,
        %get3A_1224 = arith.constant 288 : index
        %get3A_1225 = tpu.vector_load %arg12[%get3A_1224] {strides = array<i32>} : memref<320xi32, #tpu.memory_space<vmem>>, vector<16xi32>,
        %get3A_1226 = vector.shape_cast %get3A_1225 : vector<16xi32> to vector<16xi32>
        %add3A_1227 = arith.addi %get3A_1226, %broadcast_in_dim3A_60 : vector<16xi32>
        %swap3A_1228 = arith.constant 288 : index
        %swap3A_1229 = tpu.vector_load %arg12[%swap3A_1228] {strides = array<i32>} : memref<320xi32, #tpu.memory_space<vmem>>, vector<16xi32>,
        %swap3A_1230 = vector.shape_cast %swap3A_1229 : vector<16xi32> to vector<16xi32>
        %swap3A_1231 = vector.shape_cast %add3A_1227 : vector<16xi32> to vector<16xi32>
        tpu.vector_store %arg12[%swap3A_1228], %swap3A_1231 {strides = array<i32>} : memref<320xi32, #tpu.memory_space<vmem>>, vector<16xi32>,
        %get3A_1232 = arith.constant 304 : index
        %get3A_1233 = tpu.vector_load %arg12[%get3A_1232] {strides = array<i32>} : memref<320xi32, #tpu.memory_space<vmem>>, vector<16xi32>,
        %get3A_1234 = vector.shape_cast %get3A_1233 : vector<16xi32> to vector<16xi32>
        %add3A_1235 = arith.addi %get3A_1234, %broadcast_in_dim3A_60 : vector<16xi32>
        %swap3A_1236 = arith.constant 304 : index
        %swap3A_1237 = tpu.vector_load %arg12[%swap3A_1236] {strides = array<i32>} : memref<320xi32, #tpu.memory_space<vmem>>, vector<16xi32>,
        %swap3A_1238 = vector.shape_cast %swap3A_1237 : vector<16xi32> to vector<16xi32>
        %swap3A_1239 = vector.shape_cast %add3A_1235 : vector<16xi32> to vector<16xi32>
        tpu.vector_store %arg12[%swap3A_1236], %swap3A_1239 {strides = array<i32>} : memref<320xi32, #tpu.memory_space<vmem>>, vector<16xi32>,
        %dma_start3A_1240 = arith.constant 0 : i32
        %dma_start3A_1241 = arith.constant 0 : i32
        %dma_start3A_1242 = arith.constant 0 : i32
        %dma_start3A_1243 = tpu.memref_slice %arg20[%dma_start3A_1240, %dma_start3A_1241, %dma_start3A_1242] : memref<2x320x32xf32, #tpu.memory_space<vmem>> -> memref<1x320x32xf32, #tpu.memory_space<vmem>>
        %dma_start3A_1244 = tpu.memref_squeeze %dma_start3A_1243 : memref<1x320x32xf32, #tpu.memory_space<vmem>> -> memref<320x32xf32, #tpu.memory_space<vmem>>
        %dma_start3A_1245 = arith.constant 0 : i32
        %dma_start3A_1246 = arith.constant 0 : i32
        %dma_start3A_1247 = tpu.memref_slice %arg3[%dma_start3A_1245, %dma_start3A_1246] : memref<100000x32xf32, #tpu.memory_space<hbm>> -> memref<100000x32xf32, #tpu.memory_space<hbm>>
        tpu.enqueue_indirect_dma source(%dma_start3A_1247 : memref<100000x32xf32, #tpu.memory_space<hbm>>) target(%dma_start3A_1244 : memref<320x32xf32, #tpu.memory_space<vmem>>) offsets(%arg12 : memref<320xi32, #tpu.memory_space<vmem>>) semaphore(%arg28 : memref<!tpu.dma_semaphore, #tpu.memory_space<semaphore_mem>>)
      } else {
      }
      %sub3A_1053 = arith.constant 1 : i32
      %sub3A_1054 = arith.subi %add3A_57, %sub3A_1053 : i32
      %lt3A_1055 = arith.cmpi slt, %add3A_354, %sub3A_1054 : i32
      %convert_element_type3A_1056 = arith.extui %lt3A_1055 : i1 to i32
      %cond3A_1057 = arith.constant 0 : i32
      %cond3A_1058 = arith.cmpi ne, %convert_element_type3A_1056, %cond3A_1057 : i32
      scf.if %cond3A_1058 {
        %mul3A_1059 = arith.constant 4 : i32
        %mul3A_1060 = arith.muli %mul3A_1059, %add3A_354 : i32
        %add3A_1061 = arith.addi %mul3A_59, %mul3A_1060 : i32
        %add3A_1062 = arith.constant 3 : i32
        %add3A_1063 = arith.addi %add3A_1061, %add3A_1062 : i32
        %add3A_1064 = arith.constant 3 : i32
        %add3A_1065 = arith.addi %add3A_1063, %add3A_1064 : i32
        %mul3A_1066 = arith.constant 320 : i32
        %mul3A_1067 = arith.muli %add3A_1065, %mul3A_1066 : i32
        %dma_start3A_1068 = arith.constant 0 : i32
        %dma_start3A_1069 = tpu.memref_slice %arg2[%dma_start3A_1068, %mul3A_1067] : memref<2x800000xi32, #tpu.memory_space<hbm>> -> memref<1x320xi32, #tpu.memory_space<hbm>>
        %dma_start3A_1070 = tpu.memref_squeeze %dma_start3A_1069 : memref<1x320xi32, #tpu.memory_space<hbm>> -> memref<320xi32, #tpu.memory_space<hbm>>
        %dma_start3A_1071 = tpu.memref_slice %arg2[%dma_start3A_1068, %mul3A_1067] : memref<2x800000xi32, #tpu.memory_space<hbm>> -> memref<1x320xi32, #tpu.memory_space<hbm>>
        %dma_start3A_1072 = tpu.memref_squeeze %dma_start3A_1071 : memref<1x320xi32, #tpu.memory_space<hbm>> -> memref<320xi32, #tpu.memory_space<hbm>>
        tpu.enqueue_dma source(%dma_start3A_1072 : memref<320xi32, #tpu.memory_space<hbm>>) target(%arg14 : memref<320xi32, #tpu.memory_space<vmem>>) target_semaphore(%arg30 : memref<!tpu.dma_semaphore, #tpu.memory_space<semaphore_mem>>)
        %mul3A_1073 = arith.constant 320 : i32
        %mul3A_1074 = arith.muli %add3A_1065, %mul3A_1073 : i32
        %dma_start3A_1075 = arith.constant 1 : i32
        %dma_start3A_1076 = tpu.memref_slice %arg2[%dma_start3A_1075, %mul3A_1074] : memref<2x800000xi32, #tpu.memory_space<hbm>> -> memref<1x320xi32, #tpu.memory_space<hbm>>
        %dma_start3A_1077 = tpu.memref_squeeze %dma_start3A_1076 : memref<1x320xi32, #tpu.memory_space<hbm>> -> memref<320xi32, #tpu.memory_space<hbm>>
        %dma_start3A_1078 = tpu.memref_slice %arg2[%dma_start3A_1075, %mul3A_1074] : memref<2x800000xi32, #tpu.memory_space<hbm>> -> memref<1x320xi32, #tpu.memory_space<hbm>>
        %dma_start3A_1079 = tpu.memref_squeeze %dma_start3A_1078 : memref<1x320xi32, #tpu.memory_space<hbm>> -> memref<320xi32, #tpu.memory_space<hbm>>
        tpu.enqueue_dma source(%dma_start3A_1079 : memref<320xi32, #tpu.memory_space<hbm>>) target(%arg18 : memref<320xi32, #tpu.memory_space<vmem>>) target_semaphore(%arg30 : memref<!tpu.dma_semaphore, #tpu.memory_space<semaphore_mem>>)
      } else {
      }
    }
    %while3A_305 = arith.constant 1 : i32
    scf.for %while3A_352 = %while3A_303 to %while3A_299 step %while3A_305  : i32 {
      %mul3A_353 = arith.muli %while3A_352, %while3A_295 : i32
      %add3A_354 = arith.addi %while3A_296, %mul3A_353 : i32
      %dma_wait3A_355 = arith.constant 0 : i32
      %dma_wait3A_356 = arith.constant 0 : i32
      %dma_wait3A_357 = arith.constant 0 : i32
      %dma_wait3A_358 = tpu.memref_slice %arg20[%dma_wait3A_355, %dma_wait3A_356, %dma_wait3A_357] : memref<2x320x32xf32, #tpu.memory_space<vmem>> -> memref<1x320x32xf32, #tpu.memory_space<vmem>>
      %dma_wait3A_359 = tpu.memref_squeeze %dma_wait3A_358 : memref<1x320x32xf32, #tpu.memory_space<vmem>> -> memref<320x32xf32, #tpu.memory_space<vmem>>
      %dma_wait3A_360 = arith.constant 0 : i32
      %dma_wait3A_361 = arith.constant 0 : i32
      %dma_wait3A_362 = tpu.memref_slice %arg3[%dma_wait3A_360, %dma_wait3A_361] : memref<100000x32xf32, #tpu.memory_space<hbm>> -> memref<100000x32xf32, #tpu.memory_space<hbm>>
      tpu.wait_indirect_dma semaphore(%arg28 : memref<!tpu.dma_semaphore, #tpu.memory_space<semaphore_mem>>) src(%dma_wait3A_362 : memref<100000x32xf32, #tpu.memory_space<hbm>>) dst(%dma_wait3A_359 : memref<320x32xf32, #tpu.memory_space<vmem>>)
      %dma_start3A_363 = arith.constant 0 : i32
      %dma_start3A_364 = arith.constant 0 : i32
      %dma_start3A_365 = arith.constant 0 : i32
      %dma_start3A_366 = tpu.memref_slice %arg20[%dma_start3A_363, %dma_start3A_364, %dma_start3A_365] : memref<2x320x32xf32, #tpu.memory_space<vmem>> -> memref<1x320x32xf32, #tpu.memory_space<vmem>>
      %dma_start3A_367 = tpu.memref_squeeze %dma_start3A_366 : memref<1x320x32xf32, #tpu.memory_space<vmem>> -> memref<320x32xf32, #tpu.memory_space<vmem>>
      %dma_start3A_368 = arith.constant 0 : i32
      %dma_start3A_369 = arith.constant 0 : i32
      %dma_start3A_370 = tpu.memref_slice %arg9[%dma_start3A_368, %dma_start3A_369] : memref<50000x32xf32, #tpu.memory_space<vmem_shared>> -> memref<50000x32xf32, #tpu.memory_space<vmem_shared>>
      tpu.enqueue_indirect_dma source(%dma_start3A_367 : memref<320x32xf32, #tpu.memory_space<vmem>>) target(%dma_start3A_370 : memref<50000x32xf32, #tpu.memory_space<vmem_shared>>) offsets(%arg16 : memref<320xi32, #tpu.memory_space<vmem>>) semaphore(%arg29 : memref<!tpu.dma_semaphore, #tpu.memory_space<semaphore_mem>>) {add = true}
      %gt3A = arith.constant 0 : i32
      %gt3A_371 = arith.cmpi sgt, %add3A_354, %gt3A : i32
      %convert_element_type3A_372 = arith.extui %gt3A_371 : i1 to i32
      %cond3A_373 = arith.constant 0 : i32
      %cond3A_374 = arith.cmpi ne, %convert_element_type3A_372, %cond3A_373 : i32
      scf.if %cond3A_374 {
        %dma_wait3A_1059 = arith.constant 1 : i32
        %dma_wait3A_1060 = arith.constant 0 : i32
        %dma_wait3A_1061 = arith.constant 0 : i32
        %dma_wait3A_1062 = tpu.memref_slice %arg20[%dma_wait3A_1059, %dma_wait3A_1060, %dma_wait3A_1061] : memref<2x320x32xf32, #tpu.memory_space<vmem>> -> memref<1x320x32xf32, #tpu.memory_space<vmem>>
        %dma_wait3A_1063 = tpu.memref_squeeze %dma_wait3A_1062 : memref<1x320x32xf32, #tpu.memory_space<vmem>> -> memref<320x32xf32, #tpu.memory_space<vmem>>
        %dma_wait3A_1064 = arith.constant 0 : i32
        %dma_wait3A_1065 = arith.constant 0 : i32
        %dma_wait3A_1066 = tpu.memref_slice %arg9[%dma_wait3A_1064, %dma_wait3A_1065] : memref<50000x32xf32, #tpu.memory_space<vmem_shared>> -> memref<50000x32xf32, #tpu.memory_space<vmem_shared>>
        tpu.wait_indirect_dma semaphore(%arg29 : memref<!tpu.dma_semaphore, #tpu.memory_space<semaphore_mem>>) src(%dma_wait3A_1063 : memref<320x32xf32, #tpu.memory_space<vmem>>) dst(%dma_wait3A_1066 : memref<50000x32xf32, #tpu.memory_space<vmem_shared>>)
      } else {
      }
      %mul3A_375 = arith.constant 4 : i32
      %mul3A_376 = arith.muli %mul3A_375, %add3A_354 : i32
      %add3A_377 = arith.addi %mul3A_59, %mul3A_376 : i32
      %add3A_378 = arith.constant 0 : i32
      %add3A_379 = arith.addi %add3A_377, %add3A_378 : i32
      %add3A_380 = arith.constant 1 : i32
      %add3A_381 = arith.addi %add3A_379, %add3A_380 : i32
      %mul3A_382 = arith.constant 320 : i32
      %mul3A_383 = arith.muli %add3A_381, %mul3A_382 : i32
      %dma_wait3A_384 = arith.constant 0 : i32
      %dma_wait3A_385 = tpu.memref_slice %arg2[%dma_wait3A_384, %mul3A_383] : memref<2x800000xi32, #tpu.memory_space<hbm>> -> memref<1x320xi32, #tpu.memory_space<hbm>>
      %dma_wait3A_386 = tpu.memref_squeeze %dma_wait3A_385 : memref<1x320xi32, #tpu.memory_space<hbm>> -> memref<320xi32, #tpu.memory_space<hbm>>
      %dma_wait3A_387 = tpu.memref_slice %arg2[%dma_wait3A_384, %mul3A_383] : memref<2x800000xi32, #tpu.memory_space<hbm>> -> memref<1x320xi32, #tpu.memory_space<hbm>>
      %dma_wait3A_388 = tpu.memref_squeeze %dma_wait3A_387 : memref<1x320xi32, #tpu.memory_space<hbm>> -> memref<320xi32, #tpu.memory_space<hbm>>
      tpu.wait_dma2 semaphore(%arg30 : memref<!tpu.dma_semaphore, #tpu.memory_space<semaphore_mem>>) src(%dma_wait3A_388 : memref<320xi32, #tpu.memory_space<hbm>>) dst(%arg13 : memref<320xi32, #tpu.memory_space<vmem>>)
      %mul3A_389 = arith.constant 320 : i32
      %mul3A_390 = arith.muli %add3A_381, %mul3A_389 : i32
      %dma_wait3A_391 = arith.constant 1 : i32
      %dma_wait3A_392 = tpu.memref_slice %arg2[%dma_wait3A_391, %mul3A_390] : memref<2x800000xi32, #tpu.memory_space<hbm>> -> memref<1x320xi32, #tpu.memory_space<hbm>>
      %dma_wait3A_393 = tpu.memref_squeeze %dma_wait3A_392 : memref<1x320xi32, #tpu.memory_space<hbm>> -> memref<320xi32, #tpu.memory_space<hbm>>
      %dma_wait3A_394 = tpu.memref_slice %arg2[%dma_wait3A_391, %mul3A_390] : memref<2x800000xi32, #tpu.memory_space<hbm>> -> memref<1x320xi32, #tpu.memory_space<hbm>>
      %dma_wait3A_395 = tpu.memref_squeeze %dma_wait3A_394 : memref<1x320xi32, #tpu.memory_space<hbm>> -> memref<320xi32, #tpu.memory_space<hbm>>
      tpu.wait_dma2 semaphore(%arg30 : memref<!tpu.dma_semaphore, #tpu.memory_space<semaphore_mem>>) src(%dma_wait3A_395 : memref<320xi32, #tpu.memory_space<hbm>>) dst(%arg17 : memref<320xi32, #tpu.memory_space<vmem>>)
      %get3A_396 = arith.constant 0 : index
      %get3A_397 = tpu.vector_load %arg13[%get3A_396] {strides = array<i32>} : memref<320xi32, #tpu.memory_space<vmem>>, vector<16xi32>,
      %get3A_398 = vector.shape_cast %get3A_397 : vector<16xi32> to vector<16xi32>
      %add3A_399 = arith.addi %get3A_398, %broadcast_in_dim3A_60 : vector<16xi32>
      %swap3A_400 = arith.constant 0 : index
      %swap3A_401 = tpu.vector_load %arg13[%swap3A_400] {strides = array<i32>} : memref<320xi32, #tpu.memory_space<vmem>>, vector<16xi32>,
      %swap3A_402 = vector.shape_cast %swap3A_401 : vector<16xi32> to vector<16xi32>
      %swap3A_403 = vector.shape_cast %add3A_399 : vector<16xi32> to vector<16xi32>
      tpu.vector_store %arg13[%swap3A_400], %swap3A_403 {strides = array<i32>} : memref<320xi32, #tpu.memory_space<vmem>>, vector<16xi32>,
      %get3A_404 = arith.constant 16 : index
      %get3A_405 = tpu.vector_load %arg13[%get3A_404] {strides = array<i32>} : memref<320xi32, #tpu.memory_space<vmem>>, vector<16xi32>,
      %get3A_406 = vector.shape_cast %get3A_405 : vector<16xi32> to vector<16xi32>
      %add3A_407 = arith.addi %get3A_406, %broadcast_in_dim3A_60 : vector<16xi32>
      %swap3A_408 = arith.constant 16 : index
      %swap3A_409 = tpu.vector_load %arg13[%swap3A_408] {strides = array<i32>} : memref<320xi32, #tpu.memory_space<vmem>>, vector<16xi32>,
      %swap3A_410 = vector.shape_cast %swap3A_409 : vector<16xi32> to vector<16xi32>
      %swap3A_411 = vector.shape_cast %add3A_407 : vector<16xi32> to vector<16xi32>
      tpu.vector_store %arg13[%swap3A_408], %swap3A_411 {strides = array<i32>} : memref<320xi32, #tpu.memory_space<vmem>>, vector<16xi32>,
      %get3A_412 = arith.constant 32 : index
      %get3A_413 = tpu.vector_load %arg13[%get3A_412] {strides = array<i32>} : memref<320xi32, #tpu.memory_space<vmem>>, vector<16xi32>,
      %get3A_414 = vector.shape_cast %get3A_413 : vector<16xi32> to vector<16xi32>
      %add3A_415 = arith.addi %get3A_414, %broadcast_in_dim3A_60 : vector<16xi32>
      %swap3A_416 = arith.constant 32 : index
      %swap3A_417 = tpu.vector_load %arg13[%swap3A_416] {strides = array<i32>} : memref<320xi32, #tpu.memory_space<vmem>>, vector<16xi32>,
      %swap3A_418 = vector.shape_cast %swap3A_417 : vector<16xi32> to vector<16xi32>
      %swap3A_419 = vector.shape_cast %add3A_415 : vector<16xi32> to vector<16xi32>
      tpu.vector_store %arg13[%swap3A_416], %swap3A_419 {strides = array<i32>} : memref<320xi32, #tpu.memory_space<vmem>>, vector<16xi32>,
      %get3A_420 = arith.constant 48 : index
      %get3A_421 = tpu.vector_load %arg13[%get3A_420] {strides = array<i32>} : memref<320xi32, #tpu.memory_space<vmem>>, vector<16xi32>,
      %get3A_422 = vector.shape_cast %get3A_421 : vector<16xi32> to vector<16xi32>
      %add3A_423 = arith.addi %get3A_422, %broadcast_in_dim3A_60 : vector<16xi32>
      %swap3A_424 = arith.constant 48 : index
      %swap3A_425 = tpu.vector_load %arg13[%swap3A_424] {strides = array<i32>} : memref<320xi32, #tpu.memory_space<vmem>>, vector<16xi32>,
      %swap3A_426 = vector.shape_cast %swap3A_425 : vector<16xi32> to vector<16xi32>
      %swap3A_427 = vector.shape_cast %add3A_423 : vector<16xi32> to vector<16xi32>
      tpu.vector_store %arg13[%swap3A_424], %swap3A_427 {strides = array<i32>} : memref<320xi32, #tpu.memory_space<vmem>>, vector<16xi32>,
      %get3A_428 = arith.constant 64 : index
      %get3A_429 = tpu.vector_load %arg13[%get3A_428] {strides = array<i32>} : memref<320xi32, #tpu.memory_space<vmem>>, vector<16xi32>,
      %get3A_430 = vector.shape_cast %get3A_429 : vector<16xi32> to vector<16xi32>
      %add3A_431 = arith.addi %get3A_430, %broadcast_in_dim3A_60 : vector<16xi32>
      %swap3A_432 = arith.constant 64 : index
      %swap3A_433 = tpu.vector_load %arg13[%swap3A_432] {strides = array<i32>} : memref<320xi32, #tpu.memory_space<vmem>>, vector<16xi32>,
      %swap3A_434 = vector.shape_cast %swap3A_433 : vector<16xi32> to vector<16xi32>
      %swap3A_435 = vector.shape_cast %add3A_431 : vector<16xi32> to vector<16xi32>
      tpu.vector_store %arg13[%swap3A_432], %swap3A_435 {strides = array<i32>} : memref<320xi32, #tpu.memory_space<vmem>>, vector<16xi32>,
      %get3A_436 = arith.constant 80 : index
      %get3A_437 = tpu.vector_load %arg13[%get3A_436] {strides = array<i32>} : memref<320xi32, #tpu.memory_space<vmem>>, vector<16xi32>,
      %get3A_438 = vector.shape_cast %get3A_437 : vector<16xi32> to vector<16xi32>
      %add3A_439 = arith.addi %get3A_438, %broadcast_in_dim3A_60 : vector<16xi32>
      %swap3A_440 = arith.constant 80 : index
      %swap3A_441 = tpu.vector_load %arg13[%swap3A_440] {strides = array<i32>} : memref<320xi32, #tpu.memory_space<vmem>>, vector<16xi32>,
      %swap3A_442 = vector.shape_cast %swap3A_441 : vector<16xi32> to vector<16xi32>
      %swap3A_443 = vector.shape_cast %add3A_439 : vector<16xi32> to vector<16xi32>
      tpu.vector_store %arg13[%swap3A_440], %swap3A_443 {strides = array<i32>} : memref<320xi32, #tpu.memory_space<vmem>>, vector<16xi32>,
      %get3A_444 = arith.constant 96 : index
      %get3A_445 = tpu.vector_load %arg13[%get3A_444] {strides = array<i32>} : memref<320xi32, #tpu.memory_space<vmem>>, vector<16xi32>,
      %get3A_446 = vector.shape_cast %get3A_445 : vector<16xi32> to vector<16xi32>
      %add3A_447 = arith.addi %get3A_446, %broadcast_in_dim3A_60 : vector<16xi32>
      %swap3A_448 = arith.constant 96 : index
      %swap3A_449 = tpu.vector_load %arg13[%swap3A_448] {strides = array<i32>} : memref<320xi32, #tpu.memory_space<vmem>>, vector<16xi32>,
      %swap3A_450 = vector.shape_cast %swap3A_449 : vector<16xi32> to vector<16xi32>
      %swap3A_451 = vector.shape_cast %add3A_447 : vector<16xi32> to vector<16xi32>
      tpu.vector_store %arg13[%swap3A_448], %swap3A_451 {strides = array<i32>} : memref<320xi32, #tpu.memory_space<vmem>>, vector<16xi32>,
      %get3A_452 = arith.constant 112 : index
      %get3A_453 = tpu.vector_load %arg13[%get3A_452] {strides = array<i32>} : memref<320xi32, #tpu.memory_space<vmem>>, vector<16xi32>,
      %get3A_454 = vector.shape_cast %get3A_453 : vector<16xi32> to vector<16xi32>
      %add3A_455 = arith.addi %get3A_454, %broadcast_in_dim3A_60 : vector<16xi32>
      %swap3A_456 = arith.constant 112 : index
      %swap3A_457 = tpu.vector_load %arg13[%swap3A_456] {strides = array<i32>} : memref<320xi32, #tpu.memory_space<vmem>>, vector<16xi32>,
      %swap3A_458 = vector.shape_cast %swap3A_457 : vector<16xi32> to vector<16xi32>
      %swap3A_459 = vector.shape_cast %add3A_455 : vector<16xi32> to vector<16xi32>
      tpu.vector_store %arg13[%swap3A_456], %swap3A_459 {strides = array<i32>} : memref<320xi32, #tpu.memory_space<vmem>>, vector<16xi32>,
      %get3A_460 = arith.constant 128 : index
      %get3A_461 = tpu.vector_load %arg13[%get3A_460] {strides = array<i32>} : memref<320xi32, #tpu.memory_space<vmem>>, vector<16xi32>,
      %get3A_462 = vector.shape_cast %get3A_461 : vector<16xi32> to vector<16xi32>
      %add3A_463 = arith.addi %get3A_462, %broadcast_in_dim3A_60 : vector<16xi32>
      %swap3A_464 = arith.constant 128 : index
      %swap3A_465 = tpu.vector_load %arg13[%swap3A_464] {strides = array<i32>} : memref<320xi32, #tpu.memory_space<vmem>>, vector<16xi32>,
      %swap3A_466 = vector.shape_cast %swap3A_465 : vector<16xi32> to vector<16xi32>
      %swap3A_467 = vector.shape_cast %add3A_463 : vector<16xi32> to vector<16xi32>
      tpu.vector_store %arg13[%swap3A_464], %swap3A_467 {strides = array<i32>} : memref<320xi32, #tpu.memory_space<vmem>>, vector<16xi32>,
      %get3A_468 = arith.constant 144 : index
      %get3A_469 = tpu.vector_load %arg13[%get3A_468] {strides = array<i32>} : memref<320xi32, #tpu.memory_space<vmem>>, vector<16xi32>,
      %get3A_470 = vector.shape_cast %get3A_469 : vector<16xi32> to vector<16xi32>
      %add3A_471 = arith.addi %get3A_470, %broadcast_in_dim3A_60 : vector<16xi32>
      %swap3A_472 = arith.constant 144 : index
      %swap3A_473 = tpu.vector_load %arg13[%swap3A_472] {strides = array<i32>} : memref<320xi32, #tpu.memory_space<vmem>>, vector<16xi32>,
      %swap3A_474 = vector.shape_cast %swap3A_473 : vector<16xi32> to vector<16xi32>
      %swap3A_475 = vector.shape_cast %add3A_471 : vector<16xi32> to vector<16xi32>
      tpu.vector_store %arg13[%swap3A_472], %swap3A_475 {strides = array<i32>} : memref<320xi32, #tpu.memory_space<vmem>>, vector<16xi32>,
      %get3A_476 = arith.constant 160 : index
      %get3A_477 = tpu.vector_load %arg13[%get3A_476] {strides = array<i32>} : memref<320xi32, #tpu.memory_space<vmem>>, vector<16xi32>,
      %get3A_478 = vector.shape_cast %get3A_477 : vector<16xi32> to vector<16xi32>
      %add3A_479 = arith.addi %get3A_478, %broadcast_in_dim3A_60 : vector<16xi32>
      %swap3A_480 = arith.constant 160 : index
      %swap3A_481 = tpu.vector_load %arg13[%swap3A_480] {strides = array<i32>} : memref<320xi32, #tpu.memory_space<vmem>>, vector<16xi32>,
      %swap3A_482 = vector.shape_cast %swap3A_481 : vector<16xi32> to vector<16xi32>
      %swap3A_483 = vector.shape_cast %add3A_479 : vector<16xi32> to vector<16xi32>
      tpu.vector_store %arg13[%swap3A_480], %swap3A_483 {strides = array<i32>} : memref<320xi32, #tpu.memory_space<vmem>>, vector<16xi32>,
      %get3A_484 = arith.constant 176 : index
      %get3A_485 = tpu.vector_load %arg13[%get3A_484] {strides = array<i32>} : memref<320xi32, #tpu.memory_space<vmem>>, vector<16xi32>,
      %get3A_486 = vector.shape_cast %get3A_485 : vector<16xi32> to vector<16xi32>
      %add3A_487 = arith.addi %get3A_486, %broadcast_in_dim3A_60 : vector<16xi32>
      %swap3A_488 = arith.constant 176 : index
      %swap3A_489 = tpu.vector_load %arg13[%swap3A_488] {strides = array<i32>} : memref<320xi32, #tpu.memory_space<vmem>>, vector<16xi32>,
      %swap3A_490 = vector.shape_cast %swap3A_489 : vector<16xi32> to vector<16xi32>
      %swap3A_491 = vector.shape_cast %add3A_487 : vector<16xi32> to vector<16xi32>
      tpu.vector_store %arg13[%swap3A_488], %swap3A_491 {strides = array<i32>} : memref<320xi32, #tpu.memory_space<vmem>>, vector<16xi32>,
      %get3A_492 = arith.constant 192 : index
      %get3A_493 = tpu.vector_load %arg13[%get3A_492] {strides = array<i32>} : memref<320xi32, #tpu.memory_space<vmem>>, vector<16xi32>,
      %get3A_494 = vector.shape_cast %get3A_493 : vector<16xi32> to vector<16xi32>
      %add3A_495 = arith.addi %get3A_494, %broadcast_in_dim3A_60 : vector<16xi32>
      %swap3A_496 = arith.constant 192 : index
      %swap3A_497 = tpu.vector_load %arg13[%swap3A_496] {strides = array<i32>} : memref<320xi32, #tpu.memory_space<vmem>>, vector<16xi32>,
      %swap3A_498 = vector.shape_cast %swap3A_497 : vector<16xi32> to vector<16xi32>
      %swap3A_499 = vector.shape_cast %add3A_495 : vector<16xi32> to vector<16xi32>
      tpu.vector_store %arg13[%swap3A_496], %swap3A_499 {strides = array<i32>} : memref<320xi32, #tpu.memory_space<vmem>>, vector<16xi32>,
      %get3A_500 = arith.constant 208 : index
      %get3A_501 = tpu.vector_load %arg13[%get3A_500] {strides = array<i32>} : memref<320xi32, #tpu.memory_space<vmem>>, vector<16xi32>,
      %get3A_502 = vector.shape_cast %get3A_501 : vector<16xi32> to vector<16xi32>
      %add3A_503 = arith.addi %get3A_502, %broadcast_in_dim3A_60 : vector<16xi32>
      %swap3A_504 = arith.constant 208 : index
      %swap3A_505 = tpu.vector_load %arg13[%swap3A_504] {strides = array<i32>} : memref<320xi32, #tpu.memory_space<vmem>>, vector<16xi32>,
      %swap3A_506 = vector.shape_cast %swap3A_505 : vector<16xi32> to vector<16xi32>
      %swap3A_507 = vector.shape_cast %add3A_503 : vector<16xi32> to vector<16xi32>
      tpu.vector_store %arg13[%swap3A_504], %swap3A_507 {strides = array<i32>} : memref<320xi32, #tpu.memory_space<vmem>>, vector<16xi32>,
      %get3A_508 = arith.constant 224 : index
      %get3A_509 = tpu.vector_load %arg13[%get3A_508] {strides = array<i32>} : memref<320xi32, #tpu.memory_space<vmem>>, vector<16xi32>,
      %get3A_510 = vector.shape_cast %get3A_509 : vector<16xi32> to vector<16xi32>
      %add3A_511 = arith.addi %get3A_510, %broadcast_in_dim3A_60 : vector<16xi32>
      %swap3A_512 = arith.constant 224 : index
      %swap3A_513 = tpu.vector_load %arg13[%swap3A_512] {strides = array<i32>} : memref<320xi32, #tpu.memory_space<vmem>>, vector<16xi32>,
      %swap3A_514 = vector.shape_cast %swap3A_513 : vector<16xi32> to vector<16xi32>
      %swap3A_515 = vector.shape_cast %add3A_511 : vector<16xi32> to vector<16xi32>
      tpu.vector_store %arg13[%swap3A_512], %swap3A_515 {strides = array<i32>} : memref<320xi32, #tpu.memory_space<vmem>>, vector<16xi32>,
      %get3A_516 = arith.constant 240 : index
      %get3A_517 = tpu.vector_load %arg13[%get3A_516] {strides = array<i32>} : memref<320xi32, #tpu.memory_space<vmem>>, vector<16xi32>,
      %get3A_518 = vector.shape_cast %get3A_517 : vector<16xi32> to vector<16xi32>
      %add3A_519 = arith.addi %get3A_518, %broadcast_in_dim3A_60 : vector<16xi32>
      %swap3A_520 = arith.constant 240 : index
      %swap3A_521 = tpu.vector_load %arg13[%swap3A_520] {strides = array<i32>} : memref<320xi32, #tpu.memory_space<vmem>>, vector<16xi32>,
      %swap3A_522 = vector.shape_cast %swap3A_521 : vector<16xi32> to vector<16xi32>
      %swap3A_523 = vector.shape_cast %add3A_519 : vector<16xi32> to vector<16xi32>
      tpu.vector_store %arg13[%swap3A_520], %swap3A_523 {strides = array<i32>} : memref<320xi32, #tpu.memory_space<vmem>>, vector<16xi32>,
      %get3A_524 = arith.constant 256 : index
      %get3A_525 = tpu.vector_load %arg13[%get3A_524] {strides = array<i32>} : memref<320xi32, #tpu.memory_space<vmem>>, vector<16xi32>,
      %get3A_526 = vector.shape_cast %get3A_525 : vector<16xi32> to vector<16xi32>
      %add3A_527 = arith.addi %get3A_526, %broadcast_in_dim3A_60 : vector<16xi32>
      %swap3A_528 = arith.constant 256 : index
      %swap3A_529 = tpu.vector_load %arg13[%swap3A_528] {strides = array<i32>} : memref<320xi32, #tpu.memory_space<vmem>>, vector<16xi32>,
      %swap3A_530 = vector.shape_cast %swap3A_529 : vector<16xi32> to vector<16xi32>
      %swap3A_531 = vector.shape_cast %add3A_527 : vector<16xi32> to vector<16xi32>
      tpu.vector_store %arg13[%swap3A_528], %swap3A_531 {strides = array<i32>} : memref<320xi32, #tpu.memory_space<vmem>>, vector<16xi32>,
      %get3A_532 = arith.constant 272 : index
      %get3A_533 = tpu.vector_load %arg13[%get3A_532] {strides = array<i32>} : memref<320xi32, #tpu.memory_space<vmem>>, vector<16xi32>,
      %get3A_534 = vector.shape_cast %get3A_533 : vector<16xi32> to vector<16xi32>
      %add3A_535 = arith.addi %get3A_534, %broadcast_in_dim3A_60 : vector<16xi32>
      %swap3A_536 = arith.constant 272 : index
      %swap3A_537 = tpu.vector_load %arg13[%swap3A_536] {strides = array<i32>} : memref<320xi32, #tpu.memory_space<vmem>>, vector<16xi32>,
      %swap3A_538 = vector.shape_cast %swap3A_537 : vector<16xi32> to vector<16xi32>
      %swap3A_539 = vector.shape_cast %add3A_535 : vector<16xi32> to vector<16xi32>
      tpu.vector_store %arg13[%swap3A_536], %swap3A_539 {strides = array<i32>} : memref<320xi32, #tpu.memory_space<vmem>>, vector<16xi32>,
      %get3A_540 = arith.constant 288 : index
      %get3A_541 = tpu.vector_load %arg13[%get3A_540] {strides = array<i32>} : memref<320xi32, #tpu.memory_space<vmem>>, vector<16xi32>,
      %get3A_542 = vector.shape_cast %get3A_541 : vector<16xi32> to vector<16xi32>
      %add3A_543 = arith.addi %get3A_542, %broadcast_in_dim3A_60 : vector<16xi32>
      %swap3A_544 = arith.constant 288 : index
      %swap3A_545 = tpu.vector_load %arg13[%swap3A_544] {strides = array<i32>} : memref<320xi32, #tpu.memory_space<vmem>>, vector<16xi32>,
      %swap3A_546 = vector.shape_cast %swap3A_545 : vector<16xi32> to vector<16xi32>
      %swap3A_547 = vector.shape_cast %add3A_543 : vector<16xi32> to vector<16xi32>
      tpu.vector_store %arg13[%swap3A_544], %swap3A_547 {strides = array<i32>} : memref<320xi32, #tpu.memory_space<vmem>>, vector<16xi32>,
      %get3A_548 = arith.constant 304 : index
      %get3A_549 = tpu.vector_load %arg13[%get3A_548] {strides = array<i32>} : memref<320xi32, #tpu.memory_space<vmem>>, vector<16xi32>,
      %get3A_550 = vector.shape_cast %get3A_549 : vector<16xi32> to vector<16xi32>
      %add3A_551 = arith.addi %get3A_550, %broadcast_in_dim3A_60 : vector<16xi32>
      %swap3A_552 = arith.constant 304 : index
      %swap3A_553 = tpu.vector_load %arg13[%swap3A_552] {strides = array<i32>} : memref<320xi32, #tpu.memory_space<vmem>>, vector<16xi32>,
      %swap3A_554 = vector.shape_cast %swap3A_553 : vector<16xi32> to vector<16xi32>
      %swap3A_555 = vector.shape_cast %add3A_551 : vector<16xi32> to vector<16xi32>
      tpu.vector_store %arg13[%swap3A_552], %swap3A_555 {strides = array<i32>} : memref<320xi32, #tpu.memory_space<vmem>>, vector<16xi32>,
      %dma_start3A_556 = arith.constant 1 : i32
      %dma_start3A_557 = arith.constant 0 : i32
      %dma_start3A_558 = arith.constant 0 : i32
      %dma_start3A_559 = tpu.memref_slice %arg20[%dma_start3A_556, %dma_start3A_557, %dma_start3A_558] : memref<2x320x32xf32, #tpu.memory_space<vmem>> -> memref<1x320x32xf32, #tpu.memory_space<vmem>>
      %dma_start3A_560 = tpu.memref_squeeze %dma_start3A_559 : memref<1x320x32xf32, #tpu.memory_space<vmem>> -> memref<320x32xf32, #tpu.memory_space<vmem>>
      %dma_start3A_561 = arith.constant 0 : i32
      %dma_start3A_562 = arith.constant 0 : i32
      %dma_start3A_563 = tpu.memref_slice %arg3[%dma_start3A_561, %dma_start3A_562] : memref<100000x32xf32, #tpu.memory_space<hbm>> -> memref<100000x32xf32, #tpu.memory_space<hbm>>
      tpu.enqueue_indirect_dma source(%dma_start3A_563 : memref<100000x32xf32, #tpu.memory_space<hbm>>) target(%dma_start3A_560 : memref<320x32xf32, #tpu.memory_space<vmem>>) offsets(%arg13 : memref<320xi32, #tpu.memory_space<vmem>>) semaphore(%arg28 : memref<!tpu.dma_semaphore, #tpu.memory_space<semaphore_mem>>)
      %mul3A_564 = arith.constant 4 : i32
      %mul3A_565 = arith.muli %mul3A_564, %add3A_354 : i32
      %add3A_566 = arith.addi %mul3A_59, %mul3A_565 : i32
      %add3A_567 = arith.constant 0 : i32
      %add3A_568 = arith.addi %add3A_566, %add3A_567 : i32
      %add3A_569 = arith.constant 3 : i32
      %add3A_570 = arith.addi %add3A_568, %add3A_569 : i32
      %mul3A_571 = arith.constant 320 : i32
      %mul3A_572 = arith.muli %add3A_570, %mul3A_571 : i32
      %dma_start3A_573 = arith.constant 0 : i32
      %dma_start3A_574 = tpu.memref_slice %arg2[%dma_start3A_573, %mul3A_572] : memref<2x800000xi32, #tpu.memory_space<hbm>> -> memref<1x320xi32, #tpu.memory_space<hbm>>
      %dma_start3A_575 = tpu.memref_squeeze %dma_start3A_574 : memref<1x320xi32, #tpu.memory_space<hbm>> -> memref<320xi32, #tpu.memory_space<hbm>>
      %dma_start3A_576 = tpu.memref_slice %arg2[%dma_start3A_573, %mul3A_572] : memref<2x800000xi32, #tpu.memory_space<hbm>> -> memref<1x320xi32, #tpu.memory_space<hbm>>
      %dma_start3A_577 = tpu.memref_squeeze %dma_start3A_576 : memref<1x320xi32, #tpu.memory_space<hbm>> -> memref<320xi32, #tpu.memory_space<hbm>>
      tpu.enqueue_dma source(%dma_start3A_577 : memref<320xi32, #tpu.memory_space<hbm>>) target(%arg15 : memref<320xi32, #tpu.memory_space<vmem>>) target_semaphore(%arg30 : memref<!tpu.dma_semaphore, #tpu.memory_space<semaphore_mem>>)
      %mul3A_578 = arith.constant 320 : i32
      %mul3A_579 = arith.muli %add3A_570, %mul3A_578 : i32
      %dma_start3A_580 = arith.constant 1 : i32
      %dma_start3A_581 = tpu.memref_slice %arg2[%dma_start3A_580, %mul3A_579] : memref<2x800000xi32, #tpu.memory_space<hbm>> -> memref<1x320xi32, #tpu.memory_space<hbm>>
      %dma_start3A_582 = tpu.memref_squeeze %dma_start3A_581 : memref<1x320xi32, #tpu.memory_space<hbm>> -> memref<320xi32, #tpu.memory_space<hbm>>
      %dma_start3A_583 = tpu.memref_slice %arg2[%dma_start3A_580, %mul3A_579] : memref<2x800000xi32, #tpu.memory_space<hbm>> -> memref<1x320xi32, #tpu.memory_space<hbm>>
      %dma_start3A_584 = tpu.memref_squeeze %dma_start3A_583 : memref<1x320xi32, #tpu.memory_space<hbm>> -> memref<320xi32, #tpu.memory_space<hbm>>
      tpu.enqueue_dma source(%dma_start3A_584 : memref<320xi32, #tpu.memory_space<hbm>>) target(%arg19 : memref<320xi32, #tpu.memory_space<vmem>>) target_semaphore(%arg30 : memref<!tpu.dma_semaphore, #tpu.memory_space<semaphore_mem>>)
      %dma_wait3A_585 = arith.constant 1 : i32
      %dma_wait3A_586 = arith.constant 0 : i32
      %dma_wait3A_587 = arith.constant 0 : i32
      %dma_wait3A_588 = tpu.memref_slice %arg20[%dma_wait3A_585, %dma_wait3A_586, %dma_wait3A_587] : memref<2x320x32xf32, #tpu.memory_space<vmem>> -> memref<1x320x32xf32, #tpu.memory_space<vmem>>
      %dma_wait3A_589 = tpu.memref_squeeze %dma_wait3A_588 : memref<1x320x32xf32, #tpu.memory_space<vmem>> -> memref<320x32xf32, #tpu.memory_space<vmem>>
      %dma_wait3A_590 = arith.constant 0 : i32
      %dma_wait3A_591 = arith.constant 0 : i32
      %dma_wait3A_592 = tpu.memref_slice %arg3[%dma_wait3A_590, %dma_wait3A_591] : memref<100000x32xf32, #tpu.memory_space<hbm>> -> memref<100000x32xf32, #tpu.memory_space<hbm>>
      tpu.wait_indirect_dma semaphore(%arg28 : memref<!tpu.dma_semaphore, #tpu.memory_space<semaphore_mem>>) src(%dma_wait3A_592 : memref<100000x32xf32, #tpu.memory_space<hbm>>) dst(%dma_wait3A_589 : memref<320x32xf32, #tpu.memory_space<vmem>>)
      %dma_start3A_593 = arith.constant 1 : i32
      %dma_start3A_594 = arith.constant 0 : i32
      %dma_start3A_595 = arith.constant 0 : i32
      %dma_start3A_596 = tpu.memref_slice %arg20[%dma_start3A_593, %dma_start3A_594, %dma_start3A_595] : memref<2x320x32xf32, #tpu.memory_space<vmem>> -> memref<1x320x32xf32, #tpu.memory_space<vmem>>
      %dma_start3A_597 = tpu.memref_squeeze %dma_start3A_596 : memref<1x320x32xf32, #tpu.memory_space<vmem>> -> memref<320x32xf32, #tpu.memory_space<vmem>>
      %dma_start3A_598 = arith.constant 0 : i32
      %dma_start3A_599 = arith.constant 0 : i32
      %dma_start3A_600 = tpu.memref_slice %arg9[%dma_start3A_598, %dma_start3A_599] : memref<50000x32xf32, #tpu.memory_space<vmem_shared>> -> memref<50000x32xf32, #tpu.memory_space<vmem_shared>>
      tpu.enqueue_indirect_dma source(%dma_start3A_597 : memref<320x32xf32, #tpu.memory_space<vmem>>) target(%dma_start3A_600 : memref<50000x32xf32, #tpu.memory_space<vmem_shared>>) offsets(%arg17 : memref<320xi32, #tpu.memory_space<vmem>>) semaphore(%arg29 : memref<!tpu.dma_semaphore, #tpu.memory_space<semaphore_mem>>) {add = true}
      %dma_wait3A_601 = arith.constant 0 : i32
      %dma_wait3A_602 = arith.constant 0 : i32
      %dma_wait3A_603 = arith.constant 0 : i32
      %dma_wait3A_604 = tpu.memref_slice %arg20[%dma_wait3A_601, %dma_wait3A_602, %dma_wait3A_603] : memref<2x320x32xf32, #tpu.memory_space<vmem>> -> memref<1x320x32xf32, #tpu.memory_space<vmem>>
      %dma_wait3A_605 = tpu.memref_squeeze %dma_wait3A_604 : memref<1x320x32xf32, #tpu.memory_space<vmem>> -> memref<320x32xf32, #tpu.memory_space<vmem>>
      %dma_wait3A_606 = arith.constant 0 : i32
      %dma_wait3A_607 = arith.constant 0 : i32
      %dma_wait3A_608 = tpu.memref_slice %arg9[%dma_wait3A_606, %dma_wait3A_607] : memref<50000x32xf32, #tpu.memory_space<vmem_shared>> -> memref<50000x32xf32, #tpu.memory_space<vmem_shared>>
      tpu.wait_indirect_dma semaphore(%arg29 : memref<!tpu.dma_semaphore, #tpu.memory_space<semaphore_mem>>) src(%dma_wait3A_605 : memref<320x32xf32, #tpu.memory_space<vmem>>) dst(%dma_wait3A_608 : memref<50000x32xf32, #tpu.memory_space<vmem_shared>>)
      %mul3A_609 = arith.constant 4 : i32
      %mul3A_610 = arith.muli %mul3A_609, %add3A_354 : i32
      %add3A_611 = arith.addi %mul3A_59, %mul3A_610 : i32
      %add3A_612 = arith.constant 1 : i32
      %add3A_613 = arith.addi %add3A_611, %add3A_612 : i32
      %add3A_614 = arith.constant 1 : i32
      %add3A_615 = arith.addi %add3A_613, %add3A_614 : i32
      %mul3A_616 = arith.constant 320 : i32
      %mul3A_617 = arith.muli %add3A_615, %mul3A_616 : i32
      %dma_wait3A_618 = arith.constant 0 : i32
      %dma_wait3A_619 = tpu.memref_slice %arg2[%dma_wait3A_618, %mul3A_617] : memref<2x800000xi32, #tpu.memory_space<hbm>> -> memref<1x320xi32, #tpu.memory_space<hbm>>
      %dma_wait3A_620 = tpu.memref_squeeze %dma_wait3A_619 : memref<1x320xi32, #tpu.memory_space<hbm>> -> memref<320xi32, #tpu.memory_space<hbm>>
      %dma_wait3A_621 = tpu.memref_slice %arg2[%dma_wait3A_618, %mul3A_617] : memref<2x800000xi32, #tpu.memory_space<hbm>> -> memref<1x320xi32, #tpu.memory_space<hbm>>
      %dma_wait3A_622 = tpu.memref_squeeze %dma_wait3A_621 : memref<1x320xi32, #tpu.memory_space<hbm>> -> memref<320xi32, #tpu.memory_space<hbm>>
      tpu.wait_dma2 semaphore(%arg30 : memref<!tpu.dma_semaphore, #tpu.memory_space<semaphore_mem>>) src(%dma_wait3A_622 : memref<320xi32, #tpu.memory_space<hbm>>) dst(%arg14 : memref<320xi32, #tpu.memory_space<vmem>>)
      %mul3A_623 = arith.constant 320 : i32
      %mul3A_624 = arith.muli %add3A_615, %mul3A_623 : i32
      %dma_wait3A_625 = arith.constant 1 : i32
      %dma_wait3A_626 = tpu.memref_slice %arg2[%dma_wait3A_625, %mul3A_624] : memref<2x800000xi32, #tpu.memory_space<hbm>> -> memref<1x320xi32, #tpu.memory_space<hbm>>
      %dma_wait3A_627 = tpu.memref_squeeze %dma_wait3A_626 : memref<1x320xi32, #tpu.memory_space<hbm>> -> memref<320xi32, #tpu.memory_space<hbm>>
      %dma_wait3A_628 = tpu.memref_slice %arg2[%dma_wait3A_625, %mul3A_624] : memref<2x800000xi32, #tpu.memory_space<hbm>> -> memref<1x320xi32, #tpu.memory_space<hbm>>
      %dma_wait3A_629 = tpu.memref_squeeze %dma_wait3A_628 : memref<1x320xi32, #tpu.memory_space<hbm>> -> memref<320xi32, #tpu.memory_space<hbm>>
      tpu.wait_dma2 semaphore(%arg30 : memref<!tpu.dma_semaphore, #tpu.memory_space<semaphore_mem>>) src(%dma_wait3A_629 : memref<320xi32, #tpu.memory_space<hbm>>) dst(%arg18 : memref<320xi32, #tpu.memory_space<vmem>>)
      %get3A_630 = arith.constant 0 : index
      %get3A_631 = tpu.vector_load %arg14[%get3A_630] {strides = array<i32>} : memref<320xi32, #tpu.memory_space<vmem>>, vector<16xi32>,
      %get3A_632 = vector.shape_cast %get3A_631 : vector<16xi32> to vector<16xi32>
      %add3A_633 = arith.addi %get3A_632, %broadcast_in_dim3A_60 : vector<16xi32>
      %swap3A_634 = arith.constant 0 : index
      %swap3A_635 = tpu.vector_load %arg14[%swap3A_634] {strides = array<i32>} : memref<320xi32, #tpu.memory_space<vmem>>, vector<16xi32>,
      %swap3A_636 = vector.shape_cast %swap3A_635 : vector<16xi32> to vector<16xi32>
      %swap3A_637 = vector.shape_cast %add3A_633 : vector<16xi32> to vector<16xi32>
      tpu.vector_store %arg14[%swap3A_634], %swap3A_637 {strides = array<i32>} : memref<320xi32, #tpu.memory_space<vmem>>, vector<16xi32>,
      %get3A_638 = arith.constant 16 : index
      %get3A_639 = tpu.vector_load %arg14[%get3A_638] {strides = array<i32>} : memref<320xi32, #tpu.memory_space<vmem>>, vector<16xi32>,
      %get3A_640 = vector.shape_cast %get3A_639 : vector<16xi32> to vector<16xi32>
      %add3A_641 = arith.addi %get3A_640, %broadcast_in_dim3A_60 : vector<16xi32>
      %swap3A_642 = arith.constant 16 : index
      %swap3A_643 = tpu.vector_load %arg14[%swap3A_642] {strides = array<i32>} : memref<320xi32, #tpu.memory_space<vmem>>, vector<16xi32>,
      %swap3A_644 = vector.shape_cast %swap3A_643 : vector<16xi32> to vector<16xi32>
      %swap3A_645 = vector.shape_cast %add3A_641 : vector<16xi32> to vector<16xi32>
      tpu.vector_store %arg14[%swap3A_642], %swap3A_645 {strides = array<i32>} : memref<320xi32, #tpu.memory_space<vmem>>, vector<16xi32>,
      %get3A_646 = arith.constant 32 : index
      %get3A_647 = tpu.vector_load %arg14[%get3A_646] {strides = array<i32>} : memref<320xi32, #tpu.memory_space<vmem>>, vector<16xi32>,
      %get3A_648 = vector.shape_cast %get3A_647 : vector<16xi32> to vector<16xi32>
      %add3A_649 = arith.addi %get3A_648, %broadcast_in_dim3A_60 : vector<16xi32>
      %swap3A_650 = arith.constant 32 : index
      %swap3A_651 = tpu.vector_load %arg14[%swap3A_650] {strides = array<i32>} : memref<320xi32, #tpu.memory_space<vmem>>, vector<16xi32>,
      %swap3A_652 = vector.shape_cast %swap3A_651 : vector<16xi32> to vector<16xi32>
      %swap3A_653 = vector.shape_cast %add3A_649 : vector<16xi32> to vector<16xi32>
      tpu.vector_store %arg14[%swap3A_650], %swap3A_653 {strides = array<i32>} : memref<320xi32, #tpu.memory_space<vmem>>, vector<16xi32>,
      %get3A_654 = arith.constant 48 : index
      %get3A_655 = tpu.vector_load %arg14[%get3A_654] {strides = array<i32>} : memref<320xi32, #tpu.memory_space<vmem>>, vector<16xi32>,
      %get3A_656 = vector.shape_cast %get3A_655 : vector<16xi32> to vector<16xi32>
      %add3A_657 = arith.addi %get3A_656, %broadcast_in_dim3A_60 : vector<16xi32>
      %swap3A_658 = arith.constant 48 : index
      %swap3A_659 = tpu.vector_load %arg14[%swap3A_658] {strides = array<i32>} : memref<320xi32, #tpu.memory_space<vmem>>, vector<16xi32>,
      %swap3A_660 = vector.shape_cast %swap3A_659 : vector<16xi32> to vector<16xi32>
      %swap3A_661 = vector.shape_cast %add3A_657 : vector<16xi32> to vector<16xi32>
      tpu.vector_store %arg14[%swap3A_658], %swap3A_661 {strides = array<i32>} : memref<320xi32, #tpu.memory_space<vmem>>, vector<16xi32>,
      %get3A_662 = arith.constant 64 : index
      %get3A_663 = tpu.vector_load %arg14[%get3A_662] {strides = array<i32>} : memref<320xi32, #tpu.memory_space<vmem>>, vector<16xi32>,
      %get3A_664 = vector.shape_cast %get3A_663 : vector<16xi32> to vector<16xi32>
      %add3A_665 = arith.addi %get3A_664, %broadcast_in_dim3A_60 : vector<16xi32>
      %swap3A_666 = arith.constant 64 : index
      %swap3A_667 = tpu.vector_load %arg14[%swap3A_666] {strides = array<i32>} : memref<320xi32, #tpu.memory_space<vmem>>, vector<16xi32>,
      %swap3A_668 = vector.shape_cast %swap3A_667 : vector<16xi32> to vector<16xi32>
      %swap3A_669 = vector.shape_cast %add3A_665 : vector<16xi32> to vector<16xi32>
      tpu.vector_store %arg14[%swap3A_666], %swap3A_669 {strides = array<i32>} : memref<320xi32, #tpu.memory_space<vmem>>, vector<16xi32>,
      %get3A_670 = arith.constant 80 : index
      %get3A_671 = tpu.vector_load %arg14[%get3A_670] {strides = array<i32>} : memref<320xi32, #tpu.memory_space<vmem>>, vector<16xi32>,
      %get3A_672 = vector.shape_cast %get3A_671 : vector<16xi32> to vector<16xi32>
      %add3A_673 = arith.addi %get3A_672, %broadcast_in_dim3A_60 : vector<16xi32>
      %swap3A_674 = arith.constant 80 : index
      %swap3A_675 = tpu.vector_load %arg14[%swap3A_674] {strides = array<i32>} : memref<320xi32, #tpu.memory_space<vmem>>, vector<16xi32>,
      %swap3A_676 = vector.shape_cast %swap3A_675 : vector<16xi32> to vector<16xi32>
      %swap3A_677 = vector.shape_cast %add3A_673 : vector<16xi32> to vector<16xi32>
      tpu.vector_store %arg14[%swap3A_674], %swap3A_677 {strides = array<i32>} : memref<320xi32, #tpu.memory_space<vmem>>, vector<16xi32>,
      %get3A_678 = arith.constant 96 : index
      %get3A_679 = tpu.vector_load %arg14[%get3A_678] {strides = array<i32>} : memref<320xi32, #tpu.memory_space<vmem>>, vector<16xi32>,
      %get3A_680 = vector.shape_cast %get3A_679 : vector<16xi32> to vector<16xi32>
      %add3A_681 = arith.addi %get3A_680, %broadcast_in_dim3A_60 : vector<16xi32>
      %swap3A_682 = arith.constant 96 : index
      %swap3A_683 = tpu.vector_load %arg14[%swap3A_682] {strides = array<i32>} : memref<320xi32, #tpu.memory_space<vmem>>, vector<16xi32>,
      %swap3A_684 = vector.shape_cast %swap3A_683 : vector<16xi32> to vector<16xi32>
      %swap3A_685 = vector.shape_cast %add3A_681 : vector<16xi32> to vector<16xi32>
      tpu.vector_store %arg14[%swap3A_682], %swap3A_685 {strides = array<i32>} : memref<320xi32, #tpu.memory_space<vmem>>, vector<16xi32>,
      %get3A_686 = arith.constant 112 : index
      %get3A_687 = tpu.vector_load %arg14[%get3A_686] {strides = array<i32>} : memref<320xi32, #tpu.memory_space<vmem>>, vector<16xi32>,
      %get3A_688 = vector.shape_cast %get3A_687 : vector<16xi32> to vector<16xi32>
      %add3A_689 = arith.addi %get3A_688, %broadcast_in_dim3A_60 : vector<16xi32>
      %swap3A_690 = arith.constant 112 : index
      %swap3A_691 = tpu.vector_load %arg14[%swap3A_690] {strides = array<i32>} : memref<320xi32, #tpu.memory_space<vmem>>, vector<16xi32>,
      %swap3A_692 = vector.shape_cast %swap3A_691 : vector<16xi32> to vector<16xi32>
      %swap3A_693 = vector.shape_cast %add3A_689 : vector<16xi32> to vector<16xi32>
      tpu.vector_store %arg14[%swap3A_690], %swap3A_693 {strides = array<i32>} : memref<320xi32, #tpu.memory_space<vmem>>, vector<16xi32>,
      %get3A_694 = arith.constant 128 : index
      %get3A_695 = tpu.vector_load %arg14[%get3A_694] {strides = array<i32>} : memref<320xi32, #tpu.memory_space<vmem>>, vector<16xi32>,
      %get3A_696 = vector.shape_cast %get3A_695 : vector<16xi32> to vector<16xi32>
      %add3A_697 = arith.addi %get3A_696, %broadcast_in_dim3A_60 : vector<16xi32>
      %swap3A_698 = arith.constant 128 : index
      %swap3A_699 = tpu.vector_load %arg14[%swap3A_698] {strides = array<i32>} : memref<320xi32, #tpu.memory_space<vmem>>, vector<16xi32>,
      %swap3A_700 = vector.shape_cast %swap3A_699 : vector<16xi32> to vector<16xi32>
      %swap3A_701 = vector.shape_cast %add3A_697 : vector<16xi32> to vector<16xi32>
      tpu.vector_store %arg14[%swap3A_698], %swap3A_701 {strides = array<i32>} : memref<320xi32, #tpu.memory_space<vmem>>, vector<16xi32>,
      %get3A_702 = arith.constant 144 : index
      %get3A_703 = tpu.vector_load %arg14[%get3A_702] {strides = array<i32>} : memref<320xi32, #tpu.memory_space<vmem>>, vector<16xi32>,
      %get3A_704 = vector.shape_cast %get3A_703 : vector<16xi32> to vector<16xi32>
      %add3A_705 = arith.addi %get3A_704, %broadcast_in_dim3A_60 : vector<16xi32>
      %swap3A_706 = arith.constant 144 : index
      %swap3A_707 = tpu.vector_load %arg14[%swap3A_706] {strides = array<i32>} : memref<320xi32, #tpu.memory_space<vmem>>, vector<16xi32>,
      %swap3A_708 = vector.shape_cast %swap3A_707 : vector<16xi32> to vector<16xi32>
      %swap3A_709 = vector.shape_cast %add3A_705 : vector<16xi32> to vector<16xi32>
      tpu.vector_store %arg14[%swap3A_706], %swap3A_709 {strides = array<i32>} : memref<320xi32, #tpu.memory_space<vmem>>, vector<16xi32>,
      %get3A_710 = arith.constant 160 : index
      %get3A_711 = tpu.vector_load %arg14[%get3A_710] {strides = array<i32>} : memref<320xi32, #tpu.memory_space<vmem>>, vector<16xi32>,
      %get3A_712 = vector.shape_cast %get3A_711 : vector<16xi32> to vector<16xi32>
      %add3A_713 = arith.addi %get3A_712, %broadcast_in_dim3A_60 : vector<16xi32>
      %swap3A_714 = arith.constant 160 : index
      %swap3A_715 = tpu.vector_load %arg14[%swap3A_714] {strides = array<i32>} : memref<320xi32, #tpu.memory_space<vmem>>, vector<16xi32>,
      %swap3A_716 = vector.shape_cast %swap3A_715 : vector<16xi32> to vector<16xi32>
      %swap3A_717 = vector.shape_cast %add3A_713 : vector<16xi32> to vector<16xi32>
      tpu.vector_store %arg14[%swap3A_714], %swap3A_717 {strides = array<i32>} : memref<320xi32, #tpu.memory_space<vmem>>, vector<16xi32>,
      %get3A_718 = arith.constant 176 : index
      %get3A_719 = tpu.vector_load %arg14[%get3A_718] {strides = array<i32>} : memref<320xi32, #tpu.memory_space<vmem>>, vector<16xi32>,
      %get3A_720 = vector.shape_cast %get3A_719 : vector<16xi32> to vector<16xi32>
      %add3A_721 = arith.addi %get3A_720, %broadcast_in_dim3A_60 : vector<16xi32>
      %swap3A_722 = arith.constant 176 : index
      %swap3A_723 = tpu.vector_load %arg14[%swap3A_722] {strides = array<i32>} : memref<320xi32, #tpu.memory_space<vmem>>, vector<16xi32>,
      %swap3A_724 = vector.shape_cast %swap3A_723 : vector<16xi32> to vector<16xi32>
      %swap3A_725 = vector.shape_cast %add3A_721 : vector<16xi32> to vector<16xi32>
      tpu.vector_store %arg14[%swap3A_722], %swap3A_725 {strides = array<i32>} : memref<320xi32, #tpu.memory_space<vmem>>, vector<16xi32>,
      %get3A_726 = arith.constant 192 : index
      %get3A_727 = tpu.vector_load %arg14[%get3A_726] {strides = array<i32>} : memref<320xi32, #tpu.memory_space<vmem>>, vector<16xi32>,
      %get3A_728 = vector.shape_cast %get3A_727 : vector<16xi32> to vector<16xi32>
      %add3A_729 = arith.addi %get3A_728, %broadcast_in_dim3A_60 : vector<16xi32>
      %swap3A_730 = arith.constant 192 : index
      %swap3A_731 = tpu.vector_load %arg14[%swap3A_730] {strides = array<i32>} : memref<320xi32, #tpu.memory_space<vmem>>, vector<16xi32>,
      %swap3A_732 = vector.shape_cast %swap3A_731 : vector<16xi32> to vector<16xi32>
      %swap3A_733 = vector.shape_cast %add3A_729 : vector<16xi32> to vector<16xi32>
      tpu.vector_store %arg14[%swap3A_730], %swap3A_733 {strides = array<i32>} : memref<320xi32, #tpu.memory_space<vmem>>, vector<16xi32>,
      %get3A_734 = arith.constant 208 : index
      %get3A_735 = tpu.vector_load %arg14[%get3A_734] {strides = array<i32>} : memref<320xi32, #tpu.memory_space<vmem>>, vector<16xi32>,
      %get3A_736 = vector.shape_cast %get3A_735 : vector<16xi32> to vector<16xi32>
      %add3A_737 = arith.addi %get3A_736, %broadcast_in_dim3A_60 : vector<16xi32>
      %swap3A_738 = arith.constant 208 : index
      %swap3A_739 = tpu.vector_load %arg14[%swap3A_738] {strides = array<i32>} : memref<320xi32, #tpu.memory_space<vmem>>, vector<16xi32>,
      %swap3A_740 = vector.shape_cast %swap3A_739 : vector<16xi32> to vector<16xi32>
      %swap3A_741 = vector.shape_cast %add3A_737 : vector<16xi32> to vector<16xi32>
      tpu.vector_store %arg14[%swap3A_738], %swap3A_741 {strides = array<i32>} : memref<320xi32, #tpu.memory_space<vmem>>, vector<16xi32>,
      %get3A_742 = arith.constant 224 : index
      %get3A_743 = tpu.vector_load %arg14[%get3A_742] {strides = array<i32>} : memref<320xi32, #tpu.memory_space<vmem>>, vector<16xi32>,
      %get3A_744 = vector.shape_cast %get3A_743 : vector<16xi32> to vector<16xi32>
      %add3A_745 = arith.addi %get3A_744, %broadcast_in_dim3A_60 : vector<16xi32>
      %swap3A_746 = arith.constant 224 : index
      %swap3A_747 = tpu.vector_load %arg14[%swap3A_746] {strides = array<i32>} : memref<320xi32, #tpu.memory_space<vmem>>, vector<16xi32>,
      %swap3A_748 = vector.shape_cast %swap3A_747 : vector<16xi32> to vector<16xi32>
      %swap3A_749 = vector.shape_cast %add3A_745 : vector<16xi32> to vector<16xi32>
      tpu.vector_store %arg14[%swap3A_746], %swap3A_749 {strides = array<i32>} : memref<320xi32, #tpu.memory_space<vmem>>, vector<16xi32>,
      %get3A_750 = arith.constant 240 : index
      %get3A_751 = tpu.vector_load %arg14[%get3A_750] {strides = array<i32>} : memref<320xi32, #tpu.memory_space<vmem>>, vector<16xi32>,
      %get3A_752 = vector.shape_cast %get3A_751 : vector<16xi32> to vector<16xi32>
      %add3A_753 = arith.addi %get3A_752, %broadcast_in_dim3A_60 : vector<16xi32>
      %swap3A_754 = arith.constant 240 : index
      %swap3A_755 = tpu.vector_load %arg14[%swap3A_754] {strides = array<i32>} : memref<320xi32, #tpu.memory_space<vmem>>, vector<16xi32>,
      %swap3A_756 = vector.shape_cast %swap3A_755 : vector<16xi32> to vector<16xi32>
      %swap3A_757 = vector.shape_cast %add3A_753 : vector<16xi32> to vector<16xi32>
      tpu.vector_store %arg14[%swap3A_754], %swap3A_757 {strides = array<i32>} : memref<320xi32, #tpu.memory_space<vmem>>, vector<16xi32>,
      %get3A_758 = arith.constant 256 : index
      %get3A_759 = tpu.vector_load %arg14[%get3A_758] {strides = array<i32>} : memref<320xi32, #tpu.memory_space<vmem>>, vector<16xi32>,
      %get3A_760 = vector.shape_cast %get3A_759 : vector<16xi32> to vector<16xi32>
      %add3A_761 = arith.addi %get3A_760, %broadcast_in_dim3A_60 : vector<16xi32>
      %swap3A_762 = arith.constant 256 : index
      %swap3A_763 = tpu.vector_load %arg14[%swap3A_762] {strides = array<i32>} : memref<320xi32, #tpu.memory_space<vmem>>, vector<16xi32>,
      %swap3A_764 = vector.shape_cast %swap3A_763 : vector<16xi32> to vector<16xi32>
      %swap3A_765 = vector.shape_cast %add3A_761 : vector<16xi32> to vector<16xi32>
      tpu.vector_store %arg14[%swap3A_762], %swap3A_765 {strides = array<i32>} : memref<320xi32, #tpu.memory_space<vmem>>, vector<16xi32>,
      %get3A_766 = arith.constant 272 : index
      %get3A_767 = tpu.vector_load %arg14[%get3A_766] {strides = array<i32>} : memref<320xi32, #tpu.memory_space<vmem>>, vector<16xi32>,
      %get3A_768 = vector.shape_cast %get3A_767 : vector<16xi32> to vector<16xi32>
      %add3A_769 = arith.addi %get3A_768, %broadcast_in_dim3A_60 : vector<16xi32>
      %swap3A_770 = arith.constant 272 : index
      %swap3A_771 = tpu.vector_load %arg14[%swap3A_770] {strides = array<i32>} : memref<320xi32, #tpu.memory_space<vmem>>, vector<16xi32>,
      %swap3A_772 = vector.shape_cast %swap3A_771 : vector<16xi32> to vector<16xi32>
      %swap3A_773 = vector.shape_cast %add3A_769 : vector<16xi32> to vector<16xi32>
      tpu.vector_store %arg14[%swap3A_770], %swap3A_773 {strides = array<i32>} : memref<320xi32, #tpu.memory_space<vmem>>, vector<16xi32>,
      %get3A_774 = arith.constant 288 : index
      %get3A_775 = tpu.vector_load %arg14[%get3A_774] {strides = array<i32>} : memref<320xi32, #tpu.memory_space<vmem>>, vector<16xi32>,
      %get3A_776 = vector.shape_cast %get3A_775 : vector<16xi32> to vector<16xi32>
      %add3A_777 = arith.addi %get3A_776, %broadcast_in_dim3A_60 : vector<16xi32>
      %swap3A_778 = arith.constant 288 : index
      %swap3A_779 = tpu.vector_load %arg14[%swap3A_778] {strides = array<i32>} : memref<320xi32, #tpu.memory_space<vmem>>, vector<16xi32>,
      %swap3A_780 = vector.shape_cast %swap3A_779 : vector<16xi32> to vector<16xi32>
      %swap3A_781 = vector.shape_cast %add3A_777 : vector<16xi32> to vector<16xi32>
      tpu.vector_store %arg14[%swap3A_778], %swap3A_781 {strides = array<i32>} : memref<320xi32, #tpu.memory_space<vmem>>, vector<16xi32>,
      %get3A_782 = arith.constant 304 : index
      %get3A_783 = tpu.vector_load %arg14[%get3A_782] {strides = array<i32>} : memref<320xi32, #tpu.memory_space<vmem>>, vector<16xi32>,
      %get3A_784 = vector.shape_cast %get3A_783 : vector<16xi32> to vector<16xi32>
      %add3A_785 = arith.addi %get3A_784, %broadcast_in_dim3A_60 : vector<16xi32>
      %swap3A_786 = arith.constant 304 : index
      %swap3A_787 = tpu.vector_load %arg14[%swap3A_786] {strides = array<i32>} : memref<320xi32, #tpu.memory_space<vmem>>, vector<16xi32>,
      %swap3A_788 = vector.shape_cast %swap3A_787 : vector<16xi32> to vector<16xi32>
      %swap3A_789 = vector.shape_cast %add3A_785 : vector<16xi32> to vector<16xi32>
      tpu.vector_store %arg14[%swap3A_786], %swap3A_789 {strides = array<i32>} : memref<320xi32, #tpu.memory_space<vmem>>, vector<16xi32>,
      %dma_start3A_790 = arith.constant 0 : i32
      %dma_start3A_791 = arith.constant 0 : i32
      %dma_start3A_792 = arith.constant 0 : i32
      %dma_start3A_793 = tpu.memref_slice %arg20[%dma_start3A_790, %dma_start3A_791, %dma_start3A_792] : memref<2x320x32xf32, #tpu.memory_space<vmem>> -> memref<1x320x32xf32, #tpu.memory_space<vmem>>
      %dma_start3A_794 = tpu.memref_squeeze %dma_start3A_793 : memref<1x320x32xf32, #tpu.memory_space<vmem>> -> memref<320x32xf32, #tpu.memory_space<vmem>>
      %dma_start3A_795 = arith.constant 0 : i32
      %dma_start3A_796 = arith.constant 0 : i32
      %dma_start3A_797 = tpu.memref_slice %arg3[%dma_start3A_795, %dma_start3A_796] : memref<100000x32xf32, #tpu.memory_space<hbm>> -> memref<100000x32xf32, #tpu.memory_space<hbm>>
      tpu.enqueue_indirect_dma source(%dma_start3A_797 : memref<100000x32xf32, #tpu.memory_space<hbm>>) target(%dma_start3A_794 : memref<320x32xf32, #tpu.memory_space<vmem>>) offsets(%arg14 : memref<320xi32, #tpu.memory_space<vmem>>) semaphore(%arg28 : memref<!tpu.dma_semaphore, #tpu.memory_space<semaphore_mem>>)
      %sub3A_798 = arith.constant 1 : i32
      %sub3A_799 = arith.subi %add3A_57, %sub3A_798 : i32
      %lt3A_800 = arith.cmpi slt, %add3A_354, %sub3A_799 : i32
      %convert_element_type3A_801 = arith.extui %lt3A_800 : i1 to i32
      %cond3A_802 = arith.constant 0 : i32
      %cond3A_803 = arith.cmpi ne, %convert_element_type3A_801, %cond3A_802 : i32
      scf.if %cond3A_803 {
        %mul3A_1059 = arith.constant 4 : i32
        %mul3A_1060 = arith.muli %mul3A_1059, %add3A_354 : i32
        %add3A_1061 = arith.addi %mul3A_59, %mul3A_1060 : i32
        %add3A_1062 = arith.constant 1 : i32
        %add3A_1063 = arith.addi %add3A_1061, %add3A_1062 : i32
        %add3A_1064 = arith.constant 3 : i32
        %add3A_1065 = arith.addi %add3A_1063, %add3A_1064 : i32
        %mul3A_1066 = arith.constant 320 : i32
        %mul3A_1067 = arith.muli %add3A_1065, %mul3A_1066 : i32
        %dma_start3A_1068 = arith.constant 0 : i32
        %dma_start3A_1069 = tpu.memref_slice %arg2[%dma_start3A_1068, %mul3A_1067] : memref<2x800000xi32, #tpu.memory_space<hbm>> -> memref<1x320xi32, #tpu.memory_space<hbm>>
        %dma_start3A_1070 = tpu.memref_squeeze %dma_start3A_1069 : memref<1x320xi32, #tpu.memory_space<hbm>> -> memref<320xi32, #tpu.memory_space<hbm>>
        %dma_start3A_1071 = tpu.memref_slice %arg2[%dma_start3A_1068, %mul3A_1067] : memref<2x800000xi32, #tpu.memory_space<hbm>> -> memref<1x320xi32, #tpu.memory_space<hbm>>
        %dma_start3A_1072 = tpu.memref_squeeze %dma_start3A_1071 : memref<1x320xi32, #tpu.memory_space<hbm>> -> memref<320xi32, #tpu.memory_space<hbm>>
        tpu.enqueue_dma source(%dma_start3A_1072 : memref<320xi32, #tpu.memory_space<hbm>>) target(%arg12 : memref<320xi32, #tpu.memory_space<vmem>>) target_semaphore(%arg30 : memref<!tpu.dma_semaphore, #tpu.memory_space<semaphore_mem>>)
        %mul3A_1073 = arith.constant 320 : i32
        %mul3A_1074 = arith.muli %add3A_1065, %mul3A_1073 : i32
        %dma_start3A_1075 = arith.constant 1 : i32
        %dma_start3A_1076 = tpu.memref_slice %arg2[%dma_start3A_1075, %mul3A_1074] : memref<2x800000xi32, #tpu.memory_space<hbm>> -> memref<1x320xi32, #tpu.memory_space<hbm>>
        %dma_start3A_1077 = tpu.memref_squeeze %dma_start3A_1076 : memref<1x320xi32, #tpu.memory_space<hbm>> -> memref<320xi32, #tpu.memory_space<hbm>>
        %dma_start3A_1078 = tpu.memref_slice %arg2[%dma_start3A_1075, %mul3A_1074] : memref<2x800000xi32, #tpu.memory_space<hbm>> -> memref<1x320xi32, #tpu.memory_space<hbm>>
        %dma_start3A_1079 = tpu.memref_squeeze %dma_start3A_1078 : memref<1x320xi32, #tpu.memory_space<hbm>> -> memref<320xi32, #tpu.memory_space<hbm>>
        tpu.enqueue_dma source(%dma_start3A_1079 : memref<320xi32, #tpu.memory_space<hbm>>) target(%arg16 : memref<320xi32, #tpu.memory_space<vmem>>) target_semaphore(%arg30 : memref<!tpu.dma_semaphore, #tpu.memory_space<semaphore_mem>>)
      } else {
      }
      %dma_wait3A_804 = arith.constant 0 : i32
      %dma_wait3A_805 = arith.constant 0 : i32
      %dma_wait3A_806 = arith.constant 0 : i32
      %dma_wait3A_807 = tpu.memref_slice %arg20[%dma_wait3A_804, %dma_wait3A_805, %dma_wait3A_806] : memref<2x320x32xf32, #tpu.memory_space<vmem>> -> memref<1x320x32xf32, #tpu.memory_space<vmem>>
      %dma_wait3A_808 = tpu.memref_squeeze %dma_wait3A_807 : memref<1x320x32xf32, #tpu.memory_space<vmem>> -> memref<320x32xf32, #tpu.memory_space<vmem>>
      %dma_wait3A_809 = arith.constant 0 : i32
      %dma_wait3A_810 = arith.constant 0 : i32
      %dma_wait3A_811 = tpu.memref_slice %arg3[%dma_wait3A_809, %dma_wait3A_810] : memref<100000x32xf32, #tpu.memory_space<hbm>> -> memref<100000x32xf32, #tpu.memory_space<hbm>>
      tpu.wait_indirect_dma semaphore(%arg28 : memref<!tpu.dma_semaphore, #tpu.memory_space<semaphore_mem>>) src(%dma_wait3A_811 : memref<100000x32xf32, #tpu.memory_space<hbm>>) dst(%dma_wait3A_808 : memref<320x32xf32, #tpu.memory_space<vmem>>)
      %dma_start3A_812 = arith.constant 0 : i32
      %dma_start3A_813 = arith.constant 0 : i32
      %dma_start3A_814 = arith.constant 0 : i32
      %dma_start3A_815 = tpu.memref_slice %arg20[%dma_start3A_812, %dma_start3A_813, %dma_start3A_814] : memref<2x320x32xf32, #tpu.memory_space<vmem>> -> memref<1x320x32xf32, #tpu.memory_space<vmem>>
      %dma_start3A_816 = tpu.memref_squeeze %dma_start3A_815 : memref<1x320x32xf32, #tpu.memory_space<vmem>> -> memref<320x32xf32, #tpu.memory_space<vmem>>
      %dma_start3A_817 = arith.constant 0 : i32
      %dma_start3A_818 = arith.constant 0 : i32
      %dma_start3A_819 = tpu.memref_slice %arg9[%dma_start3A_817, %dma_start3A_818] : memref<50000x32xf32, #tpu.memory_space<vmem_shared>> -> memref<50000x32xf32, #tpu.memory_space<vmem_shared>>
      tpu.enqueue_indirect_dma source(%dma_start3A_816 : memref<320x32xf32, #tpu.memory_space<vmem>>) target(%dma_start3A_819 : memref<50000x32xf32, #tpu.memory_space<vmem_shared>>) offsets(%arg18 : memref<320xi32, #tpu.memory_space<vmem>>) semaphore(%arg29 : memref<!tpu.dma_semaphore, #tpu.memory_space<semaphore_mem>>) {add = true}
      %dma_wait3A_820 = arith.constant 1 : i32
      %dma_wait3A_821 = arith.constant 0 : i32
      %dma_wait3A_822 = arith.constant 0 : i32
      %dma_wait3A_823 = tpu.memref_slice %arg20[%dma_wait3A_820, %dma_wait3A_821, %dma_wait3A_822] : memref<2x320x32xf32, #tpu.memory_space<vmem>> -> memref<1x320x32xf32, #tpu.memory_space<vmem>>
      %dma_wait3A_824 = tpu.memref_squeeze %dma_wait3A_823 : memref<1x320x32xf32, #tpu.memory_space<vmem>> -> memref<320x32xf32, #tpu.memory_space<vmem>>
      %dma_wait3A_825 = arith.constant 0 : i32
      %dma_wait3A_826 = arith.constant 0 : i32
      %dma_wait3A_827 = tpu.memref_slice %arg9[%dma_wait3A_825, %dma_wait3A_826] : memref<50000x32xf32, #tpu.memory_space<vmem_shared>> -> memref<50000x32xf32, #tpu.memory_space<vmem_shared>>
      tpu.wait_indirect_dma semaphore(%arg29 : memref<!tpu.dma_semaphore, #tpu.memory_space<semaphore_mem>>) src(%dma_wait3A_824 : memref<320x32xf32, #tpu.memory_space<vmem>>) dst(%dma_wait3A_827 : memref<50000x32xf32, #tpu.memory_space<vmem_shared>>)
      %mul3A_828 = arith.constant 4 : i32
      %mul3A_829 = arith.muli %mul3A_828, %add3A_354 : i32
      %add3A_830 = arith.addi %mul3A_59, %mul3A_829 : i32
      %add3A_831 = arith.constant 2 : i32
      %add3A_832 = arith.addi %add3A_830, %add3A_831 : i32
      %add3A_833 = arith.constant 1 : i32
      %add3A_834 = arith.addi %add3A_832, %add3A_833 : i32
      %mul3A_835 = arith.constant 320 : i32
      %mul3A_836 = arith.muli %add3A_834, %mul3A_835 : i32
      %dma_wait3A_837 = arith.constant 0 : i32
      %dma_wait3A_838 = tpu.memref_slice %arg2[%dma_wait3A_837, %mul3A_836] : memref<2x800000xi32, #tpu.memory_space<hbm>> -> memref<1x320xi32, #tpu.memory_space<hbm>>
      %dma_wait3A_839 = tpu.memref_squeeze %dma_wait3A_838 : memref<1x320xi32, #tpu.memory_space<hbm>> -> memref<320xi32, #tpu.memory_space<hbm>>
      %dma_wait3A_840 = tpu.memref_slice %arg2[%dma_wait3A_837, %mul3A_836] : memref<2x800000xi32, #tpu.memory_space<hbm>> -> memref<1x320xi32, #tpu.memory_space<hbm>>
      %dma_wait3A_841 = tpu.memref_squeeze %dma_wait3A_840 : memref<1x320xi32, #tpu.memory_space<hbm>> -> memref<320xi32, #tpu.memory_space<hbm>>
      tpu.wait_dma2 semaphore(%arg30 : memref<!tpu.dma_semaphore, #tpu.memory_space<semaphore_mem>>) src(%dma_wait3A_841 : memref<320xi32, #tpu.memory_space<hbm>>) dst(%arg15 : memref<320xi32, #tpu.memory_space<vmem>>)
      %mul3A_842 = arith.constant 320 : i32
      %mul3A_843 = arith.muli %add3A_834, %mul3A_842 : i32
      %dma_wait3A_844 = arith.constant 1 : i32
      %dma_wait3A_845 = tpu.memref_slice %arg2[%dma_wait3A_844, %mul3A_843] : memref<2x800000xi32, #tpu.memory_space<hbm>> -> memref<1x320xi32, #tpu.memory_space<hbm>>
      %dma_wait3A_846 = tpu.memref_squeeze %dma_wait3A_845 : memref<1x320xi32, #tpu.memory_space<hbm>> -> memref<320xi32, #tpu.memory_space<hbm>>
      %dma_wait3A_847 = tpu.memref_slice %arg2[%dma_wait3A_844, %mul3A_843] : memref<2x800000xi32, #tpu.memory_space<hbm>> -> memref<1x320xi32, #tpu.memory_space<hbm>>
      %dma_wait3A_848 = tpu.memref_squeeze %dma_wait3A_847 : memref<1x320xi32, #tpu.memory_space<hbm>> -> memref<320xi32, #tpu.memory_space<hbm>>
      tpu.wait_dma2 semaphore(%arg30 : memref<!tpu.dma_semaphore, #tpu.memory_space<semaphore_mem>>) src(%dma_wait3A_848 : memref<320xi32, #tpu.memory_space<hbm>>) dst(%arg19 : memref<320xi32, #tpu.memory_space<vmem>>)
      %get3A_849 = arith.constant 0 : index
      %get3A_850 = tpu.vector_load %arg15[%get3A_849] {strides = array<i32>} : memref<320xi32, #tpu.memory_space<vmem>>, vector<16xi32>,
      %get3A_851 = vector.shape_cast %get3A_850 : vector<16xi32> to vector<16xi32>
      %add3A_852 = arith.addi %get3A_851, %broadcast_in_dim3A_60 : vector<16xi32>
      %swap3A_853 = arith.constant 0 : index
      %swap3A_854 = tpu.vector_load %arg15[%swap3A_853] {strides = array<i32>} : memref<320xi32, #tpu.memory_space<vmem>>, vector<16xi32>,
      %swap3A_855 = vector.shape_cast %swap3A_854 : vector<16xi32> to vector<16xi32>
      %swap3A_856 = vector.shape_cast %add3A_852 : vector<16xi32> to vector<16xi32>
      tpu.vector_store %arg15[%swap3A_853], %swap3A_856 {strides = array<i32>} : memref<320xi32, #tpu.memory_space<vmem>>, vector<16xi32>,
      %get3A_857 = arith.constant 16 : index
      %get3A_858 = tpu.vector_load %arg15[%get3A_857] {strides = array<i32>} : memref<320xi32, #tpu.memory_space<vmem>>, vector<16xi32>,
      %get3A_859 = vector.shape_cast %get3A_858 : vector<16xi32> to vector<16xi32>
      %add3A_860 = arith.addi %get3A_859, %broadcast_in_dim3A_60 : vector<16xi32>
      %swap3A_861 = arith.constant 16 : index
      %swap3A_862 = tpu.vector_load %arg15[%swap3A_861] {strides = array<i32>} : memref<320xi32, #tpu.memory_space<vmem>>, vector<16xi32>,
      %swap3A_863 = vector.shape_cast %swap3A_862 : vector<16xi32> to vector<16xi32>
      %swap3A_864 = vector.shape_cast %add3A_860 : vector<16xi32> to vector<16xi32>
      tpu.vector_store %arg15[%swap3A_861], %swap3A_864 {strides = array<i32>} : memref<320xi32, #tpu.memory_space<vmem>>, vector<16xi32>,
      %get3A_865 = arith.constant 32 : index
      %get3A_866 = tpu.vector_load %arg15[%get3A_865] {strides = array<i32>} : memref<320xi32, #tpu.memory_space<vmem>>, vector<16xi32>,
      %get3A_867 = vector.shape_cast %get3A_866 : vector<16xi32> to vector<16xi32>
      %add3A_868 = arith.addi %get3A_867, %broadcast_in_dim3A_60 : vector<16xi32>
      %swap3A_869 = arith.constant 32 : index
      %swap3A_870 = tpu.vector_load %arg15[%swap3A_869] {strides = array<i32>} : memref<320xi32, #tpu.memory_space<vmem>>, vector<16xi32>,
      %swap3A_871 = vector.shape_cast %swap3A_870 : vector<16xi32> to vector<16xi32>
      %swap3A_872 = vector.shape_cast %add3A_868 : vector<16xi32> to vector<16xi32>
      tpu.vector_store %arg15[%swap3A_869], %swap3A_872 {strides = array<i32>} : memref<320xi32, #tpu.memory_space<vmem>>, vector<16xi32>,
      %get3A_873 = arith.constant 48 : index
      %get3A_874 = tpu.vector_load %arg15[%get3A_873] {strides = array<i32>} : memref<320xi32, #tpu.memory_space<vmem>>, vector<16xi32>,
      %get3A_875 = vector.shape_cast %get3A_874 : vector<16xi32> to vector<16xi32>
      %add3A_876 = arith.addi %get3A_875, %broadcast_in_dim3A_60 : vector<16xi32>
      %swap3A_877 = arith.constant 48 : index
      %swap3A_878 = tpu.vector_load %arg15[%swap3A_877] {strides = array<i32>} : memref<320xi32, #tpu.memory_space<vmem>>, vector<16xi32>,
      %swap3A_879 = vector.shape_cast %swap3A_878 : vector<16xi32> to vector<16xi32>
      %swap3A_880 = vector.shape_cast %add3A_876 : vector<16xi32> to vector<16xi32>
      tpu.vector_store %arg15[%swap3A_877], %swap3A_880 {strides = array<i32>} : memref<320xi32, #tpu.memory_space<vmem>>, vector<16xi32>,
      %get3A_881 = arith.constant 64 : index
      %get3A_882 = tpu.vector_load %arg15[%get3A_881] {strides = array<i32>} : memref<320xi32, #tpu.memory_space<vmem>>, vector<16xi32>,
      %get3A_883 = vector.shape_cast %get3A_882 : vector<16xi32> to vector<16xi32>
      %add3A_884 = arith.addi %get3A_883, %broadcast_in_dim3A_60 : vector<16xi32>
      %swap3A_885 = arith.constant 64 : index
      %swap3A_886 = tpu.vector_load %arg15[%swap3A_885] {strides = array<i32>} : memref<320xi32, #tpu.memory_space<vmem>>, vector<16xi32>,
      %swap3A_887 = vector.shape_cast %swap3A_886 : vector<16xi32> to vector<16xi32>
      %swap3A_888 = vector.shape_cast %add3A_884 : vector<16xi32> to vector<16xi32>
      tpu.vector_store %arg15[%swap3A_885], %swap3A_888 {strides = array<i32>} : memref<320xi32, #tpu.memory_space<vmem>>, vector<16xi32>,
      %get3A_889 = arith.constant 80 : index
      %get3A_890 = tpu.vector_load %arg15[%get3A_889] {strides = array<i32>} : memref<320xi32, #tpu.memory_space<vmem>>, vector<16xi32>,
      %get3A_891 = vector.shape_cast %get3A_890 : vector<16xi32> to vector<16xi32>
      %add3A_892 = arith.addi %get3A_891, %broadcast_in_dim3A_60 : vector<16xi32>
      %swap3A_893 = arith.constant 80 : index
      %swap3A_894 = tpu.vector_load %arg15[%swap3A_893] {strides = array<i32>} : memref<320xi32, #tpu.memory_space<vmem>>, vector<16xi32>,
      %swap3A_895 = vector.shape_cast %swap3A_894 : vector<16xi32> to vector<16xi32>
      %swap3A_896 = vector.shape_cast %add3A_892 : vector<16xi32> to vector<16xi32>
      tpu.vector_store %arg15[%swap3A_893], %swap3A_896 {strides = array<i32>} : memref<320xi32, #tpu.memory_space<vmem>>, vector<16xi32>,
      %get3A_897 = arith.constant 96 : index
      %get3A_898 = tpu.vector_load %arg15[%get3A_897] {strides = array<i32>} : memref<320xi32, #tpu.memory_space<vmem>>, vector<16xi32>,
      %get3A_899 = vector.shape_cast %get3A_898 : vector<16xi32> to vector<16xi32>
      %add3A_900 = arith.addi %get3A_899, %broadcast_in_dim3A_60 : vector<16xi32>
      %swap3A_901 = arith.constant 96 : index
      %swap3A_902 = tpu.vector_load %arg15[%swap3A_901] {strides = array<i32>} : memref<320xi32, #tpu.memory_space<vmem>>, vector<16xi32>,
      %swap3A_903 = vector.shape_cast %swap3A_902 : vector<16xi32> to vector<16xi32>
      %swap3A_904 = vector.shape_cast %add3A_900 : vector<16xi32> to vector<16xi32>
      tpu.vector_store %arg15[%swap3A_901], %swap3A_904 {strides = array<i32>} : memref<320xi32, #tpu.memory_space<vmem>>, vector<16xi32>,
      %get3A_905 = arith.constant 112 : index
      %get3A_906 = tpu.vector_load %arg15[%get3A_905] {strides = array<i32>} : memref<320xi32, #tpu.memory_space<vmem>>, vector<16xi32>,
      %get3A_907 = vector.shape_cast %get3A_906 : vector<16xi32> to vector<16xi32>
      %add3A_908 = arith.addi %get3A_907, %broadcast_in_dim3A_60 : vector<16xi32>
      %swap3A_909 = arith.constant 112 : index
      %swap3A_910 = tpu.vector_load %arg15[%swap3A_909] {strides = array<i32>} : memref<320xi32, #tpu.memory_space<vmem>>, vector<16xi32>,
      %swap3A_911 = vector.shape_cast %swap3A_910 : vector<16xi32> to vector<16xi32>
      %swap3A_912 = vector.shape_cast %add3A_908 : vector<16xi32> to vector<16xi32>
      tpu.vector_store %arg15[%swap3A_909], %swap3A_912 {strides = array<i32>} : memref<320xi32, #tpu.memory_space<vmem>>, vector<16xi32>,
      %get3A_913 = arith.constant 128 : index
      %get3A_914 = tpu.vector_load %arg15[%get3A_913] {strides = array<i32>} : memref<320xi32, #tpu.memory_space<vmem>>, vector<16xi32>,
      %get3A_915 = vector.shape_cast %get3A_914 : vector<16xi32> to vector<16xi32>
      %add3A_916 = arith.addi %get3A_915, %broadcast_in_dim3A_60 : vector<16xi32>
      %swap3A_917 = arith.constant 128 : index
      %swap3A_918 = tpu.vector_load %arg15[%swap3A_917] {strides = array<i32>} : memref<320xi32, #tpu.memory_space<vmem>>, vector<16xi32>,
      %swap3A_919 = vector.shape_cast %swap3A_918 : vector<16xi32> to vector<16xi32>
      %swap3A_920 = vector.shape_cast %add3A_916 : vector<16xi32> to vector<16xi32>
      tpu.vector_store %arg15[%swap3A_917], %swap3A_920 {strides = array<i32>} : memref<320xi32, #tpu.memory_space<vmem>>, vector<16xi32>,
      %get3A_921 = arith.constant 144 : index
      %get3A_922 = tpu.vector_load %arg15[%get3A_921] {strides = array<i32>} : memref<320xi32, #tpu.memory_space<vmem>>, vector<16xi32>,
      %get3A_923 = vector.shape_cast %get3A_922 : vector<16xi32> to vector<16xi32>
      %add3A_924 = arith.addi %get3A_923, %broadcast_in_dim3A_60 : vector<16xi32>
      %swap3A_925 = arith.constant 144 : index
      %swap3A_926 = tpu.vector_load %arg15[%swap3A_925] {strides = array<i32>} : memref<320xi32, #tpu.memory_space<vmem>>, vector<16xi32>,
      %swap3A_927 = vector.shape_cast %swap3A_926 : vector<16xi32> to vector<16xi32>
      %swap3A_928 = vector.shape_cast %add3A_924 : vector<16xi32> to vector<16xi32>
      tpu.vector_store %arg15[%swap3A_925], %swap3A_928 {strides = array<i32>} : memref<320xi32, #tpu.memory_space<vmem>>, vector<16xi32>,
      %get3A_929 = arith.constant 160 : index
      %get3A_930 = tpu.vector_load %arg15[%get3A_929] {strides = array<i32>} : memref<320xi32, #tpu.memory_space<vmem>>, vector<16xi32>,
      %get3A_931 = vector.shape_cast %get3A_930 : vector<16xi32> to vector<16xi32>
      %add3A_932 = arith.addi %get3A_931, %broadcast_in_dim3A_60 : vector<16xi32>
      %swap3A_933 = arith.constant 160 : index
      %swap3A_934 = tpu.vector_load %arg15[%swap3A_933] {strides = array<i32>} : memref<320xi32, #tpu.memory_space<vmem>>, vector<16xi32>,
      %swap3A_935 = vector.shape_cast %swap3A_934 : vector<16xi32> to vector<16xi32>
      %swap3A_936 = vector.shape_cast %add3A_932 : vector<16xi32> to vector<16xi32>
      tpu.vector_store %arg15[%swap3A_933], %swap3A_936 {strides = array<i32>} : memref<320xi32, #tpu.memory_space<vmem>>, vector<16xi32>,
      %get3A_937 = arith.constant 176 : index
      %get3A_938 = tpu.vector_load %arg15[%get3A_937] {strides = array<i32>} : memref<320xi32, #tpu.memory_space<vmem>>, vector<16xi32>,
      %get3A_939 = vector.shape_cast %get3A_938 : vector<16xi32> to vector<16xi32>
      %add3A_940 = arith.addi %get3A_939, %broadcast_in_dim3A_60 : vector<16xi32>
      %swap3A_941 = arith.constant 176 : index
      %swap3A_942 = tpu.vector_load %arg15[%swap3A_941] {strides = array<i32>} : memref<320xi32, #tpu.memory_space<vmem>>, vector<16xi32>,
      %swap3A_943 = vector.shape_cast %swap3A_942 : vector<16xi32> to vector<16xi32>
      %swap3A_944 = vector.shape_cast %add3A_940 : vector<16xi32> to vector<16xi32>
      tpu.vector_store %arg15[%swap3A_941], %swap3A_944 {strides = array<i32>} : memref<320xi32, #tpu.memory_space<vmem>>, vector<16xi32>,
      %get3A_945 = arith.constant 192 : index
      %get3A_946 = tpu.vector_load %arg15[%get3A_945] {strides = array<i32>} : memref<320xi32, #tpu.memory_space<vmem>>, vector<16xi32>,
      %get3A_947 = vector.shape_cast %get3A_946 : vector<16xi32> to vector<16xi32>
      %add3A_948 = arith.addi %get3A_947, %broadcast_in_dim3A_60 : vector<16xi32>
      %swap3A_949 = arith.constant 192 : index
      %swap3A_950 = tpu.vector_load %arg15[%swap3A_949] {strides = array<i32>} : memref<320xi32, #tpu.memory_space<vmem>>, vector<16xi32>,
      %swap3A_951 = vector.shape_cast %swap3A_950 : vector<16xi32> to vector<16xi32>
      %swap3A_952 = vector.shape_cast %add3A_948 : vector<16xi32> to vector<16xi32>
      tpu.vector_store %arg15[%swap3A_949], %swap3A_952 {strides = array<i32>} : memref<320xi32, #tpu.memory_space<vmem>>, vector<16xi32>,
      %get3A_953 = arith.constant 208 : index
      %get3A_954 = tpu.vector_load %arg15[%get3A_953] {strides = array<i32>} : memref<320xi32, #tpu.memory_space<vmem>>, vector<16xi32>,
      %get3A_955 = vector.shape_cast %get3A_954 : vector<16xi32> to vector<16xi32>
      %add3A_956 = arith.addi %get3A_955, %broadcast_in_dim3A_60 : vector<16xi32>
      %swap3A_957 = arith.constant 208 : index
      %swap3A_958 = tpu.vector_load %arg15[%swap3A_957] {strides = array<i32>} : memref<320xi32, #tpu.memory_space<vmem>>, vector<16xi32>,
      %swap3A_959 = vector.shape_cast %swap3A_958 : vector<16xi32> to vector<16xi32>
      %swap3A_960 = vector.shape_cast %add3A_956 : vector<16xi32> to vector<16xi32>
      tpu.vector_store %arg15[%swap3A_957], %swap3A_960 {strides = array<i32>} : memref<320xi32, #tpu.memory_space<vmem>>, vector<16xi32>,
      %get3A_961 = arith.constant 224 : index
      %get3A_962 = tpu.vector_load %arg15[%get3A_961] {strides = array<i32>} : memref<320xi32, #tpu.memory_space<vmem>>, vector<16xi32>,
      %get3A_963 = vector.shape_cast %get3A_962 : vector<16xi32> to vector<16xi32>
      %add3A_964 = arith.addi %get3A_963, %broadcast_in_dim3A_60 : vector<16xi32>
      %swap3A_965 = arith.constant 224 : index
      %swap3A_966 = tpu.vector_load %arg15[%swap3A_965] {strides = array<i32>} : memref<320xi32, #tpu.memory_space<vmem>>, vector<16xi32>,
      %swap3A_967 = vector.shape_cast %swap3A_966 : vector<16xi32> to vector<16xi32>
      %swap3A_968 = vector.shape_cast %add3A_964 : vector<16xi32> to vector<16xi32>
      tpu.vector_store %arg15[%swap3A_965], %swap3A_968 {strides = array<i32>} : memref<320xi32, #tpu.memory_space<vmem>>, vector<16xi32>,
      %get3A_969 = arith.constant 240 : index
      %get3A_970 = tpu.vector_load %arg15[%get3A_969] {strides = array<i32>} : memref<320xi32, #tpu.memory_space<vmem>>, vector<16xi32>,
      %get3A_971 = vector.shape_cast %get3A_970 : vector<16xi32> to vector<16xi32>
      %add3A_972 = arith.addi %get3A_971, %broadcast_in_dim3A_60 : vector<16xi32>
      %swap3A_973 = arith.constant 240 : index
      %swap3A_974 = tpu.vector_load %arg15[%swap3A_973] {strides = array<i32>} : memref<320xi32, #tpu.memory_space<vmem>>, vector<16xi32>,
      %swap3A_975 = vector.shape_cast %swap3A_974 : vector<16xi32> to vector<16xi32>
      %swap3A_976 = vector.shape_cast %add3A_972 : vector<16xi32> to vector<16xi32>
      tpu.vector_store %arg15[%swap3A_973], %swap3A_976 {strides = array<i32>} : memref<320xi32, #tpu.memory_space<vmem>>, vector<16xi32>,
      %get3A_977 = arith.constant 256 : index
      %get3A_978 = tpu.vector_load %arg15[%get3A_977] {strides = array<i32>} : memref<320xi32, #tpu.memory_space<vmem>>, vector<16xi32>,
      %get3A_979 = vector.shape_cast %get3A_978 : vector<16xi32> to vector<16xi32>
      %add3A_980 = arith.addi %get3A_979, %broadcast_in_dim3A_60 : vector<16xi32>
      %swap3A_981 = arith.constant 256 : index
      %swap3A_982 = tpu.vector_load %arg15[%swap3A_981] {strides = array<i32>} : memref<320xi32, #tpu.memory_space<vmem>>, vector<16xi32>,
      %swap3A_983 = vector.shape_cast %swap3A_982 : vector<16xi32> to vector<16xi32>
      %swap3A_984 = vector.shape_cast %add3A_980 : vector<16xi32> to vector<16xi32>
      tpu.vector_store %arg15[%swap3A_981], %swap3A_984 {strides = array<i32>} : memref<320xi32, #tpu.memory_space<vmem>>, vector<16xi32>,
      %get3A_985 = arith.constant 272 : index
      %get3A_986 = tpu.vector_load %arg15[%get3A_985] {strides = array<i32>} : memref<320xi32, #tpu.memory_space<vmem>>, vector<16xi32>,
      %get3A_987 = vector.shape_cast %get3A_986 : vector<16xi32> to vector<16xi32>
      %add3A_988 = arith.addi %get3A_987, %broadcast_in_dim3A_60 : vector<16xi32>
      %swap3A_989 = arith.constant 272 : index
      %swap3A_990 = tpu.vector_load %arg15[%swap3A_989] {strides = array<i32>} : memref<320xi32, #tpu.memory_space<vmem>>, vector<16xi32>,
      %swap3A_991 = vector.shape_cast %swap3A_990 : vector<16xi32> to vector<16xi32>
      %swap3A_992 = vector.shape_cast %add3A_988 : vector<16xi32> to vector<16xi32>
      tpu.vector_store %arg15[%swap3A_989], %swap3A_992 {strides = array<i32>} : memref<320xi32, #tpu.memory_space<vmem>>, vector<16xi32>,
      %get3A_993 = arith.constant 288 : index
      %get3A_994 = tpu.vector_load %arg15[%get3A_993] {strides = array<i32>} : memref<320xi32, #tpu.memory_space<vmem>>, vector<16xi32>,
      %get3A_995 = vector.shape_cast %get3A_994 : vector<16xi32> to vector<16xi32>
      %add3A_996 = arith.addi %get3A_995, %broadcast_in_dim3A_60 : vector<16xi32>
      %swap3A_997 = arith.constant 288 : index
      %swap3A_998 = tpu.vector_load %arg15[%swap3A_997] {strides = array<i32>} : memref<320xi32, #tpu.memory_space<vmem>>, vector<16xi32>,
      %swap3A_999 = vector.shape_cast %swap3A_998 : vector<16xi32> to vector<16xi32>
      %swap3A_1000 = vector.shape_cast %add3A_996 : vector<16xi32> to vector<16xi32>
      tpu.vector_store %arg15[%swap3A_997], %swap3A_1000 {strides = array<i32>} : memref<320xi32, #tpu.memory_space<vmem>>, vector<16xi32>,
      %get3A_1001 = arith.constant 304 : index
      %get3A_1002 = tpu.vector_load %arg15[%get3A_1001] {strides = array<i32>} : memref<320xi32, #tpu.memory_space<vmem>>, vector<16xi32>,
      %get3A_1003 = vector.shape_cast %get3A_1002 : vector<16xi32> to vector<16xi32>
      %add3A_1004 = arith.addi %get3A_1003, %broadcast_in_dim3A_60 : vector<16xi32>
      %swap3A_1005 = arith.constant 304 : index
      %swap3A_1006 = tpu.vector_load %arg15[%swap3A_1005] {strides = array<i32>} : memref<320xi32, #tpu.memory_space<vmem>>, vector<16xi32>,
      %swap3A_1007 = vector.shape_cast %swap3A_1006 : vector<16xi32> to vector<16xi32>
      %swap3A_1008 = vector.shape_cast %add3A_1004 : vector<16xi32> to vector<16xi32>
      tpu.vector_store %arg15[%swap3A_1005], %swap3A_1008 {strides = array<i32>} : memref<320xi32, #tpu.memory_space<vmem>>, vector<16xi32>,
      %dma_start3A_1009 = arith.constant 1 : i32
      %dma_start3A_1010 = arith.constant 0 : i32
      %dma_start3A_1011 = arith.constant 0 : i32
      %dma_start3A_1012 = tpu.memref_slice %arg20[%dma_start3A_1009, %dma_start3A_1010, %dma_start3A_1011] : memref<2x320x32xf32, #tpu.memory_space<vmem>> -> memref<1x320x32xf32, #tpu.memory_space<vmem>>
      %dma_start3A_1013 = tpu.memref_squeeze %dma_start3A_1012 : memref<1x320x32xf32, #tpu.memory_space<vmem>> -> memref<320x32xf32, #tpu.memory_space<vmem>>
      %dma_start3A_1014 = arith.constant 0 : i32
      %dma_start3A_1015 = arith.constant 0 : i32
      %dma_start3A_1016 = tpu.memref_slice %arg3[%dma_start3A_1014, %dma_start3A_1015] : memref<100000x32xf32, #tpu.memory_space<hbm>> -> memref<100000x32xf32, #tpu.memory_space<hbm>>
      tpu.enqueue_indirect_dma source(%dma_start3A_1016 : memref<100000x32xf32, #tpu.memory_space<hbm>>) target(%dma_start3A_1013 : memref<320x32xf32, #tpu.memory_space<vmem>>) offsets(%arg15 : memref<320xi32, #tpu.memory_space<vmem>>) semaphore(%arg28 : memref<!tpu.dma_semaphore, #tpu.memory_space<semaphore_mem>>)
      %sub3A_1017 = arith.constant 1 : i32
      %sub3A_1018 = arith.subi %add3A_57, %sub3A_1017 : i32
      %lt3A_1019 = arith.cmpi slt, %add3A_354, %sub3A_1018 : i32
      %convert_element_type3A_1020 = arith.extui %lt3A_1019 : i1 to i32
      %cond3A_1021 = arith.constant 0 : i32
      %cond3A_1022 = arith.cmpi ne, %convert_element_type3A_1020, %cond3A_1021 : i32
      scf.if %cond3A_1022 {
        %mul3A_1059 = arith.constant 4 : i32
        %mul3A_1060 = arith.muli %mul3A_1059, %add3A_354 : i32
        %add3A_1061 = arith.addi %mul3A_59, %mul3A_1060 : i32
        %add3A_1062 = arith.constant 2 : i32
        %add3A_1063 = arith.addi %add3A_1061, %add3A_1062 : i32
        %add3A_1064 = arith.constant 3 : i32
        %add3A_1065 = arith.addi %add3A_1063, %add3A_1064 : i32
        %mul3A_1066 = arith.constant 320 : i32
        %mul3A_1067 = arith.muli %add3A_1065, %mul3A_1066 : i32
        %dma_start3A_1068 = arith.constant 0 : i32
        %dma_start3A_1069 = tpu.memref_slice %arg2[%dma_start3A_1068, %mul3A_1067] : memref<2x800000xi32, #tpu.memory_space<hbm>> -> memref<1x320xi32, #tpu.memory_space<hbm>>
        %dma_start3A_1070 = tpu.memref_squeeze %dma_start3A_1069 : memref<1x320xi32, #tpu.memory_space<hbm>> -> memref<320xi32, #tpu.memory_space<hbm>>
        %dma_start3A_1071 = tpu.memref_slice %arg2[%dma_start3A_1068, %mul3A_1067] : memref<2x800000xi32, #tpu.memory_space<hbm>> -> memref<1x320xi32, #tpu.memory_space<hbm>>
        %dma_start3A_1072 = tpu.memref_squeeze %dma_start3A_1071 : memref<1x320xi32, #tpu.memory_space<hbm>> -> memref<320xi32, #tpu.memory_space<hbm>>
        tpu.enqueue_dma source(%dma_start3A_1072 : memref<320xi32, #tpu.memory_space<hbm>>) target(%arg13 : memref<320xi32, #tpu.memory_space<vmem>>) target_semaphore(%arg30 : memref<!tpu.dma_semaphore, #tpu.memory_space<semaphore_mem>>)
        %mul3A_1073 = arith.constant 320 : i32
        %mul3A_1074 = arith.muli %add3A_1065, %mul3A_1073 : i32
        %dma_start3A_1075 = arith.constant 1 : i32
        %dma_start3A_1076 = tpu.memref_slice %arg2[%dma_start3A_1075, %mul3A_1074] : memref<2x800000xi32, #tpu.memory_space<hbm>> -> memref<1x320xi32, #tpu.memory_space<hbm>>
        %dma_start3A_1077 = tpu.memref_squeeze %dma_start3A_1076 : memref<1x320xi32, #tpu.memory_space<hbm>> -> memref<320xi32, #tpu.memory_space<hbm>>
        %dma_start3A_1078 = tpu.memref_slice %arg2[%dma_start3A_1075, %mul3A_1074] : memref<2x800000xi32, #tpu.memory_space<hbm>> -> memref<1x320xi32, #tpu.memory_space<hbm>>
        %dma_start3A_1079 = tpu.memref_squeeze %dma_start3A_1078 : memref<1x320xi32, #tpu.memory_space<hbm>> -> memref<320xi32, #tpu.memory_space<hbm>>
        tpu.enqueue_dma source(%dma_start3A_1079 : memref<320xi32, #tpu.memory_space<hbm>>) target(%arg17 : memref<320xi32, #tpu.memory_space<vmem>>) target_semaphore(%arg30 : memref<!tpu.dma_semaphore, #tpu.memory_space<semaphore_mem>>)
      } else {
      }
      %dma_wait3A_1023 = arith.constant 1 : i32
      %dma_wait3A_1024 = arith.constant 0 : i32
      %dma_wait3A_1025 = arith.constant 0 : i32
      %dma_wait3A_1026 = tpu.memref_slice %arg20[%dma_wait3A_1023, %dma_wait3A_1024, %dma_wait3A_1025] : memref<2x320x32xf32, #tpu.memory_space<vmem>> -> memref<1x320x32xf32, #tpu.memory_space<vmem>>
      %dma_wait3A_1027 = tpu.memref_squeeze %dma_wait3A_1026 : memref<1x320x32xf32, #tpu.memory_space<vmem>> -> memref<320x32xf32, #tpu.memory_space<vmem>>
      %dma_wait3A_1028 = arith.constant 0 : i32
      %dma_wait3A_1029 = arith.constant 0 : i32
      %dma_wait3A_1030 = tpu.memref_slice %arg3[%dma_wait3A_1028, %dma_wait3A_1029] : memref<100000x32xf32, #tpu.memory_space<hbm>> -> memref<100000x32xf32, #tpu.memory_space<hbm>>
      tpu.wait_indirect_dma semaphore(%arg28 : memref<!tpu.dma_semaphore, #tpu.memory_space<semaphore_mem>>) src(%dma_wait3A_1030 : memref<100000x32xf32, #tpu.memory_space<hbm>>) dst(%dma_wait3A_1027 : memref<320x32xf32, #tpu.memory_space<vmem>>)
      %dma_start3A_1031 = arith.constant 1 : i32
      %dma_start3A_1032 = arith.constant 0 : i32
      %dma_start3A_1033 = arith.constant 0 : i32
      %dma_start3A_1034 = tpu.memref_slice %arg20[%dma_start3A_1031, %dma_start3A_1032, %dma_start3A_1033] : memref<2x320x32xf32, #tpu.memory_space<vmem>> -> memref<1x320x32xf32, #tpu.memory_space<vmem>>
      %dma_start3A_1035 = tpu.memref_squeeze %dma_start3A_1034 : memref<1x320x32xf32, #tpu.memory_space<vmem>> -> memref<320x32xf32, #tpu.memory_space<vmem>>
      %dma_start3A_1036 = arith.constant 0 : i32
      %dma_start3A_1037 = arith.constant 0 : i32
      %dma_start3A_1038 = tpu.memref_slice %arg9[%dma_start3A_1036, %dma_start3A_1037] : memref<50000x32xf32, #tpu.memory_space<vmem_shared>> -> memref<50000x32xf32, #tpu.memory_space<vmem_shared>>
      tpu.enqueue_indirect_dma source(%dma_start3A_1035 : memref<320x32xf32, #tpu.memory_space<vmem>>) target(%dma_start3A_1038 : memref<50000x32xf32, #tpu.memory_space<vmem_shared>>) offsets(%arg19 : memref<320xi32, #tpu.memory_space<vmem>>) semaphore(%arg29 : memref<!tpu.dma_semaphore, #tpu.memory_space<semaphore_mem>>) {add = true}
      %dma_wait3A_1039 = arith.constant 0 : i32
      %dma_wait3A_1040 = arith.constant 0 : i32
      %dma_wait3A_1041 = arith.constant 0 : i32
      %dma_wait3A_1042 = tpu.memref_slice %arg20[%dma_wait3A_1039, %dma_wait3A_1040, %dma_wait3A_1041] : memref<2x320x32xf32, #tpu.memory_space<vmem>> -> memref<1x320x32xf32, #tpu.memory_space<vmem>>
      %dma_wait3A_1043 = tpu.memref_squeeze %dma_wait3A_1042 : memref<1x320x32xf32, #tpu.memory_space<vmem>> -> memref<320x32xf32, #tpu.memory_space<vmem>>
      %dma_wait3A_1044 = arith.constant 0 : i32
      %dma_wait3A_1045 = arith.constant 0 : i32
      %dma_wait3A_1046 = tpu.memref_slice %arg9[%dma_wait3A_1044, %dma_wait3A_1045] : memref<50000x32xf32, #tpu.memory_space<vmem_shared>> -> memref<50000x32xf32, #tpu.memory_space<vmem_shared>>
      tpu.wait_indirect_dma semaphore(%arg29 : memref<!tpu.dma_semaphore, #tpu.memory_space<semaphore_mem>>) src(%dma_wait3A_1043 : memref<320x32xf32, #tpu.memory_space<vmem>>) dst(%dma_wait3A_1046 : memref<50000x32xf32, #tpu.memory_space<vmem_shared>>)
      %sub3A_1047 = arith.constant 1 : i32
      %sub3A_1048 = arith.subi %add3A_57, %sub3A_1047 : i32
      %lt3A_1049 = arith.cmpi slt, %add3A_354, %sub3A_1048 : i32
      %convert_element_type3A_1050 = arith.extui %lt3A_1049 : i1 to i32
      %cond3A_1051 = arith.constant 0 : i32
      %cond3A_1052 = arith.cmpi ne, %convert_element_type3A_1050, %cond3A_1051 : i32
      scf.if %cond3A_1052 {
        %mul3A_1059 = arith.constant 4 : i32
        %mul3A_1060 = arith.muli %mul3A_1059, %add3A_354 : i32
        %add3A_1061 = arith.addi %mul3A_59, %mul3A_1060 : i32
        %add3A_1062 = arith.constant 3 : i32
        %add3A_1063 = arith.addi %add3A_1061, %add3A_1062 : i32
        %add3A_1064 = arith.constant 1 : i32
        %add3A_1065 = arith.addi %add3A_1063, %add3A_1064 : i32
        %mul3A_1066 = arith.constant 320 : i32
        %mul3A_1067 = arith.muli %add3A_1065, %mul3A_1066 : i32
        %dma_wait3A_1068 = arith.constant 0 : i32
        %dma_wait3A_1069 = tpu.memref_slice %arg2[%dma_wait3A_1068, %mul3A_1067] : memref<2x800000xi32, #tpu.memory_space<hbm>> -> memref<1x320xi32, #tpu.memory_space<hbm>>
        %dma_wait3A_1070 = tpu.memref_squeeze %dma_wait3A_1069 : memref<1x320xi32, #tpu.memory_space<hbm>> -> memref<320xi32, #tpu.memory_space<hbm>>
        %dma_wait3A_1071 = tpu.memref_slice %arg2[%dma_wait3A_1068, %mul3A_1067] : memref<2x800000xi32, #tpu.memory_space<hbm>> -> memref<1x320xi32, #tpu.memory_space<hbm>>
        %dma_wait3A_1072 = tpu.memref_squeeze %dma_wait3A_1071 : memref<1x320xi32, #tpu.memory_space<hbm>> -> memref<320xi32, #tpu.memory_space<hbm>>
        tpu.wait_dma2 semaphore(%arg30 : memref<!tpu.dma_semaphore, #tpu.memory_space<semaphore_mem>>) src(%dma_wait3A_1072 : memref<320xi32, #tpu.memory_space<hbm>>) dst(%arg12 : memref<320xi32, #tpu.memory_space<vmem>>)
        %mul3A_1073 = arith.constant 320 : i32
        %mul3A_1074 = arith.muli %add3A_1065, %mul3A_1073 : i32
        %dma_wait3A_1075 = arith.constant 1 : i32
        %dma_wait3A_1076 = tpu.memref_slice %arg2[%dma_wait3A_1075, %mul3A_1074] : memref<2x800000xi32, #tpu.memory_space<hbm>> -> memref<1x320xi32, #tpu.memory_space<hbm>>
        %dma_wait3A_1077 = tpu.memref_squeeze %dma_wait3A_1076 : memref<1x320xi32, #tpu.memory_space<hbm>> -> memref<320xi32, #tpu.memory_space<hbm>>
        %dma_wait3A_1078 = tpu.memref_slice %arg2[%dma_wait3A_1075, %mul3A_1074] : memref<2x800000xi32, #tpu.memory_space<hbm>> -> memref<1x320xi32, #tpu.memory_space<hbm>>
        %dma_wait3A_1079 = tpu.memref_squeeze %dma_wait3A_1078 : memref<1x320xi32, #tpu.memory_space<hbm>> -> memref<320xi32, #tpu.memory_space<hbm>>
        tpu.wait_dma2 semaphore(%arg30 : memref<!tpu.dma_semaphore, #tpu.memory_space<semaphore_mem>>) src(%dma_wait3A_1079 : memref<320xi32, #tpu.memory_space<hbm>>) dst(%arg16 : memref<320xi32, #tpu.memory_space<vmem>>)
        %get3A_1080 = arith.constant 0 : index
        %get3A_1081 = tpu.vector_load %arg12[%get3A_1080] {strides = array<i32>} : memref<320xi32, #tpu.memory_space<vmem>>, vector<16xi32>,
        %get3A_1082 = vector.shape_cast %get3A_1081 : vector<16xi32> to vector<16xi32>
        %add3A_1083 = arith.addi %get3A_1082, %broadcast_in_dim3A_60 : vector<16xi32>
        %swap3A_1084 = arith.constant 0 : index
        %swap3A_1085 = tpu.vector_load %arg12[%swap3A_1084] {strides = array<i32>} : memref<320xi32, #tpu.memory_space<vmem>>, vector<16xi32>,
        %swap3A_1086 = vector.shape_cast %swap3A_1085 : vector<16xi32> to vector<16xi32>
        %swap3A_1087 = vector.shape_cast %add3A_1083 : vector<16xi32> to vector<16xi32>
        tpu.vector_store %arg12[%swap3A_1084], %swap3A_1087 {strides = array<i32>} : memref<320xi32, #tpu.memory_space<vmem>>, vector<16xi32>,
        %get3A_1088 = arith.constant 16 : index
        %get3A_1089 = tpu.vector_load %arg12[%get3A_1088] {strides = array<i32>} : memref<320xi32, #tpu.memory_space<vmem>>, vector<16xi32>,
        %get3A_1090 = vector.shape_cast %get3A_1089 : vector<16xi32> to vector<16xi32>
        %add3A_1091 = arith.addi %get3A_1090, %broadcast_in_dim3A_60 : vector<16xi32>
        %swap3A_1092 = arith.constant 16 : index
        %swap3A_1093 = tpu.vector_load %arg12[%swap3A_1092] {strides = array<i32>} : memref<320xi32, #tpu.memory_space<vmem>>, vector<16xi32>,
        %swap3A_1094 = vector.shape_cast %swap3A_1093 : vector<16xi32> to vector<16xi32>
        %swap3A_1095 = vector.shape_cast %add3A_1091 : vector<16xi32> to vector<16xi32>
        tpu.vector_store %arg12[%swap3A_1092], %swap3A_1095 {strides = array<i32>} : memref<320xi32, #tpu.memory_space<vmem>>, vector<16xi32>,
        %get3A_1096 = arith.constant 32 : index
        %get3A_1097 = tpu.vector_load %arg12[%get3A_1096] {strides = array<i32>} : memref<320xi32, #tpu.memory_space<vmem>>, vector<16xi32>,
        %get3A_1098 = vector.shape_cast %get3A_1097 : vector<16xi32> to vector<16xi32>
        %add3A_1099 = arith.addi %get3A_1098, %broadcast_in_dim3A_60 : vector<16xi32>
        %swap3A_1100 = arith.constant 32 : index
        %swap3A_1101 = tpu.vector_load %arg12[%swap3A_1100] {strides = array<i32>} : memref<320xi32, #tpu.memory_space<vmem>>, vector<16xi32>,
        %swap3A_1102 = vector.shape_cast %swap3A_1101 : vector<16xi32> to vector<16xi32>
        %swap3A_1103 = vector.shape_cast %add3A_1099 : vector<16xi32> to vector<16xi32>
        tpu.vector_store %arg12[%swap3A_1100], %swap3A_1103 {strides = array<i32>} : memref<320xi32, #tpu.memory_space<vmem>>, vector<16xi32>,
        %get3A_1104 = arith.constant 48 : index
        %get3A_1105 = tpu.vector_load %arg12[%get3A_1104] {strides = array<i32>} : memref<320xi32, #tpu.memory_space<vmem>>, vector<16xi32>,
        %get3A_1106 = vector.shape_cast %get3A_1105 : vector<16xi32> to vector<16xi32>
        %add3A_1107 = arith.addi %get3A_1106, %broadcast_in_dim3A_60 : vector<16xi32>
        %swap3A_1108 = arith.constant 48 : index
        %swap3A_1109 = tpu.vector_load %arg12[%swap3A_1108] {strides = array<i32>} : memref<320xi32, #tpu.memory_space<vmem>>, vector<16xi32>,
        %swap3A_1110 = vector.shape_cast %swap3A_1109 : vector<16xi32> to vector<16xi32>
        %swap3A_1111 = vector.shape_cast %add3A_1107 : vector<16xi32> to vector<16xi32>
        tpu.vector_store %arg12[%swap3A_1108], %swap3A_1111 {strides = array<i32>} : memref<320xi32, #tpu.memory_space<vmem>>, vector<16xi32>,
        %get3A_1112 = arith.constant 64 : index
        %get3A_1113 = tpu.vector_load %arg12[%get3A_1112] {strides = array<i32>} : memref<320xi32, #tpu.memory_space<vmem>>, vector<16xi32>,
        %get3A_1114 = vector.shape_cast %get3A_1113 : vector<16xi32> to vector<16xi32>
        %add3A_1115 = arith.addi %get3A_1114, %broadcast_in_dim3A_60 : vector<16xi32>
        %swap3A_1116 = arith.constant 64 : index
        %swap3A_1117 = tpu.vector_load %arg12[%swap3A_1116] {strides = array<i32>} : memref<320xi32, #tpu.memory_space<vmem>>, vector<16xi32>,
        %swap3A_1118 = vector.shape_cast %swap3A_1117 : vector<16xi32> to vector<16xi32>
        %swap3A_1119 = vector.shape_cast %add3A_1115 : vector<16xi32> to vector<16xi32>
        tpu.vector_store %arg12[%swap3A_1116], %swap3A_1119 {strides = array<i32>} : memref<320xi32, #tpu.memory_space<vmem>>, vector<16xi32>,
        %get3A_1120 = arith.constant 80 : index
        %get3A_1121 = tpu.vector_load %arg12[%get3A_1120] {strides = array<i32>} : memref<320xi32, #tpu.memory_space<vmem>>, vector<16xi32>,
        %get3A_1122 = vector.shape_cast %get3A_1121 : vector<16xi32> to vector<16xi32>
        %add3A_1123 = arith.addi %get3A_1122, %broadcast_in_dim3A_60 : vector<16xi32>
        %swap3A_1124 = arith.constant 80 : index
        %swap3A_1125 = tpu.vector_load %arg12[%swap3A_1124] {strides = array<i32>} : memref<320xi32, #tpu.memory_space<vmem>>, vector<16xi32>,
        %swap3A_1126 = vector.shape_cast %swap3A_1125 : vector<16xi32> to vector<16xi32>
        %swap3A_1127 = vector.shape_cast %add3A_1123 : vector<16xi32> to vector<16xi32>
        tpu.vector_store %arg12[%swap3A_1124], %swap3A_1127 {strides = array<i32>} : memref<320xi32, #tpu.memory_space<vmem>>, vector<16xi32>,
        %get3A_1128 = arith.constant 96 : index
        %get3A_1129 = tpu.vector_load %arg12[%get3A_1128] {strides = array<i32>} : memref<320xi32, #tpu.memory_space<vmem>>, vector<16xi32>,
        %get3A_1130 = vector.shape_cast %get3A_1129 : vector<16xi32> to vector<16xi32>
        %add3A_1131 = arith.addi %get3A_1130, %broadcast_in_dim3A_60 : vector<16xi32>
        %swap3A_1132 = arith.constant 96 : index
        %swap3A_1133 = tpu.vector_load %arg12[%swap3A_1132] {strides = array<i32>} : memref<320xi32, #tpu.memory_space<vmem>>, vector<16xi32>,
        %swap3A_1134 = vector.shape_cast %swap3A_1133 : vector<16xi32> to vector<16xi32>
        %swap3A_1135 = vector.shape_cast %add3A_1131 : vector<16xi32> to vector<16xi32>
        tpu.vector_store %arg12[%swap3A_1132], %swap3A_1135 {strides = array<i32>} : memref<320xi32, #tpu.memory_space<vmem>>, vector<16xi32>,
        %get3A_1136 = arith.constant 112 : index
        %get3A_1137 = tpu.vector_load %arg12[%get3A_1136] {strides = array<i32>} : memref<320xi32, #tpu.memory_space<vmem>>, vector<16xi32>,
        %get3A_1138 = vector.shape_cast %get3A_1137 : vector<16xi32> to vector<16xi32>
        %add3A_1139 = arith.addi %get3A_1138, %broadcast_in_dim3A_60 : vector<16xi32>
        %swap3A_1140 = arith.constant 112 : index
        %swap3A_1141 = tpu.vector_load %arg12[%swap3A_1140] {strides = array<i32>} : memref<320xi32, #tpu.memory_space<vmem>>, vector<16xi32>,
        %swap3A_1142 = vector.shape_cast %swap3A_1141 : vector<16xi32> to vector<16xi32>
        %swap3A_1143 = vector.shape_cast %add3A_1139 : vector<16xi32> to vector<16xi32>
        tpu.vector_store %arg12[%swap3A_1140], %swap3A_1143 {strides = array<i32>} : memref<320xi32, #tpu.memory_space<vmem>>, vector<16xi32>,
        %get3A_1144 = arith.constant 128 : index
        %get3A_1145 = tpu.vector_load %arg12[%get3A_1144] {strides = array<i32>} : memref<320xi32, #tpu.memory_space<vmem>>, vector<16xi32>,
        %get3A_1146 = vector.shape_cast %get3A_1145 : vector<16xi32> to vector<16xi32>
        %add3A_1147 = arith.addi %get3A_1146, %broadcast_in_dim3A_60 : vector<16xi32>
        %swap3A_1148 = arith.constant 128 : index
        %swap3A_1149 = tpu.vector_load %arg12[%swap3A_1148] {strides = array<i32>} : memref<320xi32, #tpu.memory_space<vmem>>, vector<16xi32>,
        %swap3A_1150 = vector.shape_cast %swap3A_1149 : vector<16xi32> to vector<16xi32>
        %swap3A_1151 = vector.shape_cast %add3A_1147 : vector<16xi32> to vector<16xi32>
        tpu.vector_store %arg12[%swap3A_1148], %swap3A_1151 {strides = array<i32>} : memref<320xi32, #tpu.memory_space<vmem>>, vector<16xi32>,
        %get3A_1152 = arith.constant 144 : index
        %get3A_1153 = tpu.vector_load %arg12[%get3A_1152] {strides = array<i32>} : memref<320xi32, #tpu.memory_space<vmem>>, vector<16xi32>,
        %get3A_1154 = vector.shape_cast %get3A_1153 : vector<16xi32> to vector<16xi32>
        %add3A_1155 = arith.addi %get3A_1154, %broadcast_in_dim3A_60 : vector<16xi32>
        %swap3A_1156 = arith.constant 144 : index
        %swap3A_1157 = tpu.vector_load %arg12[%swap3A_1156] {strides = array<i32>} : memref<320xi32, #tpu.memory_space<vmem>>, vector<16xi32>,
        %swap3A_1158 = vector.shape_cast %swap3A_1157 : vector<16xi32> to vector<16xi32>
        %swap3A_1159 = vector.shape_cast %add3A_1155 : vector<16xi32> to vector<16xi32>
        tpu.vector_store %arg12[%swap3A_1156], %swap3A_1159 {strides = array<i32>} : memref<320xi32, #tpu.memory_space<vmem>>, vector<16xi32>,
        %get3A_1160 = arith.constant 160 : index
        %get3A_1161 = tpu.vector_load %arg12[%get3A_1160] {strides = array<i32>} : memref<320xi32, #tpu.memory_space<vmem>>, vector<16xi32>,
        %get3A_1162 = vector.shape_cast %get3A_1161 : vector<16xi32> to vector<16xi32>
        %add3A_1163 = arith.addi %get3A_1162, %broadcast_in_dim3A_60 : vector<16xi32>
        %swap3A_1164 = arith.constant 160 : index
        %swap3A_1165 = tpu.vector_load %arg12[%swap3A_1164] {strides = array<i32>} : memref<320xi32, #tpu.memory_space<vmem>>, vector<16xi32>,
        %swap3A_1166 = vector.shape_cast %swap3A_1165 : vector<16xi32> to vector<16xi32>
        %swap3A_1167 = vector.shape_cast %add3A_1163 : vector<16xi32> to vector<16xi32>
        tpu.vector_store %arg12[%swap3A_1164], %swap3A_1167 {strides = array<i32>} : memref<320xi32, #tpu.memory_space<vmem>>, vector<16xi32>,
        %get3A_1168 = arith.constant 176 : index
        %get3A_1169 = tpu.vector_load %arg12[%get3A_1168] {strides = array<i32>} : memref<320xi32, #tpu.memory_space<vmem>>, vector<16xi32>,
        %get3A_1170 = vector.shape_cast %get3A_1169 : vector<16xi32> to vector<16xi32>
        %add3A_1171 = arith.addi %get3A_1170, %broadcast_in_dim3A_60 : vector<16xi32>
        %swap3A_1172 = arith.constant 176 : index
        %swap3A_1173 = tpu.vector_load %arg12[%swap3A_1172] {strides = array<i32>} : memref<320xi32, #tpu.memory_space<vmem>>, vector<16xi32>,
        %swap3A_1174 = vector.shape_cast %swap3A_1173 : vector<16xi32> to vector<16xi32>
        %swap3A_1175 = vector.shape_cast %add3A_1171 : vector<16xi32> to vector<16xi32>
        tpu.vector_store %arg12[%swap3A_1172], %swap3A_1175 {strides = array<i32>} : memref<320xi32, #tpu.memory_space<vmem>>, vector<16xi32>,
        %get3A_1176 = arith.constant 192 : index
        %get3A_1177 = tpu.vector_load %arg12[%get3A_1176] {strides = array<i32>} : memref<320xi32, #tpu.memory_space<vmem>>, vector<16xi32>,
        %get3A_1178 = vector.shape_cast %get3A_1177 : vector<16xi32> to vector<16xi32>
        %add3A_1179 = arith.addi %get3A_1178, %broadcast_in_dim3A_60 : vector<16xi32>
        %swap3A_1180 = arith.constant 192 : index
        %swap3A_1181 = tpu.vector_load %arg12[%swap3A_1180] {strides = array<i32>} : memref<320xi32, #tpu.memory_space<vmem>>, vector<16xi32>,
        %swap3A_1182 = vector.shape_cast %swap3A_1181 : vector<16xi32> to vector<16xi32>
        %swap3A_1183 = vector.shape_cast %add3A_1179 : vector<16xi32> to vector<16xi32>
        tpu.vector_store %arg12[%swap3A_1180], %swap3A_1183 {strides = array<i32>} : memref<320xi32, #tpu.memory_space<vmem>>, vector<16xi32>,
        %get3A_1184 = arith.constant 208 : index
        %get3A_1185 = tpu.vector_load %arg12[%get3A_1184] {strides = array<i32>} : memref<320xi32, #tpu.memory_space<vmem>>, vector<16xi32>,
        %get3A_1186 = vector.shape_cast %get3A_1185 : vector<16xi32> to vector<16xi32>
        %add3A_1187 = arith.addi %get3A_1186, %broadcast_in_dim3A_60 : vector<16xi32>
        %swap3A_1188 = arith.constant 208 : index
        %swap3A_1189 = tpu.vector_load %arg12[%swap3A_1188] {strides = array<i32>} : memref<320xi32, #tpu.memory_space<vmem>>, vector<16xi32>,
        %swap3A_1190 = vector.shape_cast %swap3A_1189 : vector<16xi32> to vector<16xi32>
        %swap3A_1191 = vector.shape_cast %add3A_1187 : vector<16xi32> to vector<16xi32>
        tpu.vector_store %arg12[%swap3A_1188], %swap3A_1191 {strides = array<i32>} : memref<320xi32, #tpu.memory_space<vmem>>, vector<16xi32>,
        %get3A_1192 = arith.constant 224 : index
        %get3A_1193 = tpu.vector_load %arg12[%get3A_1192] {strides = array<i32>} : memref<320xi32, #tpu.memory_space<vmem>>, vector<16xi32>,
        %get3A_1194 = vector.shape_cast %get3A_1193 : vector<16xi32> to vector<16xi32>
        %add3A_1195 = arith.addi %get3A_1194, %broadcast_in_dim3A_60 : vector<16xi32>
        %swap3A_1196 = arith.constant 224 : index
        %swap3A_1197 = tpu.vector_load %arg12[%swap3A_1196] {strides = array<i32>} : memref<320xi32, #tpu.memory_space<vmem>>, vector<16xi32>,
        %swap3A_1198 = vector.shape_cast %swap3A_1197 : vector<16xi32> to vector<16xi32>
        %swap3A_1199 = vector.shape_cast %add3A_1195 : vector<16xi32> to vector<16xi32>
        tpu.vector_store %arg12[%swap3A_1196], %swap3A_1199 {strides = array<i32>} : memref<320xi32, #tpu.memory_space<vmem>>, vector<16xi32>,
        %get3A_1200 = arith.constant 240 : index
        %get3A_1201 = tpu.vector_load %arg12[%get3A_1200] {strides = array<i32>} : memref<320xi32, #tpu.memory_space<vmem>>, vector<16xi32>,
        %get3A_1202 = vector.shape_cast %get3A_1201 : vector<16xi32> to vector<16xi32>
        %add3A_1203 = arith.addi %get3A_1202, %broadcast_in_dim3A_60 : vector<16xi32>
        %swap3A_1204 = arith.constant 240 : index
        %swap3A_1205 = tpu.vector_load %arg12[%swap3A_1204] {strides = array<i32>} : memref<320xi32, #tpu.memory_space<vmem>>, vector<16xi32>,
        %swap3A_1206 = vector.shape_cast %swap3A_1205 : vector<16xi32> to vector<16xi32>
        %swap3A_1207 = vector.shape_cast %add3A_1203 : vector<16xi32> to vector<16xi32>
        tpu.vector_store %arg12[%swap3A_1204], %swap3A_1207 {strides = array<i32>} : memref<320xi32, #tpu.memory_space<vmem>>, vector<16xi32>,
        %get3A_1208 = arith.constant 256 : index
        %get3A_1209 = tpu.vector_load %arg12[%get3A_1208] {strides = array<i32>} : memref<320xi32, #tpu.memory_space<vmem>>, vector<16xi32>,
        %get3A_1210 = vector.shape_cast %get3A_1209 : vector<16xi32> to vector<16xi32>
        %add3A_1211 = arith.addi %get3A_1210, %broadcast_in_dim3A_60 : vector<16xi32>
        %swap3A_1212 = arith.constant 256 : index
        %swap3A_1213 = tpu.vector_load %arg12[%swap3A_1212] {strides = array<i32>} : memref<320xi32, #tpu.memory_space<vmem>>, vector<16xi32>,
        %swap3A_1214 = vector.shape_cast %swap3A_1213 : vector<16xi32> to vector<16xi32>
        %swap3A_1215 = vector.shape_cast %add3A_1211 : vector<16xi32> to vector<16xi32>
        tpu.vector_store %arg12[%swap3A_1212], %swap3A_1215 {strides = array<i32>} : memref<320xi32, #tpu.memory_space<vmem>>, vector<16xi32>,
        %get3A_1216 = arith.constant 272 : index
        %get3A_1217 = tpu.vector_load %arg12[%get3A_1216] {strides = array<i32>} : memref<320xi32, #tpu.memory_space<vmem>>, vector<16xi32>,
        %get3A_1218 = vector.shape_cast %get3A_1217 : vector<16xi32> to vector<16xi32>
        %add3A_1219 = arith.addi %get3A_1218, %broadcast_in_dim3A_60 : vector<16xi32>
        %swap3A_1220 = arith.constant 272 : index
        %swap3A_1221 = tpu.vector_load %arg12[%swap3A_1220] {strides = array<i32>} : memref<320xi32, #tpu.memory_space<vmem>>, vector<16xi32>,
        %swap3A_1222 = vector.shape_cast %swap3A_1221 : vector<16xi32> to vector<16xi32>
        %swap3A_1223 = vector.shape_cast %add3A_1219 : vector<16xi32> to vector<16xi32>
        tpu.vector_store %arg12[%swap3A_1220], %swap3A_1223 {strides = array<i32>} : memref<320xi32, #tpu.memory_space<vmem>>, vector<16xi32>,
        %get3A_1224 = arith.constant 288 : index
        %get3A_1225 = tpu.vector_load %arg12[%get3A_1224] {strides = array<i32>} : memref<320xi32, #tpu.memory_space<vmem>>, vector<16xi32>,
        %get3A_1226 = vector.shape_cast %get3A_1225 : vector<16xi32> to vector<16xi32>
        %add3A_1227 = arith.addi %get3A_1226, %broadcast_in_dim3A_60 : vector<16xi32>
        %swap3A_1228 = arith.constant 288 : index
        %swap3A_1229 = tpu.vector_load %arg12[%swap3A_1228] {strides = array<i32>} : memref<320xi32, #tpu.memory_space<vmem>>, vector<16xi32>,
        %swap3A_1230 = vector.shape_cast %swap3A_1229 : vector<16xi32> to vector<16xi32>
        %swap3A_1231 = vector.shape_cast %add3A_1227 : vector<16xi32> to vector<16xi32>
        tpu.vector_store %arg12[%swap3A_1228], %swap3A_1231 {strides = array<i32>} : memref<320xi32, #tpu.memory_space<vmem>>, vector<16xi32>,
        %get3A_1232 = arith.constant 304 : index
        %get3A_1233 = tpu.vector_load %arg12[%get3A_1232] {strides = array<i32>} : memref<320xi32, #tpu.memory_space<vmem>>, vector<16xi32>,
        %get3A_1234 = vector.shape_cast %get3A_1233 : vector<16xi32> to vector<16xi32>
        %add3A_1235 = arith.addi %get3A_1234, %broadcast_in_dim3A_60 : vector<16xi32>
        %swap3A_1236 = arith.constant 304 : index
        %swap3A_1237 = tpu.vector_load %arg12[%swap3A_1236] {strides = array<i32>} : memref<320xi32, #tpu.memory_space<vmem>>, vector<16xi32>,
        %swap3A_1238 = vector.shape_cast %swap3A_1237 : vector<16xi32> to vector<16xi32>
        %swap3A_1239 = vector.shape_cast %add3A_1235 : vector<16xi32> to vector<16xi32>
        tpu.vector_store %arg12[%swap3A_1236], %swap3A_1239 {strides = array<i32>} : memref<320xi32, #tpu.memory_space<vmem>>, vector<16xi32>,
        %dma_start3A_1240 = arith.constant 0 : i32
        %dma_start3A_1241 = arith.constant 0 : i32
        %dma_start3A_1242 = arith.constant 0 : i32
        %dma_start3A_1243 = tpu.memref_slice %arg20[%dma_start3A_1240, %dma_start3A_1241, %dma_start3A_1242] : memref<2x320x32xf32, #tpu.memory_space<vmem>> -> memref<1x320x32xf32, #tpu.memory_space<vmem>>
        %dma_start3A_1244 = tpu.memref_squeeze %dma_start3A_1243 : memref<1x320x32xf32, #tpu.memory_space<vmem>> -> memref<320x32xf32, #tpu.memory_space<vmem>>
        %dma_start3A_1245 = arith.constant 0 : i32
        %dma_start3A_1246 = arith.constant 0 : i32
        %dma_start3A_1247 = tpu.memref_slice %arg3[%dma_start3A_1245, %dma_start3A_1246] : memref<100000x32xf32, #tpu.memory_space<hbm>> -> memref<100000x32xf32, #tpu.memory_space<hbm>>
        tpu.enqueue_indirect_dma source(%dma_start3A_1247 : memref<100000x32xf32, #tpu.memory_space<hbm>>) target(%dma_start3A_1244 : memref<320x32xf32, #tpu.memory_space<vmem>>) offsets(%arg12 : memref<320xi32, #tpu.memory_space<vmem>>) semaphore(%arg28 : memref<!tpu.dma_semaphore, #tpu.memory_space<semaphore_mem>>)
      } else {
      }
      %sub3A_1053 = arith.constant 1 : i32
      %sub3A_1054 = arith.subi %add3A_57, %sub3A_1053 : i32
      %lt3A_1055 = arith.cmpi slt, %add3A_354, %sub3A_1054 : i32
      %convert_element_type3A_1056 = arith.extui %lt3A_1055 : i1 to i32
      %cond3A_1057 = arith.constant 0 : i32
      %cond3A_1058 = arith.cmpi ne, %convert_element_type3A_1056, %cond3A_1057 : i32
      scf.if %cond3A_1058 {
        %mul3A_1059 = arith.constant 4 : i32
        %mul3A_1060 = arith.muli %mul3A_1059, %add3A_354 : i32
        %add3A_1061 = arith.addi %mul3A_59, %mul3A_1060 : i32
        %add3A_1062 = arith.constant 3 : i32
        %add3A_1063 = arith.addi %add3A_1061, %add3A_1062 : i32
        %add3A_1064 = arith.constant 3 : i32
        %add3A_1065 = arith.addi %add3A_1063, %add3A_1064 : i32
        %mul3A_1066 = arith.constant 320 : i32
        %mul3A_1067 = arith.muli %add3A_1065, %mul3A_1066 : i32
        %dma_start3A_1068 = arith.constant 0 : i32
        %dma_start3A_1069 = tpu.memref_slice %arg2[%dma_start3A_1068, %mul3A_1067] : memref<2x800000xi32, #tpu.memory_space<hbm>> -> memref<1x320xi32, #tpu.memory_space<hbm>>
        %dma_start3A_1070 = tpu.memref_squeeze %dma_start3A_1069 : memref<1x320xi32, #tpu.memory_space<hbm>> -> memref<320xi32, #tpu.memory_space<hbm>>
        %dma_start3A_1071 = tpu.memref_slice %arg2[%dma_start3A_1068, %mul3A_1067] : memref<2x800000xi32, #tpu.memory_space<hbm>> -> memref<1x320xi32, #tpu.memory_space<hbm>>
        %dma_start3A_1072 = tpu.memref_squeeze %dma_start3A_1071 : memref<1x320xi32, #tpu.memory_space<hbm>> -> memref<320xi32, #tpu.memory_space<hbm>>
        tpu.enqueue_dma source(%dma_start3A_1072 : memref<320xi32, #tpu.memory_space<hbm>>) target(%arg14 : memref<320xi32, #tpu.memory_space<vmem>>) target_semaphore(%arg30 : memref<!tpu.dma_semaphore, #tpu.memory_space<semaphore_mem>>)
        %mul3A_1073 = arith.constant 320 : i32
        %mul3A_1074 = arith.muli %add3A_1065, %mul3A_1073 : i32
        %dma_start3A_1075 = arith.constant 1 : i32
        %dma_start3A_1076 = tpu.memref_slice %arg2[%dma_start3A_1075, %mul3A_1074] : memref<2x800000xi32, #tpu.memory_space<hbm>> -> memref<1x320xi32, #tpu.memory_space<hbm>>
        %dma_start3A_1077 = tpu.memref_squeeze %dma_start3A_1076 : memref<1x320xi32, #tpu.memory_space<hbm>> -> memref<320xi32, #tpu.memory_space<hbm>>
        %dma_start3A_1078 = tpu.memref_slice %arg2[%dma_start3A_1075, %mul3A_1074] : memref<2x800000xi32, #tpu.memory_space<hbm>> -> memref<1x320xi32, #tpu.memory_space<hbm>>
        %dma_start3A_1079 = tpu.memref_squeeze %dma_start3A_1078 : memref<1x320xi32, #tpu.memory_space<hbm>> -> memref<320xi32, #tpu.memory_space<hbm>>
        tpu.enqueue_dma source(%dma_start3A_1079 : memref<320xi32, #tpu.memory_space<hbm>>) target(%arg18 : memref<320xi32, #tpu.memory_space<vmem>>) target_semaphore(%arg30 : memref<!tpu.dma_semaphore, #tpu.memory_space<semaphore_mem>>)
      } else {
      }
    }
    %dma_wait3A_306 = arith.constant 1 : i32
    %dma_wait3A_307 = arith.constant 0 : i32
    %dma_wait3A_308 = arith.constant 0 : i32
    %dma_wait3A_309 = tpu.memref_slice %arg20[%dma_wait3A_306, %dma_wait3A_307, %dma_wait3A_308] : memref<2x320x32xf32, #tpu.memory_space<vmem>> -> memref<1x320x32xf32, #tpu.memory_space<vmem>>
    %dma_wait3A_310 = tpu.memref_squeeze %dma_wait3A_309 : memref<1x320x32xf32, #tpu.memory_space<vmem>> -> memref<320x32xf32, #tpu.memory_space<vmem>>
    %dma_wait3A_311 = arith.constant 0 : i32
    %dma_wait3A_312 = arith.constant 0 : i32
    %dma_wait3A_313 = tpu.memref_slice %arg9[%dma_wait3A_311, %dma_wait3A_312] : memref<50000x32xf32, #tpu.memory_space<vmem_shared>> -> memref<50000x32xf32, #tpu.memory_space<vmem_shared>>
    tpu.wait_indirect_dma semaphore(%arg29 : memref<!tpu.dma_semaphore, #tpu.memory_space<semaphore_mem>>) src(%dma_wait3A_310 : memref<320x32xf32, #tpu.memory_space<vmem>>) dst(%dma_wait3A_313 : memref<50000x32xf32, #tpu.memory_space<vmem_shared>>)
    %barrier3A_314 = arith.constant 0 : index
    tpu.barrier barrier_id(%barrier3A_314)
    %get3A_315 = arith.constant 0 : index
    %get3A_316 = tpu.vector_load %arg27[%get3A_315] {strides = array<i32>} : memref<32xf32, #tpu.memory_space<vmem>>, vector<16xf32>,
    %get3A_317 = vector.shape_cast %get3A_316 : vector<16xf32> to vector<16xf32>
    %get3A_318 = arith.constant 16 : index
    %get3A_319 = tpu.vector_load %arg27[%get3A_318] {strides = array<i32>} : memref<32xf32, #tpu.memory_space<vmem>>, vector<16xf32>,
    %get3A_320 = vector.shape_cast %get3A_319 : vector<16xf32> to vector<16xf32>
    %add3A_321 = arith.addi %add3A, %add3A_25 : i32
    %sub3A_322 = arith.subi %add3A_321, %add3A : i32
    %sub3A_323 = arith.constant 1 : i32
    %sub3A_324 = arith.constant 1 : i32
    %sub3A_325 = arith.subi %sub3A_323, %sub3A_324 : i32
    %add3A_326 = arith.addi %sub3A_322, %sub3A_325 : i32
    %div3A_327 = arith.constant 1 : i32
    %div3A_328 = arith.divsi %add3A_326, %div3A_327 : i32
    %while3A_329 = arith.constant 1 : i32
    %while3A_330 = arith.constant 0 : i32
    %while3A_331 = arith.subi %div3A_328, %while3A_330 : i32
    %while3A_332 = arith.addi %while3A_330, %while3A_331 : i32
    %while3A_333 = arith.constant 1 : i32
    %while3A_334 = arith.divsi %while3A_331, %while3A_333 : i32
    %while3A_335 = arith.muli %while3A_334, %while3A_333 : i32
    %while3A_336 = arith.addi %while3A_330, %while3A_335 : i32
    %while3A_337 = arith.constant 1 : i32
    scf.for %while3A_352 = %while3A_330 to %while3A_336 step %while3A_337  : i32 {
      %mul3A_353 = arith.muli %while3A_352, %while3A_329 : i32
      %add3A_354 = arith.addi %add3A, %mul3A_353 : i32
      %mul3A_355 = arith.constant 80 : i32
      %mul3A_356 = arith.muli %add3A_354, %mul3A_355 : i32
      "tpu.region"() ({
        %run_scoped3A = tpu.sem_alloc : memref<!tpu.dma_semaphore, #tpu.memory_space<semaphore_mem>>
        %dma_start3A_363 = arith.constant 0 : i32
        %dma_start3A_364 = tpu.memref_slice %arg9[%mul3A_356, %dma_start3A_363] : memref<50000x32xf32, #tpu.memory_space<vmem_shared>> -> memref<80x32xf32, #tpu.memory_space<vmem_shared>>
        %dma_start3A_365 = arith.constant 0 : i32
        %dma_start3A_366 = tpu.memref_slice %arg9[%mul3A_356, %dma_start3A_365] : memref<50000x32xf32, #tpu.memory_space<vmem_shared>> -> memref<80x32xf32, #tpu.memory_space<vmem_shared>>
        tpu.enqueue_dma source(%dma_start3A_366 : memref<80x32xf32, #tpu.memory_space<vmem_shared>>) target(%arg21 : memref<80x32xf32, #tpu.memory_space<vmem>>) target_semaphore(%run_scoped3A : memref<!tpu.dma_semaphore, #tpu.memory_space<semaphore_mem>>)
        %dma_wait3A_367 = arith.constant 0 : i32
        %dma_wait3A_368 = tpu.memref_slice %arg9[%mul3A_356, %dma_wait3A_367] : memref<50000x32xf32, #tpu.memory_space<vmem_shared>> -> memref<80x32xf32, #tpu.memory_space<vmem_shared>>
        %dma_wait3A_369 = arith.constant 0 : i32
        %dma_wait3A_370 = tpu.memref_slice %arg9[%mul3A_356, %dma_wait3A_369] : memref<50000x32xf32, #tpu.memory_space<vmem_shared>> -> memref<80x32xf32, #tpu.memory_space<vmem_shared>>
        tpu.wait_dma2 semaphore(%run_scoped3A : memref<!tpu.dma_semaphore, #tpu.memory_space<semaphore_mem>>) src(%dma_wait3A_370 : memref<80x32xf32, #tpu.memory_space<vmem_shared>>) dst(%arg21 : memref<80x32xf32, #tpu.memory_space<vmem>>)
        tpu.yield
      }) : () -> ()
      %add3A_357 = arith.addi %mul3A_0, %mul3A_356 : i32
      "tpu.region"() ({
        %run_scoped3A = tpu.sem_alloc : memref<!tpu.dma_semaphore, #tpu.memory_space<semaphore_mem>>
        %dma_start3A_363 = arith.constant 0 : i32
        %dma_start3A_364 = tpu.memref_slice %arg3[%add3A_357, %dma_start3A_363] : memref<100000x32xf32, #tpu.memory_space<hbm>> -> memref<80x32xf32, #tpu.memory_space<hbm>>
        %dma_start3A_365 = arith.constant 0 : i32
        %dma_start3A_366 = tpu.memref_slice %arg3[%add3A_357, %dma_start3A_365] : memref<100000x32xf32, #tpu.memory_space<hbm>> -> memref<80x32xf32, #tpu.memory_space<hbm>>
        tpu.enqueue_dma source(%dma_start3A_366 : memref<80x32xf32, #tpu.memory_space<hbm>>) target(%arg22 : memref<80x32xf32, #tpu.memory_space<vmem>>) target_semaphore(%run_scoped3A : memref<!tpu.dma_semaphore, #tpu.memory_space<semaphore_mem>>)
        %dma_wait3A_367 = arith.constant 0 : i32
        %dma_wait3A_368 = tpu.memref_slice %arg3[%add3A_357, %dma_wait3A_367] : memref<100000x32xf32, #tpu.memory_space<hbm>> -> memref<80x32xf32, #tpu.memory_space<hbm>>
        %dma_wait3A_369 = arith.constant 0 : i32
        %dma_wait3A_370 = tpu.memref_slice %arg3[%add3A_357, %dma_wait3A_369] : memref<100000x32xf32, #tpu.memory_space<hbm>> -> memref<80x32xf32, #tpu.memory_space<hbm>>
        tpu.wait_dma2 semaphore(%run_scoped3A : memref<!tpu.dma_semaphore, #tpu.memory_space<semaphore_mem>>) src(%dma_wait3A_370 : memref<80x32xf32, #tpu.memory_space<hbm>>) dst(%arg22 : memref<80x32xf32, #tpu.memory_space<vmem>>)
        tpu.yield
      }) : () -> ()
      "tpu.region"() ({
        %run_scoped3A = tpu.sem_alloc : memref<!tpu.dma_semaphore, #tpu.memory_space<semaphore_mem>>
        %dma_start3A_363 = tpu.memref_slice %arg4[%mul3A_356] : memref<50000xf32, #tpu.memory_space<hbm>> -> memref<80xf32, #tpu.memory_space<hbm>>
        %dma_start3A_364 = tpu.memref_slice %arg4[%mul3A_356] : memref<50000xf32, #tpu.memory_space<hbm>> -> memref<80xf32, #tpu.memory_space<hbm>>
        tpu.enqueue_dma source(%dma_start3A_364 : memref<80xf32, #tpu.memory_space<hbm>>) target(%arg23 : memref<80xf32, #tpu.memory_space<vmem>>) target_semaphore(%run_scoped3A : memref<!tpu.dma_semaphore, #tpu.memory_space<semaphore_mem>>)
        %dma_wait3A_365 = tpu.memref_slice %arg4[%mul3A_356] : memref<50000xf32, #tpu.memory_space<hbm>> -> memref<80xf32, #tpu.memory_space<hbm>>
        %dma_wait3A_366 = tpu.memref_slice %arg4[%mul3A_356] : memref<50000xf32, #tpu.memory_space<hbm>> -> memref<80xf32, #tpu.memory_space<hbm>>
        tpu.wait_dma2 semaphore(%run_scoped3A : memref<!tpu.dma_semaphore, #tpu.memory_space<semaphore_mem>>) src(%dma_wait3A_366 : memref<80xf32, #tpu.memory_space<hbm>>) dst(%arg23 : memref<80xf32, #tpu.memory_space<vmem>>)
        tpu.yield
      }) : () -> ()
      "tpu.region"() ({
        %run_scoped3A = tpu.sem_alloc : memref<!tpu.dma_semaphore, #tpu.memory_space<semaphore_mem>>
        %dma_start3A_363 = tpu.memref_slice %arg5[%mul3A_356] : memref<50000xi32, #tpu.memory_space<hbm>> -> memref<80xi32, #tpu.memory_space<hbm>>
        %dma_start3A_364 = tpu.memref_slice %arg5[%mul3A_356] : memref<50000xi32, #tpu.memory_space<hbm>> -> memref<80xi32, #tpu.memory_space<hbm>>
        tpu.enqueue_dma source(%dma_start3A_364 : memref<80xi32, #tpu.memory_space<hbm>>) target(%arg24 : memref<80xi32, #tpu.memory_space<vmem>>) target_semaphore(%run_scoped3A : memref<!tpu.dma_semaphore, #tpu.memory_space<semaphore_mem>>)
        %dma_wait3A_365 = tpu.memref_slice %arg5[%mul3A_356] : memref<50000xi32, #tpu.memory_space<hbm>> -> memref<80xi32, #tpu.memory_space<hbm>>
        %dma_wait3A_366 = tpu.memref_slice %arg5[%mul3A_356] : memref<50000xi32, #tpu.memory_space<hbm>> -> memref<80xi32, #tpu.memory_space<hbm>>
        tpu.wait_dma2 semaphore(%run_scoped3A : memref<!tpu.dma_semaphore, #tpu.memory_space<semaphore_mem>>) src(%dma_wait3A_366 : memref<80xi32, #tpu.memory_space<hbm>>) dst(%arg24 : memref<80xi32, #tpu.memory_space<vmem>>)
        tpu.yield
      }) : () -> ()
      %scan3A_358 = arith.constant 0 : i32
      %scan3A_359 = arith.constant 5 : i32
      %scan3A_360 = arith.addi %scan3A_358, %scan3A_359 : i32
      %scan3A_361 = arith.constant 1 : i32
      scf.for %scan3A_363 = %scan3A_358 to %scan3A_360 step %scan3A_361  : i32 {
        %mul3A_364 = arith.constant 1 : i32
        %mul3A_365 = arith.muli %scan3A_363, %mul3A_364 : i32
        %add3A_366 = arith.constant 0 : i32
        %add3A_367 = arith.addi %add3A_366, %mul3A_365 : i32
        %mul3A_368 = arith.constant 16 : i32
        %mul3A_369 = arith.muli %add3A_367, %mul3A_368 : i32
        %get3A_370 = arith.index_cast %mul3A_369 : i32 to index
        %get3A_371 = tpu.vector_load %arg23[%get3A_370] {strides = array<i32>} : memref<80xf32, #tpu.memory_space<vmem>>, vector<16xf32>,
        %get3A_372 = vector.shape_cast %get3A_371 : vector<16xf32> to vector<16xf32>
        %mul3A_373 = arith.constant 16 : i32
        %mul3A_374 = arith.muli %add3A_367, %mul3A_373 : i32
        %add3A_375 = arith.constant 0 : i32
        %add3A_376 = arith.addi %mul3A_374, %add3A_375 : i32
        %slice3A = vector.extract_strided_slice %get3A_372 {offsets = [0], sizes = [1], strides = [1]} : vector<16xf32> to vector<1xf32>
        %squeeze3A = vector.extract %slice3A[0] : f32 from vector<1xf32>
        %get3A_377 = arith.index_cast %add3A_376 : i32 to index
        %get3A_378 = arith.constant 0 : index
        %get3A_379 = tpu.vector_load %arg21[%get3A_377, %get3A_378] {strides = array<i32>} : memref<80x32xf32, #tpu.memory_space<vmem>>, vector<1x16xf32>,
        %get3A_380 = vector.shape_cast %get3A_379 : vector<1x16xf32> to vector<16xf32>
        %get3A_381 = arith.index_cast %add3A_376 : i32 to index
        %get3A_382 = arith.constant 0 : index
        %get3A_383 = tpu.vector_load %arg22[%get3A_381, %get3A_382] {strides = array<i32>} : memref<80x32xf32, #tpu.memory_space<vmem>>, vector<1x16xf32>,
        %get3A_384 = vector.shape_cast %get3A_383 : vector<1x16xf32> to vector<16xf32>
        %add3A_385 = arith.addf %get3A_380, %get3A_384 : vector<16xf32>
        %mul3A_386 = vector.broadcast %squeeze3A : f32 to vector<16xf32>
        %mul3A_387 = arith.mulf %mul3A_386, %add3A_385 : vector<16xf32>
        %add3A_388 = arith.addf %mul3A_387, %get3A_317 : vector<16xf32>
        %max3A = arith.constant 0.000000e+00 : f32
        %max3A_389 = vector.broadcast %max3A : f32 to vector<16xf32>
        %max3A_390 = arith.maximumf %add3A_388, %max3A_389 : vector<16xf32>
        %swap3A_391 = arith.index_cast %add3A_376 : i32 to index
        %swap3A_392 = arith.constant 0 : index
        %swap3A_393 = tpu.vector_load %arg21[%swap3A_391, %swap3A_392] {strides = array<i32>} : memref<80x32xf32, #tpu.memory_space<vmem>>, vector<1x16xf32>,
        %swap3A_394 = vector.shape_cast %swap3A_393 : vector<1x16xf32> to vector<16xf32>
        %swap3A_395 = vector.shape_cast %max3A_390 : vector<16xf32> to vector<1x16xf32>
        tpu.vector_store %arg21[%swap3A_391, %swap3A_392], %swap3A_395 {strides = array<i32>} : memref<80x32xf32, #tpu.memory_space<vmem>>, vector<1x16xf32>,
        %get3A_396 = arith.index_cast %add3A_376 : i32 to index
        %get3A_397 = arith.constant 16 : index
        %get3A_398 = tpu.vector_load %arg21[%get3A_396, %get3A_397] {strides = array<i32>} : memref<80x32xf32, #tpu.memory_space<vmem>>, vector<1x16xf32>,
        %get3A_399 = vector.shape_cast %get3A_398 : vector<1x16xf32> to vector<16xf32>
        %get3A_400 = arith.index_cast %add3A_376 : i32 to index
        %get3A_401 = arith.constant 16 : index
        %get3A_402 = tpu.vector_load %arg22[%get3A_400, %get3A_401] {strides = array<i32>} : memref<80x32xf32, #tpu.memory_space<vmem>>, vector<1x16xf32>,
        %get3A_403 = vector.shape_cast %get3A_402 : vector<1x16xf32> to vector<16xf32>
        %add3A_404 = arith.addf %get3A_399, %get3A_403 : vector<16xf32>
        %mul3A_405 = vector.broadcast %squeeze3A : f32 to vector<16xf32>
        %mul3A_406 = arith.mulf %mul3A_405, %add3A_404 : vector<16xf32>
        %add3A_407 = arith.addf %mul3A_406, %get3A_320 : vector<16xf32>
        %max3A_408 = arith.constant 0.000000e+00 : f32
        %max3A_409 = vector.broadcast %max3A_408 : f32 to vector<16xf32>
        %max3A_410 = arith.maximumf %add3A_407, %max3A_409 : vector<16xf32>
        %swap3A_411 = arith.index_cast %add3A_376 : i32 to index
        %swap3A_412 = arith.constant 16 : index
        %swap3A_413 = tpu.vector_load %arg21[%swap3A_411, %swap3A_412] {strides = array<i32>} : memref<80x32xf32, #tpu.memory_space<vmem>>, vector<1x16xf32>,
        %swap3A_414 = vector.shape_cast %swap3A_413 : vector<1x16xf32> to vector<16xf32>
        %swap3A_415 = vector.shape_cast %max3A_410 : vector<16xf32> to vector<1x16xf32>
        tpu.vector_store %arg21[%swap3A_411, %swap3A_412], %swap3A_415 {strides = array<i32>} : memref<80x32xf32, #tpu.memory_space<vmem>>, vector<1x16xf32>,
        %mul3A_416 = arith.constant 16 : i32
        %mul3A_417 = arith.muli %add3A_367, %mul3A_416 : i32
        %add3A_418 = arith.constant 1 : i32
        %add3A_419 = arith.addi %mul3A_417, %add3A_418 : i32
        %slice3A_420 = vector.extract_strided_slice %get3A_372 {offsets = [1], sizes = [1], strides = [1]} : vector<16xf32> to vector<1xf32>
        %squeeze3A_421 = vector.extract %slice3A_420[0] : f32 from vector<1xf32>
        %get3A_422 = arith.index_cast %add3A_419 : i32 to index
        %get3A_423 = arith.constant 0 : index
        %get3A_424 = tpu.vector_load %arg21[%get3A_422, %get3A_423] {strides = array<i32>} : memref<80x32xf32, #tpu.memory_space<vmem>>, vector<1x16xf32>,
        %get3A_425 = vector.shape_cast %get3A_424 : vector<1x16xf32> to vector<16xf32>
        %get3A_426 = arith.index_cast %add3A_419 : i32 to index
        %get3A_427 = arith.constant 0 : index
        %get3A_428 = tpu.vector_load %arg22[%get3A_426, %get3A_427] {strides = array<i32>} : memref<80x32xf32, #tpu.memory_space<vmem>>, vector<1x16xf32>,
        %get3A_429 = vector.shape_cast %get3A_428 : vector<1x16xf32> to vector<16xf32>
        %add3A_430 = arith.addf %get3A_425, %get3A_429 : vector<16xf32>
        %mul3A_431 = vector.broadcast %squeeze3A_421 : f32 to vector<16xf32>
        %mul3A_432 = arith.mulf %mul3A_431, %add3A_430 : vector<16xf32>
        %add3A_433 = arith.addf %mul3A_432, %get3A_317 : vector<16xf32>
        %max3A_434 = arith.constant 0.000000e+00 : f32
        %max3A_435 = vector.broadcast %max3A_434 : f32 to vector<16xf32>
        %max3A_436 = arith.maximumf %add3A_433, %max3A_435 : vector<16xf32>
        %swap3A_437 = arith.index_cast %add3A_419 : i32 to index
        %swap3A_438 = arith.constant 0 : index
        %swap3A_439 = tpu.vector_load %arg21[%swap3A_437, %swap3A_438] {strides = array<i32>} : memref<80x32xf32, #tpu.memory_space<vmem>>, vector<1x16xf32>,
        %swap3A_440 = vector.shape_cast %swap3A_439 : vector<1x16xf32> to vector<16xf32>
        %swap3A_441 = vector.shape_cast %max3A_436 : vector<16xf32> to vector<1x16xf32>
        tpu.vector_store %arg21[%swap3A_437, %swap3A_438], %swap3A_441 {strides = array<i32>} : memref<80x32xf32, #tpu.memory_space<vmem>>, vector<1x16xf32>,
        %get3A_442 = arith.index_cast %add3A_419 : i32 to index
        %get3A_443 = arith.constant 16 : index
        %get3A_444 = tpu.vector_load %arg21[%get3A_442, %get3A_443] {strides = array<i32>} : memref<80x32xf32, #tpu.memory_space<vmem>>, vector<1x16xf32>,
        %get3A_445 = vector.shape_cast %get3A_444 : vector<1x16xf32> to vector<16xf32>
        %get3A_446 = arith.index_cast %add3A_419 : i32 to index
        %get3A_447 = arith.constant 16 : index
        %get3A_448 = tpu.vector_load %arg22[%get3A_446, %get3A_447] {strides = array<i32>} : memref<80x32xf32, #tpu.memory_space<vmem>>, vector<1x16xf32>,
        %get3A_449 = vector.shape_cast %get3A_448 : vector<1x16xf32> to vector<16xf32>
        %add3A_450 = arith.addf %get3A_445, %get3A_449 : vector<16xf32>
        %mul3A_451 = vector.broadcast %squeeze3A_421 : f32 to vector<16xf32>
        %mul3A_452 = arith.mulf %mul3A_451, %add3A_450 : vector<16xf32>
        %add3A_453 = arith.addf %mul3A_452, %get3A_320 : vector<16xf32>
        %max3A_454 = arith.constant 0.000000e+00 : f32
        %max3A_455 = vector.broadcast %max3A_454 : f32 to vector<16xf32>
        %max3A_456 = arith.maximumf %add3A_453, %max3A_455 : vector<16xf32>
        %swap3A_457 = arith.index_cast %add3A_419 : i32 to index
        %swap3A_458 = arith.constant 16 : index
        %swap3A_459 = tpu.vector_load %arg21[%swap3A_457, %swap3A_458] {strides = array<i32>} : memref<80x32xf32, #tpu.memory_space<vmem>>, vector<1x16xf32>,
        %swap3A_460 = vector.shape_cast %swap3A_459 : vector<1x16xf32> to vector<16xf32>
        %swap3A_461 = vector.shape_cast %max3A_456 : vector<16xf32> to vector<1x16xf32>
        tpu.vector_store %arg21[%swap3A_457, %swap3A_458], %swap3A_461 {strides = array<i32>} : memref<80x32xf32, #tpu.memory_space<vmem>>, vector<1x16xf32>,
        %mul3A_462 = arith.constant 16 : i32
        %mul3A_463 = arith.muli %add3A_367, %mul3A_462 : i32
        %add3A_464 = arith.constant 2 : i32
        %add3A_465 = arith.addi %mul3A_463, %add3A_464 : i32
        %slice3A_466 = vector.extract_strided_slice %get3A_372 {offsets = [2], sizes = [1], strides = [1]} : vector<16xf32> to vector<1xf32>
        %squeeze3A_467 = vector.extract %slice3A_466[0] : f32 from vector<1xf32>
        %get3A_468 = arith.index_cast %add3A_465 : i32 to index
        %get3A_469 = arith.constant 0 : index
        %get3A_470 = tpu.vector_load %arg21[%get3A_468, %get3A_469] {strides = array<i32>} : memref<80x32xf32, #tpu.memory_space<vmem>>, vector<1x16xf32>,
        %get3A_471 = vector.shape_cast %get3A_470 : vector<1x16xf32> to vector<16xf32>
        %get3A_472 = arith.index_cast %add3A_465 : i32 to index
        %get3A_473 = arith.constant 0 : index
        %get3A_474 = tpu.vector_load %arg22[%get3A_472, %get3A_473] {strides = array<i32>} : memref<80x32xf32, #tpu.memory_space<vmem>>, vector<1x16xf32>,
        %get3A_475 = vector.shape_cast %get3A_474 : vector<1x16xf32> to vector<16xf32>
        %add3A_476 = arith.addf %get3A_471, %get3A_475 : vector<16xf32>
        %mul3A_477 = vector.broadcast %squeeze3A_467 : f32 to vector<16xf32>
        %mul3A_478 = arith.mulf %mul3A_477, %add3A_476 : vector<16xf32>
        %add3A_479 = arith.addf %mul3A_478, %get3A_317 : vector<16xf32>
        %max3A_480 = arith.constant 0.000000e+00 : f32
        %max3A_481 = vector.broadcast %max3A_480 : f32 to vector<16xf32>
        %max3A_482 = arith.maximumf %add3A_479, %max3A_481 : vector<16xf32>
        %swap3A_483 = arith.index_cast %add3A_465 : i32 to index
        %swap3A_484 = arith.constant 0 : index
        %swap3A_485 = tpu.vector_load %arg21[%swap3A_483, %swap3A_484] {strides = array<i32>} : memref<80x32xf32, #tpu.memory_space<vmem>>, vector<1x16xf32>,
        %swap3A_486 = vector.shape_cast %swap3A_485 : vector<1x16xf32> to vector<16xf32>
        %swap3A_487 = vector.shape_cast %max3A_482 : vector<16xf32> to vector<1x16xf32>
        tpu.vector_store %arg21[%swap3A_483, %swap3A_484], %swap3A_487 {strides = array<i32>} : memref<80x32xf32, #tpu.memory_space<vmem>>, vector<1x16xf32>,
        %get3A_488 = arith.index_cast %add3A_465 : i32 to index
        %get3A_489 = arith.constant 16 : index
        %get3A_490 = tpu.vector_load %arg21[%get3A_488, %get3A_489] {strides = array<i32>} : memref<80x32xf32, #tpu.memory_space<vmem>>, vector<1x16xf32>,
        %get3A_491 = vector.shape_cast %get3A_490 : vector<1x16xf32> to vector<16xf32>
        %get3A_492 = arith.index_cast %add3A_465 : i32 to index
        %get3A_493 = arith.constant 16 : index
        %get3A_494 = tpu.vector_load %arg22[%get3A_492, %get3A_493] {strides = array<i32>} : memref<80x32xf32, #tpu.memory_space<vmem>>, vector<1x16xf32>,
        %get3A_495 = vector.shape_cast %get3A_494 : vector<1x16xf32> to vector<16xf32>
        %add3A_496 = arith.addf %get3A_491, %get3A_495 : vector<16xf32>
        %mul3A_497 = vector.broadcast %squeeze3A_467 : f32 to vector<16xf32>
        %mul3A_498 = arith.mulf %mul3A_497, %add3A_496 : vector<16xf32>
        %add3A_499 = arith.addf %mul3A_498, %get3A_320 : vector<16xf32>
        %max3A_500 = arith.constant 0.000000e+00 : f32
        %max3A_501 = vector.broadcast %max3A_500 : f32 to vector<16xf32>
        %max3A_502 = arith.maximumf %add3A_499, %max3A_501 : vector<16xf32>
        %swap3A_503 = arith.index_cast %add3A_465 : i32 to index
        %swap3A_504 = arith.constant 16 : index
        %swap3A_505 = tpu.vector_load %arg21[%swap3A_503, %swap3A_504] {strides = array<i32>} : memref<80x32xf32, #tpu.memory_space<vmem>>, vector<1x16xf32>,
        %swap3A_506 = vector.shape_cast %swap3A_505 : vector<1x16xf32> to vector<16xf32>
        %swap3A_507 = vector.shape_cast %max3A_502 : vector<16xf32> to vector<1x16xf32>
        tpu.vector_store %arg21[%swap3A_503, %swap3A_504], %swap3A_507 {strides = array<i32>} : memref<80x32xf32, #tpu.memory_space<vmem>>, vector<1x16xf32>,
        %mul3A_508 = arith.constant 16 : i32
        %mul3A_509 = arith.muli %add3A_367, %mul3A_508 : i32
        %add3A_510 = arith.constant 3 : i32
        %add3A_511 = arith.addi %mul3A_509, %add3A_510 : i32
        %slice3A_512 = vector.extract_strided_slice %get3A_372 {offsets = [3], sizes = [1], strides = [1]} : vector<16xf32> to vector<1xf32>
        %squeeze3A_513 = vector.extract %slice3A_512[0] : f32 from vector<1xf32>
        %get3A_514 = arith.index_cast %add3A_511 : i32 to index
        %get3A_515 = arith.constant 0 : index
        %get3A_516 = tpu.vector_load %arg21[%get3A_514, %get3A_515] {strides = array<i32>} : memref<80x32xf32, #tpu.memory_space<vmem>>, vector<1x16xf32>,
        %get3A_517 = vector.shape_cast %get3A_516 : vector<1x16xf32> to vector<16xf32>
        %get3A_518 = arith.index_cast %add3A_511 : i32 to index
        %get3A_519 = arith.constant 0 : index
        %get3A_520 = tpu.vector_load %arg22[%get3A_518, %get3A_519] {strides = array<i32>} : memref<80x32xf32, #tpu.memory_space<vmem>>, vector<1x16xf32>,
        %get3A_521 = vector.shape_cast %get3A_520 : vector<1x16xf32> to vector<16xf32>
        %add3A_522 = arith.addf %get3A_517, %get3A_521 : vector<16xf32>
        %mul3A_523 = vector.broadcast %squeeze3A_513 : f32 to vector<16xf32>
        %mul3A_524 = arith.mulf %mul3A_523, %add3A_522 : vector<16xf32>
        %add3A_525 = arith.addf %mul3A_524, %get3A_317 : vector<16xf32>
        %max3A_526 = arith.constant 0.000000e+00 : f32
        %max3A_527 = vector.broadcast %max3A_526 : f32 to vector<16xf32>
        %max3A_528 = arith.maximumf %add3A_525, %max3A_527 : vector<16xf32>
        %swap3A_529 = arith.index_cast %add3A_511 : i32 to index
        %swap3A_530 = arith.constant 0 : index
        %swap3A_531 = tpu.vector_load %arg21[%swap3A_529, %swap3A_530] {strides = array<i32>} : memref<80x32xf32, #tpu.memory_space<vmem>>, vector<1x16xf32>,
        %swap3A_532 = vector.shape_cast %swap3A_531 : vector<1x16xf32> to vector<16xf32>
        %swap3A_533 = vector.shape_cast %max3A_528 : vector<16xf32> to vector<1x16xf32>
        tpu.vector_store %arg21[%swap3A_529, %swap3A_530], %swap3A_533 {strides = array<i32>} : memref<80x32xf32, #tpu.memory_space<vmem>>, vector<1x16xf32>,
        %get3A_534 = arith.index_cast %add3A_511 : i32 to index
        %get3A_535 = arith.constant 16 : index
        %get3A_536 = tpu.vector_load %arg21[%get3A_534, %get3A_535] {strides = array<i32>} : memref<80x32xf32, #tpu.memory_space<vmem>>, vector<1x16xf32>,
        %get3A_537 = vector.shape_cast %get3A_536 : vector<1x16xf32> to vector<16xf32>
        %get3A_538 = arith.index_cast %add3A_511 : i32 to index
        %get3A_539 = arith.constant 16 : index
        %get3A_540 = tpu.vector_load %arg22[%get3A_538, %get3A_539] {strides = array<i32>} : memref<80x32xf32, #tpu.memory_space<vmem>>, vector<1x16xf32>,
        %get3A_541 = vector.shape_cast %get3A_540 : vector<1x16xf32> to vector<16xf32>
        %add3A_542 = arith.addf %get3A_537, %get3A_541 : vector<16xf32>
        %mul3A_543 = vector.broadcast %squeeze3A_513 : f32 to vector<16xf32>
        %mul3A_544 = arith.mulf %mul3A_543, %add3A_542 : vector<16xf32>
        %add3A_545 = arith.addf %mul3A_544, %get3A_320 : vector<16xf32>
        %max3A_546 = arith.constant 0.000000e+00 : f32
        %max3A_547 = vector.broadcast %max3A_546 : f32 to vector<16xf32>
        %max3A_548 = arith.maximumf %add3A_545, %max3A_547 : vector<16xf32>
        %swap3A_549 = arith.index_cast %add3A_511 : i32 to index
        %swap3A_550 = arith.constant 16 : index
        %swap3A_551 = tpu.vector_load %arg21[%swap3A_549, %swap3A_550] {strides = array<i32>} : memref<80x32xf32, #tpu.memory_space<vmem>>, vector<1x16xf32>,
        %swap3A_552 = vector.shape_cast %swap3A_551 : vector<1x16xf32> to vector<16xf32>
        %swap3A_553 = vector.shape_cast %max3A_548 : vector<16xf32> to vector<1x16xf32>
        tpu.vector_store %arg21[%swap3A_549, %swap3A_550], %swap3A_553 {strides = array<i32>} : memref<80x32xf32, #tpu.memory_space<vmem>>, vector<1x16xf32>,
        %mul3A_554 = arith.constant 16 : i32
        %mul3A_555 = arith.muli %add3A_367, %mul3A_554 : i32
        %add3A_556 = arith.constant 4 : i32
        %add3A_557 = arith.addi %mul3A_555, %add3A_556 : i32
        %slice3A_558 = vector.extract_strided_slice %get3A_372 {offsets = [4], sizes = [1], strides = [1]} : vector<16xf32> to vector<1xf32>
        %squeeze3A_559 = vector.extract %slice3A_558[0] : f32 from vector<1xf32>
        %get3A_560 = arith.index_cast %add3A_557 : i32 to index
        %get3A_561 = arith.constant 0 : index
        %get3A_562 = tpu.vector_load %arg21[%get3A_560, %get3A_561] {strides = array<i32>} : memref<80x32xf32, #tpu.memory_space<vmem>>, vector<1x16xf32>,
        %get3A_563 = vector.shape_cast %get3A_562 : vector<1x16xf32> to vector<16xf32>
        %get3A_564 = arith.index_cast %add3A_557 : i32 to index
        %get3A_565 = arith.constant 0 : index
        %get3A_566 = tpu.vector_load %arg22[%get3A_564, %get3A_565] {strides = array<i32>} : memref<80x32xf32, #tpu.memory_space<vmem>>, vector<1x16xf32>,
        %get3A_567 = vector.shape_cast %get3A_566 : vector<1x16xf32> to vector<16xf32>
        %add3A_568 = arith.addf %get3A_563, %get3A_567 : vector<16xf32>
        %mul3A_569 = vector.broadcast %squeeze3A_559 : f32 to vector<16xf32>
        %mul3A_570 = arith.mulf %mul3A_569, %add3A_568 : vector<16xf32>
        %add3A_571 = arith.addf %mul3A_570, %get3A_317 : vector<16xf32>
        %max3A_572 = arith.constant 0.000000e+00 : f32
        %max3A_573 = vector.broadcast %max3A_572 : f32 to vector<16xf32>
        %max3A_574 = arith.maximumf %add3A_571, %max3A_573 : vector<16xf32>
        %swap3A_575 = arith.index_cast %add3A_557 : i32 to index
        %swap3A_576 = arith.constant 0 : index
        %swap3A_577 = tpu.vector_load %arg21[%swap3A_575, %swap3A_576] {strides = array<i32>} : memref<80x32xf32, #tpu.memory_space<vmem>>, vector<1x16xf32>,
        %swap3A_578 = vector.shape_cast %swap3A_577 : vector<1x16xf32> to vector<16xf32>
        %swap3A_579 = vector.shape_cast %max3A_574 : vector<16xf32> to vector<1x16xf32>
        tpu.vector_store %arg21[%swap3A_575, %swap3A_576], %swap3A_579 {strides = array<i32>} : memref<80x32xf32, #tpu.memory_space<vmem>>, vector<1x16xf32>,
        %get3A_580 = arith.index_cast %add3A_557 : i32 to index
        %get3A_581 = arith.constant 16 : index
        %get3A_582 = tpu.vector_load %arg21[%get3A_580, %get3A_581] {strides = array<i32>} : memref<80x32xf32, #tpu.memory_space<vmem>>, vector<1x16xf32>,
        %get3A_583 = vector.shape_cast %get3A_582 : vector<1x16xf32> to vector<16xf32>
        %get3A_584 = arith.index_cast %add3A_557 : i32 to index
        %get3A_585 = arith.constant 16 : index
        %get3A_586 = tpu.vector_load %arg22[%get3A_584, %get3A_585] {strides = array<i32>} : memref<80x32xf32, #tpu.memory_space<vmem>>, vector<1x16xf32>,
        %get3A_587 = vector.shape_cast %get3A_586 : vector<1x16xf32> to vector<16xf32>
        %add3A_588 = arith.addf %get3A_583, %get3A_587 : vector<16xf32>
        %mul3A_589 = vector.broadcast %squeeze3A_559 : f32 to vector<16xf32>
        %mul3A_590 = arith.mulf %mul3A_589, %add3A_588 : vector<16xf32>
        %add3A_591 = arith.addf %mul3A_590, %get3A_320 : vector<16xf32>
        %max3A_592 = arith.constant 0.000000e+00 : f32
        %max3A_593 = vector.broadcast %max3A_592 : f32 to vector<16xf32>
        %max3A_594 = arith.maximumf %add3A_591, %max3A_593 : vector<16xf32>
        %swap3A_595 = arith.index_cast %add3A_557 : i32 to index
        %swap3A_596 = arith.constant 16 : index
        %swap3A_597 = tpu.vector_load %arg21[%swap3A_595, %swap3A_596] {strides = array<i32>} : memref<80x32xf32, #tpu.memory_space<vmem>>, vector<1x16xf32>,
        %swap3A_598 = vector.shape_cast %swap3A_597 : vector<1x16xf32> to vector<16xf32>
        %swap3A_599 = vector.shape_cast %max3A_594 : vector<16xf32> to vector<1x16xf32>
        tpu.vector_store %arg21[%swap3A_595, %swap3A_596], %swap3A_599 {strides = array<i32>} : memref<80x32xf32, #tpu.memory_space<vmem>>, vector<1x16xf32>,
        %mul3A_600 = arith.constant 16 : i32
        %mul3A_601 = arith.muli %add3A_367, %mul3A_600 : i32
        %add3A_602 = arith.constant 5 : i32
        %add3A_603 = arith.addi %mul3A_601, %add3A_602 : i32
        %slice3A_604 = vector.extract_strided_slice %get3A_372 {offsets = [5], sizes = [1], strides = [1]} : vector<16xf32> to vector<1xf32>
        %squeeze3A_605 = vector.extract %slice3A_604[0] : f32 from vector<1xf32>
        %get3A_606 = arith.index_cast %add3A_603 : i32 to index
        %get3A_607 = arith.constant 0 : index
        %get3A_608 = tpu.vector_load %arg21[%get3A_606, %get3A_607] {strides = array<i32>} : memref<80x32xf32, #tpu.memory_space<vmem>>, vector<1x16xf32>,
        %get3A_609 = vector.shape_cast %get3A_608 : vector<1x16xf32> to vector<16xf32>
        %get3A_610 = arith.index_cast %add3A_603 : i32 to index
        %get3A_611 = arith.constant 0 : index
        %get3A_612 = tpu.vector_load %arg22[%get3A_610, %get3A_611] {strides = array<i32>} : memref<80x32xf32, #tpu.memory_space<vmem>>, vector<1x16xf32>,
        %get3A_613 = vector.shape_cast %get3A_612 : vector<1x16xf32> to vector<16xf32>
        %add3A_614 = arith.addf %get3A_609, %get3A_613 : vector<16xf32>
        %mul3A_615 = vector.broadcast %squeeze3A_605 : f32 to vector<16xf32>
        %mul3A_616 = arith.mulf %mul3A_615, %add3A_614 : vector<16xf32>
        %add3A_617 = arith.addf %mul3A_616, %get3A_317 : vector<16xf32>
        %max3A_618 = arith.constant 0.000000e+00 : f32
        %max3A_619 = vector.broadcast %max3A_618 : f32 to vector<16xf32>
        %max3A_620 = arith.maximumf %add3A_617, %max3A_619 : vector<16xf32>
        %swap3A_621 = arith.index_cast %add3A_603 : i32 to index
        %swap3A_622 = arith.constant 0 : index
        %swap3A_623 = tpu.vector_load %arg21[%swap3A_621, %swap3A_622] {strides = array<i32>} : memref<80x32xf32, #tpu.memory_space<vmem>>, vector<1x16xf32>,
        %swap3A_624 = vector.shape_cast %swap3A_623 : vector<1x16xf32> to vector<16xf32>
        %swap3A_625 = vector.shape_cast %max3A_620 : vector<16xf32> to vector<1x16xf32>
        tpu.vector_store %arg21[%swap3A_621, %swap3A_622], %swap3A_625 {strides = array<i32>} : memref<80x32xf32, #tpu.memory_space<vmem>>, vector<1x16xf32>,
        %get3A_626 = arith.index_cast %add3A_603 : i32 to index
        %get3A_627 = arith.constant 16 : index
        %get3A_628 = tpu.vector_load %arg21[%get3A_626, %get3A_627] {strides = array<i32>} : memref<80x32xf32, #tpu.memory_space<vmem>>, vector<1x16xf32>,
        %get3A_629 = vector.shape_cast %get3A_628 : vector<1x16xf32> to vector<16xf32>
        %get3A_630 = arith.index_cast %add3A_603 : i32 to index
        %get3A_631 = arith.constant 16 : index
        %get3A_632 = tpu.vector_load %arg22[%get3A_630, %get3A_631] {strides = array<i32>} : memref<80x32xf32, #tpu.memory_space<vmem>>, vector<1x16xf32>,
        %get3A_633 = vector.shape_cast %get3A_632 : vector<1x16xf32> to vector<16xf32>
        %add3A_634 = arith.addf %get3A_629, %get3A_633 : vector<16xf32>
        %mul3A_635 = vector.broadcast %squeeze3A_605 : f32 to vector<16xf32>
        %mul3A_636 = arith.mulf %mul3A_635, %add3A_634 : vector<16xf32>
        %add3A_637 = arith.addf %mul3A_636, %get3A_320 : vector<16xf32>
        %max3A_638 = arith.constant 0.000000e+00 : f32
        %max3A_639 = vector.broadcast %max3A_638 : f32 to vector<16xf32>
        %max3A_640 = arith.maximumf %add3A_637, %max3A_639 : vector<16xf32>
        %swap3A_641 = arith.index_cast %add3A_603 : i32 to index
        %swap3A_642 = arith.constant 16 : index
        %swap3A_643 = tpu.vector_load %arg21[%swap3A_641, %swap3A_642] {strides = array<i32>} : memref<80x32xf32, #tpu.memory_space<vmem>>, vector<1x16xf32>,
        %swap3A_644 = vector.shape_cast %swap3A_643 : vector<1x16xf32> to vector<16xf32>
        %swap3A_645 = vector.shape_cast %max3A_640 : vector<16xf32> to vector<1x16xf32>
        tpu.vector_store %arg21[%swap3A_641, %swap3A_642], %swap3A_645 {strides = array<i32>} : memref<80x32xf32, #tpu.memory_space<vmem>>, vector<1x16xf32>,
        %mul3A_646 = arith.constant 16 : i32
        %mul3A_647 = arith.muli %add3A_367, %mul3A_646 : i32
        %add3A_648 = arith.constant 6 : i32
        %add3A_649 = arith.addi %mul3A_647, %add3A_648 : i32
        %slice3A_650 = vector.extract_strided_slice %get3A_372 {offsets = [6], sizes = [1], strides = [1]} : vector<16xf32> to vector<1xf32>
        %squeeze3A_651 = vector.extract %slice3A_650[0] : f32 from vector<1xf32>
        %get3A_652 = arith.index_cast %add3A_649 : i32 to index
        %get3A_653 = arith.constant 0 : index
        %get3A_654 = tpu.vector_load %arg21[%get3A_652, %get3A_653] {strides = array<i32>} : memref<80x32xf32, #tpu.memory_space<vmem>>, vector<1x16xf32>,
        %get3A_655 = vector.shape_cast %get3A_654 : vector<1x16xf32> to vector<16xf32>
        %get3A_656 = arith.index_cast %add3A_649 : i32 to index
        %get3A_657 = arith.constant 0 : index
        %get3A_658 = tpu.vector_load %arg22[%get3A_656, %get3A_657] {strides = array<i32>} : memref<80x32xf32, #tpu.memory_space<vmem>>, vector<1x16xf32>,
        %get3A_659 = vector.shape_cast %get3A_658 : vector<1x16xf32> to vector<16xf32>
        %add3A_660 = arith.addf %get3A_655, %get3A_659 : vector<16xf32>
        %mul3A_661 = vector.broadcast %squeeze3A_651 : f32 to vector<16xf32>
        %mul3A_662 = arith.mulf %mul3A_661, %add3A_660 : vector<16xf32>
        %add3A_663 = arith.addf %mul3A_662, %get3A_317 : vector<16xf32>
        %max3A_664 = arith.constant 0.000000e+00 : f32
        %max3A_665 = vector.broadcast %max3A_664 : f32 to vector<16xf32>
        %max3A_666 = arith.maximumf %add3A_663, %max3A_665 : vector<16xf32>
        %swap3A_667 = arith.index_cast %add3A_649 : i32 to index
        %swap3A_668 = arith.constant 0 : index
        %swap3A_669 = tpu.vector_load %arg21[%swap3A_667, %swap3A_668] {strides = array<i32>} : memref<80x32xf32, #tpu.memory_space<vmem>>, vector<1x16xf32>,
        %swap3A_670 = vector.shape_cast %swap3A_669 : vector<1x16xf32> to vector<16xf32>
        %swap3A_671 = vector.shape_cast %max3A_666 : vector<16xf32> to vector<1x16xf32>
        tpu.vector_store %arg21[%swap3A_667, %swap3A_668], %swap3A_671 {strides = array<i32>} : memref<80x32xf32, #tpu.memory_space<vmem>>, vector<1x16xf32>,
        %get3A_672 = arith.index_cast %add3A_649 : i32 to index
        %get3A_673 = arith.constant 16 : index
        %get3A_674 = tpu.vector_load %arg21[%get3A_672, %get3A_673] {strides = array<i32>} : memref<80x32xf32, #tpu.memory_space<vmem>>, vector<1x16xf32>,
        %get3A_675 = vector.shape_cast %get3A_674 : vector<1x16xf32> to vector<16xf32>
        %get3A_676 = arith.index_cast %add3A_649 : i32 to index
        %get3A_677 = arith.constant 16 : index
        %get3A_678 = tpu.vector_load %arg22[%get3A_676, %get3A_677] {strides = array<i32>} : memref<80x32xf32, #tpu.memory_space<vmem>>, vector<1x16xf32>,
        %get3A_679 = vector.shape_cast %get3A_678 : vector<1x16xf32> to vector<16xf32>
        %add3A_680 = arith.addf %get3A_675, %get3A_679 : vector<16xf32>
        %mul3A_681 = vector.broadcast %squeeze3A_651 : f32 to vector<16xf32>
        %mul3A_682 = arith.mulf %mul3A_681, %add3A_680 : vector<16xf32>
        %add3A_683 = arith.addf %mul3A_682, %get3A_320 : vector<16xf32>
        %max3A_684 = arith.constant 0.000000e+00 : f32
        %max3A_685 = vector.broadcast %max3A_684 : f32 to vector<16xf32>
        %max3A_686 = arith.maximumf %add3A_683, %max3A_685 : vector<16xf32>
        %swap3A_687 = arith.index_cast %add3A_649 : i32 to index
        %swap3A_688 = arith.constant 16 : index
        %swap3A_689 = tpu.vector_load %arg21[%swap3A_687, %swap3A_688] {strides = array<i32>} : memref<80x32xf32, #tpu.memory_space<vmem>>, vector<1x16xf32>,
        %swap3A_690 = vector.shape_cast %swap3A_689 : vector<1x16xf32> to vector<16xf32>
        %swap3A_691 = vector.shape_cast %max3A_686 : vector<16xf32> to vector<1x16xf32>
        tpu.vector_store %arg21[%swap3A_687, %swap3A_688], %swap3A_691 {strides = array<i32>} : memref<80x32xf32, #tpu.memory_space<vmem>>, vector<1x16xf32>,
        %mul3A_692 = arith.constant 16 : i32
        %mul3A_693 = arith.muli %add3A_367, %mul3A_692 : i32
        %add3A_694 = arith.constant 7 : i32
        %add3A_695 = arith.addi %mul3A_693, %add3A_694 : i32
        %slice3A_696 = vector.extract_strided_slice %get3A_372 {offsets = [7], sizes = [1], strides = [1]} : vector<16xf32> to vector<1xf32>
        %squeeze3A_697 = vector.extract %slice3A_696[0] : f32 from vector<1xf32>
        %get3A_698 = arith.index_cast %add3A_695 : i32 to index
        %get3A_699 = arith.constant 0 : index
        %get3A_700 = tpu.vector_load %arg21[%get3A_698, %get3A_699] {strides = array<i32>} : memref<80x32xf32, #tpu.memory_space<vmem>>, vector<1x16xf32>,
        %get3A_701 = vector.shape_cast %get3A_700 : vector<1x16xf32> to vector<16xf32>
        %get3A_702 = arith.index_cast %add3A_695 : i32 to index
        %get3A_703 = arith.constant 0 : index
        %get3A_704 = tpu.vector_load %arg22[%get3A_702, %get3A_703] {strides = array<i32>} : memref<80x32xf32, #tpu.memory_space<vmem>>, vector<1x16xf32>,
        %get3A_705 = vector.shape_cast %get3A_704 : vector<1x16xf32> to vector<16xf32>
        %add3A_706 = arith.addf %get3A_701, %get3A_705 : vector<16xf32>
        %mul3A_707 = vector.broadcast %squeeze3A_697 : f32 to vector<16xf32>
        %mul3A_708 = arith.mulf %mul3A_707, %add3A_706 : vector<16xf32>
        %add3A_709 = arith.addf %mul3A_708, %get3A_317 : vector<16xf32>
        %max3A_710 = arith.constant 0.000000e+00 : f32
        %max3A_711 = vector.broadcast %max3A_710 : f32 to vector<16xf32>
        %max3A_712 = arith.maximumf %add3A_709, %max3A_711 : vector<16xf32>
        %swap3A_713 = arith.index_cast %add3A_695 : i32 to index
        %swap3A_714 = arith.constant 0 : index
        %swap3A_715 = tpu.vector_load %arg21[%swap3A_713, %swap3A_714] {strides = array<i32>} : memref<80x32xf32, #tpu.memory_space<vmem>>, vector<1x16xf32>,
        %swap3A_716 = vector.shape_cast %swap3A_715 : vector<1x16xf32> to vector<16xf32>
        %swap3A_717 = vector.shape_cast %max3A_712 : vector<16xf32> to vector<1x16xf32>
        tpu.vector_store %arg21[%swap3A_713, %swap3A_714], %swap3A_717 {strides = array<i32>} : memref<80x32xf32, #tpu.memory_space<vmem>>, vector<1x16xf32>,
        %get3A_718 = arith.index_cast %add3A_695 : i32 to index
        %get3A_719 = arith.constant 16 : index
        %get3A_720 = tpu.vector_load %arg21[%get3A_718, %get3A_719] {strides = array<i32>} : memref<80x32xf32, #tpu.memory_space<vmem>>, vector<1x16xf32>,
        %get3A_721 = vector.shape_cast %get3A_720 : vector<1x16xf32> to vector<16xf32>
        %get3A_722 = arith.index_cast %add3A_695 : i32 to index
        %get3A_723 = arith.constant 16 : index
        %get3A_724 = tpu.vector_load %arg22[%get3A_722, %get3A_723] {strides = array<i32>} : memref<80x32xf32, #tpu.memory_space<vmem>>, vector<1x16xf32>,
        %get3A_725 = vector.shape_cast %get3A_724 : vector<1x16xf32> to vector<16xf32>
        %add3A_726 = arith.addf %get3A_721, %get3A_725 : vector<16xf32>
        %mul3A_727 = vector.broadcast %squeeze3A_697 : f32 to vector<16xf32>
        %mul3A_728 = arith.mulf %mul3A_727, %add3A_726 : vector<16xf32>
        %add3A_729 = arith.addf %mul3A_728, %get3A_320 : vector<16xf32>
        %max3A_730 = arith.constant 0.000000e+00 : f32
        %max3A_731 = vector.broadcast %max3A_730 : f32 to vector<16xf32>
        %max3A_732 = arith.maximumf %add3A_729, %max3A_731 : vector<16xf32>
        %swap3A_733 = arith.index_cast %add3A_695 : i32 to index
        %swap3A_734 = arith.constant 16 : index
        %swap3A_735 = tpu.vector_load %arg21[%swap3A_733, %swap3A_734] {strides = array<i32>} : memref<80x32xf32, #tpu.memory_space<vmem>>, vector<1x16xf32>,
        %swap3A_736 = vector.shape_cast %swap3A_735 : vector<1x16xf32> to vector<16xf32>
        %swap3A_737 = vector.shape_cast %max3A_732 : vector<16xf32> to vector<1x16xf32>
        tpu.vector_store %arg21[%swap3A_733, %swap3A_734], %swap3A_737 {strides = array<i32>} : memref<80x32xf32, #tpu.memory_space<vmem>>, vector<1x16xf32>,
        %mul3A_738 = arith.constant 16 : i32
        %mul3A_739 = arith.muli %add3A_367, %mul3A_738 : i32
        %add3A_740 = arith.constant 8 : i32
        %add3A_741 = arith.addi %mul3A_739, %add3A_740 : i32
        %slice3A_742 = vector.extract_strided_slice %get3A_372 {offsets = [8], sizes = [1], strides = [1]} : vector<16xf32> to vector<1xf32>
        %squeeze3A_743 = vector.extract %slice3A_742[0] : f32 from vector<1xf32>
        %get3A_744 = arith.index_cast %add3A_741 : i32 to index
        %get3A_745 = arith.constant 0 : index
        %get3A_746 = tpu.vector_load %arg21[%get3A_744, %get3A_745] {strides = array<i32>} : memref<80x32xf32, #tpu.memory_space<vmem>>, vector<1x16xf32>,
        %get3A_747 = vector.shape_cast %get3A_746 : vector<1x16xf32> to vector<16xf32>
        %get3A_748 = arith.index_cast %add3A_741 : i32 to index
        %get3A_749 = arith.constant 0 : index
        %get3A_750 = tpu.vector_load %arg22[%get3A_748, %get3A_749] {strides = array<i32>} : memref<80x32xf32, #tpu.memory_space<vmem>>, vector<1x16xf32>,
        %get3A_751 = vector.shape_cast %get3A_750 : vector<1x16xf32> to vector<16xf32>
        %add3A_752 = arith.addf %get3A_747, %get3A_751 : vector<16xf32>
        %mul3A_753 = vector.broadcast %squeeze3A_743 : f32 to vector<16xf32>
        %mul3A_754 = arith.mulf %mul3A_753, %add3A_752 : vector<16xf32>
        %add3A_755 = arith.addf %mul3A_754, %get3A_317 : vector<16xf32>
        %max3A_756 = arith.constant 0.000000e+00 : f32
        %max3A_757 = vector.broadcast %max3A_756 : f32 to vector<16xf32>
        %max3A_758 = arith.maximumf %add3A_755, %max3A_757 : vector<16xf32>
        %swap3A_759 = arith.index_cast %add3A_741 : i32 to index
        %swap3A_760 = arith.constant 0 : index
        %swap3A_761 = tpu.vector_load %arg21[%swap3A_759, %swap3A_760] {strides = array<i32>} : memref<80x32xf32, #tpu.memory_space<vmem>>, vector<1x16xf32>,
        %swap3A_762 = vector.shape_cast %swap3A_761 : vector<1x16xf32> to vector<16xf32>
        %swap3A_763 = vector.shape_cast %max3A_758 : vector<16xf32> to vector<1x16xf32>
        tpu.vector_store %arg21[%swap3A_759, %swap3A_760], %swap3A_763 {strides = array<i32>} : memref<80x32xf32, #tpu.memory_space<vmem>>, vector<1x16xf32>,
        %get3A_764 = arith.index_cast %add3A_741 : i32 to index
        %get3A_765 = arith.constant 16 : index
        %get3A_766 = tpu.vector_load %arg21[%get3A_764, %get3A_765] {strides = array<i32>} : memref<80x32xf32, #tpu.memory_space<vmem>>, vector<1x16xf32>,
        %get3A_767 = vector.shape_cast %get3A_766 : vector<1x16xf32> to vector<16xf32>
        %get3A_768 = arith.index_cast %add3A_741 : i32 to index
        %get3A_769 = arith.constant 16 : index
        %get3A_770 = tpu.vector_load %arg22[%get3A_768, %get3A_769] {strides = array<i32>} : memref<80x32xf32, #tpu.memory_space<vmem>>, vector<1x16xf32>,
        %get3A_771 = vector.shape_cast %get3A_770 : vector<1x16xf32> to vector<16xf32>
        %add3A_772 = arith.addf %get3A_767, %get3A_771 : vector<16xf32>
        %mul3A_773 = vector.broadcast %squeeze3A_743 : f32 to vector<16xf32>
        %mul3A_774 = arith.mulf %mul3A_773, %add3A_772 : vector<16xf32>
        %add3A_775 = arith.addf %mul3A_774, %get3A_320 : vector<16xf32>
        %max3A_776 = arith.constant 0.000000e+00 : f32
        %max3A_777 = vector.broadcast %max3A_776 : f32 to vector<16xf32>
        %max3A_778 = arith.maximumf %add3A_775, %max3A_777 : vector<16xf32>
        %swap3A_779 = arith.index_cast %add3A_741 : i32 to index
        %swap3A_780 = arith.constant 16 : index
        %swap3A_781 = tpu.vector_load %arg21[%swap3A_779, %swap3A_780] {strides = array<i32>} : memref<80x32xf32, #tpu.memory_space<vmem>>, vector<1x16xf32>,
        %swap3A_782 = vector.shape_cast %swap3A_781 : vector<1x16xf32> to vector<16xf32>
        %swap3A_783 = vector.shape_cast %max3A_778 : vector<16xf32> to vector<1x16xf32>
        tpu.vector_store %arg21[%swap3A_779, %swap3A_780], %swap3A_783 {strides = array<i32>} : memref<80x32xf32, #tpu.memory_space<vmem>>, vector<1x16xf32>,
        %mul3A_784 = arith.constant 16 : i32
        %mul3A_785 = arith.muli %add3A_367, %mul3A_784 : i32
        %add3A_786 = arith.constant 9 : i32
        %add3A_787 = arith.addi %mul3A_785, %add3A_786 : i32
        %slice3A_788 = vector.extract_strided_slice %get3A_372 {offsets = [9], sizes = [1], strides = [1]} : vector<16xf32> to vector<1xf32>
        %squeeze3A_789 = vector.extract %slice3A_788[0] : f32 from vector<1xf32>
        %get3A_790 = arith.index_cast %add3A_787 : i32 to index
        %get3A_791 = arith.constant 0 : index
        %get3A_792 = tpu.vector_load %arg21[%get3A_790, %get3A_791] {strides = array<i32>} : memref<80x32xf32, #tpu.memory_space<vmem>>, vector<1x16xf32>,
        %get3A_793 = vector.shape_cast %get3A_792 : vector<1x16xf32> to vector<16xf32>
        %get3A_794 = arith.index_cast %add3A_787 : i32 to index
        %get3A_795 = arith.constant 0 : index
        %get3A_796 = tpu.vector_load %arg22[%get3A_794, %get3A_795] {strides = array<i32>} : memref<80x32xf32, #tpu.memory_space<vmem>>, vector<1x16xf32>,
        %get3A_797 = vector.shape_cast %get3A_796 : vector<1x16xf32> to vector<16xf32>
        %add3A_798 = arith.addf %get3A_793, %get3A_797 : vector<16xf32>
        %mul3A_799 = vector.broadcast %squeeze3A_789 : f32 to vector<16xf32>
        %mul3A_800 = arith.mulf %mul3A_799, %add3A_798 : vector<16xf32>
        %add3A_801 = arith.addf %mul3A_800, %get3A_317 : vector<16xf32>
        %max3A_802 = arith.constant 0.000000e+00 : f32
        %max3A_803 = vector.broadcast %max3A_802 : f32 to vector<16xf32>
        %max3A_804 = arith.maximumf %add3A_801, %max3A_803 : vector<16xf32>
        %swap3A_805 = arith.index_cast %add3A_787 : i32 to index
        %swap3A_806 = arith.constant 0 : index
        %swap3A_807 = tpu.vector_load %arg21[%swap3A_805, %swap3A_806] {strides = array<i32>} : memref<80x32xf32, #tpu.memory_space<vmem>>, vector<1x16xf32>,
        %swap3A_808 = vector.shape_cast %swap3A_807 : vector<1x16xf32> to vector<16xf32>
        %swap3A_809 = vector.shape_cast %max3A_804 : vector<16xf32> to vector<1x16xf32>
        tpu.vector_store %arg21[%swap3A_805, %swap3A_806], %swap3A_809 {strides = array<i32>} : memref<80x32xf32, #tpu.memory_space<vmem>>, vector<1x16xf32>,
        %get3A_810 = arith.index_cast %add3A_787 : i32 to index
        %get3A_811 = arith.constant 16 : index
        %get3A_812 = tpu.vector_load %arg21[%get3A_810, %get3A_811] {strides = array<i32>} : memref<80x32xf32, #tpu.memory_space<vmem>>, vector<1x16xf32>,
        %get3A_813 = vector.shape_cast %get3A_812 : vector<1x16xf32> to vector<16xf32>
        %get3A_814 = arith.index_cast %add3A_787 : i32 to index
        %get3A_815 = arith.constant 16 : index
        %get3A_816 = tpu.vector_load %arg22[%get3A_814, %get3A_815] {strides = array<i32>} : memref<80x32xf32, #tpu.memory_space<vmem>>, vector<1x16xf32>,
        %get3A_817 = vector.shape_cast %get3A_816 : vector<1x16xf32> to vector<16xf32>
        %add3A_818 = arith.addf %get3A_813, %get3A_817 : vector<16xf32>
        %mul3A_819 = vector.broadcast %squeeze3A_789 : f32 to vector<16xf32>
        %mul3A_820 = arith.mulf %mul3A_819, %add3A_818 : vector<16xf32>
        %add3A_821 = arith.addf %mul3A_820, %get3A_320 : vector<16xf32>
        %max3A_822 = arith.constant 0.000000e+00 : f32
        %max3A_823 = vector.broadcast %max3A_822 : f32 to vector<16xf32>
        %max3A_824 = arith.maximumf %add3A_821, %max3A_823 : vector<16xf32>
        %swap3A_825 = arith.index_cast %add3A_787 : i32 to index
        %swap3A_826 = arith.constant 16 : index
        %swap3A_827 = tpu.vector_load %arg21[%swap3A_825, %swap3A_826] {strides = array<i32>} : memref<80x32xf32, #tpu.memory_space<vmem>>, vector<1x16xf32>,
        %swap3A_828 = vector.shape_cast %swap3A_827 : vector<1x16xf32> to vector<16xf32>
        %swap3A_829 = vector.shape_cast %max3A_824 : vector<16xf32> to vector<1x16xf32>
        tpu.vector_store %arg21[%swap3A_825, %swap3A_826], %swap3A_829 {strides = array<i32>} : memref<80x32xf32, #tpu.memory_space<vmem>>, vector<1x16xf32>,
        %mul3A_830 = arith.constant 16 : i32
        %mul3A_831 = arith.muli %add3A_367, %mul3A_830 : i32
        %add3A_832 = arith.constant 10 : i32
        %add3A_833 = arith.addi %mul3A_831, %add3A_832 : i32
        %slice3A_834 = vector.extract_strided_slice %get3A_372 {offsets = [10], sizes = [1], strides = [1]} : vector<16xf32> to vector<1xf32>
        %squeeze3A_835 = vector.extract %slice3A_834[0] : f32 from vector<1xf32>
        %get3A_836 = arith.index_cast %add3A_833 : i32 to index
        %get3A_837 = arith.constant 0 : index
        %get3A_838 = tpu.vector_load %arg21[%get3A_836, %get3A_837] {strides = array<i32>} : memref<80x32xf32, #tpu.memory_space<vmem>>, vector<1x16xf32>,
        %get3A_839 = vector.shape_cast %get3A_838 : vector<1x16xf32> to vector<16xf32>
        %get3A_840 = arith.index_cast %add3A_833 : i32 to index
        %get3A_841 = arith.constant 0 : index
        %get3A_842 = tpu.vector_load %arg22[%get3A_840, %get3A_841] {strides = array<i32>} : memref<80x32xf32, #tpu.memory_space<vmem>>, vector<1x16xf32>,
        %get3A_843 = vector.shape_cast %get3A_842 : vector<1x16xf32> to vector<16xf32>
        %add3A_844 = arith.addf %get3A_839, %get3A_843 : vector<16xf32>
        %mul3A_845 = vector.broadcast %squeeze3A_835 : f32 to vector<16xf32>
        %mul3A_846 = arith.mulf %mul3A_845, %add3A_844 : vector<16xf32>
        %add3A_847 = arith.addf %mul3A_846, %get3A_317 : vector<16xf32>
        %max3A_848 = arith.constant 0.000000e+00 : f32
        %max3A_849 = vector.broadcast %max3A_848 : f32 to vector<16xf32>
        %max3A_850 = arith.maximumf %add3A_847, %max3A_849 : vector<16xf32>
        %swap3A_851 = arith.index_cast %add3A_833 : i32 to index
        %swap3A_852 = arith.constant 0 : index
        %swap3A_853 = tpu.vector_load %arg21[%swap3A_851, %swap3A_852] {strides = array<i32>} : memref<80x32xf32, #tpu.memory_space<vmem>>, vector<1x16xf32>,
        %swap3A_854 = vector.shape_cast %swap3A_853 : vector<1x16xf32> to vector<16xf32>
        %swap3A_855 = vector.shape_cast %max3A_850 : vector<16xf32> to vector<1x16xf32>
        tpu.vector_store %arg21[%swap3A_851, %swap3A_852], %swap3A_855 {strides = array<i32>} : memref<80x32xf32, #tpu.memory_space<vmem>>, vector<1x16xf32>,
        %get3A_856 = arith.index_cast %add3A_833 : i32 to index
        %get3A_857 = arith.constant 16 : index
        %get3A_858 = tpu.vector_load %arg21[%get3A_856, %get3A_857] {strides = array<i32>} : memref<80x32xf32, #tpu.memory_space<vmem>>, vector<1x16xf32>,
        %get3A_859 = vector.shape_cast %get3A_858 : vector<1x16xf32> to vector<16xf32>
        %get3A_860 = arith.index_cast %add3A_833 : i32 to index
        %get3A_861 = arith.constant 16 : index
        %get3A_862 = tpu.vector_load %arg22[%get3A_860, %get3A_861] {strides = array<i32>} : memref<80x32xf32, #tpu.memory_space<vmem>>, vector<1x16xf32>,
        %get3A_863 = vector.shape_cast %get3A_862 : vector<1x16xf32> to vector<16xf32>
        %add3A_864 = arith.addf %get3A_859, %get3A_863 : vector<16xf32>
        %mul3A_865 = vector.broadcast %squeeze3A_835 : f32 to vector<16xf32>
        %mul3A_866 = arith.mulf %mul3A_865, %add3A_864 : vector<16xf32>
        %add3A_867 = arith.addf %mul3A_866, %get3A_320 : vector<16xf32>
        %max3A_868 = arith.constant 0.000000e+00 : f32
        %max3A_869 = vector.broadcast %max3A_868 : f32 to vector<16xf32>
        %max3A_870 = arith.maximumf %add3A_867, %max3A_869 : vector<16xf32>
        %swap3A_871 = arith.index_cast %add3A_833 : i32 to index
        %swap3A_872 = arith.constant 16 : index
        %swap3A_873 = tpu.vector_load %arg21[%swap3A_871, %swap3A_872] {strides = array<i32>} : memref<80x32xf32, #tpu.memory_space<vmem>>, vector<1x16xf32>,
        %swap3A_874 = vector.shape_cast %swap3A_873 : vector<1x16xf32> to vector<16xf32>
        %swap3A_875 = vector.shape_cast %max3A_870 : vector<16xf32> to vector<1x16xf32>
        tpu.vector_store %arg21[%swap3A_871, %swap3A_872], %swap3A_875 {strides = array<i32>} : memref<80x32xf32, #tpu.memory_space<vmem>>, vector<1x16xf32>,
        %mul3A_876 = arith.constant 16 : i32
        %mul3A_877 = arith.muli %add3A_367, %mul3A_876 : i32
        %add3A_878 = arith.constant 11 : i32
        %add3A_879 = arith.addi %mul3A_877, %add3A_878 : i32
        %slice3A_880 = vector.extract_strided_slice %get3A_372 {offsets = [11], sizes = [1], strides = [1]} : vector<16xf32> to vector<1xf32>
        %squeeze3A_881 = vector.extract %slice3A_880[0] : f32 from vector<1xf32>
        %get3A_882 = arith.index_cast %add3A_879 : i32 to index
        %get3A_883 = arith.constant 0 : index
        %get3A_884 = tpu.vector_load %arg21[%get3A_882, %get3A_883] {strides = array<i32>} : memref<80x32xf32, #tpu.memory_space<vmem>>, vector<1x16xf32>,
        %get3A_885 = vector.shape_cast %get3A_884 : vector<1x16xf32> to vector<16xf32>
        %get3A_886 = arith.index_cast %add3A_879 : i32 to index
        %get3A_887 = arith.constant 0 : index
        %get3A_888 = tpu.vector_load %arg22[%get3A_886, %get3A_887] {strides = array<i32>} : memref<80x32xf32, #tpu.memory_space<vmem>>, vector<1x16xf32>,
        %get3A_889 = vector.shape_cast %get3A_888 : vector<1x16xf32> to vector<16xf32>
        %add3A_890 = arith.addf %get3A_885, %get3A_889 : vector<16xf32>
        %mul3A_891 = vector.broadcast %squeeze3A_881 : f32 to vector<16xf32>
        %mul3A_892 = arith.mulf %mul3A_891, %add3A_890 : vector<16xf32>
        %add3A_893 = arith.addf %mul3A_892, %get3A_317 : vector<16xf32>
        %max3A_894 = arith.constant 0.000000e+00 : f32
        %max3A_895 = vector.broadcast %max3A_894 : f32 to vector<16xf32>
        %max3A_896 = arith.maximumf %add3A_893, %max3A_895 : vector<16xf32>
        %swap3A_897 = arith.index_cast %add3A_879 : i32 to index
        %swap3A_898 = arith.constant 0 : index
        %swap3A_899 = tpu.vector_load %arg21[%swap3A_897, %swap3A_898] {strides = array<i32>} : memref<80x32xf32, #tpu.memory_space<vmem>>, vector<1x16xf32>,
        %swap3A_900 = vector.shape_cast %swap3A_899 : vector<1x16xf32> to vector<16xf32>
        %swap3A_901 = vector.shape_cast %max3A_896 : vector<16xf32> to vector<1x16xf32>
        tpu.vector_store %arg21[%swap3A_897, %swap3A_898], %swap3A_901 {strides = array<i32>} : memref<80x32xf32, #tpu.memory_space<vmem>>, vector<1x16xf32>,
        %get3A_902 = arith.index_cast %add3A_879 : i32 to index
        %get3A_903 = arith.constant 16 : index
        %get3A_904 = tpu.vector_load %arg21[%get3A_902, %get3A_903] {strides = array<i32>} : memref<80x32xf32, #tpu.memory_space<vmem>>, vector<1x16xf32>,
        %get3A_905 = vector.shape_cast %get3A_904 : vector<1x16xf32> to vector<16xf32>
        %get3A_906 = arith.index_cast %add3A_879 : i32 to index
        %get3A_907 = arith.constant 16 : index
        %get3A_908 = tpu.vector_load %arg22[%get3A_906, %get3A_907] {strides = array<i32>} : memref<80x32xf32, #tpu.memory_space<vmem>>, vector<1x16xf32>,
        %get3A_909 = vector.shape_cast %get3A_908 : vector<1x16xf32> to vector<16xf32>
        %add3A_910 = arith.addf %get3A_905, %get3A_909 : vector<16xf32>
        %mul3A_911 = vector.broadcast %squeeze3A_881 : f32 to vector<16xf32>
        %mul3A_912 = arith.mulf %mul3A_911, %add3A_910 : vector<16xf32>
        %add3A_913 = arith.addf %mul3A_912, %get3A_320 : vector<16xf32>
        %max3A_914 = arith.constant 0.000000e+00 : f32
        %max3A_915 = vector.broadcast %max3A_914 : f32 to vector<16xf32>
        %max3A_916 = arith.maximumf %add3A_913, %max3A_915 : vector<16xf32>
        %swap3A_917 = arith.index_cast %add3A_879 : i32 to index
        %swap3A_918 = arith.constant 16 : index
        %swap3A_919 = tpu.vector_load %arg21[%swap3A_917, %swap3A_918] {strides = array<i32>} : memref<80x32xf32, #tpu.memory_space<vmem>>, vector<1x16xf32>,
        %swap3A_920 = vector.shape_cast %swap3A_919 : vector<1x16xf32> to vector<16xf32>
        %swap3A_921 = vector.shape_cast %max3A_916 : vector<16xf32> to vector<1x16xf32>
        tpu.vector_store %arg21[%swap3A_917, %swap3A_918], %swap3A_921 {strides = array<i32>} : memref<80x32xf32, #tpu.memory_space<vmem>>, vector<1x16xf32>,
        %mul3A_922 = arith.constant 16 : i32
        %mul3A_923 = arith.muli %add3A_367, %mul3A_922 : i32
        %add3A_924 = arith.constant 12 : i32
        %add3A_925 = arith.addi %mul3A_923, %add3A_924 : i32
        %slice3A_926 = vector.extract_strided_slice %get3A_372 {offsets = [12], sizes = [1], strides = [1]} : vector<16xf32> to vector<1xf32>
        %squeeze3A_927 = vector.extract %slice3A_926[0] : f32 from vector<1xf32>
        %get3A_928 = arith.index_cast %add3A_925 : i32 to index
        %get3A_929 = arith.constant 0 : index
        %get3A_930 = tpu.vector_load %arg21[%get3A_928, %get3A_929] {strides = array<i32>} : memref<80x32xf32, #tpu.memory_space<vmem>>, vector<1x16xf32>,
        %get3A_931 = vector.shape_cast %get3A_930 : vector<1x16xf32> to vector<16xf32>
        %get3A_932 = arith.index_cast %add3A_925 : i32 to index
        %get3A_933 = arith.constant 0 : index
        %get3A_934 = tpu.vector_load %arg22[%get3A_932, %get3A_933] {strides = array<i32>} : memref<80x32xf32, #tpu.memory_space<vmem>>, vector<1x16xf32>,
        %get3A_935 = vector.shape_cast %get3A_934 : vector<1x16xf32> to vector<16xf32>
        %add3A_936 = arith.addf %get3A_931, %get3A_935 : vector<16xf32>
        %mul3A_937 = vector.broadcast %squeeze3A_927 : f32 to vector<16xf32>
        %mul3A_938 = arith.mulf %mul3A_937, %add3A_936 : vector<16xf32>
        %add3A_939 = arith.addf %mul3A_938, %get3A_317 : vector<16xf32>
        %max3A_940 = arith.constant 0.000000e+00 : f32
        %max3A_941 = vector.broadcast %max3A_940 : f32 to vector<16xf32>
        %max3A_942 = arith.maximumf %add3A_939, %max3A_941 : vector<16xf32>
        %swap3A_943 = arith.index_cast %add3A_925 : i32 to index
        %swap3A_944 = arith.constant 0 : index
        %swap3A_945 = tpu.vector_load %arg21[%swap3A_943, %swap3A_944] {strides = array<i32>} : memref<80x32xf32, #tpu.memory_space<vmem>>, vector<1x16xf32>,
        %swap3A_946 = vector.shape_cast %swap3A_945 : vector<1x16xf32> to vector<16xf32>
        %swap3A_947 = vector.shape_cast %max3A_942 : vector<16xf32> to vector<1x16xf32>
        tpu.vector_store %arg21[%swap3A_943, %swap3A_944], %swap3A_947 {strides = array<i32>} : memref<80x32xf32, #tpu.memory_space<vmem>>, vector<1x16xf32>,
        %get3A_948 = arith.index_cast %add3A_925 : i32 to index
        %get3A_949 = arith.constant 16 : index
        %get3A_950 = tpu.vector_load %arg21[%get3A_948, %get3A_949] {strides = array<i32>} : memref<80x32xf32, #tpu.memory_space<vmem>>, vector<1x16xf32>,
        %get3A_951 = vector.shape_cast %get3A_950 : vector<1x16xf32> to vector<16xf32>
        %get3A_952 = arith.index_cast %add3A_925 : i32 to index
        %get3A_953 = arith.constant 16 : index
        %get3A_954 = tpu.vector_load %arg22[%get3A_952, %get3A_953] {strides = array<i32>} : memref<80x32xf32, #tpu.memory_space<vmem>>, vector<1x16xf32>,
        %get3A_955 = vector.shape_cast %get3A_954 : vector<1x16xf32> to vector<16xf32>
        %add3A_956 = arith.addf %get3A_951, %get3A_955 : vector<16xf32>
        %mul3A_957 = vector.broadcast %squeeze3A_927 : f32 to vector<16xf32>
        %mul3A_958 = arith.mulf %mul3A_957, %add3A_956 : vector<16xf32>
        %add3A_959 = arith.addf %mul3A_958, %get3A_320 : vector<16xf32>
        %max3A_960 = arith.constant 0.000000e+00 : f32
        %max3A_961 = vector.broadcast %max3A_960 : f32 to vector<16xf32>
        %max3A_962 = arith.maximumf %add3A_959, %max3A_961 : vector<16xf32>
        %swap3A_963 = arith.index_cast %add3A_925 : i32 to index
        %swap3A_964 = arith.constant 16 : index
        %swap3A_965 = tpu.vector_load %arg21[%swap3A_963, %swap3A_964] {strides = array<i32>} : memref<80x32xf32, #tpu.memory_space<vmem>>, vector<1x16xf32>,
        %swap3A_966 = vector.shape_cast %swap3A_965 : vector<1x16xf32> to vector<16xf32>
        %swap3A_967 = vector.shape_cast %max3A_962 : vector<16xf32> to vector<1x16xf32>
        tpu.vector_store %arg21[%swap3A_963, %swap3A_964], %swap3A_967 {strides = array<i32>} : memref<80x32xf32, #tpu.memory_space<vmem>>, vector<1x16xf32>,
        %mul3A_968 = arith.constant 16 : i32
        %mul3A_969 = arith.muli %add3A_367, %mul3A_968 : i32
        %add3A_970 = arith.constant 13 : i32
        %add3A_971 = arith.addi %mul3A_969, %add3A_970 : i32
        %slice3A_972 = vector.extract_strided_slice %get3A_372 {offsets = [13], sizes = [1], strides = [1]} : vector<16xf32> to vector<1xf32>
        %squeeze3A_973 = vector.extract %slice3A_972[0] : f32 from vector<1xf32>
        %get3A_974 = arith.index_cast %add3A_971 : i32 to index
        %get3A_975 = arith.constant 0 : index
        %get3A_976 = tpu.vector_load %arg21[%get3A_974, %get3A_975] {strides = array<i32>} : memref<80x32xf32, #tpu.memory_space<vmem>>, vector<1x16xf32>,
        %get3A_977 = vector.shape_cast %get3A_976 : vector<1x16xf32> to vector<16xf32>
        %get3A_978 = arith.index_cast %add3A_971 : i32 to index
        %get3A_979 = arith.constant 0 : index
        %get3A_980 = tpu.vector_load %arg22[%get3A_978, %get3A_979] {strides = array<i32>} : memref<80x32xf32, #tpu.memory_space<vmem>>, vector<1x16xf32>,
        %get3A_981 = vector.shape_cast %get3A_980 : vector<1x16xf32> to vector<16xf32>
        %add3A_982 = arith.addf %get3A_977, %get3A_981 : vector<16xf32>
        %mul3A_983 = vector.broadcast %squeeze3A_973 : f32 to vector<16xf32>
        %mul3A_984 = arith.mulf %mul3A_983, %add3A_982 : vector<16xf32>
        %add3A_985 = arith.addf %mul3A_984, %get3A_317 : vector<16xf32>
        %max3A_986 = arith.constant 0.000000e+00 : f32
        %max3A_987 = vector.broadcast %max3A_986 : f32 to vector<16xf32>
        %max3A_988 = arith.maximumf %add3A_985, %max3A_987 : vector<16xf32>
        %swap3A_989 = arith.index_cast %add3A_971 : i32 to index
        %swap3A_990 = arith.constant 0 : index
        %swap3A_991 = tpu.vector_load %arg21[%swap3A_989, %swap3A_990] {strides = array<i32>} : memref<80x32xf32, #tpu.memory_space<vmem>>, vector<1x16xf32>,
        %swap3A_992 = vector.shape_cast %swap3A_991 : vector<1x16xf32> to vector<16xf32>
        %swap3A_993 = vector.shape_cast %max3A_988 : vector<16xf32> to vector<1x16xf32>
        tpu.vector_store %arg21[%swap3A_989, %swap3A_990], %swap3A_993 {strides = array<i32>} : memref<80x32xf32, #tpu.memory_space<vmem>>, vector<1x16xf32>,
        %get3A_994 = arith.index_cast %add3A_971 : i32 to index
        %get3A_995 = arith.constant 16 : index
        %get3A_996 = tpu.vector_load %arg21[%get3A_994, %get3A_995] {strides = array<i32>} : memref<80x32xf32, #tpu.memory_space<vmem>>, vector<1x16xf32>,
        %get3A_997 = vector.shape_cast %get3A_996 : vector<1x16xf32> to vector<16xf32>
        %get3A_998 = arith.index_cast %add3A_971 : i32 to index
        %get3A_999 = arith.constant 16 : index
        %get3A_1000 = tpu.vector_load %arg22[%get3A_998, %get3A_999] {strides = array<i32>} : memref<80x32xf32, #tpu.memory_space<vmem>>, vector<1x16xf32>,
        %get3A_1001 = vector.shape_cast %get3A_1000 : vector<1x16xf32> to vector<16xf32>
        %add3A_1002 = arith.addf %get3A_997, %get3A_1001 : vector<16xf32>
        %mul3A_1003 = vector.broadcast %squeeze3A_973 : f32 to vector<16xf32>
        %mul3A_1004 = arith.mulf %mul3A_1003, %add3A_1002 : vector<16xf32>
        %add3A_1005 = arith.addf %mul3A_1004, %get3A_320 : vector<16xf32>
        %max3A_1006 = arith.constant 0.000000e+00 : f32
        %max3A_1007 = vector.broadcast %max3A_1006 : f32 to vector<16xf32>
        %max3A_1008 = arith.maximumf %add3A_1005, %max3A_1007 : vector<16xf32>
        %swap3A_1009 = arith.index_cast %add3A_971 : i32 to index
        %swap3A_1010 = arith.constant 16 : index
        %swap3A_1011 = tpu.vector_load %arg21[%swap3A_1009, %swap3A_1010] {strides = array<i32>} : memref<80x32xf32, #tpu.memory_space<vmem>>, vector<1x16xf32>,
        %swap3A_1012 = vector.shape_cast %swap3A_1011 : vector<1x16xf32> to vector<16xf32>
        %swap3A_1013 = vector.shape_cast %max3A_1008 : vector<16xf32> to vector<1x16xf32>
        tpu.vector_store %arg21[%swap3A_1009, %swap3A_1010], %swap3A_1013 {strides = array<i32>} : memref<80x32xf32, #tpu.memory_space<vmem>>, vector<1x16xf32>,
        %mul3A_1014 = arith.constant 16 : i32
        %mul3A_1015 = arith.muli %add3A_367, %mul3A_1014 : i32
        %add3A_1016 = arith.constant 14 : i32
        %add3A_1017 = arith.addi %mul3A_1015, %add3A_1016 : i32
        %slice3A_1018 = vector.extract_strided_slice %get3A_372 {offsets = [14], sizes = [1], strides = [1]} : vector<16xf32> to vector<1xf32>
        %squeeze3A_1019 = vector.extract %slice3A_1018[0] : f32 from vector<1xf32>
        %get3A_1020 = arith.index_cast %add3A_1017 : i32 to index
        %get3A_1021 = arith.constant 0 : index
        %get3A_1022 = tpu.vector_load %arg21[%get3A_1020, %get3A_1021] {strides = array<i32>} : memref<80x32xf32, #tpu.memory_space<vmem>>, vector<1x16xf32>,
        %get3A_1023 = vector.shape_cast %get3A_1022 : vector<1x16xf32> to vector<16xf32>
        %get3A_1024 = arith.index_cast %add3A_1017 : i32 to index
        %get3A_1025 = arith.constant 0 : index
        %get3A_1026 = tpu.vector_load %arg22[%get3A_1024, %get3A_1025] {strides = array<i32>} : memref<80x32xf32, #tpu.memory_space<vmem>>, vector<1x16xf32>,
        %get3A_1027 = vector.shape_cast %get3A_1026 : vector<1x16xf32> to vector<16xf32>
        %add3A_1028 = arith.addf %get3A_1023, %get3A_1027 : vector<16xf32>
        %mul3A_1029 = vector.broadcast %squeeze3A_1019 : f32 to vector<16xf32>
        %mul3A_1030 = arith.mulf %mul3A_1029, %add3A_1028 : vector<16xf32>
        %add3A_1031 = arith.addf %mul3A_1030, %get3A_317 : vector<16xf32>
        %max3A_1032 = arith.constant 0.000000e+00 : f32
        %max3A_1033 = vector.broadcast %max3A_1032 : f32 to vector<16xf32>
        %max3A_1034 = arith.maximumf %add3A_1031, %max3A_1033 : vector<16xf32>
        %swap3A_1035 = arith.index_cast %add3A_1017 : i32 to index
        %swap3A_1036 = arith.constant 0 : index
        %swap3A_1037 = tpu.vector_load %arg21[%swap3A_1035, %swap3A_1036] {strides = array<i32>} : memref<80x32xf32, #tpu.memory_space<vmem>>, vector<1x16xf32>,
        %swap3A_1038 = vector.shape_cast %swap3A_1037 : vector<1x16xf32> to vector<16xf32>
        %swap3A_1039 = vector.shape_cast %max3A_1034 : vector<16xf32> to vector<1x16xf32>
        tpu.vector_store %arg21[%swap3A_1035, %swap3A_1036], %swap3A_1039 {strides = array<i32>} : memref<80x32xf32, #tpu.memory_space<vmem>>, vector<1x16xf32>,
        %get3A_1040 = arith.index_cast %add3A_1017 : i32 to index
        %get3A_1041 = arith.constant 16 : index
        %get3A_1042 = tpu.vector_load %arg21[%get3A_1040, %get3A_1041] {strides = array<i32>} : memref<80x32xf32, #tpu.memory_space<vmem>>, vector<1x16xf32>,
        %get3A_1043 = vector.shape_cast %get3A_1042 : vector<1x16xf32> to vector<16xf32>
        %get3A_1044 = arith.index_cast %add3A_1017 : i32 to index
        %get3A_1045 = arith.constant 16 : index
        %get3A_1046 = tpu.vector_load %arg22[%get3A_1044, %get3A_1045] {strides = array<i32>} : memref<80x32xf32, #tpu.memory_space<vmem>>, vector<1x16xf32>,
        %get3A_1047 = vector.shape_cast %get3A_1046 : vector<1x16xf32> to vector<16xf32>
        %add3A_1048 = arith.addf %get3A_1043, %get3A_1047 : vector<16xf32>
        %mul3A_1049 = vector.broadcast %squeeze3A_1019 : f32 to vector<16xf32>
        %mul3A_1050 = arith.mulf %mul3A_1049, %add3A_1048 : vector<16xf32>
        %add3A_1051 = arith.addf %mul3A_1050, %get3A_320 : vector<16xf32>
        %max3A_1052 = arith.constant 0.000000e+00 : f32
        %max3A_1053 = vector.broadcast %max3A_1052 : f32 to vector<16xf32>
        %max3A_1054 = arith.maximumf %add3A_1051, %max3A_1053 : vector<16xf32>
        %swap3A_1055 = arith.index_cast %add3A_1017 : i32 to index
        %swap3A_1056 = arith.constant 16 : index
        %swap3A_1057 = tpu.vector_load %arg21[%swap3A_1055, %swap3A_1056] {strides = array<i32>} : memref<80x32xf32, #tpu.memory_space<vmem>>, vector<1x16xf32>,
        %swap3A_1058 = vector.shape_cast %swap3A_1057 : vector<1x16xf32> to vector<16xf32>
        %swap3A_1059 = vector.shape_cast %max3A_1054 : vector<16xf32> to vector<1x16xf32>
        tpu.vector_store %arg21[%swap3A_1055, %swap3A_1056], %swap3A_1059 {strides = array<i32>} : memref<80x32xf32, #tpu.memory_space<vmem>>, vector<1x16xf32>,
        %mul3A_1060 = arith.constant 16 : i32
        %mul3A_1061 = arith.muli %add3A_367, %mul3A_1060 : i32
        %add3A_1062 = arith.constant 15 : i32
        %add3A_1063 = arith.addi %mul3A_1061, %add3A_1062 : i32
        %slice3A_1064 = vector.extract_strided_slice %get3A_372 {offsets = [15], sizes = [1], strides = [1]} : vector<16xf32> to vector<1xf32>
        %squeeze3A_1065 = vector.extract %slice3A_1064[0] : f32 from vector<1xf32>
        %get3A_1066 = arith.index_cast %add3A_1063 : i32 to index
        %get3A_1067 = arith.constant 0 : index
        %get3A_1068 = tpu.vector_load %arg21[%get3A_1066, %get3A_1067] {strides = array<i32>} : memref<80x32xf32, #tpu.memory_space<vmem>>, vector<1x16xf32>,
        %get3A_1069 = vector.shape_cast %get3A_1068 : vector<1x16xf32> to vector<16xf32>
        %get3A_1070 = arith.index_cast %add3A_1063 : i32 to index
        %get3A_1071 = arith.constant 0 : index
        %get3A_1072 = tpu.vector_load %arg22[%get3A_1070, %get3A_1071] {strides = array<i32>} : memref<80x32xf32, #tpu.memory_space<vmem>>, vector<1x16xf32>,
        %get3A_1073 = vector.shape_cast %get3A_1072 : vector<1x16xf32> to vector<16xf32>
        %add3A_1074 = arith.addf %get3A_1069, %get3A_1073 : vector<16xf32>
        %mul3A_1075 = vector.broadcast %squeeze3A_1065 : f32 to vector<16xf32>
        %mul3A_1076 = arith.mulf %mul3A_1075, %add3A_1074 : vector<16xf32>
        %add3A_1077 = arith.addf %mul3A_1076, %get3A_317 : vector<16xf32>
        %max3A_1078 = arith.constant 0.000000e+00 : f32
        %max3A_1079 = vector.broadcast %max3A_1078 : f32 to vector<16xf32>
        %max3A_1080 = arith.maximumf %add3A_1077, %max3A_1079 : vector<16xf32>
        %swap3A_1081 = arith.index_cast %add3A_1063 : i32 to index
        %swap3A_1082 = arith.constant 0 : index
        %swap3A_1083 = tpu.vector_load %arg21[%swap3A_1081, %swap3A_1082] {strides = array<i32>} : memref<80x32xf32, #tpu.memory_space<vmem>>, vector<1x16xf32>,
        %swap3A_1084 = vector.shape_cast %swap3A_1083 : vector<1x16xf32> to vector<16xf32>
        %swap3A_1085 = vector.shape_cast %max3A_1080 : vector<16xf32> to vector<1x16xf32>
        tpu.vector_store %arg21[%swap3A_1081, %swap3A_1082], %swap3A_1085 {strides = array<i32>} : memref<80x32xf32, #tpu.memory_space<vmem>>, vector<1x16xf32>,
        %get3A_1086 = arith.index_cast %add3A_1063 : i32 to index
        %get3A_1087 = arith.constant 16 : index
        %get3A_1088 = tpu.vector_load %arg21[%get3A_1086, %get3A_1087] {strides = array<i32>} : memref<80x32xf32, #tpu.memory_space<vmem>>, vector<1x16xf32>,
        %get3A_1089 = vector.shape_cast %get3A_1088 : vector<1x16xf32> to vector<16xf32>
        %get3A_1090 = arith.index_cast %add3A_1063 : i32 to index
        %get3A_1091 = arith.constant 16 : index
        %get3A_1092 = tpu.vector_load %arg22[%get3A_1090, %get3A_1091] {strides = array<i32>} : memref<80x32xf32, #tpu.memory_space<vmem>>, vector<1x16xf32>,
        %get3A_1093 = vector.shape_cast %get3A_1092 : vector<1x16xf32> to vector<16xf32>
        %add3A_1094 = arith.addf %get3A_1089, %get3A_1093 : vector<16xf32>
        %mul3A_1095 = vector.broadcast %squeeze3A_1065 : f32 to vector<16xf32>
        %mul3A_1096 = arith.mulf %mul3A_1095, %add3A_1094 : vector<16xf32>
        %add3A_1097 = arith.addf %mul3A_1096, %get3A_320 : vector<16xf32>
        %max3A_1098 = arith.constant 0.000000e+00 : f32
        %max3A_1099 = vector.broadcast %max3A_1098 : f32 to vector<16xf32>
        %max3A_1100 = arith.maximumf %add3A_1097, %max3A_1099 : vector<16xf32>
        %swap3A_1101 = arith.index_cast %add3A_1063 : i32 to index
        %swap3A_1102 = arith.constant 16 : index
        %swap3A_1103 = tpu.vector_load %arg21[%swap3A_1101, %swap3A_1102] {strides = array<i32>} : memref<80x32xf32, #tpu.memory_space<vmem>>, vector<1x16xf32>,
        %swap3A_1104 = vector.shape_cast %swap3A_1103 : vector<1x16xf32> to vector<16xf32>
        %swap3A_1105 = vector.shape_cast %max3A_1100 : vector<16xf32> to vector<1x16xf32>
        tpu.vector_store %arg21[%swap3A_1101, %swap3A_1102], %swap3A_1105 {strides = array<i32>} : memref<80x32xf32, #tpu.memory_space<vmem>>, vector<1x16xf32>,
      }
      %scan3A_362 = arith.constant 5 : i32
      "tpu.region"() ({
        %run_scoped3A = tpu.sem_alloc : memref<!tpu.dma_semaphore, #tpu.memory_space<semaphore_mem>>
        %dma_start3A_363 = arith.constant 0 : i32
        %dma_start3A_364 = arith.constant 0 : i32
        %dma_start3A_365 = tpu.memref_slice %arg10[%dma_start3A_363, %dma_start3A_364] : memref<256x32xf32, #tpu.memory_space<vmem_shared>> -> memref<256x32xf32, #tpu.memory_space<vmem_shared>>
        tpu.enqueue_indirect_dma source(%arg21 : memref<80x32xf32, #tpu.memory_space<vmem>>) target(%dma_start3A_365 : memref<256x32xf32, #tpu.memory_space<vmem_shared>>) offsets(%arg24 : memref<80xi32, #tpu.memory_space<vmem>>) semaphore(%run_scoped3A : memref<!tpu.dma_semaphore, #tpu.memory_space<semaphore_mem>>) {add = true}
        %dma_wait3A_366 = arith.constant 0 : i32
        %dma_wait3A_367 = arith.constant 0 : i32
        %dma_wait3A_368 = tpu.memref_slice %arg10[%dma_wait3A_366, %dma_wait3A_367] : memref<256x32xf32, #tpu.memory_space<vmem_shared>> -> memref<256x32xf32, #tpu.memory_space<vmem_shared>>
        tpu.wait_indirect_dma semaphore(%run_scoped3A : memref<!tpu.dma_semaphore, #tpu.memory_space<semaphore_mem>>) src(%arg21 : memref<80x32xf32, #tpu.memory_space<vmem>>) dst(%dma_wait3A_368 : memref<256x32xf32, #tpu.memory_space<vmem_shared>>)
        tpu.yield
      }) : () -> ()
      "tpu.region"() ({
        %run_scoped3A = tpu.sem_alloc : memref<!tpu.dma_semaphore, #tpu.memory_space<semaphore_mem>>
        %dma_start3A_363 = arith.constant 0 : i32
        %dma_start3A_364 = tpu.memref_slice %arg11[%dma_start3A_363] : memref<256xf32, #tpu.memory_space<vmem_shared>> -> memref<256xf32, #tpu.memory_space<vmem_shared>>
        tpu.enqueue_indirect_dma source(%arg25 : memref<80xf32, #tpu.memory_space<vmem>>) target(%dma_start3A_364 : memref<256xf32, #tpu.memory_space<vmem_shared>>) offsets(%arg24 : memref<80xi32, #tpu.memory_space<vmem>>) semaphore(%run_scoped3A : memref<!tpu.dma_semaphore, #tpu.memory_space<semaphore_mem>>) {add = true}
        %dma_wait3A_365 = arith.constant 0 : i32
        %dma_wait3A_366 = tpu.memref_slice %arg11[%dma_wait3A_365] : memref<256xf32, #tpu.memory_space<vmem_shared>> -> memref<256xf32, #tpu.memory_space<vmem_shared>>
        tpu.wait_indirect_dma semaphore(%run_scoped3A : memref<!tpu.dma_semaphore, #tpu.memory_space<semaphore_mem>>) src(%arg25 : memref<80xf32, #tpu.memory_space<vmem>>) dst(%dma_wait3A_366 : memref<256xf32, #tpu.memory_space<vmem_shared>>)
        tpu.yield
      }) : () -> ()
    }
    %while3A_338 = arith.constant 1 : i32
    scf.for %while3A_352 = %while3A_336 to %while3A_332 step %while3A_338  : i32 {
      %mul3A_353 = arith.muli %while3A_352, %while3A_329 : i32
      %add3A_354 = arith.addi %add3A, %mul3A_353 : i32
      %mul3A_355 = arith.constant 80 : i32
      %mul3A_356 = arith.muli %add3A_354, %mul3A_355 : i32
      "tpu.region"() ({
        %run_scoped3A = tpu.sem_alloc : memref<!tpu.dma_semaphore, #tpu.memory_space<semaphore_mem>>
        %dma_start3A_363 = arith.constant 0 : i32
        %dma_start3A_364 = tpu.memref_slice %arg9[%mul3A_356, %dma_start3A_363] : memref<50000x32xf32, #tpu.memory_space<vmem_shared>> -> memref<80x32xf32, #tpu.memory_space<vmem_shared>>
        %dma_start3A_365 = arith.constant 0 : i32
        %dma_start3A_366 = tpu.memref_slice %arg9[%mul3A_356, %dma_start3A_365] : memref<50000x32xf32, #tpu.memory_space<vmem_shared>> -> memref<80x32xf32, #tpu.memory_space<vmem_shared>>
        tpu.enqueue_dma source(%dma_start3A_366 : memref<80x32xf32, #tpu.memory_space<vmem_shared>>) target(%arg21 : memref<80x32xf32, #tpu.memory_space<vmem>>) target_semaphore(%run_scoped3A : memref<!tpu.dma_semaphore, #tpu.memory_space<semaphore_mem>>)
        %dma_wait3A_367 = arith.constant 0 : i32
        %dma_wait3A_368 = tpu.memref_slice %arg9[%mul3A_356, %dma_wait3A_367] : memref<50000x32xf32, #tpu.memory_space<vmem_shared>> -> memref<80x32xf32, #tpu.memory_space<vmem_shared>>
        %dma_wait3A_369 = arith.constant 0 : i32
        %dma_wait3A_370 = tpu.memref_slice %arg9[%mul3A_356, %dma_wait3A_369] : memref<50000x32xf32, #tpu.memory_space<vmem_shared>> -> memref<80x32xf32, #tpu.memory_space<vmem_shared>>
        tpu.wait_dma2 semaphore(%run_scoped3A : memref<!tpu.dma_semaphore, #tpu.memory_space<semaphore_mem>>) src(%dma_wait3A_370 : memref<80x32xf32, #tpu.memory_space<vmem_shared>>) dst(%arg21 : memref<80x32xf32, #tpu.memory_space<vmem>>)
        tpu.yield
      }) : () -> ()
      %add3A_357 = arith.addi %mul3A_0, %mul3A_356 : i32
      "tpu.region"() ({
        %run_scoped3A = tpu.sem_alloc : memref<!tpu.dma_semaphore, #tpu.memory_space<semaphore_mem>>
        %dma_start3A_363 = arith.constant 0 : i32
        %dma_start3A_364 = tpu.memref_slice %arg3[%add3A_357, %dma_start3A_363] : memref<100000x32xf32, #tpu.memory_space<hbm>> -> memref<80x32xf32, #tpu.memory_space<hbm>>
        %dma_start3A_365 = arith.constant 0 : i32
        %dma_start3A_366 = tpu.memref_slice %arg3[%add3A_357, %dma_start3A_365] : memref<100000x32xf32, #tpu.memory_space<hbm>> -> memref<80x32xf32, #tpu.memory_space<hbm>>
        tpu.enqueue_dma source(%dma_start3A_366 : memref<80x32xf32, #tpu.memory_space<hbm>>) target(%arg22 : memref<80x32xf32, #tpu.memory_space<vmem>>) target_semaphore(%run_scoped3A : memref<!tpu.dma_semaphore, #tpu.memory_space<semaphore_mem>>)
        %dma_wait3A_367 = arith.constant 0 : i32
        %dma_wait3A_368 = tpu.memref_slice %arg3[%add3A_357, %dma_wait3A_367] : memref<100000x32xf32, #tpu.memory_space<hbm>> -> memref<80x32xf32, #tpu.memory_space<hbm>>
        %dma_wait3A_369 = arith.constant 0 : i32
        %dma_wait3A_370 = tpu.memref_slice %arg3[%add3A_357, %dma_wait3A_369] : memref<100000x32xf32, #tpu.memory_space<hbm>> -> memref<80x32xf32, #tpu.memory_space<hbm>>
        tpu.wait_dma2 semaphore(%run_scoped3A : memref<!tpu.dma_semaphore, #tpu.memory_space<semaphore_mem>>) src(%dma_wait3A_370 : memref<80x32xf32, #tpu.memory_space<hbm>>) dst(%arg22 : memref<80x32xf32, #tpu.memory_space<vmem>>)
        tpu.yield
      }) : () -> ()
      "tpu.region"() ({
        %run_scoped3A = tpu.sem_alloc : memref<!tpu.dma_semaphore, #tpu.memory_space<semaphore_mem>>
        %dma_start3A_363 = tpu.memref_slice %arg4[%mul3A_356] : memref<50000xf32, #tpu.memory_space<hbm>> -> memref<80xf32, #tpu.memory_space<hbm>>
        %dma_start3A_364 = tpu.memref_slice %arg4[%mul3A_356] : memref<50000xf32, #tpu.memory_space<hbm>> -> memref<80xf32, #tpu.memory_space<hbm>>
        tpu.enqueue_dma source(%dma_start3A_364 : memref<80xf32, #tpu.memory_space<hbm>>) target(%arg23 : memref<80xf32, #tpu.memory_space<vmem>>) target_semaphore(%run_scoped3A : memref<!tpu.dma_semaphore, #tpu.memory_space<semaphore_mem>>)
        %dma_wait3A_365 = tpu.memref_slice %arg4[%mul3A_356] : memref<50000xf32, #tpu.memory_space<hbm>> -> memref<80xf32, #tpu.memory_space<hbm>>
        %dma_wait3A_366 = tpu.memref_slice %arg4[%mul3A_356] : memref<50000xf32, #tpu.memory_space<hbm>> -> memref<80xf32, #tpu.memory_space<hbm>>
        tpu.wait_dma2 semaphore(%run_scoped3A : memref<!tpu.dma_semaphore, #tpu.memory_space<semaphore_mem>>) src(%dma_wait3A_366 : memref<80xf32, #tpu.memory_space<hbm>>) dst(%arg23 : memref<80xf32, #tpu.memory_space<vmem>>)
        tpu.yield
      }) : () -> ()
      "tpu.region"() ({
        %run_scoped3A = tpu.sem_alloc : memref<!tpu.dma_semaphore, #tpu.memory_space<semaphore_mem>>
        %dma_start3A_363 = tpu.memref_slice %arg5[%mul3A_356] : memref<50000xi32, #tpu.memory_space<hbm>> -> memref<80xi32, #tpu.memory_space<hbm>>
        %dma_start3A_364 = tpu.memref_slice %arg5[%mul3A_356] : memref<50000xi32, #tpu.memory_space<hbm>> -> memref<80xi32, #tpu.memory_space<hbm>>
        tpu.enqueue_dma source(%dma_start3A_364 : memref<80xi32, #tpu.memory_space<hbm>>) target(%arg24 : memref<80xi32, #tpu.memory_space<vmem>>) target_semaphore(%run_scoped3A : memref<!tpu.dma_semaphore, #tpu.memory_space<semaphore_mem>>)
        %dma_wait3A_365 = tpu.memref_slice %arg5[%mul3A_356] : memref<50000xi32, #tpu.memory_space<hbm>> -> memref<80xi32, #tpu.memory_space<hbm>>
        %dma_wait3A_366 = tpu.memref_slice %arg5[%mul3A_356] : memref<50000xi32, #tpu.memory_space<hbm>> -> memref<80xi32, #tpu.memory_space<hbm>>
        tpu.wait_dma2 semaphore(%run_scoped3A : memref<!tpu.dma_semaphore, #tpu.memory_space<semaphore_mem>>) src(%dma_wait3A_366 : memref<80xi32, #tpu.memory_space<hbm>>) dst(%arg24 : memref<80xi32, #tpu.memory_space<vmem>>)
        tpu.yield
      }) : () -> ()
      %scan3A_358 = arith.constant 0 : i32
      %scan3A_359 = arith.constant 5 : i32
      %scan3A_360 = arith.addi %scan3A_358, %scan3A_359 : i32
      %scan3A_361 = arith.constant 1 : i32
      scf.for %scan3A_363 = %scan3A_358 to %scan3A_360 step %scan3A_361  : i32 {
        %mul3A_364 = arith.constant 1 : i32
        %mul3A_365 = arith.muli %scan3A_363, %mul3A_364 : i32
        %add3A_366 = arith.constant 0 : i32
        %add3A_367 = arith.addi %add3A_366, %mul3A_365 : i32
        %mul3A_368 = arith.constant 16 : i32
        %mul3A_369 = arith.muli %add3A_367, %mul3A_368 : i32
        %get3A_370 = arith.index_cast %mul3A_369 : i32 to index
        %get3A_371 = tpu.vector_load %arg23[%get3A_370] {strides = array<i32>} : memref<80xf32, #tpu.memory_space<vmem>>, vector<16xf32>,
        %get3A_372 = vector.shape_cast %get3A_371 : vector<16xf32> to vector<16xf32>
        %mul3A_373 = arith.constant 16 : i32
        %mul3A_374 = arith.muli %add3A_367, %mul3A_373 : i32
        %add3A_375 = arith.constant 0 : i32
        %add3A_376 = arith.addi %mul3A_374, %add3A_375 : i32
        %slice3A = vector.extract_strided_slice %get3A_372 {offsets = [0], sizes = [1], strides = [1]} : vector<16xf32> to vector<1xf32>
        %squeeze3A = vector.extract %slice3A[0] : f32 from vector<1xf32>
        %get3A_377 = arith.index_cast %add3A_376 : i32 to index
        %get3A_378 = arith.constant 0 : index
        %get3A_379 = tpu.vector_load %arg21[%get3A_377, %get3A_378] {strides = array<i32>} : memref<80x32xf32, #tpu.memory_space<vmem>>, vector<1x16xf32>,
        %get3A_380 = vector.shape_cast %get3A_379 : vector<1x16xf32> to vector<16xf32>
        %get3A_381 = arith.index_cast %add3A_376 : i32 to index
        %get3A_382 = arith.constant 0 : index
        %get3A_383 = tpu.vector_load %arg22[%get3A_381, %get3A_382] {strides = array<i32>} : memref<80x32xf32, #tpu.memory_space<vmem>>, vector<1x16xf32>,
        %get3A_384 = vector.shape_cast %get3A_383 : vector<1x16xf32> to vector<16xf32>
        %add3A_385 = arith.addf %get3A_380, %get3A_384 : vector<16xf32>
        %mul3A_386 = vector.broadcast %squeeze3A : f32 to vector<16xf32>
        %mul3A_387 = arith.mulf %mul3A_386, %add3A_385 : vector<16xf32>
        %add3A_388 = arith.addf %mul3A_387, %get3A_317 : vector<16xf32>
        %max3A = arith.constant 0.000000e+00 : f32
        %max3A_389 = vector.broadcast %max3A : f32 to vector<16xf32>
        %max3A_390 = arith.maximumf %add3A_388, %max3A_389 : vector<16xf32>
        %swap3A_391 = arith.index_cast %add3A_376 : i32 to index
        %swap3A_392 = arith.constant 0 : index
        %swap3A_393 = tpu.vector_load %arg21[%swap3A_391, %swap3A_392] {strides = array<i32>} : memref<80x32xf32, #tpu.memory_space<vmem>>, vector<1x16xf32>,
        %swap3A_394 = vector.shape_cast %swap3A_393 : vector<1x16xf32> to vector<16xf32>
        %swap3A_395 = vector.shape_cast %max3A_390 : vector<16xf32> to vector<1x16xf32>
        tpu.vector_store %arg21[%swap3A_391, %swap3A_392], %swap3A_395 {strides = array<i32>} : memref<80x32xf32, #tpu.memory_space<vmem>>, vector<1x16xf32>,
        %get3A_396 = arith.index_cast %add3A_376 : i32 to index
        %get3A_397 = arith.constant 16 : index
        %get3A_398 = tpu.vector_load %arg21[%get3A_396, %get3A_397] {strides = array<i32>} : memref<80x32xf32, #tpu.memory_space<vmem>>, vector<1x16xf32>,
        %get3A_399 = vector.shape_cast %get3A_398 : vector<1x16xf32> to vector<16xf32>
        %get3A_400 = arith.index_cast %add3A_376 : i32 to index
        %get3A_401 = arith.constant 16 : index
        %get3A_402 = tpu.vector_load %arg22[%get3A_400, %get3A_401] {strides = array<i32>} : memref<80x32xf32, #tpu.memory_space<vmem>>, vector<1x16xf32>,
        %get3A_403 = vector.shape_cast %get3A_402 : vector<1x16xf32> to vector<16xf32>
        %add3A_404 = arith.addf %get3A_399, %get3A_403 : vector<16xf32>
        %mul3A_405 = vector.broadcast %squeeze3A : f32 to vector<16xf32>
        %mul3A_406 = arith.mulf %mul3A_405, %add3A_404 : vector<16xf32>
        %add3A_407 = arith.addf %mul3A_406, %get3A_320 : vector<16xf32>
        %max3A_408 = arith.constant 0.000000e+00 : f32
        %max3A_409 = vector.broadcast %max3A_408 : f32 to vector<16xf32>
        %max3A_410 = arith.maximumf %add3A_407, %max3A_409 : vector<16xf32>
        %swap3A_411 = arith.index_cast %add3A_376 : i32 to index
        %swap3A_412 = arith.constant 16 : index
        %swap3A_413 = tpu.vector_load %arg21[%swap3A_411, %swap3A_412] {strides = array<i32>} : memref<80x32xf32, #tpu.memory_space<vmem>>, vector<1x16xf32>,
        %swap3A_414 = vector.shape_cast %swap3A_413 : vector<1x16xf32> to vector<16xf32>
        %swap3A_415 = vector.shape_cast %max3A_410 : vector<16xf32> to vector<1x16xf32>
        tpu.vector_store %arg21[%swap3A_411, %swap3A_412], %swap3A_415 {strides = array<i32>} : memref<80x32xf32, #tpu.memory_space<vmem>>, vector<1x16xf32>,
        %mul3A_416 = arith.constant 16 : i32
        %mul3A_417 = arith.muli %add3A_367, %mul3A_416 : i32
        %add3A_418 = arith.constant 1 : i32
        %add3A_419 = arith.addi %mul3A_417, %add3A_418 : i32
        %slice3A_420 = vector.extract_strided_slice %get3A_372 {offsets = [1], sizes = [1], strides = [1]} : vector<16xf32> to vector<1xf32>
        %squeeze3A_421 = vector.extract %slice3A_420[0] : f32 from vector<1xf32>
        %get3A_422 = arith.index_cast %add3A_419 : i32 to index
        %get3A_423 = arith.constant 0 : index
        %get3A_424 = tpu.vector_load %arg21[%get3A_422, %get3A_423] {strides = array<i32>} : memref<80x32xf32, #tpu.memory_space<vmem>>, vector<1x16xf32>,
        %get3A_425 = vector.shape_cast %get3A_424 : vector<1x16xf32> to vector<16xf32>
        %get3A_426 = arith.index_cast %add3A_419 : i32 to index
        %get3A_427 = arith.constant 0 : index
        %get3A_428 = tpu.vector_load %arg22[%get3A_426, %get3A_427] {strides = array<i32>} : memref<80x32xf32, #tpu.memory_space<vmem>>, vector<1x16xf32>,
        %get3A_429 = vector.shape_cast %get3A_428 : vector<1x16xf32> to vector<16xf32>
        %add3A_430 = arith.addf %get3A_425, %get3A_429 : vector<16xf32>
        %mul3A_431 = vector.broadcast %squeeze3A_421 : f32 to vector<16xf32>
        %mul3A_432 = arith.mulf %mul3A_431, %add3A_430 : vector<16xf32>
        %add3A_433 = arith.addf %mul3A_432, %get3A_317 : vector<16xf32>
        %max3A_434 = arith.constant 0.000000e+00 : f32
        %max3A_435 = vector.broadcast %max3A_434 : f32 to vector<16xf32>
        %max3A_436 = arith.maximumf %add3A_433, %max3A_435 : vector<16xf32>
        %swap3A_437 = arith.index_cast %add3A_419 : i32 to index
        %swap3A_438 = arith.constant 0 : index
        %swap3A_439 = tpu.vector_load %arg21[%swap3A_437, %swap3A_438] {strides = array<i32>} : memref<80x32xf32, #tpu.memory_space<vmem>>, vector<1x16xf32>,
        %swap3A_440 = vector.shape_cast %swap3A_439 : vector<1x16xf32> to vector<16xf32>
        %swap3A_441 = vector.shape_cast %max3A_436 : vector<16xf32> to vector<1x16xf32>
        tpu.vector_store %arg21[%swap3A_437, %swap3A_438], %swap3A_441 {strides = array<i32>} : memref<80x32xf32, #tpu.memory_space<vmem>>, vector<1x16xf32>,
        %get3A_442 = arith.index_cast %add3A_419 : i32 to index
        %get3A_443 = arith.constant 16 : index
        %get3A_444 = tpu.vector_load %arg21[%get3A_442, %get3A_443] {strides = array<i32>} : memref<80x32xf32, #tpu.memory_space<vmem>>, vector<1x16xf32>,
        %get3A_445 = vector.shape_cast %get3A_444 : vector<1x16xf32> to vector<16xf32>
        %get3A_446 = arith.index_cast %add3A_419 : i32 to index
        %get3A_447 = arith.constant 16 : index
        %get3A_448 = tpu.vector_load %arg22[%get3A_446, %get3A_447] {strides = array<i32>} : memref<80x32xf32, #tpu.memory_space<vmem>>, vector<1x16xf32>,
        %get3A_449 = vector.shape_cast %get3A_448 : vector<1x16xf32> to vector<16xf32>
        %add3A_450 = arith.addf %get3A_445, %get3A_449 : vector<16xf32>
        %mul3A_451 = vector.broadcast %squeeze3A_421 : f32 to vector<16xf32>
        %mul3A_452 = arith.mulf %mul3A_451, %add3A_450 : vector<16xf32>
        %add3A_453 = arith.addf %mul3A_452, %get3A_320 : vector<16xf32>
        %max3A_454 = arith.constant 0.000000e+00 : f32
        %max3A_455 = vector.broadcast %max3A_454 : f32 to vector<16xf32>
        %max3A_456 = arith.maximumf %add3A_453, %max3A_455 : vector<16xf32>
        %swap3A_457 = arith.index_cast %add3A_419 : i32 to index
        %swap3A_458 = arith.constant 16 : index
        %swap3A_459 = tpu.vector_load %arg21[%swap3A_457, %swap3A_458] {strides = array<i32>} : memref<80x32xf32, #tpu.memory_space<vmem>>, vector<1x16xf32>,
        %swap3A_460 = vector.shape_cast %swap3A_459 : vector<1x16xf32> to vector<16xf32>
        %swap3A_461 = vector.shape_cast %max3A_456 : vector<16xf32> to vector<1x16xf32>
        tpu.vector_store %arg21[%swap3A_457, %swap3A_458], %swap3A_461 {strides = array<i32>} : memref<80x32xf32, #tpu.memory_space<vmem>>, vector<1x16xf32>,
        %mul3A_462 = arith.constant 16 : i32
        %mul3A_463 = arith.muli %add3A_367, %mul3A_462 : i32
        %add3A_464 = arith.constant 2 : i32
        %add3A_465 = arith.addi %mul3A_463, %add3A_464 : i32
        %slice3A_466 = vector.extract_strided_slice %get3A_372 {offsets = [2], sizes = [1], strides = [1]} : vector<16xf32> to vector<1xf32>
        %squeeze3A_467 = vector.extract %slice3A_466[0] : f32 from vector<1xf32>
        %get3A_468 = arith.index_cast %add3A_465 : i32 to index
        %get3A_469 = arith.constant 0 : index
        %get3A_470 = tpu.vector_load %arg21[%get3A_468, %get3A_469] {strides = array<i32>} : memref<80x32xf32, #tpu.memory_space<vmem>>, vector<1x16xf32>,
        %get3A_471 = vector.shape_cast %get3A_470 : vector<1x16xf32> to vector<16xf32>
        %get3A_472 = arith.index_cast %add3A_465 : i32 to index
        %get3A_473 = arith.constant 0 : index
        %get3A_474 = tpu.vector_load %arg22[%get3A_472, %get3A_473] {strides = array<i32>} : memref<80x32xf32, #tpu.memory_space<vmem>>, vector<1x16xf32>,
        %get3A_475 = vector.shape_cast %get3A_474 : vector<1x16xf32> to vector<16xf32>
        %add3A_476 = arith.addf %get3A_471, %get3A_475 : vector<16xf32>
        %mul3A_477 = vector.broadcast %squeeze3A_467 : f32 to vector<16xf32>
        %mul3A_478 = arith.mulf %mul3A_477, %add3A_476 : vector<16xf32>
        %add3A_479 = arith.addf %mul3A_478, %get3A_317 : vector<16xf32>
        %max3A_480 = arith.constant 0.000000e+00 : f32
        %max3A_481 = vector.broadcast %max3A_480 : f32 to vector<16xf32>
        %max3A_482 = arith.maximumf %add3A_479, %max3A_481 : vector<16xf32>
        %swap3A_483 = arith.index_cast %add3A_465 : i32 to index
        %swap3A_484 = arith.constant 0 : index
        %swap3A_485 = tpu.vector_load %arg21[%swap3A_483, %swap3A_484] {strides = array<i32>} : memref<80x32xf32, #tpu.memory_space<vmem>>, vector<1x16xf32>,
        %swap3A_486 = vector.shape_cast %swap3A_485 : vector<1x16xf32> to vector<16xf32>
        %swap3A_487 = vector.shape_cast %max3A_482 : vector<16xf32> to vector<1x16xf32>
        tpu.vector_store %arg21[%swap3A_483, %swap3A_484], %swap3A_487 {strides = array<i32>} : memref<80x32xf32, #tpu.memory_space<vmem>>, vector<1x16xf32>,
        %get3A_488 = arith.index_cast %add3A_465 : i32 to index
        %get3A_489 = arith.constant 16 : index
        %get3A_490 = tpu.vector_load %arg21[%get3A_488, %get3A_489] {strides = array<i32>} : memref<80x32xf32, #tpu.memory_space<vmem>>, vector<1x16xf32>,
        %get3A_491 = vector.shape_cast %get3A_490 : vector<1x16xf32> to vector<16xf32>
        %get3A_492 = arith.index_cast %add3A_465 : i32 to index
        %get3A_493 = arith.constant 16 : index
        %get3A_494 = tpu.vector_load %arg22[%get3A_492, %get3A_493] {strides = array<i32>} : memref<80x32xf32, #tpu.memory_space<vmem>>, vector<1x16xf32>,
        %get3A_495 = vector.shape_cast %get3A_494 : vector<1x16xf32> to vector<16xf32>
        %add3A_496 = arith.addf %get3A_491, %get3A_495 : vector<16xf32>
        %mul3A_497 = vector.broadcast %squeeze3A_467 : f32 to vector<16xf32>
        %mul3A_498 = arith.mulf %mul3A_497, %add3A_496 : vector<16xf32>
        %add3A_499 = arith.addf %mul3A_498, %get3A_320 : vector<16xf32>
        %max3A_500 = arith.constant 0.000000e+00 : f32
        %max3A_501 = vector.broadcast %max3A_500 : f32 to vector<16xf32>
        %max3A_502 = arith.maximumf %add3A_499, %max3A_501 : vector<16xf32>
        %swap3A_503 = arith.index_cast %add3A_465 : i32 to index
        %swap3A_504 = arith.constant 16 : index
        %swap3A_505 = tpu.vector_load %arg21[%swap3A_503, %swap3A_504] {strides = array<i32>} : memref<80x32xf32, #tpu.memory_space<vmem>>, vector<1x16xf32>,
        %swap3A_506 = vector.shape_cast %swap3A_505 : vector<1x16xf32> to vector<16xf32>
        %swap3A_507 = vector.shape_cast %max3A_502 : vector<16xf32> to vector<1x16xf32>
        tpu.vector_store %arg21[%swap3A_503, %swap3A_504], %swap3A_507 {strides = array<i32>} : memref<80x32xf32, #tpu.memory_space<vmem>>, vector<1x16xf32>,
        %mul3A_508 = arith.constant 16 : i32
        %mul3A_509 = arith.muli %add3A_367, %mul3A_508 : i32
        %add3A_510 = arith.constant 3 : i32
        %add3A_511 = arith.addi %mul3A_509, %add3A_510 : i32
        %slice3A_512 = vector.extract_strided_slice %get3A_372 {offsets = [3], sizes = [1], strides = [1]} : vector<16xf32> to vector<1xf32>
        %squeeze3A_513 = vector.extract %slice3A_512[0] : f32 from vector<1xf32>
        %get3A_514 = arith.index_cast %add3A_511 : i32 to index
        %get3A_515 = arith.constant 0 : index
        %get3A_516 = tpu.vector_load %arg21[%get3A_514, %get3A_515] {strides = array<i32>} : memref<80x32xf32, #tpu.memory_space<vmem>>, vector<1x16xf32>,
        %get3A_517 = vector.shape_cast %get3A_516 : vector<1x16xf32> to vector<16xf32>
        %get3A_518 = arith.index_cast %add3A_511 : i32 to index
        %get3A_519 = arith.constant 0 : index
        %get3A_520 = tpu.vector_load %arg22[%get3A_518, %get3A_519] {strides = array<i32>} : memref<80x32xf32, #tpu.memory_space<vmem>>, vector<1x16xf32>,
        %get3A_521 = vector.shape_cast %get3A_520 : vector<1x16xf32> to vector<16xf32>
        %add3A_522 = arith.addf %get3A_517, %get3A_521 : vector<16xf32>
        %mul3A_523 = vector.broadcast %squeeze3A_513 : f32 to vector<16xf32>
        %mul3A_524 = arith.mulf %mul3A_523, %add3A_522 : vector<16xf32>
        %add3A_525 = arith.addf %mul3A_524, %get3A_317 : vector<16xf32>
        %max3A_526 = arith.constant 0.000000e+00 : f32
        %max3A_527 = vector.broadcast %max3A_526 : f32 to vector<16xf32>
        %max3A_528 = arith.maximumf %add3A_525, %max3A_527 : vector<16xf32>
        %swap3A_529 = arith.index_cast %add3A_511 : i32 to index
        %swap3A_530 = arith.constant 0 : index
        %swap3A_531 = tpu.vector_load %arg21[%swap3A_529, %swap3A_530] {strides = array<i32>} : memref<80x32xf32, #tpu.memory_space<vmem>>, vector<1x16xf32>,
        %swap3A_532 = vector.shape_cast %swap3A_531 : vector<1x16xf32> to vector<16xf32>
        %swap3A_533 = vector.shape_cast %max3A_528 : vector<16xf32> to vector<1x16xf32>
        tpu.vector_store %arg21[%swap3A_529, %swap3A_530], %swap3A_533 {strides = array<i32>} : memref<80x32xf32, #tpu.memory_space<vmem>>, vector<1x16xf32>,
        %get3A_534 = arith.index_cast %add3A_511 : i32 to index
        %get3A_535 = arith.constant 16 : index
        %get3A_536 = tpu.vector_load %arg21[%get3A_534, %get3A_535] {strides = array<i32>} : memref<80x32xf32, #tpu.memory_space<vmem>>, vector<1x16xf32>,
        %get3A_537 = vector.shape_cast %get3A_536 : vector<1x16xf32> to vector<16xf32>
        %get3A_538 = arith.index_cast %add3A_511 : i32 to index
        %get3A_539 = arith.constant 16 : index
        %get3A_540 = tpu.vector_load %arg22[%get3A_538, %get3A_539] {strides = array<i32>} : memref<80x32xf32, #tpu.memory_space<vmem>>, vector<1x16xf32>,
        %get3A_541 = vector.shape_cast %get3A_540 : vector<1x16xf32> to vector<16xf32>
        %add3A_542 = arith.addf %get3A_537, %get3A_541 : vector<16xf32>
        %mul3A_543 = vector.broadcast %squeeze3A_513 : f32 to vector<16xf32>
        %mul3A_544 = arith.mulf %mul3A_543, %add3A_542 : vector<16xf32>
        %add3A_545 = arith.addf %mul3A_544, %get3A_320 : vector<16xf32>
        %max3A_546 = arith.constant 0.000000e+00 : f32
        %max3A_547 = vector.broadcast %max3A_546 : f32 to vector<16xf32>
        %max3A_548 = arith.maximumf %add3A_545, %max3A_547 : vector<16xf32>
        %swap3A_549 = arith.index_cast %add3A_511 : i32 to index
        %swap3A_550 = arith.constant 16 : index
        %swap3A_551 = tpu.vector_load %arg21[%swap3A_549, %swap3A_550] {strides = array<i32>} : memref<80x32xf32, #tpu.memory_space<vmem>>, vector<1x16xf32>,
        %swap3A_552 = vector.shape_cast %swap3A_551 : vector<1x16xf32> to vector<16xf32>
        %swap3A_553 = vector.shape_cast %max3A_548 : vector<16xf32> to vector<1x16xf32>
        tpu.vector_store %arg21[%swap3A_549, %swap3A_550], %swap3A_553 {strides = array<i32>} : memref<80x32xf32, #tpu.memory_space<vmem>>, vector<1x16xf32>,
        %mul3A_554 = arith.constant 16 : i32
        %mul3A_555 = arith.muli %add3A_367, %mul3A_554 : i32
        %add3A_556 = arith.constant 4 : i32
        %add3A_557 = arith.addi %mul3A_555, %add3A_556 : i32
        %slice3A_558 = vector.extract_strided_slice %get3A_372 {offsets = [4], sizes = [1], strides = [1]} : vector<16xf32> to vector<1xf32>
        %squeeze3A_559 = vector.extract %slice3A_558[0] : f32 from vector<1xf32>
        %get3A_560 = arith.index_cast %add3A_557 : i32 to index
        %get3A_561 = arith.constant 0 : index
        %get3A_562 = tpu.vector_load %arg21[%get3A_560, %get3A_561] {strides = array<i32>} : memref<80x32xf32, #tpu.memory_space<vmem>>, vector<1x16xf32>,
        %get3A_563 = vector.shape_cast %get3A_562 : vector<1x16xf32> to vector<16xf32>
        %get3A_564 = arith.index_cast %add3A_557 : i32 to index
        %get3A_565 = arith.constant 0 : index
        %get3A_566 = tpu.vector_load %arg22[%get3A_564, %get3A_565] {strides = array<i32>} : memref<80x32xf32, #tpu.memory_space<vmem>>, vector<1x16xf32>,
        %get3A_567 = vector.shape_cast %get3A_566 : vector<1x16xf32> to vector<16xf32>
        %add3A_568 = arith.addf %get3A_563, %get3A_567 : vector<16xf32>
        %mul3A_569 = vector.broadcast %squeeze3A_559 : f32 to vector<16xf32>
        %mul3A_570 = arith.mulf %mul3A_569, %add3A_568 : vector<16xf32>
        %add3A_571 = arith.addf %mul3A_570, %get3A_317 : vector<16xf32>
        %max3A_572 = arith.constant 0.000000e+00 : f32
        %max3A_573 = vector.broadcast %max3A_572 : f32 to vector<16xf32>
        %max3A_574 = arith.maximumf %add3A_571, %max3A_573 : vector<16xf32>
        %swap3A_575 = arith.index_cast %add3A_557 : i32 to index
        %swap3A_576 = arith.constant 0 : index
        %swap3A_577 = tpu.vector_load %arg21[%swap3A_575, %swap3A_576] {strides = array<i32>} : memref<80x32xf32, #tpu.memory_space<vmem>>, vector<1x16xf32>,
        %swap3A_578 = vector.shape_cast %swap3A_577 : vector<1x16xf32> to vector<16xf32>
        %swap3A_579 = vector.shape_cast %max3A_574 : vector<16xf32> to vector<1x16xf32>
        tpu.vector_store %arg21[%swap3A_575, %swap3A_576], %swap3A_579 {strides = array<i32>} : memref<80x32xf32, #tpu.memory_space<vmem>>, vector<1x16xf32>,
        %get3A_580 = arith.index_cast %add3A_557 : i32 to index
        %get3A_581 = arith.constant 16 : index
        %get3A_582 = tpu.vector_load %arg21[%get3A_580, %get3A_581] {strides = array<i32>} : memref<80x32xf32, #tpu.memory_space<vmem>>, vector<1x16xf32>,
        %get3A_583 = vector.shape_cast %get3A_582 : vector<1x16xf32> to vector<16xf32>
        %get3A_584 = arith.index_cast %add3A_557 : i32 to index
        %get3A_585 = arith.constant 16 : index
        %get3A_586 = tpu.vector_load %arg22[%get3A_584, %get3A_585] {strides = array<i32>} : memref<80x32xf32, #tpu.memory_space<vmem>>, vector<1x16xf32>,
        %get3A_587 = vector.shape_cast %get3A_586 : vector<1x16xf32> to vector<16xf32>
        %add3A_588 = arith.addf %get3A_583, %get3A_587 : vector<16xf32>
        %mul3A_589 = vector.broadcast %squeeze3A_559 : f32 to vector<16xf32>
        %mul3A_590 = arith.mulf %mul3A_589, %add3A_588 : vector<16xf32>
        %add3A_591 = arith.addf %mul3A_590, %get3A_320 : vector<16xf32>
        %max3A_592 = arith.constant 0.000000e+00 : f32
        %max3A_593 = vector.broadcast %max3A_592 : f32 to vector<16xf32>
        %max3A_594 = arith.maximumf %add3A_591, %max3A_593 : vector<16xf32>
        %swap3A_595 = arith.index_cast %add3A_557 : i32 to index
        %swap3A_596 = arith.constant 16 : index
        %swap3A_597 = tpu.vector_load %arg21[%swap3A_595, %swap3A_596] {strides = array<i32>} : memref<80x32xf32, #tpu.memory_space<vmem>>, vector<1x16xf32>,
        %swap3A_598 = vector.shape_cast %swap3A_597 : vector<1x16xf32> to vector<16xf32>
        %swap3A_599 = vector.shape_cast %max3A_594 : vector<16xf32> to vector<1x16xf32>
        tpu.vector_store %arg21[%swap3A_595, %swap3A_596], %swap3A_599 {strides = array<i32>} : memref<80x32xf32, #tpu.memory_space<vmem>>, vector<1x16xf32>,
        %mul3A_600 = arith.constant 16 : i32
        %mul3A_601 = arith.muli %add3A_367, %mul3A_600 : i32
        %add3A_602 = arith.constant 5 : i32
        %add3A_603 = arith.addi %mul3A_601, %add3A_602 : i32
        %slice3A_604 = vector.extract_strided_slice %get3A_372 {offsets = [5], sizes = [1], strides = [1]} : vector<16xf32> to vector<1xf32>
        %squeeze3A_605 = vector.extract %slice3A_604[0] : f32 from vector<1xf32>
        %get3A_606 = arith.index_cast %add3A_603 : i32 to index
        %get3A_607 = arith.constant 0 : index
        %get3A_608 = tpu.vector_load %arg21[%get3A_606, %get3A_607] {strides = array<i32>} : memref<80x32xf32, #tpu.memory_space<vmem>>, vector<1x16xf32>,
        %get3A_609 = vector.shape_cast %get3A_608 : vector<1x16xf32> to vector<16xf32>
        %get3A_610 = arith.index_cast %add3A_603 : i32 to index
        %get3A_611 = arith.constant 0 : index
        %get3A_612 = tpu.vector_load %arg22[%get3A_610, %get3A_611] {strides = array<i32>} : memref<80x32xf32, #tpu.memory_space<vmem>>, vector<1x16xf32>,
        %get3A_613 = vector.shape_cast %get3A_612 : vector<1x16xf32> to vector<16xf32>
        %add3A_614 = arith.addf %get3A_609, %get3A_613 : vector<16xf32>
        %mul3A_615 = vector.broadcast %squeeze3A_605 : f32 to vector<16xf32>
        %mul3A_616 = arith.mulf %mul3A_615, %add3A_614 : vector<16xf32>
        %add3A_617 = arith.addf %mul3A_616, %get3A_317 : vector<16xf32>
        %max3A_618 = arith.constant 0.000000e+00 : f32
        %max3A_619 = vector.broadcast %max3A_618 : f32 to vector<16xf32>
        %max3A_620 = arith.maximumf %add3A_617, %max3A_619 : vector<16xf32>
        %swap3A_621 = arith.index_cast %add3A_603 : i32 to index
        %swap3A_622 = arith.constant 0 : index
        %swap3A_623 = tpu.vector_load %arg21[%swap3A_621, %swap3A_622] {strides = array<i32>} : memref<80x32xf32, #tpu.memory_space<vmem>>, vector<1x16xf32>,
        %swap3A_624 = vector.shape_cast %swap3A_623 : vector<1x16xf32> to vector<16xf32>
        %swap3A_625 = vector.shape_cast %max3A_620 : vector<16xf32> to vector<1x16xf32>
        tpu.vector_store %arg21[%swap3A_621, %swap3A_622], %swap3A_625 {strides = array<i32>} : memref<80x32xf32, #tpu.memory_space<vmem>>, vector<1x16xf32>,
        %get3A_626 = arith.index_cast %add3A_603 : i32 to index
        %get3A_627 = arith.constant 16 : index
        %get3A_628 = tpu.vector_load %arg21[%get3A_626, %get3A_627] {strides = array<i32>} : memref<80x32xf32, #tpu.memory_space<vmem>>, vector<1x16xf32>,
        %get3A_629 = vector.shape_cast %get3A_628 : vector<1x16xf32> to vector<16xf32>
        %get3A_630 = arith.index_cast %add3A_603 : i32 to index
        %get3A_631 = arith.constant 16 : index
        %get3A_632 = tpu.vector_load %arg22[%get3A_630, %get3A_631] {strides = array<i32>} : memref<80x32xf32, #tpu.memory_space<vmem>>, vector<1x16xf32>,
        %get3A_633 = vector.shape_cast %get3A_632 : vector<1x16xf32> to vector<16xf32>
        %add3A_634 = arith.addf %get3A_629, %get3A_633 : vector<16xf32>
        %mul3A_635 = vector.broadcast %squeeze3A_605 : f32 to vector<16xf32>
        %mul3A_636 = arith.mulf %mul3A_635, %add3A_634 : vector<16xf32>
        %add3A_637 = arith.addf %mul3A_636, %get3A_320 : vector<16xf32>
        %max3A_638 = arith.constant 0.000000e+00 : f32
        %max3A_639 = vector.broadcast %max3A_638 : f32 to vector<16xf32>
        %max3A_640 = arith.maximumf %add3A_637, %max3A_639 : vector<16xf32>
        %swap3A_641 = arith.index_cast %add3A_603 : i32 to index
        %swap3A_642 = arith.constant 16 : index
        %swap3A_643 = tpu.vector_load %arg21[%swap3A_641, %swap3A_642] {strides = array<i32>} : memref<80x32xf32, #tpu.memory_space<vmem>>, vector<1x16xf32>,
        %swap3A_644 = vector.shape_cast %swap3A_643 : vector<1x16xf32> to vector<16xf32>
        %swap3A_645 = vector.shape_cast %max3A_640 : vector<16xf32> to vector<1x16xf32>
        tpu.vector_store %arg21[%swap3A_641, %swap3A_642], %swap3A_645 {strides = array<i32>} : memref<80x32xf32, #tpu.memory_space<vmem>>, vector<1x16xf32>,
        %mul3A_646 = arith.constant 16 : i32
        %mul3A_647 = arith.muli %add3A_367, %mul3A_646 : i32
        %add3A_648 = arith.constant 6 : i32
        %add3A_649 = arith.addi %mul3A_647, %add3A_648 : i32
        %slice3A_650 = vector.extract_strided_slice %get3A_372 {offsets = [6], sizes = [1], strides = [1]} : vector<16xf32> to vector<1xf32>
        %squeeze3A_651 = vector.extract %slice3A_650[0] : f32 from vector<1xf32>
        %get3A_652 = arith.index_cast %add3A_649 : i32 to index
        %get3A_653 = arith.constant 0 : index
        %get3A_654 = tpu.vector_load %arg21[%get3A_652, %get3A_653] {strides = array<i32>} : memref<80x32xf32, #tpu.memory_space<vmem>>, vector<1x16xf32>,
        %get3A_655 = vector.shape_cast %get3A_654 : vector<1x16xf32> to vector<16xf32>
        %get3A_656 = arith.index_cast %add3A_649 : i32 to index
        %get3A_657 = arith.constant 0 : index
        %get3A_658 = tpu.vector_load %arg22[%get3A_656, %get3A_657] {strides = array<i32>} : memref<80x32xf32, #tpu.memory_space<vmem>>, vector<1x16xf32>,
        %get3A_659 = vector.shape_cast %get3A_658 : vector<1x16xf32> to vector<16xf32>
        %add3A_660 = arith.addf %get3A_655, %get3A_659 : vector<16xf32>
        %mul3A_661 = vector.broadcast %squeeze3A_651 : f32 to vector<16xf32>
        %mul3A_662 = arith.mulf %mul3A_661, %add3A_660 : vector<16xf32>
        %add3A_663 = arith.addf %mul3A_662, %get3A_317 : vector<16xf32>
        %max3A_664 = arith.constant 0.000000e+00 : f32
        %max3A_665 = vector.broadcast %max3A_664 : f32 to vector<16xf32>
        %max3A_666 = arith.maximumf %add3A_663, %max3A_665 : vector<16xf32>
        %swap3A_667 = arith.index_cast %add3A_649 : i32 to index
        %swap3A_668 = arith.constant 0 : index
        %swap3A_669 = tpu.vector_load %arg21[%swap3A_667, %swap3A_668] {strides = array<i32>} : memref<80x32xf32, #tpu.memory_space<vmem>>, vector<1x16xf32>,
        %swap3A_670 = vector.shape_cast %swap3A_669 : vector<1x16xf32> to vector<16xf32>
        %swap3A_671 = vector.shape_cast %max3A_666 : vector<16xf32> to vector<1x16xf32>
        tpu.vector_store %arg21[%swap3A_667, %swap3A_668], %swap3A_671 {strides = array<i32>} : memref<80x32xf32, #tpu.memory_space<vmem>>, vector<1x16xf32>,
        %get3A_672 = arith.index_cast %add3A_649 : i32 to index
        %get3A_673 = arith.constant 16 : index
        %get3A_674 = tpu.vector_load %arg21[%get3A_672, %get3A_673] {strides = array<i32>} : memref<80x32xf32, #tpu.memory_space<vmem>>, vector<1x16xf32>,
        %get3A_675 = vector.shape_cast %get3A_674 : vector<1x16xf32> to vector<16xf32>
        %get3A_676 = arith.index_cast %add3A_649 : i32 to index
        %get3A_677 = arith.constant 16 : index
        %get3A_678 = tpu.vector_load %arg22[%get3A_676, %get3A_677] {strides = array<i32>} : memref<80x32xf32, #tpu.memory_space<vmem>>, vector<1x16xf32>,
        %get3A_679 = vector.shape_cast %get3A_678 : vector<1x16xf32> to vector<16xf32>
        %add3A_680 = arith.addf %get3A_675, %get3A_679 : vector<16xf32>
        %mul3A_681 = vector.broadcast %squeeze3A_651 : f32 to vector<16xf32>
        %mul3A_682 = arith.mulf %mul3A_681, %add3A_680 : vector<16xf32>
        %add3A_683 = arith.addf %mul3A_682, %get3A_320 : vector<16xf32>
        %max3A_684 = arith.constant 0.000000e+00 : f32
        %max3A_685 = vector.broadcast %max3A_684 : f32 to vector<16xf32>
        %max3A_686 = arith.maximumf %add3A_683, %max3A_685 : vector<16xf32>
        %swap3A_687 = arith.index_cast %add3A_649 : i32 to index
        %swap3A_688 = arith.constant 16 : index
        %swap3A_689 = tpu.vector_load %arg21[%swap3A_687, %swap3A_688] {strides = array<i32>} : memref<80x32xf32, #tpu.memory_space<vmem>>, vector<1x16xf32>,
        %swap3A_690 = vector.shape_cast %swap3A_689 : vector<1x16xf32> to vector<16xf32>
        %swap3A_691 = vector.shape_cast %max3A_686 : vector<16xf32> to vector<1x16xf32>
        tpu.vector_store %arg21[%swap3A_687, %swap3A_688], %swap3A_691 {strides = array<i32>} : memref<80x32xf32, #tpu.memory_space<vmem>>, vector<1x16xf32>,
        %mul3A_692 = arith.constant 16 : i32
        %mul3A_693 = arith.muli %add3A_367, %mul3A_692 : i32
        %add3A_694 = arith.constant 7 : i32
        %add3A_695 = arith.addi %mul3A_693, %add3A_694 : i32
        %slice3A_696 = vector.extract_strided_slice %get3A_372 {offsets = [7], sizes = [1], strides = [1]} : vector<16xf32> to vector<1xf32>
        %squeeze3A_697 = vector.extract %slice3A_696[0] : f32 from vector<1xf32>
        %get3A_698 = arith.index_cast %add3A_695 : i32 to index
        %get3A_699 = arith.constant 0 : index
        %get3A_700 = tpu.vector_load %arg21[%get3A_698, %get3A_699] {strides = array<i32>} : memref<80x32xf32, #tpu.memory_space<vmem>>, vector<1x16xf32>,
        %get3A_701 = vector.shape_cast %get3A_700 : vector<1x16xf32> to vector<16xf32>
        %get3A_702 = arith.index_cast %add3A_695 : i32 to index
        %get3A_703 = arith.constant 0 : index
        %get3A_704 = tpu.vector_load %arg22[%get3A_702, %get3A_703] {strides = array<i32>} : memref<80x32xf32, #tpu.memory_space<vmem>>, vector<1x16xf32>,
        %get3A_705 = vector.shape_cast %get3A_704 : vector<1x16xf32> to vector<16xf32>
        %add3A_706 = arith.addf %get3A_701, %get3A_705 : vector<16xf32>
        %mul3A_707 = vector.broadcast %squeeze3A_697 : f32 to vector<16xf32>
        %mul3A_708 = arith.mulf %mul3A_707, %add3A_706 : vector<16xf32>
        %add3A_709 = arith.addf %mul3A_708, %get3A_317 : vector<16xf32>
        %max3A_710 = arith.constant 0.000000e+00 : f32
        %max3A_711 = vector.broadcast %max3A_710 : f32 to vector<16xf32>
        %max3A_712 = arith.maximumf %add3A_709, %max3A_711 : vector<16xf32>
        %swap3A_713 = arith.index_cast %add3A_695 : i32 to index
        %swap3A_714 = arith.constant 0 : index
        %swap3A_715 = tpu.vector_load %arg21[%swap3A_713, %swap3A_714] {strides = array<i32>} : memref<80x32xf32, #tpu.memory_space<vmem>>, vector<1x16xf32>,
        %swap3A_716 = vector.shape_cast %swap3A_715 : vector<1x16xf32> to vector<16xf32>
        %swap3A_717 = vector.shape_cast %max3A_712 : vector<16xf32> to vector<1x16xf32>
        tpu.vector_store %arg21[%swap3A_713, %swap3A_714], %swap3A_717 {strides = array<i32>} : memref<80x32xf32, #tpu.memory_space<vmem>>, vector<1x16xf32>,
        %get3A_718 = arith.index_cast %add3A_695 : i32 to index
        %get3A_719 = arith.constant 16 : index
        %get3A_720 = tpu.vector_load %arg21[%get3A_718, %get3A_719] {strides = array<i32>} : memref<80x32xf32, #tpu.memory_space<vmem>>, vector<1x16xf32>,
        %get3A_721 = vector.shape_cast %get3A_720 : vector<1x16xf32> to vector<16xf32>
        %get3A_722 = arith.index_cast %add3A_695 : i32 to index
        %get3A_723 = arith.constant 16 : index
        %get3A_724 = tpu.vector_load %arg22[%get3A_722, %get3A_723] {strides = array<i32>} : memref<80x32xf32, #tpu.memory_space<vmem>>, vector<1x16xf32>,
        %get3A_725 = vector.shape_cast %get3A_724 : vector<1x16xf32> to vector<16xf32>
        %add3A_726 = arith.addf %get3A_721, %get3A_725 : vector<16xf32>
        %mul3A_727 = vector.broadcast %squeeze3A_697 : f32 to vector<16xf32>
        %mul3A_728 = arith.mulf %mul3A_727, %add3A_726 : vector<16xf32>
        %add3A_729 = arith.addf %mul3A_728, %get3A_320 : vector<16xf32>
        %max3A_730 = arith.constant 0.000000e+00 : f32
        %max3A_731 = vector.broadcast %max3A_730 : f32 to vector<16xf32>
        %max3A_732 = arith.maximumf %add3A_729, %max3A_731 : vector<16xf32>
        %swap3A_733 = arith.index_cast %add3A_695 : i32 to index
        %swap3A_734 = arith.constant 16 : index
        %swap3A_735 = tpu.vector_load %arg21[%swap3A_733, %swap3A_734] {strides = array<i32>} : memref<80x32xf32, #tpu.memory_space<vmem>>, vector<1x16xf32>,
        %swap3A_736 = vector.shape_cast %swap3A_735 : vector<1x16xf32> to vector<16xf32>
        %swap3A_737 = vector.shape_cast %max3A_732 : vector<16xf32> to vector<1x16xf32>
        tpu.vector_store %arg21[%swap3A_733, %swap3A_734], %swap3A_737 {strides = array<i32>} : memref<80x32xf32, #tpu.memory_space<vmem>>, vector<1x16xf32>,
        %mul3A_738 = arith.constant 16 : i32
        %mul3A_739 = arith.muli %add3A_367, %mul3A_738 : i32
        %add3A_740 = arith.constant 8 : i32
        %add3A_741 = arith.addi %mul3A_739, %add3A_740 : i32
        %slice3A_742 = vector.extract_strided_slice %get3A_372 {offsets = [8], sizes = [1], strides = [1]} : vector<16xf32> to vector<1xf32>
        %squeeze3A_743 = vector.extract %slice3A_742[0] : f32 from vector<1xf32>
        %get3A_744 = arith.index_cast %add3A_741 : i32 to index
        %get3A_745 = arith.constant 0 : index
        %get3A_746 = tpu.vector_load %arg21[%get3A_744, %get3A_745] {strides = array<i32>} : memref<80x32xf32, #tpu.memory_space<vmem>>, vector<1x16xf32>,
        %get3A_747 = vector.shape_cast %get3A_746 : vector<1x16xf32> to vector<16xf32>
        %get3A_748 = arith.index_cast %add3A_741 : i32 to index
        %get3A_749 = arith.constant 0 : index
        %get3A_750 = tpu.vector_load %arg22[%get3A_748, %get3A_749] {strides = array<i32>} : memref<80x32xf32, #tpu.memory_space<vmem>>, vector<1x16xf32>,
        %get3A_751 = vector.shape_cast %get3A_750 : vector<1x16xf32> to vector<16xf32>
        %add3A_752 = arith.addf %get3A_747, %get3A_751 : vector<16xf32>
        %mul3A_753 = vector.broadcast %squeeze3A_743 : f32 to vector<16xf32>
        %mul3A_754 = arith.mulf %mul3A_753, %add3A_752 : vector<16xf32>
        %add3A_755 = arith.addf %mul3A_754, %get3A_317 : vector<16xf32>
        %max3A_756 = arith.constant 0.000000e+00 : f32
        %max3A_757 = vector.broadcast %max3A_756 : f32 to vector<16xf32>
        %max3A_758 = arith.maximumf %add3A_755, %max3A_757 : vector<16xf32>
        %swap3A_759 = arith.index_cast %add3A_741 : i32 to index
        %swap3A_760 = arith.constant 0 : index
        %swap3A_761 = tpu.vector_load %arg21[%swap3A_759, %swap3A_760] {strides = array<i32>} : memref<80x32xf32, #tpu.memory_space<vmem>>, vector<1x16xf32>,
        %swap3A_762 = vector.shape_cast %swap3A_761 : vector<1x16xf32> to vector<16xf32>
        %swap3A_763 = vector.shape_cast %max3A_758 : vector<16xf32> to vector<1x16xf32>
        tpu.vector_store %arg21[%swap3A_759, %swap3A_760], %swap3A_763 {strides = array<i32>} : memref<80x32xf32, #tpu.memory_space<vmem>>, vector<1x16xf32>,
        %get3A_764 = arith.index_cast %add3A_741 : i32 to index
        %get3A_765 = arith.constant 16 : index
        %get3A_766 = tpu.vector_load %arg21[%get3A_764, %get3A_765] {strides = array<i32>} : memref<80x32xf32, #tpu.memory_space<vmem>>, vector<1x16xf32>,
        %get3A_767 = vector.shape_cast %get3A_766 : vector<1x16xf32> to vector<16xf32>
        %get3A_768 = arith.index_cast %add3A_741 : i32 to index
        %get3A_769 = arith.constant 16 : index
        %get3A_770 = tpu.vector_load %arg22[%get3A_768, %get3A_769] {strides = array<i32>} : memref<80x32xf32, #tpu.memory_space<vmem>>, vector<1x16xf32>,
        %get3A_771 = vector.shape_cast %get3A_770 : vector<1x16xf32> to vector<16xf32>
        %add3A_772 = arith.addf %get3A_767, %get3A_771 : vector<16xf32>
        %mul3A_773 = vector.broadcast %squeeze3A_743 : f32 to vector<16xf32>
        %mul3A_774 = arith.mulf %mul3A_773, %add3A_772 : vector<16xf32>
        %add3A_775 = arith.addf %mul3A_774, %get3A_320 : vector<16xf32>
        %max3A_776 = arith.constant 0.000000e+00 : f32
        %max3A_777 = vector.broadcast %max3A_776 : f32 to vector<16xf32>
        %max3A_778 = arith.maximumf %add3A_775, %max3A_777 : vector<16xf32>
        %swap3A_779 = arith.index_cast %add3A_741 : i32 to index
        %swap3A_780 = arith.constant 16 : index
        %swap3A_781 = tpu.vector_load %arg21[%swap3A_779, %swap3A_780] {strides = array<i32>} : memref<80x32xf32, #tpu.memory_space<vmem>>, vector<1x16xf32>,
        %swap3A_782 = vector.shape_cast %swap3A_781 : vector<1x16xf32> to vector<16xf32>
        %swap3A_783 = vector.shape_cast %max3A_778 : vector<16xf32> to vector<1x16xf32>
        tpu.vector_store %arg21[%swap3A_779, %swap3A_780], %swap3A_783 {strides = array<i32>} : memref<80x32xf32, #tpu.memory_space<vmem>>, vector<1x16xf32>,
        %mul3A_784 = arith.constant 16 : i32
        %mul3A_785 = arith.muli %add3A_367, %mul3A_784 : i32
        %add3A_786 = arith.constant 9 : i32
        %add3A_787 = arith.addi %mul3A_785, %add3A_786 : i32
        %slice3A_788 = vector.extract_strided_slice %get3A_372 {offsets = [9], sizes = [1], strides = [1]} : vector<16xf32> to vector<1xf32>
        %squeeze3A_789 = vector.extract %slice3A_788[0] : f32 from vector<1xf32>
        %get3A_790 = arith.index_cast %add3A_787 : i32 to index
        %get3A_791 = arith.constant 0 : index
        %get3A_792 = tpu.vector_load %arg21[%get3A_790, %get3A_791] {strides = array<i32>} : memref<80x32xf32, #tpu.memory_space<vmem>>, vector<1x16xf32>,
        %get3A_793 = vector.shape_cast %get3A_792 : vector<1x16xf32> to vector<16xf32>
        %get3A_794 = arith.index_cast %add3A_787 : i32 to index
        %get3A_795 = arith.constant 0 : index
        %get3A_796 = tpu.vector_load %arg22[%get3A_794, %get3A_795] {strides = array<i32>} : memref<80x32xf32, #tpu.memory_space<vmem>>, vector<1x16xf32>,
        %get3A_797 = vector.shape_cast %get3A_796 : vector<1x16xf32> to vector<16xf32>
        %add3A_798 = arith.addf %get3A_793, %get3A_797 : vector<16xf32>
        %mul3A_799 = vector.broadcast %squeeze3A_789 : f32 to vector<16xf32>
        %mul3A_800 = arith.mulf %mul3A_799, %add3A_798 : vector<16xf32>
        %add3A_801 = arith.addf %mul3A_800, %get3A_317 : vector<16xf32>
        %max3A_802 = arith.constant 0.000000e+00 : f32
        %max3A_803 = vector.broadcast %max3A_802 : f32 to vector<16xf32>
        %max3A_804 = arith.maximumf %add3A_801, %max3A_803 : vector<16xf32>
        %swap3A_805 = arith.index_cast %add3A_787 : i32 to index
        %swap3A_806 = arith.constant 0 : index
        %swap3A_807 = tpu.vector_load %arg21[%swap3A_805, %swap3A_806] {strides = array<i32>} : memref<80x32xf32, #tpu.memory_space<vmem>>, vector<1x16xf32>,
        %swap3A_808 = vector.shape_cast %swap3A_807 : vector<1x16xf32> to vector<16xf32>
        %swap3A_809 = vector.shape_cast %max3A_804 : vector<16xf32> to vector<1x16xf32>
        tpu.vector_store %arg21[%swap3A_805, %swap3A_806], %swap3A_809 {strides = array<i32>} : memref<80x32xf32, #tpu.memory_space<vmem>>, vector<1x16xf32>,
        %get3A_810 = arith.index_cast %add3A_787 : i32 to index
        %get3A_811 = arith.constant 16 : index
        %get3A_812 = tpu.vector_load %arg21[%get3A_810, %get3A_811] {strides = array<i32>} : memref<80x32xf32, #tpu.memory_space<vmem>>, vector<1x16xf32>,
        %get3A_813 = vector.shape_cast %get3A_812 : vector<1x16xf32> to vector<16xf32>
        %get3A_814 = arith.index_cast %add3A_787 : i32 to index
        %get3A_815 = arith.constant 16 : index
        %get3A_816 = tpu.vector_load %arg22[%get3A_814, %get3A_815] {strides = array<i32>} : memref<80x32xf32, #tpu.memory_space<vmem>>, vector<1x16xf32>,
        %get3A_817 = vector.shape_cast %get3A_816 : vector<1x16xf32> to vector<16xf32>
        %add3A_818 = arith.addf %get3A_813, %get3A_817 : vector<16xf32>
        %mul3A_819 = vector.broadcast %squeeze3A_789 : f32 to vector<16xf32>
        %mul3A_820 = arith.mulf %mul3A_819, %add3A_818 : vector<16xf32>
        %add3A_821 = arith.addf %mul3A_820, %get3A_320 : vector<16xf32>
        %max3A_822 = arith.constant 0.000000e+00 : f32
        %max3A_823 = vector.broadcast %max3A_822 : f32 to vector<16xf32>
        %max3A_824 = arith.maximumf %add3A_821, %max3A_823 : vector<16xf32>
        %swap3A_825 = arith.index_cast %add3A_787 : i32 to index
        %swap3A_826 = arith.constant 16 : index
        %swap3A_827 = tpu.vector_load %arg21[%swap3A_825, %swap3A_826] {strides = array<i32>} : memref<80x32xf32, #tpu.memory_space<vmem>>, vector<1x16xf32>,
        %swap3A_828 = vector.shape_cast %swap3A_827 : vector<1x16xf32> to vector<16xf32>
        %swap3A_829 = vector.shape_cast %max3A_824 : vector<16xf32> to vector<1x16xf32>
        tpu.vector_store %arg21[%swap3A_825, %swap3A_826], %swap3A_829 {strides = array<i32>} : memref<80x32xf32, #tpu.memory_space<vmem>>, vector<1x16xf32>,
        %mul3A_830 = arith.constant 16 : i32
        %mul3A_831 = arith.muli %add3A_367, %mul3A_830 : i32
        %add3A_832 = arith.constant 10 : i32
        %add3A_833 = arith.addi %mul3A_831, %add3A_832 : i32
        %slice3A_834 = vector.extract_strided_slice %get3A_372 {offsets = [10], sizes = [1], strides = [1]} : vector<16xf32> to vector<1xf32>
        %squeeze3A_835 = vector.extract %slice3A_834[0] : f32 from vector<1xf32>
        %get3A_836 = arith.index_cast %add3A_833 : i32 to index
        %get3A_837 = arith.constant 0 : index
        %get3A_838 = tpu.vector_load %arg21[%get3A_836, %get3A_837] {strides = array<i32>} : memref<80x32xf32, #tpu.memory_space<vmem>>, vector<1x16xf32>,
        %get3A_839 = vector.shape_cast %get3A_838 : vector<1x16xf32> to vector<16xf32>
        %get3A_840 = arith.index_cast %add3A_833 : i32 to index
        %get3A_841 = arith.constant 0 : index
        %get3A_842 = tpu.vector_load %arg22[%get3A_840, %get3A_841] {strides = array<i32>} : memref<80x32xf32, #tpu.memory_space<vmem>>, vector<1x16xf32>,
        %get3A_843 = vector.shape_cast %get3A_842 : vector<1x16xf32> to vector<16xf32>
        %add3A_844 = arith.addf %get3A_839, %get3A_843 : vector<16xf32>
        %mul3A_845 = vector.broadcast %squeeze3A_835 : f32 to vector<16xf32>
        %mul3A_846 = arith.mulf %mul3A_845, %add3A_844 : vector<16xf32>
        %add3A_847 = arith.addf %mul3A_846, %get3A_317 : vector<16xf32>
        %max3A_848 = arith.constant 0.000000e+00 : f32
        %max3A_849 = vector.broadcast %max3A_848 : f32 to vector<16xf32>
        %max3A_850 = arith.maximumf %add3A_847, %max3A_849 : vector<16xf32>
        %swap3A_851 = arith.index_cast %add3A_833 : i32 to index
        %swap3A_852 = arith.constant 0 : index
        %swap3A_853 = tpu.vector_load %arg21[%swap3A_851, %swap3A_852] {strides = array<i32>} : memref<80x32xf32, #tpu.memory_space<vmem>>, vector<1x16xf32>,
        %swap3A_854 = vector.shape_cast %swap3A_853 : vector<1x16xf32> to vector<16xf32>
        %swap3A_855 = vector.shape_cast %max3A_850 : vector<16xf32> to vector<1x16xf32>
        tpu.vector_store %arg21[%swap3A_851, %swap3A_852], %swap3A_855 {strides = array<i32>} : memref<80x32xf32, #tpu.memory_space<vmem>>, vector<1x16xf32>,
        %get3A_856 = arith.index_cast %add3A_833 : i32 to index
        %get3A_857 = arith.constant 16 : index
        %get3A_858 = tpu.vector_load %arg21[%get3A_856, %get3A_857] {strides = array<i32>} : memref<80x32xf32, #tpu.memory_space<vmem>>, vector<1x16xf32>,
        %get3A_859 = vector.shape_cast %get3A_858 : vector<1x16xf32> to vector<16xf32>
        %get3A_860 = arith.index_cast %add3A_833 : i32 to index
        %get3A_861 = arith.constant 16 : index
        %get3A_862 = tpu.vector_load %arg22[%get3A_860, %get3A_861] {strides = array<i32>} : memref<80x32xf32, #tpu.memory_space<vmem>>, vector<1x16xf32>,
        %get3A_863 = vector.shape_cast %get3A_862 : vector<1x16xf32> to vector<16xf32>
        %add3A_864 = arith.addf %get3A_859, %get3A_863 : vector<16xf32>
        %mul3A_865 = vector.broadcast %squeeze3A_835 : f32 to vector<16xf32>
        %mul3A_866 = arith.mulf %mul3A_865, %add3A_864 : vector<16xf32>
        %add3A_867 = arith.addf %mul3A_866, %get3A_320 : vector<16xf32>
        %max3A_868 = arith.constant 0.000000e+00 : f32
        %max3A_869 = vector.broadcast %max3A_868 : f32 to vector<16xf32>
        %max3A_870 = arith.maximumf %add3A_867, %max3A_869 : vector<16xf32>
        %swap3A_871 = arith.index_cast %add3A_833 : i32 to index
        %swap3A_872 = arith.constant 16 : index
        %swap3A_873 = tpu.vector_load %arg21[%swap3A_871, %swap3A_872] {strides = array<i32>} : memref<80x32xf32, #tpu.memory_space<vmem>>, vector<1x16xf32>,
        %swap3A_874 = vector.shape_cast %swap3A_873 : vector<1x16xf32> to vector<16xf32>
        %swap3A_875 = vector.shape_cast %max3A_870 : vector<16xf32> to vector<1x16xf32>
        tpu.vector_store %arg21[%swap3A_871, %swap3A_872], %swap3A_875 {strides = array<i32>} : memref<80x32xf32, #tpu.memory_space<vmem>>, vector<1x16xf32>,
        %mul3A_876 = arith.constant 16 : i32
        %mul3A_877 = arith.muli %add3A_367, %mul3A_876 : i32
        %add3A_878 = arith.constant 11 : i32
        %add3A_879 = arith.addi %mul3A_877, %add3A_878 : i32
        %slice3A_880 = vector.extract_strided_slice %get3A_372 {offsets = [11], sizes = [1], strides = [1]} : vector<16xf32> to vector<1xf32>
        %squeeze3A_881 = vector.extract %slice3A_880[0] : f32 from vector<1xf32>
        %get3A_882 = arith.index_cast %add3A_879 : i32 to index
        %get3A_883 = arith.constant 0 : index
        %get3A_884 = tpu.vector_load %arg21[%get3A_882, %get3A_883] {strides = array<i32>} : memref<80x32xf32, #tpu.memory_space<vmem>>, vector<1x16xf32>,
        %get3A_885 = vector.shape_cast %get3A_884 : vector<1x16xf32> to vector<16xf32>
        %get3A_886 = arith.index_cast %add3A_879 : i32 to index
        %get3A_887 = arith.constant 0 : index
        %get3A_888 = tpu.vector_load %arg22[%get3A_886, %get3A_887] {strides = array<i32>} : memref<80x32xf32, #tpu.memory_space<vmem>>, vector<1x16xf32>,
        %get3A_889 = vector.shape_cast %get3A_888 : vector<1x16xf32> to vector<16xf32>
        %add3A_890 = arith.addf %get3A_885, %get3A_889 : vector<16xf32>
        %mul3A_891 = vector.broadcast %squeeze3A_881 : f32 to vector<16xf32>
        %mul3A_892 = arith.mulf %mul3A_891, %add3A_890 : vector<16xf32>
        %add3A_893 = arith.addf %mul3A_892, %get3A_317 : vector<16xf32>
        %max3A_894 = arith.constant 0.000000e+00 : f32
        %max3A_895 = vector.broadcast %max3A_894 : f32 to vector<16xf32>
        %max3A_896 = arith.maximumf %add3A_893, %max3A_895 : vector<16xf32>
        %swap3A_897 = arith.index_cast %add3A_879 : i32 to index
        %swap3A_898 = arith.constant 0 : index
        %swap3A_899 = tpu.vector_load %arg21[%swap3A_897, %swap3A_898] {strides = array<i32>} : memref<80x32xf32, #tpu.memory_space<vmem>>, vector<1x16xf32>,
        %swap3A_900 = vector.shape_cast %swap3A_899 : vector<1x16xf32> to vector<16xf32>
        %swap3A_901 = vector.shape_cast %max3A_896 : vector<16xf32> to vector<1x16xf32>
        tpu.vector_store %arg21[%swap3A_897, %swap3A_898], %swap3A_901 {strides = array<i32>} : memref<80x32xf32, #tpu.memory_space<vmem>>, vector<1x16xf32>,
        %get3A_902 = arith.index_cast %add3A_879 : i32 to index
        %get3A_903 = arith.constant 16 : index
        %get3A_904 = tpu.vector_load %arg21[%get3A_902, %get3A_903] {strides = array<i32>} : memref<80x32xf32, #tpu.memory_space<vmem>>, vector<1x16xf32>,
        %get3A_905 = vector.shape_cast %get3A_904 : vector<1x16xf32> to vector<16xf32>
        %get3A_906 = arith.index_cast %add3A_879 : i32 to index
        %get3A_907 = arith.constant 16 : index
        %get3A_908 = tpu.vector_load %arg22[%get3A_906, %get3A_907] {strides = array<i32>} : memref<80x32xf32, #tpu.memory_space<vmem>>, vector<1x16xf32>,
        %get3A_909 = vector.shape_cast %get3A_908 : vector<1x16xf32> to vector<16xf32>
        %add3A_910 = arith.addf %get3A_905, %get3A_909 : vector<16xf32>
        %mul3A_911 = vector.broadcast %squeeze3A_881 : f32 to vector<16xf32>
        %mul3A_912 = arith.mulf %mul3A_911, %add3A_910 : vector<16xf32>
        %add3A_913 = arith.addf %mul3A_912, %get3A_320 : vector<16xf32>
        %max3A_914 = arith.constant 0.000000e+00 : f32
        %max3A_915 = vector.broadcast %max3A_914 : f32 to vector<16xf32>
        %max3A_916 = arith.maximumf %add3A_913, %max3A_915 : vector<16xf32>
        %swap3A_917 = arith.index_cast %add3A_879 : i32 to index
        %swap3A_918 = arith.constant 16 : index
        %swap3A_919 = tpu.vector_load %arg21[%swap3A_917, %swap3A_918] {strides = array<i32>} : memref<80x32xf32, #tpu.memory_space<vmem>>, vector<1x16xf32>,
        %swap3A_920 = vector.shape_cast %swap3A_919 : vector<1x16xf32> to vector<16xf32>
        %swap3A_921 = vector.shape_cast %max3A_916 : vector<16xf32> to vector<1x16xf32>
        tpu.vector_store %arg21[%swap3A_917, %swap3A_918], %swap3A_921 {strides = array<i32>} : memref<80x32xf32, #tpu.memory_space<vmem>>, vector<1x16xf32>,
        %mul3A_922 = arith.constant 16 : i32
        %mul3A_923 = arith.muli %add3A_367, %mul3A_922 : i32
        %add3A_924 = arith.constant 12 : i32
        %add3A_925 = arith.addi %mul3A_923, %add3A_924 : i32
        %slice3A_926 = vector.extract_strided_slice %get3A_372 {offsets = [12], sizes = [1], strides = [1]} : vector<16xf32> to vector<1xf32>
        %squeeze3A_927 = vector.extract %slice3A_926[0] : f32 from vector<1xf32>
        %get3A_928 = arith.index_cast %add3A_925 : i32 to index
        %get3A_929 = arith.constant 0 : index
        %get3A_930 = tpu.vector_load %arg21[%get3A_928, %get3A_929] {strides = array<i32>} : memref<80x32xf32, #tpu.memory_space<vmem>>, vector<1x16xf32>,
        %get3A_931 = vector.shape_cast %get3A_930 : vector<1x16xf32> to vector<16xf32>
        %get3A_932 = arith.index_cast %add3A_925 : i32 to index
        %get3A_933 = arith.constant 0 : index
        %get3A_934 = tpu.vector_load %arg22[%get3A_932, %get3A_933] {strides = array<i32>} : memref<80x32xf32, #tpu.memory_space<vmem>>, vector<1x16xf32>,
        %get3A_935 = vector.shape_cast %get3A_934 : vector<1x16xf32> to vector<16xf32>
        %add3A_936 = arith.addf %get3A_931, %get3A_935 : vector<16xf32>
        %mul3A_937 = vector.broadcast %squeeze3A_927 : f32 to vector<16xf32>
        %mul3A_938 = arith.mulf %mul3A_937, %add3A_936 : vector<16xf32>
        %add3A_939 = arith.addf %mul3A_938, %get3A_317 : vector<16xf32>
        %max3A_940 = arith.constant 0.000000e+00 : f32
        %max3A_941 = vector.broadcast %max3A_940 : f32 to vector<16xf32>
        %max3A_942 = arith.maximumf %add3A_939, %max3A_941 : vector<16xf32>
        %swap3A_943 = arith.index_cast %add3A_925 : i32 to index
        %swap3A_944 = arith.constant 0 : index
        %swap3A_945 = tpu.vector_load %arg21[%swap3A_943, %swap3A_944] {strides = array<i32>} : memref<80x32xf32, #tpu.memory_space<vmem>>, vector<1x16xf32>,
        %swap3A_946 = vector.shape_cast %swap3A_945 : vector<1x16xf32> to vector<16xf32>
        %swap3A_947 = vector.shape_cast %max3A_942 : vector<16xf32> to vector<1x16xf32>
        tpu.vector_store %arg21[%swap3A_943, %swap3A_944], %swap3A_947 {strides = array<i32>} : memref<80x32xf32, #tpu.memory_space<vmem>>, vector<1x16xf32>,
        %get3A_948 = arith.index_cast %add3A_925 : i32 to index
        %get3A_949 = arith.constant 16 : index
        %get3A_950 = tpu.vector_load %arg21[%get3A_948, %get3A_949] {strides = array<i32>} : memref<80x32xf32, #tpu.memory_space<vmem>>, vector<1x16xf32>,
        %get3A_951 = vector.shape_cast %get3A_950 : vector<1x16xf32> to vector<16xf32>
        %get3A_952 = arith.index_cast %add3A_925 : i32 to index
        %get3A_953 = arith.constant 16 : index
        %get3A_954 = tpu.vector_load %arg22[%get3A_952, %get3A_953] {strides = array<i32>} : memref<80x32xf32, #tpu.memory_space<vmem>>, vector<1x16xf32>,
        %get3A_955 = vector.shape_cast %get3A_954 : vector<1x16xf32> to vector<16xf32>
        %add3A_956 = arith.addf %get3A_951, %get3A_955 : vector<16xf32>
        %mul3A_957 = vector.broadcast %squeeze3A_927 : f32 to vector<16xf32>
        %mul3A_958 = arith.mulf %mul3A_957, %add3A_956 : vector<16xf32>
        %add3A_959 = arith.addf %mul3A_958, %get3A_320 : vector<16xf32>
        %max3A_960 = arith.constant 0.000000e+00 : f32
        %max3A_961 = vector.broadcast %max3A_960 : f32 to vector<16xf32>
        %max3A_962 = arith.maximumf %add3A_959, %max3A_961 : vector<16xf32>
        %swap3A_963 = arith.index_cast %add3A_925 : i32 to index
        %swap3A_964 = arith.constant 16 : index
        %swap3A_965 = tpu.vector_load %arg21[%swap3A_963, %swap3A_964] {strides = array<i32>} : memref<80x32xf32, #tpu.memory_space<vmem>>, vector<1x16xf32>,
        %swap3A_966 = vector.shape_cast %swap3A_965 : vector<1x16xf32> to vector<16xf32>
        %swap3A_967 = vector.shape_cast %max3A_962 : vector<16xf32> to vector<1x16xf32>
        tpu.vector_store %arg21[%swap3A_963, %swap3A_964], %swap3A_967 {strides = array<i32>} : memref<80x32xf32, #tpu.memory_space<vmem>>, vector<1x16xf32>,
        %mul3A_968 = arith.constant 16 : i32
        %mul3A_969 = arith.muli %add3A_367, %mul3A_968 : i32
        %add3A_970 = arith.constant 13 : i32
        %add3A_971 = arith.addi %mul3A_969, %add3A_970 : i32
        %slice3A_972 = vector.extract_strided_slice %get3A_372 {offsets = [13], sizes = [1], strides = [1]} : vector<16xf32> to vector<1xf32>
        %squeeze3A_973 = vector.extract %slice3A_972[0] : f32 from vector<1xf32>
        %get3A_974 = arith.index_cast %add3A_971 : i32 to index
        %get3A_975 = arith.constant 0 : index
        %get3A_976 = tpu.vector_load %arg21[%get3A_974, %get3A_975] {strides = array<i32>} : memref<80x32xf32, #tpu.memory_space<vmem>>, vector<1x16xf32>,
        %get3A_977 = vector.shape_cast %get3A_976 : vector<1x16xf32> to vector<16xf32>
        %get3A_978 = arith.index_cast %add3A_971 : i32 to index
        %get3A_979 = arith.constant 0 : index
        %get3A_980 = tpu.vector_load %arg22[%get3A_978, %get3A_979] {strides = array<i32>} : memref<80x32xf32, #tpu.memory_space<vmem>>, vector<1x16xf32>,
        %get3A_981 = vector.shape_cast %get3A_980 : vector<1x16xf32> to vector<16xf32>
        %add3A_982 = arith.addf %get3A_977, %get3A_981 : vector<16xf32>
        %mul3A_983 = vector.broadcast %squeeze3A_973 : f32 to vector<16xf32>
        %mul3A_984 = arith.mulf %mul3A_983, %add3A_982 : vector<16xf32>
        %add3A_985 = arith.addf %mul3A_984, %get3A_317 : vector<16xf32>
        %max3A_986 = arith.constant 0.000000e+00 : f32
        %max3A_987 = vector.broadcast %max3A_986 : f32 to vector<16xf32>
        %max3A_988 = arith.maximumf %add3A_985, %max3A_987 : vector<16xf32>
        %swap3A_989 = arith.index_cast %add3A_971 : i32 to index
        %swap3A_990 = arith.constant 0 : index
        %swap3A_991 = tpu.vector_load %arg21[%swap3A_989, %swap3A_990] {strides = array<i32>} : memref<80x32xf32, #tpu.memory_space<vmem>>, vector<1x16xf32>,
        %swap3A_992 = vector.shape_cast %swap3A_991 : vector<1x16xf32> to vector<16xf32>
        %swap3A_993 = vector.shape_cast %max3A_988 : vector<16xf32> to vector<1x16xf32>
        tpu.vector_store %arg21[%swap3A_989, %swap3A_990], %swap3A_993 {strides = array<i32>} : memref<80x32xf32, #tpu.memory_space<vmem>>, vector<1x16xf32>,
        %get3A_994 = arith.index_cast %add3A_971 : i32 to index
        %get3A_995 = arith.constant 16 : index
        %get3A_996 = tpu.vector_load %arg21[%get3A_994, %get3A_995] {strides = array<i32>} : memref<80x32xf32, #tpu.memory_space<vmem>>, vector<1x16xf32>,
        %get3A_997 = vector.shape_cast %get3A_996 : vector<1x16xf32> to vector<16xf32>
        %get3A_998 = arith.index_cast %add3A_971 : i32 to index
        %get3A_999 = arith.constant 16 : index
        %get3A_1000 = tpu.vector_load %arg22[%get3A_998, %get3A_999] {strides = array<i32>} : memref<80x32xf32, #tpu.memory_space<vmem>>, vector<1x16xf32>,
        %get3A_1001 = vector.shape_cast %get3A_1000 : vector<1x16xf32> to vector<16xf32>
        %add3A_1002 = arith.addf %get3A_997, %get3A_1001 : vector<16xf32>
        %mul3A_1003 = vector.broadcast %squeeze3A_973 : f32 to vector<16xf32>
        %mul3A_1004 = arith.mulf %mul3A_1003, %add3A_1002 : vector<16xf32>
        %add3A_1005 = arith.addf %mul3A_1004, %get3A_320 : vector<16xf32>
        %max3A_1006 = arith.constant 0.000000e+00 : f32
        %max3A_1007 = vector.broadcast %max3A_1006 : f32 to vector<16xf32>
        %max3A_1008 = arith.maximumf %add3A_1005, %max3A_1007 : vector<16xf32>
        %swap3A_1009 = arith.index_cast %add3A_971 : i32 to index
        %swap3A_1010 = arith.constant 16 : index
        %swap3A_1011 = tpu.vector_load %arg21[%swap3A_1009, %swap3A_1010] {strides = array<i32>} : memref<80x32xf32, #tpu.memory_space<vmem>>, vector<1x16xf32>,
        %swap3A_1012 = vector.shape_cast %swap3A_1011 : vector<1x16xf32> to vector<16xf32>
        %swap3A_1013 = vector.shape_cast %max3A_1008 : vector<16xf32> to vector<1x16xf32>
        tpu.vector_store %arg21[%swap3A_1009, %swap3A_1010], %swap3A_1013 {strides = array<i32>} : memref<80x32xf32, #tpu.memory_space<vmem>>, vector<1x16xf32>,
        %mul3A_1014 = arith.constant 16 : i32
        %mul3A_1015 = arith.muli %add3A_367, %mul3A_1014 : i32
        %add3A_1016 = arith.constant 14 : i32
        %add3A_1017 = arith.addi %mul3A_1015, %add3A_1016 : i32
        %slice3A_1018 = vector.extract_strided_slice %get3A_372 {offsets = [14], sizes = [1], strides = [1]} : vector<16xf32> to vector<1xf32>
        %squeeze3A_1019 = vector.extract %slice3A_1018[0] : f32 from vector<1xf32>
        %get3A_1020 = arith.index_cast %add3A_1017 : i32 to index
        %get3A_1021 = arith.constant 0 : index
        %get3A_1022 = tpu.vector_load %arg21[%get3A_1020, %get3A_1021] {strides = array<i32>} : memref<80x32xf32, #tpu.memory_space<vmem>>, vector<1x16xf32>,
        %get3A_1023 = vector.shape_cast %get3A_1022 : vector<1x16xf32> to vector<16xf32>
        %get3A_1024 = arith.index_cast %add3A_1017 : i32 to index
        %get3A_1025 = arith.constant 0 : index
        %get3A_1026 = tpu.vector_load %arg22[%get3A_1024, %get3A_1025] {strides = array<i32>} : memref<80x32xf32, #tpu.memory_space<vmem>>, vector<1x16xf32>,
        %get3A_1027 = vector.shape_cast %get3A_1026 : vector<1x16xf32> to vector<16xf32>
        %add3A_1028 = arith.addf %get3A_1023, %get3A_1027 : vector<16xf32>
        %mul3A_1029 = vector.broadcast %squeeze3A_1019 : f32 to vector<16xf32>
        %mul3A_1030 = arith.mulf %mul3A_1029, %add3A_1028 : vector<16xf32>
        %add3A_1031 = arith.addf %mul3A_1030, %get3A_317 : vector<16xf32>
        %max3A_1032 = arith.constant 0.000000e+00 : f32
        %max3A_1033 = vector.broadcast %max3A_1032 : f32 to vector<16xf32>
        %max3A_1034 = arith.maximumf %add3A_1031, %max3A_1033 : vector<16xf32>
        %swap3A_1035 = arith.index_cast %add3A_1017 : i32 to index
        %swap3A_1036 = arith.constant 0 : index
        %swap3A_1037 = tpu.vector_load %arg21[%swap3A_1035, %swap3A_1036] {strides = array<i32>} : memref<80x32xf32, #tpu.memory_space<vmem>>, vector<1x16xf32>,
        %swap3A_1038 = vector.shape_cast %swap3A_1037 : vector<1x16xf32> to vector<16xf32>
        %swap3A_1039 = vector.shape_cast %max3A_1034 : vector<16xf32> to vector<1x16xf32>
        tpu.vector_store %arg21[%swap3A_1035, %swap3A_1036], %swap3A_1039 {strides = array<i32>} : memref<80x32xf32, #tpu.memory_space<vmem>>, vector<1x16xf32>,
        %get3A_1040 = arith.index_cast %add3A_1017 : i32 to index
        %get3A_1041 = arith.constant 16 : index
        %get3A_1042 = tpu.vector_load %arg21[%get3A_1040, %get3A_1041] {strides = array<i32>} : memref<80x32xf32, #tpu.memory_space<vmem>>, vector<1x16xf32>,
        %get3A_1043 = vector.shape_cast %get3A_1042 : vector<1x16xf32> to vector<16xf32>
        %get3A_1044 = arith.index_cast %add3A_1017 : i32 to index
        %get3A_1045 = arith.constant 16 : index
        %get3A_1046 = tpu.vector_load %arg22[%get3A_1044, %get3A_1045] {strides = array<i32>} : memref<80x32xf32, #tpu.memory_space<vmem>>, vector<1x16xf32>,
        %get3A_1047 = vector.shape_cast %get3A_1046 : vector<1x16xf32> to vector<16xf32>
        %add3A_1048 = arith.addf %get3A_1043, %get3A_1047 : vector<16xf32>
        %mul3A_1049 = vector.broadcast %squeeze3A_1019 : f32 to vector<16xf32>
        %mul3A_1050 = arith.mulf %mul3A_1049, %add3A_1048 : vector<16xf32>
        %add3A_1051 = arith.addf %mul3A_1050, %get3A_320 : vector<16xf32>
        %max3A_1052 = arith.constant 0.000000e+00 : f32
        %max3A_1053 = vector.broadcast %max3A_1052 : f32 to vector<16xf32>
        %max3A_1054 = arith.maximumf %add3A_1051, %max3A_1053 : vector<16xf32>
        %swap3A_1055 = arith.index_cast %add3A_1017 : i32 to index
        %swap3A_1056 = arith.constant 16 : index
        %swap3A_1057 = tpu.vector_load %arg21[%swap3A_1055, %swap3A_1056] {strides = array<i32>} : memref<80x32xf32, #tpu.memory_space<vmem>>, vector<1x16xf32>,
        %swap3A_1058 = vector.shape_cast %swap3A_1057 : vector<1x16xf32> to vector<16xf32>
        %swap3A_1059 = vector.shape_cast %max3A_1054 : vector<16xf32> to vector<1x16xf32>
        tpu.vector_store %arg21[%swap3A_1055, %swap3A_1056], %swap3A_1059 {strides = array<i32>} : memref<80x32xf32, #tpu.memory_space<vmem>>, vector<1x16xf32>,
        %mul3A_1060 = arith.constant 16 : i32
        %mul3A_1061 = arith.muli %add3A_367, %mul3A_1060 : i32
        %add3A_1062 = arith.constant 15 : i32
        %add3A_1063 = arith.addi %mul3A_1061, %add3A_1062 : i32
        %slice3A_1064 = vector.extract_strided_slice %get3A_372 {offsets = [15], sizes = [1], strides = [1]} : vector<16xf32> to vector<1xf32>
        %squeeze3A_1065 = vector.extract %slice3A_1064[0] : f32 from vector<1xf32>
        %get3A_1066 = arith.index_cast %add3A_1063 : i32 to index
        %get3A_1067 = arith.constant 0 : index
        %get3A_1068 = tpu.vector_load %arg21[%get3A_1066, %get3A_1067] {strides = array<i32>} : memref<80x32xf32, #tpu.memory_space<vmem>>, vector<1x16xf32>,
        %get3A_1069 = vector.shape_cast %get3A_1068 : vector<1x16xf32> to vector<16xf32>
        %get3A_1070 = arith.index_cast %add3A_1063 : i32 to index
        %get3A_1071 = arith.constant 0 : index
        %get3A_1072 = tpu.vector_load %arg22[%get3A_1070, %get3A_1071] {strides = array<i32>} : memref<80x32xf32, #tpu.memory_space<vmem>>, vector<1x16xf32>,
        %get3A_1073 = vector.shape_cast %get3A_1072 : vector<1x16xf32> to vector<16xf32>
        %add3A_1074 = arith.addf %get3A_1069, %get3A_1073 : vector<16xf32>
        %mul3A_1075 = vector.broadcast %squeeze3A_1065 : f32 to vector<16xf32>
        %mul3A_1076 = arith.mulf %mul3A_1075, %add3A_1074 : vector<16xf32>
        %add3A_1077 = arith.addf %mul3A_1076, %get3A_317 : vector<16xf32>
        %max3A_1078 = arith.constant 0.000000e+00 : f32
        %max3A_1079 = vector.broadcast %max3A_1078 : f32 to vector<16xf32>
        %max3A_1080 = arith.maximumf %add3A_1077, %max3A_1079 : vector<16xf32>
        %swap3A_1081 = arith.index_cast %add3A_1063 : i32 to index
        %swap3A_1082 = arith.constant 0 : index
        %swap3A_1083 = tpu.vector_load %arg21[%swap3A_1081, %swap3A_1082] {strides = array<i32>} : memref<80x32xf32, #tpu.memory_space<vmem>>, vector<1x16xf32>,
        %swap3A_1084 = vector.shape_cast %swap3A_1083 : vector<1x16xf32> to vector<16xf32>
        %swap3A_1085 = vector.shape_cast %max3A_1080 : vector<16xf32> to vector<1x16xf32>
        tpu.vector_store %arg21[%swap3A_1081, %swap3A_1082], %swap3A_1085 {strides = array<i32>} : memref<80x32xf32, #tpu.memory_space<vmem>>, vector<1x16xf32>,
        %get3A_1086 = arith.index_cast %add3A_1063 : i32 to index
        %get3A_1087 = arith.constant 16 : index
        %get3A_1088 = tpu.vector_load %arg21[%get3A_1086, %get3A_1087] {strides = array<i32>} : memref<80x32xf32, #tpu.memory_space<vmem>>, vector<1x16xf32>,
        %get3A_1089 = vector.shape_cast %get3A_1088 : vector<1x16xf32> to vector<16xf32>
        %get3A_1090 = arith.index_cast %add3A_1063 : i32 to index
        %get3A_1091 = arith.constant 16 : index
        %get3A_1092 = tpu.vector_load %arg22[%get3A_1090, %get3A_1091] {strides = array<i32>} : memref<80x32xf32, #tpu.memory_space<vmem>>, vector<1x16xf32>,
        %get3A_1093 = vector.shape_cast %get3A_1092 : vector<1x16xf32> to vector<16xf32>
        %add3A_1094 = arith.addf %get3A_1089, %get3A_1093 : vector<16xf32>
        %mul3A_1095 = vector.broadcast %squeeze3A_1065 : f32 to vector<16xf32>
        %mul3A_1096 = arith.mulf %mul3A_1095, %add3A_1094 : vector<16xf32>
        %add3A_1097 = arith.addf %mul3A_1096, %get3A_320 : vector<16xf32>
        %max3A_1098 = arith.constant 0.000000e+00 : f32
        %max3A_1099 = vector.broadcast %max3A_1098 : f32 to vector<16xf32>
        %max3A_1100 = arith.maximumf %add3A_1097, %max3A_1099 : vector<16xf32>
        %swap3A_1101 = arith.index_cast %add3A_1063 : i32 to index
        %swap3A_1102 = arith.constant 16 : index
        %swap3A_1103 = tpu.vector_load %arg21[%swap3A_1101, %swap3A_1102] {strides = array<i32>} : memref<80x32xf32, #tpu.memory_space<vmem>>, vector<1x16xf32>,
        %swap3A_1104 = vector.shape_cast %swap3A_1103 : vector<1x16xf32> to vector<16xf32>
        %swap3A_1105 = vector.shape_cast %max3A_1100 : vector<16xf32> to vector<1x16xf32>
        tpu.vector_store %arg21[%swap3A_1101, %swap3A_1102], %swap3A_1105 {strides = array<i32>} : memref<80x32xf32, #tpu.memory_space<vmem>>, vector<1x16xf32>,
      }
      %scan3A_362 = arith.constant 5 : i32
      "tpu.region"() ({
        %run_scoped3A = tpu.sem_alloc : memref<!tpu.dma_semaphore, #tpu.memory_space<semaphore_mem>>
        %dma_start3A_363 = arith.constant 0 : i32
        %dma_start3A_364 = arith.constant 0 : i32
        %dma_start3A_365 = tpu.memref_slice %arg10[%dma_start3A_363, %dma_start3A_364] : memref<256x32xf32, #tpu.memory_space<vmem_shared>> -> memref<256x32xf32, #tpu.memory_space<vmem_shared>>
        tpu.enqueue_indirect_dma source(%arg21 : memref<80x32xf32, #tpu.memory_space<vmem>>) target(%dma_start3A_365 : memref<256x32xf32, #tpu.memory_space<vmem_shared>>) offsets(%arg24 : memref<80xi32, #tpu.memory_space<vmem>>) semaphore(%run_scoped3A : memref<!tpu.dma_semaphore, #tpu.memory_space<semaphore_mem>>) {add = true}
        %dma_wait3A_366 = arith.constant 0 : i32
        %dma_wait3A_367 = arith.constant 0 : i32
        %dma_wait3A_368 = tpu.memref_slice %arg10[%dma_wait3A_366, %dma_wait3A_367] : memref<256x32xf32, #tpu.memory_space<vmem_shared>> -> memref<256x32xf32, #tpu.memory_space<vmem_shared>>
        tpu.wait_indirect_dma semaphore(%run_scoped3A : memref<!tpu.dma_semaphore, #tpu.memory_space<semaphore_mem>>) src(%arg21 : memref<80x32xf32, #tpu.memory_space<vmem>>) dst(%dma_wait3A_368 : memref<256x32xf32, #tpu.memory_space<vmem_shared>>)
        tpu.yield
      }) : () -> ()
      "tpu.region"() ({
        %run_scoped3A = tpu.sem_alloc : memref<!tpu.dma_semaphore, #tpu.memory_space<semaphore_mem>>
        %dma_start3A_363 = arith.constant 0 : i32
        %dma_start3A_364 = tpu.memref_slice %arg11[%dma_start3A_363] : memref<256xf32, #tpu.memory_space<vmem_shared>> -> memref<256xf32, #tpu.memory_space<vmem_shared>>
        tpu.enqueue_indirect_dma source(%arg25 : memref<80xf32, #tpu.memory_space<vmem>>) target(%dma_start3A_364 : memref<256xf32, #tpu.memory_space<vmem_shared>>) offsets(%arg24 : memref<80xi32, #tpu.memory_space<vmem>>) semaphore(%run_scoped3A : memref<!tpu.dma_semaphore, #tpu.memory_space<semaphore_mem>>) {add = true}
        %dma_wait3A_365 = arith.constant 0 : i32
        %dma_wait3A_366 = tpu.memref_slice %arg11[%dma_wait3A_365] : memref<256xf32, #tpu.memory_space<vmem_shared>> -> memref<256xf32, #tpu.memory_space<vmem_shared>>
        tpu.wait_indirect_dma semaphore(%run_scoped3A : memref<!tpu.dma_semaphore, #tpu.memory_space<semaphore_mem>>) src(%arg25 : memref<80xf32, #tpu.memory_space<vmem>>) dst(%dma_wait3A_366 : memref<256xf32, #tpu.memory_space<vmem_shared>>)
        tpu.yield
      }) : () -> ()
    }
    %barrier3A_339 = arith.constant 0 : index
    tpu.barrier barrier_id(%barrier3A_339)
    %eq3A_340 = arith.constant 0 : i32
    %eq3A_341 = arith.cmpi eq, %arg1, %eq3A_340 : i32
    %convert_element_type3A_342 = arith.extui %eq3A_341 : i1 to i32
    %cond3A_343 = arith.constant 0 : i32
    %cond3A_344 = arith.cmpi ne, %convert_element_type3A_342, %cond3A_343 : i32
    scf.if %cond3A_344 {
      %run_scoped3A = arith.constant 0 : i32
      "tpu.region"() ({
        %run_scoped3A_353 = tpu.sem_alloc : memref<!tpu.dma_semaphore, #tpu.memory_space<semaphore_mem>>
        %dma_start3A_354 = arith.constant 0 : i32
        %dma_start3A_355 = arith.constant 0 : i32
        %dma_start3A_356 = tpu.memref_slice %arg20[%run_scoped3A, %dma_start3A_354, %dma_start3A_355] : memref<2x320x32xf32, #tpu.memory_space<vmem>> -> memref<1x256x32xf32, #tpu.memory_space<vmem>>
        %dma_start3A_357 = tpu.memref_squeeze %dma_start3A_356 : memref<1x256x32xf32, #tpu.memory_space<vmem>> -> memref<256x32xf32, #tpu.memory_space<vmem>>
        %dma_start3A_358 = arith.constant 0 : i32
        %dma_start3A_359 = arith.constant 0 : i32
        %dma_start3A_360 = tpu.memref_slice %arg20[%run_scoped3A, %dma_start3A_358, %dma_start3A_359] : memref<2x320x32xf32, #tpu.memory_space<vmem>> -> memref<1x256x32xf32, #tpu.memory_space<vmem>>
        %dma_start3A_361 = tpu.memref_squeeze %dma_start3A_360 : memref<1x256x32xf32, #tpu.memory_space<vmem>> -> memref<256x32xf32, #tpu.memory_space<vmem>>
        tpu.enqueue_dma source(%arg10 : memref<256x32xf32, #tpu.memory_space<vmem_shared>>) target(%dma_start3A_361 : memref<256x32xf32, #tpu.memory_space<vmem>>) target_semaphore(%run_scoped3A_353 : memref<!tpu.dma_semaphore, #tpu.memory_space<semaphore_mem>>)
        %dma_wait3A_362 = arith.constant 0 : i32
        %dma_wait3A_363 = arith.constant 0 : i32
        %dma_wait3A_364 = tpu.memref_slice %arg20[%run_scoped3A, %dma_wait3A_362, %dma_wait3A_363] : memref<2x320x32xf32, #tpu.memory_space<vmem>> -> memref<1x256x32xf32, #tpu.memory_space<vmem>>
        %dma_wait3A_365 = tpu.memref_squeeze %dma_wait3A_364 : memref<1x256x32xf32, #tpu.memory_space<vmem>> -> memref<256x32xf32, #tpu.memory_space<vmem>>
        %dma_wait3A_366 = arith.constant 0 : i32
        %dma_wait3A_367 = arith.constant 0 : i32
        %dma_wait3A_368 = tpu.memref_slice %arg20[%run_scoped3A, %dma_wait3A_366, %dma_wait3A_367] : memref<2x320x32xf32, #tpu.memory_space<vmem>> -> memref<1x256x32xf32, #tpu.memory_space<vmem>>
        %dma_wait3A_369 = tpu.memref_squeeze %dma_wait3A_368 : memref<1x256x32xf32, #tpu.memory_space<vmem>> -> memref<256x32xf32, #tpu.memory_space<vmem>>
        tpu.wait_dma2 semaphore(%run_scoped3A_353 : memref<!tpu.dma_semaphore, #tpu.memory_space<semaphore_mem>>) src(%arg10 : memref<256x32xf32, #tpu.memory_space<vmem_shared>>) dst(%dma_wait3A_369 : memref<256x32xf32, #tpu.memory_space<vmem>>)
        tpu.yield
      }) : () -> ()
      %run_scoped3A_352 = arith.constant 0 : i32
      "tpu.region"() ({
        %run_scoped3A_353 = tpu.sem_alloc : memref<!tpu.dma_semaphore, #tpu.memory_space<semaphore_mem>>
        %dma_start3A_354 = arith.constant 0 : i32
        %dma_start3A_355 = arith.constant 0 : i32
        %dma_start3A_356 = tpu.memref_slice %arg20[%run_scoped3A_352, %dma_start3A_354, %dma_start3A_355] : memref<2x320x32xf32, #tpu.memory_space<vmem>> -> memref<1x256x32xf32, #tpu.memory_space<vmem>>
        %dma_start3A_357 = tpu.memref_squeeze %dma_start3A_356 : memref<1x256x32xf32, #tpu.memory_space<vmem>> -> memref<256x32xf32, #tpu.memory_space<vmem>>
        %dma_start3A_358 = arith.constant 0 : i32
        %dma_start3A_359 = arith.constant 0 : i32
        %dma_start3A_360 = tpu.memref_slice %arg7[%arg0, %dma_start3A_358, %dma_start3A_359] : memref<2x256x32xf32, #tpu.memory_space<hbm>> -> memref<1x256x32xf32, #tpu.memory_space<hbm>>
        %dma_start3A_361 = tpu.memref_squeeze %dma_start3A_360 : memref<1x256x32xf32, #tpu.memory_space<hbm>> -> memref<256x32xf32, #tpu.memory_space<hbm>>
        %dma_start3A_362 = arith.constant 0 : i32
        %dma_start3A_363 = arith.constant 0 : i32
        %dma_start3A_364 = tpu.memref_slice %arg7[%arg0, %dma_start3A_362, %dma_start3A_363] : memref<2x256x32xf32, #tpu.memory_space<hbm>> -> memref<1x256x32xf32, #tpu.memory_space<hbm>>
        %dma_start3A_365 = tpu.memref_squeeze %dma_start3A_364 : memref<1x256x32xf32, #tpu.memory_space<hbm>> -> memref<256x32xf32, #tpu.memory_space<hbm>>
        %dma_start3A_366 = arith.constant 0 : i32
        %dma_start3A_367 = arith.constant 0 : i32
        %dma_start3A_368 = tpu.memref_slice %arg20[%run_scoped3A_352, %dma_start3A_366, %dma_start3A_367] : memref<2x320x32xf32, #tpu.memory_space<vmem>> -> memref<1x256x32xf32, #tpu.memory_space<vmem>>
        %dma_start3A_369 = tpu.memref_squeeze %dma_start3A_368 : memref<1x256x32xf32, #tpu.memory_space<vmem>> -> memref<256x32xf32, #tpu.memory_space<vmem>>
        tpu.enqueue_dma source(%dma_start3A_369 : memref<256x32xf32, #tpu.memory_space<vmem>>) target(%dma_start3A_365 : memref<256x32xf32, #tpu.memory_space<hbm>>) target_semaphore(%run_scoped3A_353 : memref<!tpu.dma_semaphore, #tpu.memory_space<semaphore_mem>>)
        %dma_wait3A_370 = arith.constant 0 : i32
        %dma_wait3A_371 = arith.constant 0 : i32
        %dma_wait3A_372 = tpu.memref_slice %arg20[%run_scoped3A_352, %dma_wait3A_370, %dma_wait3A_371] : memref<2x320x32xf32, #tpu.memory_space<vmem>> -> memref<1x256x32xf32, #tpu.memory_space<vmem>>
        %dma_wait3A_373 = tpu.memref_squeeze %dma_wait3A_372 : memref<1x256x32xf32, #tpu.memory_space<vmem>> -> memref<256x32xf32, #tpu.memory_space<vmem>>
        %dma_wait3A_374 = arith.constant 0 : i32
        %dma_wait3A_375 = arith.constant 0 : i32
        %dma_wait3A_376 = tpu.memref_slice %arg7[%arg0, %dma_wait3A_374, %dma_wait3A_375] : memref<2x256x32xf32, #tpu.memory_space<hbm>> -> memref<1x256x32xf32, #tpu.memory_space<hbm>>
        %dma_wait3A_377 = tpu.memref_squeeze %dma_wait3A_376 : memref<1x256x32xf32, #tpu.memory_space<hbm>> -> memref<256x32xf32, #tpu.memory_space<hbm>>
        %dma_wait3A_378 = arith.constant 0 : i32
        %dma_wait3A_379 = arith.constant 0 : i32
        %dma_wait3A_380 = tpu.memref_slice %arg7[%arg0, %dma_wait3A_378, %dma_wait3A_379] : memref<2x256x32xf32, #tpu.memory_space<hbm>> -> memref<1x256x32xf32, #tpu.memory_space<hbm>>
        %dma_wait3A_381 = tpu.memref_squeeze %dma_wait3A_380 : memref<1x256x32xf32, #tpu.memory_space<hbm>> -> memref<256x32xf32, #tpu.memory_space<hbm>>
        %dma_wait3A_382 = arith.constant 0 : i32
        %dma_wait3A_383 = arith.constant 0 : i32
        %dma_wait3A_384 = tpu.memref_slice %arg20[%run_scoped3A_352, %dma_wait3A_382, %dma_wait3A_383] : memref<2x320x32xf32, #tpu.memory_space<vmem>> -> memref<1x256x32xf32, #tpu.memory_space<vmem>>
        %dma_wait3A_385 = tpu.memref_squeeze %dma_wait3A_384 : memref<1x256x32xf32, #tpu.memory_space<vmem>> -> memref<256x32xf32, #tpu.memory_space<vmem>>
        tpu.wait_dma2 semaphore(%run_scoped3A_353 : memref<!tpu.dma_semaphore, #tpu.memory_space<semaphore_mem>>) src(%dma_wait3A_385 : memref<256x32xf32, #tpu.memory_space<vmem>>) dst(%dma_wait3A_381 : memref<256x32xf32, #tpu.memory_space<hbm>>)
        tpu.yield
      }) : () -> ()
    } else {
    }
    %eq3A_345 = arith.constant 1 : i32
    %eq3A_346 = arith.cmpi eq, %arg1, %eq3A_345 : i32
    %eq3A_347 = arith.constant 0 : i32
    %eq3A_348 = arith.cmpi eq, %arg0, %eq3A_347 : i32
    %and3A = arith.andi %eq3A_346, %eq3A_348 : i1
    %convert_element_type3A_349 = arith.extui %and3A : i1 to i32
    %cond3A_350 = arith.constant 0 : i32
    %cond3A_351 = arith.cmpi ne, %convert_element_type3A_349, %cond3A_350 : i32
    scf.if %cond3A_351 {
      "tpu.region"() ({
        %run_scoped3A = tpu.sem_alloc : memref<!tpu.dma_semaphore, #tpu.memory_space<semaphore_mem>>
        tpu.enqueue_dma source(%arg11 : memref<256xf32, #tpu.memory_space<vmem_shared>>) target(%arg26 : memref<256xf32, #tpu.memory_space<vmem>>) target_semaphore(%run_scoped3A : memref<!tpu.dma_semaphore, #tpu.memory_space<semaphore_mem>>)
        tpu.wait_dma2 semaphore(%run_scoped3A : memref<!tpu.dma_semaphore, #tpu.memory_space<semaphore_mem>>) src(%arg11 : memref<256xf32, #tpu.memory_space<vmem_shared>>) dst(%arg26 : memref<256xf32, #tpu.memory_space<vmem>>)
        tpu.yield
      }) : () -> ()
      "tpu.region"() ({
        %run_scoped3A = tpu.sem_alloc : memref<!tpu.dma_semaphore, #tpu.memory_space<semaphore_mem>>
        tpu.enqueue_dma source(%arg26 : memref<256xf32, #tpu.memory_space<vmem>>) target(%arg8 : memref<256xf32, #tpu.memory_space<hbm>>) target_semaphore(%run_scoped3A : memref<!tpu.dma_semaphore, #tpu.memory_space<semaphore_mem>>)
        tpu.wait_dma2 semaphore(%run_scoped3A : memref<!tpu.dma_semaphore, #tpu.memory_space<semaphore_mem>>) src(%arg26 : memref<256xf32, #tpu.memory_space<vmem>>) dst(%arg8 : memref<256xf32, #tpu.memory_space<hbm>>)
        tpu.yield
      }) : () -> ()
    } else {
    }
    return
  }
}

module attributes {stable_mosaic.version = 14 : i64} {
  func.func @_mm_body(%arg0: i32, %arg1: i32, %arg2: memref<2000x79xf32, #tpu.memory_space<vmem>>, %arg3: memref<1x79x32xf32, #tpu.memory_space<vmem>>, %arg4: memref<2x1x1x2000xf32, #tpu.memory_space<vmem>>, %arg5: memref<2000x32xf32, #tpu.memory_space<vmem>>, %arg6: memref<1x1x2000xf32, #tpu.memory_space<vmem>>) attributes {dimension_semantics = [#tpu.dimension_semantics<arbitrary>, #tpu.dimension_semantics<arbitrary>], iteration_bounds = array<i64: 25, 2>, scalar_prefetch = 0 : i64, scratch_operands = 0 : i64, tpu.core_type = #tpu.core_type<tc>, window_params = [{transform_indices = @transform_0, window_bounds = array<i64: 2000, 79>}, {transform_indices = @transform_1, window_bounds = array<i64: 1, 79, 32>}, {transform_indices = @transform_2, window_bounds = array<i64: 2, 1, 1, 2000>}, {transform_indices = @transform_3, window_bounds = array<i64: 2000, 32>}, {transform_indices = @transform_4, window_bounds = array<i64: 1, 1, 2000>}]} {
    %get3A = arith.constant 0 : index
    %get3A_0 = arith.constant 0 : index
    %get3A_1 = arith.constant 0 : index
    %get3A_2 = arith.constant 0 : index
    %get3A_3 = vector.load %arg4[%get3A, %get3A_0, %get3A_1, %get3A_2] : memref<2x1x1x2000xf32, #tpu.memory_space<vmem>>, vector<2x1x1x2000xf32>
    %slice3A = vector.extract_strided_slice %get3A_3 {offsets = [0, 0, 0, 0], sizes = [1, 1, 1, 2000], strides = [1, 1, 1, 1]} : vector<2x1x1x2000xf32> to vector<1x1x1x2000xf32>
    %squeeze3A = vector.shape_cast %slice3A : vector<1x1x1x2000xf32> to vector<2000xf32>
    %slice3A_4 = vector.extract_strided_slice %get3A_3 {offsets = [1, 0, 0, 0], sizes = [1, 1, 1, 2000], strides = [1, 1, 1, 1]} : vector<2x1x1x2000xf32> to vector<1x1x1x2000xf32>
    %squeeze3A_5 = vector.shape_cast %slice3A_4 : vector<1x1x1x2000xf32> to vector<2000xf32>
    %add3A = arith.addf %squeeze3A, %squeeze3A_5 : vector<2000xf32>
    %add3A_6 = arith.constant 1.000000e+00 : f32
    %add3A_7 = vector.broadcast %add3A_6 : f32 to vector<2000xf32>
    %add3A_8 = arith.addf %add3A, %add3A_7 : vector<2000xf32>
    %rsqrt3A = math.rsqrt %add3A_8 : vector<2000xf32>
    %reshape3A = vector.shape_cast %rsqrt3A : vector<2000xf32> to vector<1x1x2000xf32>
    %swap3A = arith.constant 0 : index
    %swap3A_9 = arith.constant 0 : index
    %swap3A_10 = arith.constant 0 : index
    %swap3A_11 = vector.load %arg6[%swap3A, %swap3A_9, %swap3A_10] : memref<1x1x2000xf32, #tpu.memory_space<vmem>>, vector<1x1x2000xf32>
    tpu.vector_store %arg6[%swap3A, %swap3A_9, %swap3A_10], %reshape3A {strides = array<i32>} : memref<1x1x2000xf32, #tpu.memory_space<vmem>>, vector<1x1x2000xf32>,
    %get3A_12 = arith.constant 0 : index
    %get3A_13 = arith.constant 0 : index
    %get3A_14 = vector.load %arg2[%get3A_12, %get3A_13] : memref<2000x79xf32, #tpu.memory_space<vmem>>, vector<2000x79xf32>
    %get3A_15 = arith.constant 0 : index
    %get3A_16 = arith.constant 0 : index
    %get3A_17 = arith.constant 0 : index
    %get3A_18 = vector.load %arg3[%get3A_15, %get3A_16, %get3A_17] : memref<1x79x32xf32, #tpu.memory_space<vmem>>, vector<1x79x32xf32>
    %get3A_19 = vector.shape_cast %get3A_18 : vector<1x79x32xf32> to vector<79x32xf32>
    %dot_general3A = arith.constant dense<0.000000e+00> : vector<2000x32xf32>
    %dot_general3A_20 = tpu.matmul %get3A_14, %get3A_19, %dot_general3A {dimension_numbers = #tpu.dot_dimension_numbers<[1], [0], [0], [1], [0, 0, 1, 1], [], []>, transpose_lhs_hint = false} : vector<2000x79xf32>, vector<79x32xf32>, vector<2000x32xf32> -> vector<2000x32xf32>
    %broadcast_in_dim3A = vector.shape_cast %rsqrt3A : vector<2000xf32> to vector<2000x1xf32>
    %mul3A = vector.broadcast %broadcast_in_dim3A : vector<2000x1xf32> to vector<2000x32xf32>
    %mul3A_21 = arith.mulf %dot_general3A_20, %mul3A : vector<2000x32xf32>
    %swap3A_22 = arith.constant 0 : index
    %swap3A_23 = arith.constant 0 : index
    %swap3A_24 = vector.load %arg5[%swap3A_22, %swap3A_23] : memref<2000x32xf32, #tpu.memory_space<vmem>>, vector<2000x32xf32>
    tpu.vector_store %arg5[%swap3A_22, %swap3A_23], %mul3A_21 {strides = array<i32>} : memref<2000x32xf32, #tpu.memory_space<vmem>>, vector<2000x32xf32>,
    return
  }
  func.func @transform_0(%arg0: i32, %arg1: i32) -> (i32, i32) {
    %c0_i32 = arith.constant 0 : i32
    %c0_i32_0 = arith.constant 0 : i32
    return %arg0, %c0_i32 : i32, i32
  }
  func.func @transform_1(%arg0: i32, %arg1: i32) -> (i32, i32, i32) {
    %c0_i32 = arith.constant 0 : i32
    %c0_i32_0 = arith.constant 0 : i32
    %c0_i32_1 = arith.constant 0 : i32
    return %arg1, %c0_i32, %c0_i32_0 : i32, i32, i32
  }
  func.func @transform_2(%arg0: i32, %arg1: i32) -> (i32, i32, i32, i32) {
    %c0_i32 = arith.constant 0 : i32
    %c0_i32_0 = arith.constant 0 : i32
    %c0_i32_1 = arith.constant 0 : i32
    %c0_i32_2 = arith.constant 0 : i32
    return %c0_i32, %arg0, %c0_i32_0, %c0_i32_1 : i32, i32, i32, i32
  }
  func.func @transform_3(%arg0: i32, %arg1: i32) -> (i32, i32) {
    %mul3A = arith.constant 25 : i32
    %mul3A_0 = arith.muli %arg1, %mul3A : i32
    %add3A = arith.addi %mul3A_0, %arg0 : i32
    %c0_i32 = arith.constant 0 : i32
    %c0_i32_1 = arith.constant 0 : i32
    return %add3A, %c0_i32 : i32, i32
  }
  func.func @transform_4(%arg0: i32, %arg1: i32) -> (i32, i32, i32) {
    %c0_i32 = arith.constant 0 : i32
    %c0_i32_0 = arith.constant 0 : i32
    %c0_i32_1 = arith.constant 0 : i32
    return %arg0, %c0_i32, %c0_i32_0 : i32, i32, i32
  }
}

module attributes {stable_mosaic.version = 14 : i64} {
  func.func @_fc_body(%arg0: memref<2x256x32xf32, #tpu.memory_space<vmem>>, %arg1: memref<256x1xf32, #tpu.memory_space<vmem>>, %arg2: memref<64x1xf32, #tpu.memory_space<vmem>>, %arg3: memref<1x1xf32, #tpu.memory_space<vmem>>, %arg4: memref<256x1xf32, #tpu.memory_space<vmem>>) attributes {dimension_semantics = [], scalar_prefetch = 0 : i64, scratch_operands = 0 : i64, tpu.core_type = #tpu.core_type<tc>} {
    %get3A = arith.constant 0 : index
    %get3A_0 = arith.constant 0 : index
    %get3A_1 = arith.constant 0 : index
    %get3A_2 = vector.load %arg0[%get3A, %get3A_0, %get3A_1] : memref<2x256x32xf32, #tpu.memory_space<vmem>>, vector<2x256x32xf32>
    %get3A_3 = arith.constant 0 : index
    %get3A_4 = arith.constant 0 : index
    %get3A_5 = vector.load %arg2[%get3A_3, %get3A_4] : memref<64x1xf32, #tpu.memory_space<vmem>>, vector<64x1xf32>
    %slice3A = vector.extract_strided_slice %get3A_2 {offsets = [0, 0, 0], sizes = [1, 256, 32], strides = [1, 1, 1]} : vector<2x256x32xf32> to vector<1x256x32xf32>
    %squeeze3A = vector.shape_cast %slice3A : vector<1x256x32xf32> to vector<256x32xf32>
    %slice3A_6 = vector.extract_strided_slice %get3A_5 {offsets = [0, 0], sizes = [32, 1], strides = [1, 1]} : vector<64x1xf32> to vector<32x1xf32>
    %dot_general3A = arith.constant dense<0.000000e+00> : vector<256x1xf32>
    %dot_general3A_7 = tpu.matmul %squeeze3A, %slice3A_6, %dot_general3A {dimension_numbers = #tpu.dot_dimension_numbers<[1], [0], [0], [1], [0, 0, 1, 1], [], []>, transpose_lhs_hint = false} : vector<256x32xf32>, vector<32x1xf32>, vector<256x1xf32> -> vector<256x1xf32>
    %slice3A_8 = vector.extract_strided_slice %get3A_2 {offsets = [1, 0, 0], sizes = [1, 256, 32], strides = [1, 1, 1]} : vector<2x256x32xf32> to vector<1x256x32xf32>
    %squeeze3A_9 = vector.shape_cast %slice3A_8 : vector<1x256x32xf32> to vector<256x32xf32>
    %slice3A_10 = vector.extract_strided_slice %get3A_5 {offsets = [32, 0], sizes = [32, 1], strides = [1, 1]} : vector<64x1xf32> to vector<32x1xf32>
    %dot_general3A_11 = arith.constant dense<0.000000e+00> : vector<256x1xf32>
    %dot_general3A_12 = tpu.matmul %squeeze3A_9, %slice3A_10, %dot_general3A_11 {dimension_numbers = #tpu.dot_dimension_numbers<[1], [0], [0], [1], [0, 0, 1, 1], [], []>, transpose_lhs_hint = false} : vector<256x32xf32>, vector<32x1xf32>, vector<256x1xf32> -> vector<256x1xf32>
    %add3A = arith.addf %dot_general3A_7, %dot_general3A_12 : vector<256x1xf32>
    %get3A_13 = arith.constant 0 : index
    %get3A_14 = arith.constant 0 : index
    %get3A_15 = vector.load %arg1[%get3A_13, %get3A_14] : memref<256x1xf32, #tpu.memory_space<vmem>>, vector<256x1xf32>
    %max3A = arith.constant 1.000000e+00 : f32
    %max3A_16 = vector.broadcast %max3A : f32 to vector<256x1xf32>
    %max3A_17 = arith.maximumf %get3A_15, %max3A_16 : vector<256x1xf32>
    %div3A = arith.divf %add3A, %max3A_17 : vector<256x1xf32>
    %get3A_18 = arith.constant 0 : index
    %get3A_19 = arith.constant 0 : index
    %get3A_20 = vector.load %arg3[%get3A_18, %get3A_19] : memref<1x1xf32, #tpu.memory_space<vmem>>, vector<1x1xf32>
    %add3A_21 = vector.broadcast %get3A_20 : vector<1x1xf32> to vector<256x1xf32>
    %add3A_22 = arith.addf %div3A, %add3A_21 : vector<256x1xf32>
    %swap3A = arith.constant 0 : index
    %swap3A_23 = arith.constant 0 : index
    %swap3A_24 = vector.load %arg4[%swap3A, %swap3A_23] : memref<256x1xf32, #tpu.memory_space<vmem>>, vector<256x1xf32>
    tpu.vector_store %arg4[%swap3A, %swap3A_23], %add3A_22 {strides = array<i32>} : memref<256x1xf32, #tpu.memory_space<vmem>>, vector<256x1xf32>,
    return
  }
}

</mosaic_0001>

<sc_bundles>
// kernel: kernel.6.cloned.1.call-start
scs
__scs_entry_jumppad:
0x0: {  	(pc) =	sbr.rel $0x88, $3  }
0x1: {  	(tag) =	ssettag $0x0;
	lr =	simm.s32 $0x1  }
0x2: {  	[smem:$0x3F9A] =	sst lr;
	_ =	strace $0xD0000000  }
0x3: {  	_ = 	snop  }
0x4: {  	_ = 	snop  }
0x5: {  	_ = 	snop  }
0x6: {  	_ = 	snop  }
0x7: {  	_ = 	snop  }
__scs_overlays_trampoline_lowered:
0x8: {  	[smem:$0x3FA9] =	sst s0  }
0x9: {  	[smem:$0x3FAA] =	sst s1  }
0xa: {  	[smem:$0x3FAB] =	sst s2  }
0xb: {  	[smem:$0x3FAC] =	sst s3  }
0xc: {  	[smem:$0x3FAD] =	sst s4  }
0xd: {  	[smem:$0x3FAE] =	sst s5  }
0xe: {  	[smem:$0x3FAF] =	sst s6  }
0xf: {  	[smem:$0x3FB0] =	sst s7  }
0x10: {  	[smem:$0x3FB1] =	sst s8  }
0x11: {  	[smem:$0x3FB2] =	sst s9;
	s0 =	simm.s32 @!p0 $0x0  }
0x12: {  	s1 =	sld [smem:$0x3F98];
	s0 =	simm.s32 @p0 $0x1  }
0x13: {  	[smem:$0x3FB3] =	sst s0;
	s0 =	simm.s32 @!p1 $0x0  }
0x14: {  	s2 =	sld [smem:$0x3F97];
	s0 =	simm.s32 @p1 $0x1  }
0x15: {  	[smem:$0x3FB4] =	sst s0;
	s0 =	simm.s32 @!p2 $0x0  }
0x16: {  	s3 =	sld [smem:$0x3FDB];
	s0 =	simm.s32 @p2 $0x1  }
0x17: {  	s4 =	simm.s32 $0x1BF5;
	[smem:$0x3FB6] =	sst s0  }
0x18: {  	s0 =	sld [smem:$0x3F99];
	_ =	swait.ge [sflag:s4], $0x0  }
0x19: {  	s7 =	sld [smem:$0x3F9A]  }
0x1a: {  	s8 =	sadd.s32 $0xFFFFE003, lr  }
0x1b: {  	s9 =	sadd.s32 $0xFFFFFEF7, lr;
	s5 =	simm.s32 $0xFFFFFFFF;
	p2 =	slt.u32 s8, $0xFFFFF086  }
0x1c: {  	p1 =	slt.u32 s9, $0xF7A;
	s5 =	simm.s32 @!p2 $0x0  }
0x1d: {  	s5 =	simm.s32 @p1 $0x1;
	p0 =	seq.s32 s7, s2  }
0x1e: {  	s7 =	smul.u32 @!p0 $0xF7A, s2;
	p2 =	seq.s32 @!p0 s5, $0x0  }
0x1f: {  	s9 =	smul.u32 $0xF7A, s1;
	s8 =	simm.s32 @!p0 $0x1BF5;
	p2 =	por !p2, p0  }
0x20: {  	[sflag:s8] =	ssyncset.s32 @!p0 $0xFFFFF086;
	s6 =	sadd.s32 @!p0 s3, s7;
	s7 =	simm.s32 @!p0 $0x108  }
0x21: {  	s3 =	sadd.s32 s3, s9;
	s6 =	sadd.s32 @!p0 $0x88, s6;
	s7 =	simm.s32 @p2 $0x1082  }
0x22: {  	[simem:s7], [sflag:s8] =	dma.local @!p0 [hbm:s6], $0xF7A  }
0x23: {  	s9 =	sor.u32 $0xD0000000, s2;
	s6 =	simm.s32 $0x108;
	_ =	swait.ge @!p0 [sflag:s8], $0x0  }
0x24: {  	s3 =	sadd.s32 $0x88, s3;
	s6 =	simm.s32 @!p1 $0x1082;
	[sflag:s4] =	ssyncset.s32 $0xFFFFF086  }
0x25: {  	[simem:s6], [sflag:s4] =	dma.local [hbm:s3], $0xF7A  }
0x26: {  	[smem:$0x3F9A] =	sst s1;
	(tag) =	ssettag s2;
	_ =	strace s9  }
0x27: {  	s1 =	sld [smem:$0x3FAA]  }
0x28: {  	s2 =	sld [smem:$0x3FAB]  }
0x29: {  	s4 =	sld [smem:$0x3FAD]  }
0x2a: {  	p0 =	seq.s32 s5, $0x0;
	s5 =	sld [smem:$0x3FAE]  }
0x2b: {  	s6 =	sld [smem:$0x3FAF]  }
0x2c: {  	s7 =	sld [smem:$0x3FB0]  }
0x2d: {  	s3 =	simm.s32 $0x108;
	s8 =	sld [smem:$0x3FB1]  }
0x2e: {  	s3 =	simm.s32 @!p0 $0x1082;
	s9 =	sld [smem:$0x3FB2]  }
0x2f: {  	lr =	sadd.s32 s0, s3;
	s0 =	sld [smem:$0x3FA9]  }
0x30: {  	s3 =	sld [smem:$0x3FAC]  }
0x31: {  	[smem:$0x3FB5] =	sst s10  }
0x32: {  	s10 =	sld [smem:$0x3FB3];
	_ =	sdelay $0x3  }
0x33: {  	p0 =	seq.s32 s10, $0x1;
	s10 =	sld [smem:$0x3FB5];
	_ =	sdelay $0x3  }
0x34: {  	[smem:$0x3FB5] =	sst s10  }
0x35: {  	s10 =	sld [smem:$0x3FB4];
	_ =	sdelay $0x3  }
0x36: {  	p1 =	seq.s32 s10, $0x1;
	s10 =	sld [smem:$0x3FB5];
	_ =	sdelay $0x3  }
0x37: {  	[smem:$0x3FB5] =	sst s10  }
0x38: {  	s10 =	sld [smem:$0x3FB6]  }
0x39: {  	_ = 	snop;
	(pc) =	sbr.ind lr, $3  }
0x3a: {  	_ = 	snop  }
0x3b: {  	_ = 	snop  }
0x3c: {  	p2 =	seq.s32 s10, $0x1;
	s10 =	sld [smem:$0x3FB5]  }
0x3d: {  	_ =	shalt  }
0x3e: {  	_ =	shalt  }
0x3f: {  	_ =	shalt  }
0x40: {  	_ =	shalt  }
0x41: {  	_ =	shalt  }
0x42: {  	_ =	shalt  }
0x43: {  	_ =	shalt  }
0x44: {  	_ =	shalt  }
0x45: {  	_ =	shalt  }
0x46: {  	_ =	shalt  }
0x47: {  	_ =	shalt  }
0x48: {  	_ =	shalt  }
0x49: {  	_ =	shalt  }
0x4a: {  	_ =	shalt  }
0x4b: {  	_ =	shalt  }
0x4c: {  	_ =	shalt  }
0x4d: {  	_ =	shalt  }
0x4e: {  	_ =	shalt  }
0x4f: {  	_ =	shalt  }
0x50: {  	_ =	shalt  }
0x51: {  	_ =	shalt  }
0x52: {  	_ =	shalt  }
0x53: {  	_ =	shalt  }
0x54: {  	_ =	shalt  }
0x55: {  	_ =	shalt  }
0x56: {  	_ =	shalt  }
0x57: {  	_ =	shalt  }
0x58: {  	_ =	shalt  }
0x59: {  	_ =	shalt  }
0x5a: {  	_ =	shalt  }
0x5b: {  	_ =	shalt  }
0x5c: {  	_ =	shalt  }
0x5d: {  	_ =	shalt  }
0x5e: {  	_ =	shalt  }
0x5f: {  	_ =	shalt  }
0x60: {  	_ =	shalt  }
0x61: {  	_ =	shalt  }
0x62: {  	_ =	shalt  }
0x63: {  	_ =	shalt  }
0x64: {  	_ =	shalt  }
0x65: {  	_ =	shalt  }
0x66: {  	_ =	shalt  }
0x67: {  	_ =	shalt  }
0x68: {  	_ =	shalt  }
0x69: {  	_ =	shalt  }
0x6a: {  	_ =	shalt  }
0x6b: {  	_ =	shalt  }
0x6c: {  	_ =	shalt  }
0x6d: {  	_ =	shalt  }
0x6e: {  	_ =	shalt  }
0x6f: {  	_ =	shalt  }
0x70: {  	_ =	shalt  }
0x71: {  	_ =	shalt  }
0x72: {  	_ =	shalt  }
0x73: {  	_ =	shalt  }
0x74: {  	_ =	shalt  }
0x75: {  	_ =	shalt  }
0x76: {  	_ =	shalt  }
0x77: {  	_ =	shalt  }
0x78: {  	_ =	shalt  }
0x79: {  	_ =	shalt  }
0x7a: {  	_ =	shalt  }
0x7b: {  	_ =	shalt  }
0x7c: {  	_ =	shalt  }
0x7d: {  	_ =	shalt  }
0x7e: {  	_ =	shalt  }
0x7f: {  	_ =	shalt  }
0x80: {  	_ =	shalt  }
0x81: {  	_ =	shalt  }
0x82: {  	_ =	shalt  }
0x83: {  	_ =	shalt  }
0x84: {  	_ =	shalt  }
0x85: {  	_ =	shalt  }
0x86: {  	_ =	shalt  }
0x87: {  	_ =	shalt  }
.Lfunc_end0:
.L_simem_size_0:
called_computation_lowered:
.L_overlay_start_0:
0x88: {  	s2 =	sld [smem:$0x3FD9]  }
0x89: {  	s3 =	sld [smem:$0x3FFE];
	_ =	sdelay $0x1  }
0x8a: {  	s1 =	srdreg.scid  }
0x8b: {  	s0 =	sand.u32 $0x1, s1  }
0x8c: {  	s16 =	sshll.u32 s0, $0xA;
	s2 =	sadd.s32 s3, s2  }
0x8d: {  	s2 =	sadd.s32 s2, s16  }
0x8e: {  	[smem:$0x3FC1] =	sst s2  }
0x8f: {  	_ = 	snop  }
0x90: {  	(tm) =	ssettm $0x1  }
0x91: {  	s17 =	sld [smem:$0x3FFB];
	_ =	sdelay $0x3  }
0x92: {  	_ =	strace s17  }
0x93: {  	s2 =	sld [smem:$0x3FFC];
	_ =	sdelay $0x3  }
0x94: {  	_ =	strace s2  }
0x95: {  	s2 =	sld [smem:$0x3FFD];
	_ =	sdelay $0x3  }
0x96: {  	_ =	strace s2  }
0x97: {  	_ =	strace $0x8FFFFFFF  }
0x98: {  	s18 =	sld [smem:$0x3FDB];
	_ =	sdelay $0x1  }
0x99: {  	s19 =	simm.s32 $_scs_section_size  }
0x9a: {  	s4 =	simm.s32 $_size__tile_overlayer_lowered;
	s5 =	simm.s32 $_tile_overlayer_lowered  }
0x9b: {  	s22 =	simm.s32 $0x1BFF;
	s21 =	sshll.u32 s5, $0x1;
	s2 =	sadd.s32 s19, s18  }
0x9c: {  	s6 =	simm.s32 $0x0;
	s20 =	sshll.u32 s4, $0x1;
	s4 =	sadd.s32 s21, s2  }
0x9d: {  	[timem:s6], [sflag:s22] =	dma.local [hbm:s4], s20  }
0x9e: {  	_ =	swait.ge [sflag:s22], s20  }
0x9f: {  	s3 =	ssub.s32 $0x0, s20;
	[sflag:s22] =	ssyncset.done $0x0  }
0xa0: {  	[sflag:s22] =	ssyncadd.s32 s3;
	_ =	sdelay $0x1  }
0xa1: {  	s23 =	simm.s32 $0x1B8B  }
0xa2: {  	_ =	swait.ge [sflag:s23], $0x1  }
0xa3: {  	[sflag:s23] =	ssyncset.done $0x0  }
0xa4: {  	s25 =	simm.s32 $0x1B8E;
	s24 =	sld [smem:$0x3FFE];
	[sflag:s23] =	ssyncadd.s32 $0xFFFFFFFF  }
0xa5: {  	s26 =	simm.s32 $execute0_lowered;
	[smem:$0x3FD2] =	sst s25  }
0xa6: {  	s4 =	sshll.u32 s26, $0x1;
	_ =	strace $0x80000046;
	[dreg:$0x1] =	wrdreg $0xFFFFFFFF  }
0xa7: {  	s28 =	simm.s32 $_size_execute0_lowered;
	s2 =	sadd.s32 s2, s4;
	[dreg:$0x0] =	wrdreg $0x0  }
0xa8: {  	s4 =	sshll.u32 s28, $0x1;
	[dreg:$0x2] =	wrdreg s2  }
0xa9: {  	[dreg:$0x3] =	wrdreg s4  }
0xaa: {  	[dreg:$0x4] =	wrdreg $0xC0  }
0xab: {  	_ =	task [dreg:s6], $0x5FFFF  }
0xac: {  	[dreg:$0x1] =	wrdreg $0xFFFFFFFF  }
0xad: {  	[dreg:$0x0] =	wrdreg $0x60  }
0xae: {  	[dreg:$0x2] =	wrdreg s24  }
0xaf: {  	[dreg:$0x3] =	wrdreg $0x0  }
0xb0: {  	[dreg:$0x4] =	wrdreg $0x9  }
0xb1: {  	_ =	task.clear_ibuf [dreg:s6], $0x5FFFF;
	_ =	strace $0x90000046  }
0xb2: {  	s29 =	simm.s32 $0x9;
	_ =	strace $0x80000048  }
0xb3: {  	_ =	swait.ge [sflag:s29], $0x1  }
0xb4: {  	[sflag:s29] =	ssyncadd.s32 $0xFFFFFFFF  }
0xb5: {  	_ =	strace $0x90000048  }
0xb6: {  	_ =	sfence  }
0xb7: {  	s30 =	sld [smem:$0x0];
	_ =	sdelay $0x2  }
0xb8: {  	s31 =	sshll.u32 s1, $0xD;
	s1 =	sshrl.u32 s1, $0x2  }
0xb9: {  	s3 =	sand.u32 $0x4000, s31;
	s1 =	sadd.s32 s1, s30  }
0xba: {  	s0 =	sor.u32 s3, s0;
	s1 =	sshll.u32 s1, $0x11  }
0xbb: {  	s0 =	sor.u32 s1, s0  }
0xbc: {  	s0 =	sadd.s32 $0x8F2B, s0  }
0xbd: {  	[sflag:s0] =	ssyncadd.remote.s32 $0x1  }
0xbe: {  	_ =	sfence.sel $0xFFFF  }
0xbf: {  	[dreg:$0x0] =	wrdreg $0xFFFFFFFF;
	(pc) =	sbr.abs _section_cstart, $3  }
0xc0: {  	[dreg:$0x1] =	wrdreg $0xFFFFFFFF  }
0xc1: {  	_ =	task.clear_ibuf [dreg:s6], $0x2FFFF;
	_ =	strace $0x9FFFFFFF  }
0xc2: {  	(tm) =	ssettm $0x7FFFFFFF  }
0xc3: {  	_ =	shalt  }
tec
execute0_lowered:
.L_overlay_start_1:
0x0: {  	(tag) =	ssettag $0x1  }
0x1: {  	s0 =	srdreg.scid;
	s4 =	rddreg [dreg:$0x0]  }
0x2: {  	s2 =	rddreg [dreg:$0x1];
	s5 =	sand.u32 $0x1, s0  }
0x3: {  	s0 =	stileid.u32;
	s28 =	smul.u32 $0xC350, s5  }
0x4: {  	s1 =	sshll.u32 s5, $0x4;
	s9 =	ssub.s32 $0x2, s5;
	s5 =	smul.u32 $0x4E0, s5  }
0x5: {  	s3 =	simm.s32 $0x0;
	s12 =	simm.s32 $0x4F;
	s29 =	smul.u32 $0x4E, s0  }
0x6: {  	s17 =	simm.s32 $0x140;
	s18 =	simm.s32 $0xEB8;
	s14 =	smul.u32 $0x2BC0, s0  }
0x7: {  	[smem:$0x7FF] =	sst s3;
	s13 =	smin.u32 s0, $0xD;
	s30 =	smul.u32 $0xAF0, s0  }
0x8: {  	s10 =	sadd.s32 $0x1A00, s4;
	s4 =	sadd.s32 $0x1A200, s4;
	s15 =	smul.u32 $0x640, s13  }
0x9: {  	s6 =	sor.u32 s0, s1;
	s1 =	rddreg [dreg:$0x2];
	s13 =	smul.u32 $0x190, s13  }
0xa: {  	_ =	strace $0x80000047;
	s11 =	sshrl.u32 s9, $0x1;
	s7 =	smul.u32 $0x4E, s6  }
0xb: {  	s8 =	smin.u32 s6, $0x4;
	s9 =	ssub.s32 s9, s11;
	p0 =	slt.u32 s6, $0x4  }
0xc: {  	s11 =	sadd.s32 s30, s28;
	s12 =	simm.s32 @!p0 $0x4E;
	p0 =	slt.u32 s0, $0xD  }
0xd: {  	s31 =	sadd.s32 s15, s14;
	s11 =	sadd.s32 s13, s11;
	s13 =	simm.s32 $0x2  }
0xe: {  	s14 =	simm.s32 $0xC38;
	s15 =	simm.s32 $0x1;
	s7 =	sadd.s32 s8, s7  }
0xf: {  	s8 =	sor.u32 s5, s8;
	s5 =	simm.s32 $0x8;
	s19 =	sand.u32 $0x1, s12  }
0x10: {  	s7 =	smul.u32 $0x28, s7;
	s6 =	sadd.s32 s29, s8;
	s5 =	simm.s32 @!p0 $0x7  }
0x11: {  	s8 =	smax.u32 s9, $0x1;
	s9 =	sshrl.u32 s31, $0x2;
	s16 =	smul.u32 $0x28, s6  }
0x12: {  	p0 =	seq.s32 s19, $0x0;
	s19 =	simm.s32 $0x0;
	s9 =	sadd.s32 s9, s2  }
0x13: {  	s6 =	sadd.s32 s10, s7;
	s7 =	sadd.s32 $0xFFFFFFFE, s12;
	s10 =	sadd.s32 s16, s10  }
0x14: {  	v0 =	vimm.f32 $0.0e+00;
	v1 =	vimm.f32 $1.000000000e+00;
	s12 =	simm.s32 $0xFF8;
	s16 =	simm.s32 $0xD78;
	s10 =	sadd.s32 $0x50, s10  }
.LBB2_1:
0x15: {  	[tilespmem:$0xFF8] =	vst v0  }
0x16: {  	[tilespmem:$0x1008] =	vst v0  }
0x17: {  	[tilespmem:$0x1018] =	vst v0  }
0x18: {  	[tilespmem:$0x1028] =	vst v0  }
0x19: {  	[tilespmem:$0x1038] =	vst v0  }
0x1a: {  	[tilespmem:$0x1048] =	vst v0  }
0x1b: {  	[tilespmem:$0x1058] =	vst v0  }
0x1c: {  	[tilespmem:$0x1068] =	vst v0  }
0x1d: {  	[tilespmem:$0x1078] =	vst v0  }
0x1e: {  	[tilespmem:$0x1088] =	vst v0  }
0x1f: {  	[tilespmem:$0x1098] =	vst v0  }
0x20: {  	[tilespmem:$0x10A8] =	vst v0  }
0x21: {  	[tilespmem:$0x10B8] =	vst v0  }
0x22: {  	[tilespmem:$0x10C8] =	vst v0  }
0x23: {  	[tilespmem:$0x10D8] =	vst v0  }
0x24: {  	[tilespmem:$0x10E8] =	vst v0  }
0x25: {  	[tilespmem:$0x10F8] =	vst v0  }
0x26: {  	[tilespmem:$0x1108] =	vst v0  }
0x27: {  	[tilespmem:$0x1118] =	vst v0  }
0x28: {  	[tilespmem:$0x1128] =	vst v0  }
0x29: {  	[tilespmem:$0x1138] =	vst v0  }
0x2a: {  	[tilespmem:$0x1148] =	vst v0  }
0x2b: {  	[tilespmem:$0x1158] =	vst v0  }
0x2c: {  	[tilespmem:$0x1168] =	vst v0  }
0x2d: {  	[tilespmem:$0x1178] =	vst v0  }
0x2e: {  	[tilespmem:$0xEB8] =	vst v1  }
0x2f: {  	[tilespmem:$0xEC8] =	vst v1  }
0x30: {  	[tilespmem:$0xED8] =	vst v1  }
0x31: {  	[tilespmem:$0xEE8] =	vst v1  }
0x32: {  	[tilespmem:$0xEF8] =	vst v1  }
0x33: {  	[tilespmem:$0xF08] =	vst v1  }
0x34: {  	[tilespmem:$0xF18] =	vst v1  }
0x35: {  	[tilespmem:$0xF28] =	vst v1  }
0x36: {  	[tilespmem:$0xF38] =	vst v1  }
0x37: {  	[tilespmem:$0xF48] =	vst v1  }
0x38: {  	[tilespmem:$0xF58] =	vst v1  }
0x39: {  	[tilespmem:$0xF68] =	vst v1  }
0x3a: {  	[tilespmem:$0xF78] =	vst v1  }
0x3b: {  	[tilespmem:$0xF88] =	vst v1  }
0x3c: {  	[tilespmem:$0xF98] =	vst v1  }
0x3d: {  	[tilespmem:$0xFA8] =	vst v1  }
0x3e: {  	[tilespmem:$0xFB8] =	vst v1  }
0x3f: {  	[tilespmem:$0xFC8] =	vst v1;
	p1 =	sne.s32 s5, $0x1  }
.Ltmp0:
0x40: {  	[tilespmem:$0xFD8] =	vst v1;
	(pc) =	sbr.rel @!p1 .LBB2_3-.Ltmp0, $4  }
0x41: {  	[tilespmem:$0xFE8] =	vst v1  }
0x42: {  	[spmem:s9] =	stream.linear.scatter [tilespmem:s12], [sflag:$0x2], $0x190, $0x38;
	[tilespmem:$0x1188] =	vst v63  }
0x43: {  	_ =	swait.ge [sflag:s13], $0x190  }
0x44: {  	s20 =	sadd.s32 $0xFFFFFFFF, s5;
	s21 =	smov.u32 s9;
	[sflag:s13] =	ssyncset.done $0x0  }
.LBB2_2:
0x45: {  	p2 =	sne.s32 s20, $0x1;
	[sflag:s13] =	ssyncadd.s32 $0xFFFFFE70;
	s21 =	sadd.s32 $0x190, s21  }
.Ltmp1:
0x46: {  	s20 =	sadd.s32 $0xFFFFFFFF, s20;
	(pc) =	sbr.rel @p2 .LBB2_2-.Ltmp1, $4  }
0x47: {  	_ = 	snop  }
0x48: {  	[spmem:s21] =	stream.linear.scatter [tilespmem:s12], [sflag:$0x2], $0x190, $0x38;
	[tilespmem:$0x1188] =	vst v63  }
0x49: {  	_ =	swait.ge [sflag:s13], $0x190  }
0x4a: {  	[sflag:s13] =	ssyncset.done $0x0  }
.LBB2_3:
0x4b: {  	[sflag:s13] =	ssyncadd.s32 $0xFFFFFE70  }
0x4c: {  	s20 =	simm.s32 $0x0;
	[bflag:$0x0] =	sbarrier.arrive $0xFFFF  }
0x4d: {  	[tilespmem:s14], [sflag:$0x1] =	stream.linear.gather [hbm4b:s6+s20], $0x140, $0x38;
	[tilespmem:$0x1188] =	vst v63  }
0x4e: {  	_ =	swait.ge [sflag:s15], $0x140  }
0x4f: {  	[sflag:s15] =	ssyncset.done $0x0  }
0x50: {  	s31 =	sadd.s32 $0xFFFFFFD8, s10;
	[sflag:s15] =	ssyncadd.s32 $0xFFFFFEC0  }
0x51: {  	[tilespmem:s16], [sflag:$0x1] =	stream.linear.gather [hbm4b:s31+s3], $0x140, $0x38;
	[tilespmem:$0x1188] =	vst v63  }
0x52: {  	_ = 	snop  }
0x53: {  	[spmem:s2] =	stream.indirect.scatter.add.f32 [tilespmem:s18], [sflag:$0x2], $0x1, s14, s17, $0xb8;
	[tilespmem:$0x1188] =	vst v63  }
0x54: {  	_ =	swait.ge [sflag:s13], $0x140  }
0x55: {  	[sflag:s13] =	ssyncset.done $0x0  }
0x56: {  	[sflag:s13] =	ssyncadd.s32 $0xFFFFFEC0  }
0x57: {  	_ =	swait.ge [sflag:s15], $0x140  }
0x58: {  	p2 =	sle.u32 s7, $0x0;
	[sflag:s15] =	ssyncset.done $0x0  }
0x59: {  	s21 =	simm.s32 @!p2 $0xC38;
	s20 =	simm.s32 @!p2 $0x0;
	[sflag:s15] =	ssyncadd.s32 $0xFFFFFEC0  }
0x5a: {  	[tilespmem:s21], [sflag:$0x1] =	stream.linear.gather @!p2 [hbm4b:s10+s20], $0x140, $0x38;
	[tilespmem:$0x1188] =	vst v63  }
0x5b: {  	_ = 	snop  }
0x5c: {  	[spmem:s2] =	stream.indirect.scatter.add.f32 [tilespmem:s18], [sflag:$0x2], $0x1, s16, s17, $0xb8;
	[tilespmem:$0x1188] =	vst v63  }
0x5d: {  	_ =	swait.ge [sflag:s13], $0x140  }
0x5e: {  	s20 =	simm.s32 $0x2;
	s21 =	smov.u32 s10;
	[sflag:s13] =	ssyncset.done $0x0  }
.LBB2_4:
0x5f: {  	[sflag:s13] =	ssyncadd.s32 $0xFFFFFEC0  }
0x60: {  	s21 =	sadd.s32 $0x50, s21;
	s22 =	smov.u32 s20;
	s20 =	sadd.s32 $0x2, s20  }
0x61: {  	p2 =	sne.s32 s20, $0x4E  }
0x62: {  	_ =	swait.ge [sflag:s15], $0x140  }
0x63: {  	[sflag:s15] =	ssyncset.done $0x0  }
0x64: {  	s23 =	sadd.s32 $0xFFFFFFD8, s21;
	[sflag:s15] =	ssyncadd.s32 $0xFFFFFEC0  }
0x65: {  	[tilespmem:s16], [sflag:$0x1] =	stream.linear.gather [hbm4b:s23+s3], $0x140, $0x38;
	[tilespmem:$0x1188] =	vst v63  }
0x66: {  	_ = 	snop  }
0x67: {  	[spmem:s2] =	stream.indirect.scatter.add.f32 [tilespmem:s18], [sflag:$0x2], $0x1, s14, s17, $0xb8;
	[tilespmem:$0x1188] =	vst v63  }
0x68: {  	_ =	swait.ge [sflag:s13], $0x140  }
0x69: {  	[sflag:s13] =	ssyncset.done $0x0  }
0x6a: {  	[sflag:s13] =	ssyncadd.s32 $0xFFFFFEC0  }
0x6b: {  	_ =	swait.ge [sflag:s15], $0x140  }
0x6c: {  	p3 =	sge.u32 s22, s7;
	[sflag:s15] =	ssyncset.done $0x0  }
0x6d: {  	s22 =	simm.s32 @!p3 $0x0;
	s23 =	simm.s32 @!p3 $0xC38;
	[sflag:s15] =	ssyncadd.s32 $0xFFFFFEC0  }
0x6e: {  	[tilespmem:s23], [sflag:$0x1] =	stream.linear.gather @!p3 [hbm4b:s21+s22], $0x140, $0x38;
	[tilespmem:$0x1188] =	vst v63  }
.Ltmp2:
0x6f: {  	_ = 	snop;
	(pc) =	sbr.rel @p2 .LBB2_4-.Ltmp2, $4  }
0x70: {  	_ = 	snop  }
0x71: {  	[spmem:s2] =	stream.indirect.scatter.add.f32 [tilespmem:s18], [sflag:$0x2], $0x1, s16, s17, $0xb8;
	[tilespmem:$0x1188] =	vst v63  }
0x72: {  	_ =	swait.ge [sflag:s13], $0x140  }
0x73: {  	[sflag:s13] =	ssyncset.done $0x0  }
0x74: {  	[sflag:s13] =	ssyncadd.s32 $0xFFFFFEC0;
	s20 =	simm.s32 @!p0 $0x1  }
0x75: {  	_ =	swait.ge @!p0 [sflag:s20], $0x140  }
0x76: {  	s21 =	simm.s32 @!p0 $0xC38;
	[sflag:s20] =	ssyncset.done @!p0 $0x0  }
0x77: {  	s22 =	simm.s32 @!p0 $0xEB8;
	[sflag:s20] =	ssyncadd.s32 @!p0 $0xFFFFFEC0;
	s20 =	simm.s32 @!p0 $0x140  }
0x78: {  	[spmem:s2] =	stream.indirect.scatter.add.f32 @!p0 [tilespmem:s22], [sflag:$0x2], $0x1, s21, s20, $0xb8;
	[tilespmem:$0x1188] =	vst v63  }
0x79: {  	s20 =	simm.s32 @!p0 $0x2  }
0x7a: {  	_ =	swait.ge @!p0 [sflag:s20], $0x140  }
0x7b: {  	[sflag:s20] =	ssyncset.done @!p0 $0x0  }
0x7c: {  	[sflag:s20] =	ssyncadd.s32 @!p0 $0xFFFFFEC0  }
0x7d: {  	[bflag:$0x0] =	sbarrier.arrive $0xFFFF  }
0x7e: {  	[tilespmem:s12], [sflag:$0x2] =	stream.linear.gather [spmem:s9], $0x190, $0x38;
	[tilespmem:$0x1188] =	vst v63  }
0x7f: {  	_ =	swait.ge [sflag:s13], $0x190  }
.Ltmp3:
0x80: {  	s31 =	sshrl.u32 s11, $0x3;
	[sflag:s13] =	ssyncset.done $0x0;
	(pc) =	sbr.rel @!p1 .LBB2_7-.Ltmp3, $4  }
0x81: {  	s20 =	sadd.s32 s4, s31;
	[sflag:s13] =	ssyncadd.s32 $0xFFFFFE70  }
0x82: {  	[hbm4b:s20+s3] =	stream.linear.scatter [tilespmem:s12], [sflag:$0x2], $0x190, $0x38;
	[tilespmem:$0x1188] =	vst v63  }
0x83: {  	s21 =	smov.u32 s9;
	_ =	swait.ge [sflag:s13], $0x190  }
0x84: {  	s22 =	smov.u32 s11;
	s20 =	sadd.s32 $0xFFFFFFFF, s5;
	[sflag:s13] =	ssyncset.done $0x0  }
.LBB2_6:
0x85: {  	[sflag:s13] =	ssyncadd.s32 $0xFFFFFE70;
	s21 =	sadd.s32 $0x190, s21;
	s22 =	sadd.s32 $0x190, s22  }
0x86: {  	[tilespmem:s12], [sflag:$0x2] =	stream.linear.gather [spmem:s21], $0x190, $0x38;
	[tilespmem:$0x1188] =	vst v63  }
0x87: {  	p1 =	sne.s32 s20, $0x1;
	s20 =	sadd.s32 $0xFFFFFFFF, s20;
	_ =	swait.ge [sflag:s13], $0x190  }
.Ltmp4:
0x88: {  	s23 =	sshrl.u32 s22, $0x3;
	[sflag:s13] =	ssyncset.done $0x0;
	(pc) =	sbr.rel @p1 .LBB2_6-.Ltmp4, $4  }
0x89: {  	s23 =	sadd.s32 s4, s23;
	[sflag:s13] =	ssyncadd.s32 $0xFFFFFE70  }
0x8a: {  	[hbm4b:s23+s3] =	stream.linear.scatter [tilespmem:s12], [sflag:$0x2], $0x190, $0x38;
	[tilespmem:$0x1188] =	vst v63  }
0x8b: {  	_ =	swait.ge [sflag:s13], $0x190  }
0x8c: {  	[sflag:s13] =	ssyncset.done $0x0  }
.LBB2_7:
0x8d: {  	s19 =	sadd.s32 $0x1, s19  }
0x8e: {  	p1 =	sne.s32 s19, s8  }
.Ltmp5:
0x8f: {  	_ = 	snop;
	(pc) =	sbr.rel @p1 .LBB2_1-.Ltmp5, $2  }
0x90: {  	_ =	sdelay $0x2  }
0x91: {  	[sflag:s13] =	ssyncadd.s32 $0xFFFFFE70  }
0x92: {  	_ =	sfence.sel $0x180000  }
0x93: {  	[bflag:$0x0] =	sbarrier.arrive $0xFFFF  }
0x94: {  	p0 =	sne.s32 s0, $0x0;
	_ =	strace $0x90000047  }
0x95: {  	s0 =	sadd.s32 @!p0 $0x100000, s1;
	[bflag:$0x2] =	sbarrier.arrive $0xFFFF  }
0x96: {  	[sflag:s0] =	ssyncadd.tile.s32 @!p0 $0x1;
	_ =	shalt  }
.Lfunc_end2:
_tile_overlayer_lowered:
.L_overlay_start_2:
0x97: {  	(tag) =	ssettag $0x2  }
0x98: {  	s0 =	rddreg [dreg:$0x0];
	s2 =	stileid.u32  }
0x99: {  	s1 =	rddreg [dreg:$0x1];
	p0 =	sne.s32 s2, $0x0  }
0x9a: {  	s3 =	rddreg [dreg:$0x2];
	[bflag:$0x3] =	sbarrier.arrive $0xFFFF;
	s2 =	simm.s32 @!p0 $0x1C02  }
0x9b: {  	[timem:s3], [sflag:s2] =	dma.local @!p0 [hbm:s0], s1  }
0x9c: {  	s0 =	simm.s32 @!p0 $0x2  }
0x9d: {  	_ =	swait.ge @!p0 [sflag:s0], s1  }
0x9e: {  	s1 =	ssub.s32 @!p0 $0x0, s1;
	[sflag:s0] =	ssyncset.done @!p0 $0x0  }
0x9f: {  	[sflag:s0] =	ssyncadd.s32 @!p0 s1  }
0xa0: {  	[bflag:$0x3] =	sbarrier.arrive $0xFFFF  }
0xa1: {  	_ =	shalt  }

// kernel: kernel.9.cloned.1.call-start
scs
__scs_entry_jumppad:
0x0: {  	(pc) =	sbr.rel $0x88, $3  }
0x1: {  	(tag) =	ssettag $0x0;
	lr =	simm.s32 $0x1  }
0x2: {  	[smem:$0x3F9A] =	sst lr;
	_ =	strace $0xD0000000  }
0x3: {  	_ = 	snop  }
0x4: {  	_ = 	snop  }
0x5: {  	_ = 	snop  }
0x6: {  	_ = 	snop  }
0x7: {  	_ = 	snop  }
__scs_overlays_trampoline_lowered:
0x8: {  	[smem:$0x3FA9] =	sst s0  }
0x9: {  	[smem:$0x3FAA] =	sst s1  }
0xa: {  	[smem:$0x3FAB] =	sst s2  }
0xb: {  	[smem:$0x3FAC] =	sst s3  }
0xc: {  	[smem:$0x3FAD] =	sst s4  }
0xd: {  	[smem:$0x3FAE] =	sst s5  }
0xe: {  	[smem:$0x3FAF] =	sst s6  }
0xf: {  	[smem:$0x3FB0] =	sst s7  }
0x10: {  	[smem:$0x3FB1] =	sst s8  }
0x11: {  	[smem:$0x3FB2] =	sst s9;
	s0 =	simm.s32 @!p0 $0x0  }
0x12: {  	s1 =	sld [smem:$0x3F98];
	s0 =	simm.s32 @p0 $0x1  }
0x13: {  	[smem:$0x3FB3] =	sst s0;
	s0 =	simm.s32 @!p1 $0x0  }
0x14: {  	s2 =	sld [smem:$0x3F97];
	s0 =	simm.s32 @p1 $0x1  }
0x15: {  	[smem:$0x3FB4] =	sst s0;
	s0 =	simm.s32 @!p2 $0x0  }
0x16: {  	s3 =	sld [smem:$0x3FDB];
	s0 =	simm.s32 @p2 $0x1  }
0x17: {  	s4 =	simm.s32 $0x1BF5;
	[smem:$0x3FB6] =	sst s0  }
0x18: {  	s0 =	sld [smem:$0x3F99];
	_ =	swait.ge [sflag:s4], $0x0  }
0x19: {  	s7 =	sld [smem:$0x3F9A]  }
0x1a: {  	s8 =	sadd.s32 $0xFFFFE003, lr  }
0x1b: {  	s9 =	sadd.s32 $0xFFFFFEF7, lr;
	s5 =	simm.s32 $0xFFFFFFFF;
	p2 =	slt.u32 s8, $0xFFFFF086  }
0x1c: {  	p1 =	slt.u32 s9, $0xF7A;
	s5 =	simm.s32 @!p2 $0x0  }
0x1d: {  	s5 =	simm.s32 @p1 $0x1;
	p0 =	seq.s32 s7, s2  }
0x1e: {  	s7 =	smul.u32 @!p0 $0xF7A, s2;
	p2 =	seq.s32 @!p0 s5, $0x0  }
0x1f: {  	s9 =	smul.u32 $0xF7A, s1;
	s8 =	simm.s32 @!p0 $0x1BF5;
	p2 =	por !p2, p0  }
0x20: {  	[sflag:s8] =	ssyncset.s32 @!p0 $0xFFFFF086;
	s6 =	sadd.s32 @!p0 s3, s7;
	s7 =	simm.s32 @!p0 $0x108  }
0x21: {  	s3 =	sadd.s32 s3, s9;
	s6 =	sadd.s32 @!p0 $0x88, s6;
	s7 =	simm.s32 @p2 $0x1082  }
0x22: {  	[simem:s7], [sflag:s8] =	dma.local @!p0 [hbm:s6], $0xF7A  }
0x23: {  	s9 =	sor.u32 $0xD0000000, s2;
	s6 =	simm.s32 $0x108;
	_ =	swait.ge @!p0 [sflag:s8], $0x0  }
0x24: {  	s3 =	sadd.s32 $0x88, s3;
	s6 =	simm.s32 @!p1 $0x1082;
	[sflag:s4] =	ssyncset.s32 $0xFFFFF086  }
0x25: {  	[simem:s6], [sflag:s4] =	dma.local [hbm:s3], $0xF7A  }
0x26: {  	[smem:$0x3F9A] =	sst s1;
	(tag) =	ssettag s2;
	_ =	strace s9  }
0x27: {  	s1 =	sld [smem:$0x3FAA]  }
0x28: {  	s2 =	sld [smem:$0x3FAB]  }
0x29: {  	s4 =	sld [smem:$0x3FAD]  }
0x2a: {  	p0 =	seq.s32 s5, $0x0;
	s5 =	sld [smem:$0x3FAE]  }
0x2b: {  	s6 =	sld [smem:$0x3FAF]  }
0x2c: {  	s7 =	sld [smem:$0x3FB0]  }
0x2d: {  	s3 =	simm.s32 $0x108;
	s8 =	sld [smem:$0x3FB1]  }
0x2e: {  	s3 =	simm.s32 @!p0 $0x1082;
	s9 =	sld [smem:$0x3FB2]  }
0x2f: {  	lr =	sadd.s32 s0, s3;
	s0 =	sld [smem:$0x3FA9]  }
0x30: {  	s3 =	sld [smem:$0x3FAC]  }
0x31: {  	[smem:$0x3FB5] =	sst s10  }
0x32: {  	s10 =	sld [smem:$0x3FB3];
	_ =	sdelay $0x3  }
0x33: {  	p0 =	seq.s32 s10, $0x1;
	s10 =	sld [smem:$0x3FB5];
	_ =	sdelay $0x3  }
0x34: {  	[smem:$0x3FB5] =	sst s10  }
0x35: {  	s10 =	sld [smem:$0x3FB4];
	_ =	sdelay $0x3  }
0x36: {  	p1 =	seq.s32 s10, $0x1;
	s10 =	sld [smem:$0x3FB5];
	_ =	sdelay $0x3  }
0x37: {  	[smem:$0x3FB5] =	sst s10  }
0x38: {  	s10 =	sld [smem:$0x3FB6]  }
0x39: {  	_ = 	snop;
	(pc) =	sbr.ind lr, $3  }
0x3a: {  	_ = 	snop  }
0x3b: {  	_ = 	snop  }
0x3c: {  	p2 =	seq.s32 s10, $0x1;
	s10 =	sld [smem:$0x3FB5]  }
0x3d: {  	_ =	shalt  }
0x3e: {  	_ =	shalt  }
0x3f: {  	_ =	shalt  }
0x40: {  	_ =	shalt  }
0x41: {  	_ =	shalt  }
0x42: {  	_ =	shalt  }
0x43: {  	_ =	shalt  }
0x44: {  	_ =	shalt  }
0x45: {  	_ =	shalt  }
0x46: {  	_ =	shalt  }
0x47: {  	_ =	shalt  }
0x48: {  	_ =	shalt  }
0x49: {  	_ =	shalt  }
0x4a: {  	_ =	shalt  }
0x4b: {  	_ =	shalt  }
0x4c: {  	_ =	shalt  }
0x4d: {  	_ =	shalt  }
0x4e: {  	_ =	shalt  }
0x4f: {  	_ =	shalt  }
0x50: {  	_ =	shalt  }
0x51: {  	_ =	shalt  }
0x52: {  	_ =	shalt  }
0x53: {  	_ =	shalt  }
0x54: {  	_ =	shalt  }
0x55: {  	_ =	shalt  }
0x56: {  	_ =	shalt  }
0x57: {  	_ =	shalt  }
0x58: {  	_ =	shalt  }
0x59: {  	_ =	shalt  }
0x5a: {  	_ =	shalt  }
0x5b: {  	_ =	shalt  }
0x5c: {  	_ =	shalt  }
0x5d: {  	_ =	shalt  }
0x5e: {  	_ =	shalt  }
0x5f: {  	_ =	shalt  }
0x60: {  	_ =	shalt  }
0x61: {  	_ =	shalt  }
0x62: {  	_ =	shalt  }
0x63: {  	_ =	shalt  }
0x64: {  	_ =	shalt  }
0x65: {  	_ =	shalt  }
0x66: {  	_ =	shalt  }
0x67: {  	_ =	shalt  }
0x68: {  	_ =	shalt  }
0x69: {  	_ =	shalt  }
0x6a: {  	_ =	shalt  }
0x6b: {  	_ =	shalt  }
0x6c: {  	_ =	shalt  }
0x6d: {  	_ =	shalt  }
0x6e: {  	_ =	shalt  }
0x6f: {  	_ =	shalt  }
0x70: {  	_ =	shalt  }
0x71: {  	_ =	shalt  }
0x72: {  	_ =	shalt  }
0x73: {  	_ =	shalt  }
0x74: {  	_ =	shalt  }
0x75: {  	_ =	shalt  }
0x76: {  	_ =	shalt  }
0x77: {  	_ =	shalt  }
0x78: {  	_ =	shalt  }
0x79: {  	_ =	shalt  }
0x7a: {  	_ =	shalt  }
0x7b: {  	_ =	shalt  }
0x7c: {  	_ =	shalt  }
0x7d: {  	_ =	shalt  }
0x7e: {  	_ =	shalt  }
0x7f: {  	_ =	shalt  }
0x80: {  	_ =	shalt  }
0x81: {  	_ =	shalt  }
0x82: {  	_ =	shalt  }
0x83: {  	_ =	shalt  }
0x84: {  	_ =	shalt  }
0x85: {  	_ =	shalt  }
0x86: {  	_ =	shalt  }
0x87: {  	_ =	shalt  }
.Lfunc_end0:
.L_simem_size_0:
called_computation.1_lowered:
.L_overlay_start_0:
0x88: {  	s2 =	sld [smem:$0x3FD9]  }
0x89: {  	s3 =	sld [smem:$0x3FFE];
	_ =	sdelay $0x1  }
0x8a: {  	s1 =	srdreg.scid  }
0x8b: {  	s0 =	sand.u32 $0x1, s1  }
0x8c: {  	s17 =	sshll.u32 s0, $0xA;
	s2 =	sadd.s32 s3, s2  }
0x8d: {  	s2 =	sadd.s32 s2, s17  }
0x8e: {  	[smem:$0x3FC1] =	sst s2  }
0x8f: {  	_ = 	snop  }
0x90: {  	s2 =	sld [smem:$0x3FC7]  }
0x91: {  	s18 =	sld [smem:$0x3FC5]  }
0x92: {  	s4 =	sld [smem:$0x3FD0];
	(tm) =	ssettm $0x1  }
0x93: {  	s5 =	sld [smem:$0x3FFB];
	_ =	sdelay $0x3  }
0x94: {  	_ =	strace s5  }
0x95: {  	s5 =	sld [smem:$0x3FFC];
	_ =	sdelay $0x3  }
0x96: {  	_ =	strace s5  }
0x97: {  	s5 =	sld [smem:$0x3FFD];
	_ =	sdelay $0x3  }
0x98: {  	_ =	strace s5  }
0x99: {  	_ =	strace $0x8FFFFFFF  }
0x9a: {  	s19 =	sld [smem:$0x3FDB];
	_ =	sdelay $0x1  }
0x9b: {  	s6 =	simm.s32 $_scs_section_size  }
0x9c: {  	s7 =	simm.s32 $_size__tile_overlayer_lowered;
	s8 =	simm.s32 $_tile_overlayer_lowered  }
0x9d: {  	s22 =	simm.s32 $0x1BFF;
	s21 =	sshll.u32 s8, $0x1;
	s5 =	sadd.s32 s6, s19  }
0x9e: {  	s9 =	simm.s32 $0x0;
	s20 =	sshll.u32 s7, $0x1;
	s7 =	sadd.s32 s21, s5  }
0x9f: {  	[timem:s9], [sflag:s22] =	dma.local [hbm:s7], s20  }
0xa0: {  	_ =	swait.ge [sflag:s22], s20  }
0xa1: {  	s6 =	ssub.s32 $0x0, s20;
	[sflag:s22] =	ssyncset.done $0x0  }
0xa2: {  	[sflag:s22] =	ssyncadd.s32 s6;
	_ =	sdelay $0x1  }
0xa3: {  	s23 =	simm.s32 $0x1B8B  }
0xa4: {  	_ =	swait.ge [sflag:s23], $0x1  }
0xa5: {  	[sflag:s23] =	ssyncset.done $0x0  }
0xa6: {  	s25 =	simm.s32 $0x1B8E;
	s24 =	sld [smem:$0x3FFE];
	[sflag:s23] =	ssyncadd.s32 $0xFFFFFFFF  }
0xa7: {  	s26 =	simm.s32 $execute0_lowered;
	[smem:$0x3FD2] =	sst s25  }
0xa8: {  	s7 =	sshll.u32 s26, $0x1;
	_ =	strace $0x80000049;
	[dreg:$0x1] =	wrdreg $0xFFFFFFFF  }
0xa9: {  	s28 =	simm.s32 $_size_execute0_lowered;
	s5 =	sadd.s32 s5, s7;
	[dreg:$0x0] =	wrdreg $0x0  }
0xaa: {  	s7 =	sshll.u32 s28, $0x1;
	[dreg:$0x2] =	wrdreg s5  }
0xab: {  	[dreg:$0x3] =	wrdreg s7  }
0xac: {  	[dreg:$0x4] =	wrdreg $0xC0  }
0xad: {  	_ =	task [dreg:s9], $0x5FFFF  }
0xae: {  	[dreg:$0x1] =	wrdreg $0xFFFFFFFF  }
0xaf: {  	[dreg:$0x0] =	wrdreg $0x60  }
0xb0: {  	[dreg:$0x2] =	wrdreg s24  }
0xb1: {  	[dreg:$0x3] =	wrdreg s2  }
0xb2: {  	[dreg:$0x4] =	wrdreg s18  }
0xb3: {  	[dreg:$0x5] =	wrdreg s4  }
0xb4: {  	[dreg:$0x6] =	wrdreg $0x0  }
0xb5: {  	[dreg:$0x7] =	wrdreg $0x186A00  }
0xb6: {  	[dreg:$0x8] =	wrdreg $0x188A00  }
0xb7: {  	[dreg:$0x9] =	wrdreg $0x9  }
0xb8: {  	_ =	task.clear_ibuf [dreg:s9], $0xAFFFF;
	_ =	strace $0x90000049  }
0xb9: {  	s29 =	simm.s32 $0x9;
	_ =	strace $0x8000004B  }
0xba: {  	_ =	swait.ge [sflag:s29], $0x1  }
0xbb: {  	[sflag:s29] =	ssyncadd.s32 $0xFFFFFFFF  }
0xbc: {  	_ =	strace $0x9000004B  }
0xbd: {  	_ =	sfence  }
0xbe: {  	s30 =	sld [smem:$0x0];
	_ =	sdelay $0x2  }
0xbf: {  	s31 =	sshll.u32 s1, $0xD;
	s1 =	sshrl.u32 s1, $0x2  }
0xc0: {  	s3 =	sand.u32 $0x4000, s31;
	s1 =	sadd.s32 s1, s30  }
0xc1: {  	s0 =	sor.u32 s3, s0;
	s1 =	sshll.u32 s1, $0x11  }
0xc2: {  	s0 =	sor.u32 s1, s0  }
0xc3: {  	s0 =	sadd.s32 $0x8F2B, s0  }
0xc4: {  	[sflag:s0] =	ssyncadd.remote.s32 $0x1  }
0xc5: {  	_ =	sfence.sel $0xFFFF  }
0xc6: {  	[dreg:$0x0] =	wrdreg $0xFFFFFFFF;
	(pc) =	sbr.abs _section_cstart, $3  }
0xc7: {  	[dreg:$0x1] =	wrdreg $0xFFFFFFFF  }
0xc8: {  	_ =	task.clear_ibuf [dreg:s9], $0x2FFFF;
	_ =	strace $0x9FFFFFFF  }
0xc9: {  	(tm) =	ssettm $0x7FFFFFFF  }
tec
execute0_lowered:
.L_overlay_start_1:
0x0: {  	(tag) =	ssettag $0x1  }
0x1: {  	s0 =	rddreg [dreg:$0x0]  }
0x2: {  	s1 =	rddreg [dreg:$0x2]  }
0x3: {  	s3 =	rddreg [dreg:$0x4]  }
0x4: {  	s18 =	rddreg [dreg:$0x5];
	s6 =	simm.s32 $0x0  }
0x5: {  	s2 =	srdreg.scid;
	s23 =	stileid.u32;
	s14 =	simm.s32 $0x1  }
0x6: {  	s12 =	simm.s32 $0x28;
	s10 =	simm.s32 $0x27;
	s29 =	simm.s32 $0x1  }
0x7: {  	s30 =	simm.s32 $0x192B0;
	[smem:$0x7FF] =	sst s6;
	s7 =	sadd.s32 $0x1D400, s0  }
0x8: {  	s8 =	sadd.s32 $0x4E200, s0;
	s2 =	sand.u32 $0x1, s2;
	s11 =	smul.u32 $0x27, s23  }
0x9: {  	s9 =	sadd.s32 $0x1A00, s0;
	p0 =	sne.s32 s23, $0x0;
	s24 =	smul.u32 $0x61800, s23  }
0xa: {  	p1 =	seq.s32 s23, $0x1;
	s16 =	sshll.u32 s23, $0x9;
	s25 =	smul.u32 $0xC300, s23  }
0xb: {  	_ =	strace $0x8000004A;
	s4 =	sshll.u32 s2, $0xA;
	s5 =	ssub.s32 $0x2, s2  }
0xc: {  	s14 =	simm.s32 @!p0 $0x0;
	p2 =	seq.s32 s2, $0x0;
	s19 =	smul.u32 $0xC350, s2  }
0xd: {  	s2 =	sshll.u32 s2, $0x2;
	s16 =	sadd.s32 s16, s18;
	[dreg:$0x18] =	wrdreg s9  }
0xe: {  	s0 =	sadd.s32 s4, s0;
	s13 =	sshrl.u32 s5, $0x1;
	s11 =	sadd.s32 s14, s11  }
0xf: {  	p1 =	por !p1, !p2;
	p2 =	seq.s32 s23, $0x0;
	s17 =	smul.u32 $0x2800, s14  }
0x10: {  	[dreg:$0x8] =	wrdreg s16;
	s1 =	sadd.s32 s1, s2;
	s31 =	smul.u32 $0x500, s14  }
0x11: {  	s15 =	smul.u32 $0x500, s11;
	s5 =	ssub.s32 s5, s13;
	[dreg:$0x9] =	wrdreg s1  }
0x12: {  	s12 =	simm.s32 @!p2 $0x27;
	s10 =	simm.s32 @!p2 $0x26;
	[dreg:$0x1a] =	wrdreg s11  }
0x13: {  	p1 =	por !p1, !p1;
	s0 =	sadd.s32 $0x3400, s0;
	[dreg:$0x1b] =	wrdreg s10  }
0x14: {  	[dreg:$0xb] =	wrdreg s0;
	s13 =	sadd.s32 s17, s24;
	s1 =	sadd.s32 s31, s25  }
0x15: {  	s10 =	smov.u32 s7;
	p1 =	por !p1, !p0;
	s26 =	sshrl.u32 s15, $0x3  }
0x16: {  	s15 =	smax.u32 s5, $0x1;
	s0 =	sshrl.u32 s13, $0x2;
	s16 =	sadd.s32 $0x780, s1  }
0x17: {  	s18 =	sadd.s32 $0xC3C80, s1;
	s21 =	sadd.s32 $0x640, s1;
	s23 =	sadd.s32 $0xC3B40, s1  }
0x18: {  	s25 =	sadd.s32 $0xC3A00, s1;
	s31 =	sadd.s32 $0xC38C0, s1;
	s4 =	sadd.s32 $0x500, s1  }
0x19: {  	s1 =	sadd.s32 $0x3C0, s1;
	s5 =	simm.s32 $0x50;
	s13 =	simm.s32 $0x0  }
0x1a: {  	s14 =	sadd.s32 s7, s26;
	[dreg:$0xc] =	wrdreg s15;
	s0 =	sadd.s32 s0, s3  }
0x1b: {  	s17 =	sshrl.u32 s16, $0x3;
	s20 =	sshrl.u32 s18, $0x3;
	s22 =	sshrl.u32 s21, $0x3  }
0x1c: {  	s24 =	sshrl.u32 s23, $0x3;
	s26 =	sshrl.u32 s25, $0x3;
	s2 =	sshrl.u32 s31, $0x3  }
0x1d: {  	[dreg:$0x12] =	wrdreg s4;
	s1 =	sshrl.u32 s1, $0x3;
	s18 =	simm.s32 $0x4  }
0x1e: {  	s15 =	simm.s32 $0x19030;
	s16 =	simm.s32 $0x3;
	[dreg:$0xd] =	wrdreg s0  }
0x1f: {  	s4 =	simm.s32 $0x18C70;
	s0 =	sadd.s32 s17, s7;
	[dreg:$0xa] =	wrdreg s14  }
0x20: {  	s25 =	sadd.s32 s26, s7;
	s21 =	sadd.s32 $0x186A0, s14;
	[dreg:$0xe] =	wrdreg s0  }
0x21: {  	s26 =	sadd.s32 s2, s7;
	s23 =	sadd.s32 $0x186C8, s14;
	[dreg:$0x13] =	wrdreg s21  }
0x22: {  	s28 =	sadd.s32 s1, s7;
	s31 =	sadd.s32 $0x186F0, s14;
	[dreg:$0x15] =	wrdreg s23  }
0x23: {  	s2 =	smov.u32 s19;
	s17 =	simm.s32 $0x1E2B0;
	[dreg:$0x17] =	wrdreg s31  }
0x24: {  	s19 =	simm.s32 $0x140;
	s0 =	sadd.s32 s20, s7;
	[dreg:$0x19] =	wrdreg s2  }
0x25: {  	s20 =	simm.s32 $0x19170;
	[dreg:$0xf] =	wrdreg s0;
	s0 =	sadd.s32 s22, s7  }
0x26: {  	s21 =	simm.s32 $0x2;
	s22 =	sadd.s32 $0x28, s14;
	[dreg:$0x10] =	wrdreg s0  }
0x27: {  	s23 =	simm.s32 $0x1F700;
	s0 =	sadd.s32 s24, s7;
	[dreg:$0x14] =	wrdreg s22  }
0x28: {  	s24 =	sadd.s32 $0x50, s14;
	s14 =	smul.u32 $0xA0, s12;
	[dreg:$0x11] =	wrdreg s0  }
0x29: {  	v1 =	vimm.f32 $0.0e+00;
	v2 =	vimm.f32 $1.000000000e+00;
	v0 =	vmov s2;
	[dreg:$0x16] =	wrdreg s24;
	s24 =	simm.s32 $0x189F0;
	s0 =	simm.s32 $0x1BAB0  }
.LBB2_1:
0x2a: {  	[dreg:$0x1c] =	wrdreg s13;
	s1 =	simm.s32 $0x80;
	s2 =	simm.s32 $0x0  }
.LBB2_2:
0x2b: {  	p2 =	sne.s32 s1, $0x2780;
	[tilespmem:s2+$0x1E2B0] =	vst v1;
	s13 =	smov.u32 s1;
	s1 =	sadd.s32 $0x80, s1  }
.Ltmp0:
0x2c: {  	[tilespmem:s2+$0x1E2C0] =	vst v1;
	(pc) =	sbr.rel @p2 .LBB2_2-.Ltmp0, $2  }
0x2d: {  	_ =	sdelay $0x2  }
0x2e: {  	s2 =	sshra.s32 s13, $0x2  }
0x2f: {  	[tilespmem:s2+$0x1E2B0] =	vst v1  }
0x30: {  	[tilespmem:s2+$0x1E2C0] =	vst v1  }
0x31: {  	[tilespmem:$0x1F7A0] =	vst v1  }
0x32: {  	[tilespmem:$0x1F7B0] =	vst v1  }
0x33: {  	[tilespmem:$0x1F7C0] =	vst v1  }
0x34: {  	[tilespmem:$0x1F7D0] =	vst v1  }
0x35: {  	[tilespmem:$0x1F7E0] =	vst v1  }
0x36: {  	[tilespmem:$0x1F7F0] =	vst v1  }
0x37: {  	[tilespmem:$0x1F800] =	vst v1  }
0x38: {  	[tilespmem:$0x1F810] =	vst v1  }
0x39: {  	[tilespmem:$0x1F820] =	vst v1  }
0x3a: {  	[tilespmem:$0x1F830] =	vst v1  }
0x3b: {  	[tilespmem:$0x1F840] =	vst v1  }
0x3c: {  	[tilespmem:$0x1F850] =	vst v1  }
0x3d: {  	[tilespmem:$0x1F860] =	vst v1  }
0x3e: {  	[tilespmem:$0x1F870] =	vst v1  }
0x3f: {  	[tilespmem:$0x1F880] =	vst v1  }
0x40: {  	[tilespmem:$0x1F890] =	vst v1  }
0x41: {  	[tilespmem:$0x1F750] =	vst v2  }
0x42: {  	[tilespmem:$0x1F760] =	vst v2  }
0x43: {  	p2 =	sne.s32 s12, $0x1;
	[tilespmem:$0x1F770] =	vst v2  }
.Ltmp1:
0x44: {  	[tilespmem:$0x1F780] =	vst v2;
	(pc) =	sbr.rel @!p2 .LBB2_5-.Ltmp1, $4  }
0x45: {  	s2 =	rddreg [dreg:$0xd];
	[tilespmem:$0x1F790] =	vst v2  }
0x46: {  	[spmem:s2] =	stream.linear.scatter [tilespmem:s17], [sflag:$0x4], $0xA00, $0x38;
	[tilespmem:$0x1F8C0] =	vst v63  }
0x47: {  	_ =	swait.ge [sflag:s18], $0xA00  }
0x48: {  	s1 =	sadd.s32 $0xFFFFFFFF, s12;
	[sflag:s18] =	ssyncset.done $0x0  }
.LBB2_4:
0x49: {  	p2 =	sne.s32 s1, $0x1;
	[sflag:s18] =	ssyncadd.s32 $0xFFFFF600;
	s2 =	sadd.s32 $0xA00, s2  }
.Ltmp2:
0x4a: {  	s1 =	sadd.s32 $0xFFFFFFFF, s1;
	(pc) =	sbr.rel @p2 .LBB2_4-.Ltmp2, $4  }
0x4b: {  	_ = 	snop  }
0x4c: {  	[spmem:s2] =	stream.linear.scatter [tilespmem:s17], [sflag:$0x4], $0xA00, $0x38;
	[tilespmem:$0x1F8C0] =	vst v63  }
0x4d: {  	_ =	swait.ge [sflag:s18], $0xA00  }
0x4e: {  	[sflag:s18] =	ssyncset.done $0x0  }
.LBB2_5:
0x4f: {  	[sflag:s18] =	ssyncadd.s32 $0xFFFFF600;
	s1 =	rddreg [dreg:$0x8]  }
0x50: {  	[spmem:s1] =	stream.linear.scatter [tilespmem:s17], [sflag:$0x4], $0x200, $0x38;
	[tilespmem:$0x1F8C0] =	vst v63  }
0x51: {  	_ =	swait.ge [sflag:s18], $0x200  }
0x52: {  	[sflag:s18] =	ssyncset.done $0x0  }
0x53: {  	[sflag:s18] =	ssyncadd.s32 $0xFFFFFE00  }
0x54: {  	s1 =	simm.s32 @!p0 $0x1F7A0;
	s2 =	rddreg [dreg:$0x6]  }
0x55: {  	[spmem:s2] =	stream.linear.scatter @!p0 [tilespmem:s1], [sflag:$0x4], $0x100, $0x38;
	[tilespmem:$0x1F8C0] =	vst v63  }
0x56: {  	s1 =	simm.s32 @!p0 $0x4  }
0x57: {  	_ =	swait.ge @!p0 [sflag:s1], $0x100  }
0x58: {  	s13 =	simm.s32 $0x1F8A0;
	[sflag:s1] =	ssyncset.done @!p0 $0x0  }
0x59: {  	s7 =	rddreg [dreg:$0x9];
	[sflag:s1] =	ssyncadd.s32 @!p0 $0xFFFFFF00;
	s1 =	simm.s32 $0x0  }
0x5a: {  	[tilespmem:s13], [sflag:$0x4] =	stream.linear.gather [hbm4b:s7+s1], $0x20, $0x38;
	[tilespmem:$0x1F8C0] =	vst v63  }
0x5b: {  	_ =	swait.ge [sflag:s18], $0x20  }
0x5c: {  	[sflag:s18] =	ssyncset.done $0x0  }
0x5d: {  	[sflag:s18] =	ssyncadd.s32 $0xFFFFFFE0  }
0x5e: {  	[bflag:$0x0] =	sbarrier.arrive $0xFFFF  }
0x5f: {  	s13 =	simm.s32 $0x188B0;
	s9 =	rddreg [dreg:$0xa]  }
0x60: {  	[tilespmem:s13], [sflag:$0x3] =	stream.linear.gather [hbm4b:s9+s1], $0x140, $0x38;
	[tilespmem:$0x1F8C0] =	vst v63  }
0x61: {  	s22 =	simm.s32 $0x18DB0;
	s11 =	rddreg [dreg:$0x13]  }
0x62: {  	[tilespmem:s22], [sflag:$0x3] =	stream.linear.gather [hbm4b:s11+s1], $0x140, $0x38;
	[tilespmem:$0x1F8C0] =	vst v63  }
0x63: {  	s22 =	rddreg [dreg:$0x14]  }
0x64: {  	[tilespmem:s24], [sflag:$0x3] =	stream.linear.gather [hbm4b:s22+s1], $0x140, $0x38;
	[tilespmem:$0x1F8C0] =	vst v63  }
0x65: {  	s7 =	rddreg [dreg:$0x15];
	s9 =	simm.s32 $0x18EF0  }
0x66: {  	[tilespmem:s9], [sflag:$0x3] =	stream.linear.gather [hbm4b:s7+s1], $0x140, $0x38;
	[tilespmem:$0x1F8C0] =	vst v63  }
0x67: {  	s11 =	rddreg [dreg:$0x16];
	s7 =	simm.s32 $0x18B30  }
0x68: {  	[tilespmem:s7], [sflag:$0x3] =	stream.linear.gather [hbm4b:s11+s1], $0x140, $0x38;
	[tilespmem:$0x1F8C0] =	vst v63  }
0x69: {  	s22 =	rddreg [dreg:$0x17]  }
0x6a: {  	[tilespmem:s15], [sflag:$0x3] =	stream.linear.gather [hbm4b:s22+s1], $0x140, $0x38;
	[tilespmem:$0x1F8C0] =	vst v63  }
0x6b: {  	_ =	swait.ge [sflag:s16], $0x140  }
0x6c: {  	[sflag:s16] =	ssyncset.done $0x0  }
0x6d: {  	[sflag:s16] =	ssyncadd.s32 $0xFFFFFEC0  }
0x6e: {  	_ =	swait.ge [sflag:s16], $0x140  }
0x6f: {  	[sflag:s16] =	ssyncset.done $0x0  }
0x70: {  	[sflag:s16] =	ssyncadd.s32 $0xFFFFFEC0  }
0x71: {  	v3 =	vld [tilespmem:$0x188B0]  }
0x72: {  	v4 =	vld [tilespmem:$0x188C0]  }
0x73: {  	v5 =	vld [tilespmem:$0x188D0]  }
0x74: {  	v6 =	vld [tilespmem:$0x188E0]  }
0x75: {  	v7 =	vld [tilespmem:$0x188F0]  }
0x76: {  	v8 =	vld [tilespmem:$0x18900];
	v3 =	vadd.s32 v0, v3  }
0x77: {  	v50 =	vld [tilespmem:$0x18910];
	[tilespmem:$0x188B0] =	vst v3;
	v3 =	vadd.s32 v0, v4  }
0x78: {  	v51 =	vld [tilespmem:$0x18920];
	[tilespmem:$0x188C0] =	vst v3;
	v3 =	vadd.s32 v0, v5  }
0x79: {  	v52 =	vld [tilespmem:$0x18930];
	[tilespmem:$0x188D0] =	vst v3;
	v3 =	vadd.s32 v0, v6  }
0x7a: {  	v53 =	vld [tilespmem:$0x18940];
	[tilespmem:$0x188E0] =	vst v3;
	v3 =	vadd.s32 v0, v7  }
0x7b: {  	v54 =	vld [tilespmem:$0x18950];
	[tilespmem:$0x188F0] =	vst v3;
	v3 =	vadd.s32 v0, v8  }
0x7c: {  	v55 =	vld [tilespmem:$0x18960];
	[tilespmem:$0x18900] =	vst v3;
	v3 =	vadd.s32 v0, v50  }
0x7d: {  	v56 =	vld [tilespmem:$0x18970];
	[tilespmem:$0x18910] =	vst v3;
	v3 =	vadd.s32 v0, v51  }
0x7e: {  	v57 =	vld [tilespmem:$0x18980];
	[tilespmem:$0x18920] =	vst v3;
	v3 =	vadd.s32 v0, v52  }
0x7f: {  	v58 =	vld [tilespmem:$0x18990];
	[tilespmem:$0x18930] =	vst v3;
	v3 =	vadd.s32 v0, v53  }
0x80: {  	v59 =	vld [tilespmem:$0x189A0];
	[tilespmem:$0x18940] =	vst v3;
	v3 =	vadd.s32 v0, v54  }
0x81: {  	v60 =	vld [tilespmem:$0x189B0];
	[tilespmem:$0x18950] =	vst v3;
	v3 =	vadd.s32 v0, v55  }
0x82: {  	v61 =	vld [tilespmem:$0x189C0];
	[tilespmem:$0x18960] =	vst v3;
	v3 =	vadd.s32 v0, v56  }
0x83: {  	v62 =	vld [tilespmem:$0x189D0];
	[tilespmem:$0x18970] =	vst v3;
	v3 =	vadd.s32 v0, v57  }
0x84: {  	v63 =	vld [tilespmem:$0x189E0];
	[tilespmem:$0x18980] =	vst v3;
	v3 =	vadd.s32 v0, v58  }
0x85: {  	[tilespmem:$0x18990] =	vst v3;
	v3 =	vadd.s32 v0, v59  }
0x86: {  	[tilespmem:$0x189A0] =	vst v3;
	v3 =	vadd.s32 v0, v60  }
.Ltmp3:
0x87: {  	[tilespmem:$0x189B0] =	vst v3;
	v3 =	vadd.s32 v0, v61;
	(pc) =	sbr.rel .LBB2_6-.Ltmp3, $4  }
0x88: {  	[tilespmem:$0x189C0] =	vst v3;
	v3 =	vadd.s32 v0, v62  }
0x89: {  	[tilespmem:$0x189D0] =	vst v3;
	v3 =	vadd.s32 v0, v63  }
0x8a: {  	s31 =	simm.s32 $0x0;
	s22 =	rddreg [dreg:$0x12];
	[tilespmem:$0x189E0] =	vst v3  }
0x8b: {  	[tilespmem:s30], [sflag:$0x1] =	stream.indirect.gather [hbm4b:s8+s19], $0x20, s13, s19, $0xb8;
	[tilespmem:$0x1F8C0] =	vst v63  }
.LBB2_8:
0x8c: {  	_ =	swait.ge [sflag:s29], $0x2800  }
0x8d: {  	[sflag:s29] =	ssyncset.done $0x0  }
0x8e: {  	[sflag:s29] =	ssyncadd.s32 $0xFFFFD800  }
0x8f: {  	[spmem:s3] =	stream.indirect.scatter.add.f32 [tilespmem:s0], [sflag:$0x2], $0x20, s20, s19, $0xb8;
	[tilespmem:$0x1F8C0] =	vst v63  }
0x90: {  	_ =	swait.ge [sflag:s21], $0x2800  }
0x91: {  	s15 =	simm.s32 $0x19030;
	s24 =	simm.s32 $0x189F0;
	[sflag:s21] =	ssyncset.done $0x0  }
0x92: {  	s9 =	simm.s32 $0x18EF0;
	s7 =	simm.s32 $0x18B30;
	[sflag:s21] =	ssyncadd.s32 $0xFFFFD800  }
.LBB2_9:
0x93: {  	s1 =	sadd.s32 $0xA0, s1  }
0x94: {  	p2 =	sne.s32 s14, s1  }
.Ltmp4:
0x95: {  	_ = 	snop;
	(pc) =	sbr.rel @!p2 .LBB2_10-.Ltmp4, $2  }
0x96: {  	_ =	sdelay $0x2  }
0x97: {  	s31 =	sadd.s32 $0x1, s31;
	s22 =	sadd.s32 $0x500, s22  }
.LBB2_6:
0x98: {  	_ =	swait.ge [sflag:s29], $0x2800  }
0x99: {  	[sflag:s29] =	ssyncset.done $0x0  }
0x9a: {  	s2 =	simm.s32 $0x18DB0;
	p2 =	seq.s32 s1, $0x0;
	[sflag:s29] =	ssyncadd.s32 $0xFFFFD800  }
0x9b: {  	[spmem:s3] =	stream.indirect.scatter.add.f32 [tilespmem:s30], [sflag:$0x2], $0x20, s2, s19, $0xb8;
	[tilespmem:$0x1F8C0] =	vst v63  }
0x9c: {  	s2 =	simm.s32 @!p2 $0x2  }
0x9d: {  	_ =	swait.ge @!p2 [sflag:s2], $0x2800  }
0x9e: {  	[sflag:s2] =	ssyncset.done @!p2 $0x0  }
0x9f: {  	[sflag:s2] =	ssyncadd.s32 @!p2 $0xFFFFD800  }
0xa0: {  	_ =	swait.ge [sflag:s16], $0x140  }
0xa1: {  	[sflag:s16] =	ssyncset.done $0x0  }
0xa2: {  	[sflag:s16] =	ssyncadd.s32 $0xFFFFFEC0  }
0xa3: {  	_ =	swait.ge [sflag:s16], $0x140  }
0xa4: {  	[sflag:s16] =	ssyncset.done $0x0  }
0xa5: {  	[sflag:s16] =	ssyncadd.s32 $0xFFFFFEC0  }
0xa6: {  	v3 =	vld [tilespmem:$0x189F0]  }
0xa7: {  	v4 =	vld [tilespmem:$0x18A00]  }
0xa8: {  	v5 =	vld [tilespmem:$0x18A10]  }
0xa9: {  	v6 =	vld [tilespmem:$0x18A20]  }
0xaa: {  	v7 =	vld [tilespmem:$0x18A30]  }
0xab: {  	v8 =	vld [tilespmem:$0x18A40];
	v3 =	vadd.s32 v0, v3  }
0xac: {  	v12 =	vld [tilespmem:$0x18A50];
	[tilespmem:$0x189F0] =	vst v3;
	v3 =	vadd.s32 v0, v4  }
0xad: {  	v13 =	vld [tilespmem:$0x18A60];
	[tilespmem:$0x18A00] =	vst v3;
	v3 =	vadd.s32 v0, v5  }
0xae: {  	v14 =	vld [tilespmem:$0x18A70];
	[tilespmem:$0x18A10] =	vst v3;
	v3 =	vadd.s32 v0, v6  }
0xaf: {  	v15 =	vld [tilespmem:$0x18A80];
	[tilespmem:$0x18A20] =	vst v3;
	v3 =	vadd.s32 v0, v7  }
0xb0: {  	v16 =	vld [tilespmem:$0x18A90];
	[tilespmem:$0x18A30] =	vst v3;
	v3 =	vadd.s32 v0, v8  }
0xb1: {  	v17 =	vld [tilespmem:$0x18AA0];
	[tilespmem:$0x18A40] =	vst v3;
	v3 =	vadd.s32 v0, v12  }
0xb2: {  	v18 =	vld [tilespmem:$0x18AB0];
	[tilespmem:$0x18A50] =	vst v3;
	v3 =	vadd.s32 v0, v13  }
0xb3: {  	v19 =	vld [tilespmem:$0x18AC0];
	[tilespmem:$0x18A60] =	vst v3;
	v3 =	vadd.s32 v0, v14  }
0xb4: {  	v20 =	vld [tilespmem:$0x18AD0];
	[tilespmem:$0x18A70] =	vst v3;
	v3 =	vadd.s32 v0, v15  }
0xb5: {  	v21 =	vld [tilespmem:$0x18AE0];
	[tilespmem:$0x18A80] =	vst v3;
	v3 =	vadd.s32 v0, v16  }
0xb6: {  	v22 =	vld [tilespmem:$0x18AF0];
	[tilespmem:$0x18A90] =	vst v3;
	v3 =	vadd.s32 v0, v17  }
0xb7: {  	v23 =	vld [tilespmem:$0x18B00];
	[tilespmem:$0x18AA0] =	vst v3;
	v3 =	vadd.s32 v0, v18  }
0xb8: {  	v24 =	vld [tilespmem:$0x18B10];
	[tilespmem:$0x18AB0] =	vst v3;
	v3 =	vadd.s32 v0, v19  }
0xb9: {  	v25 =	vld [tilespmem:$0x18B20];
	[tilespmem:$0x18AC0] =	vst v3;
	v3 =	vadd.s32 v0, v20  }
0xba: {  	[tilespmem:$0x18AD0] =	vst v3;
	v3 =	vadd.s32 v0, v21  }
0xbb: {  	[tilespmem:$0x18AE0] =	vst v3;
	v3 =	vadd.s32 v0, v22  }
0xbc: {  	[tilespmem:$0x18AF0] =	vst v3;
	v3 =	vadd.s32 v0, v23  }
0xbd: {  	[tilespmem:$0x18B00] =	vst v3;
	v3 =	vadd.s32 v0, v24  }
0xbe: {  	[tilespmem:$0x18B10] =	vst v3;
	v3 =	vadd.s32 v0, v25  }
0xbf: {  	[tilespmem:$0x18B20] =	vst v3  }
0xc0: {  	[tilespmem:s0], [sflag:$0x1] =	stream.indirect.gather [hbm4b:s8+s19], $0x20, s24, s19, $0xb8;
	[tilespmem:$0x1F8C0] =	vst v63  }
0xc1: {  	s13 =	sadd.s32 s1, s28  }
0xc2: {  	[tilespmem:s4], [sflag:$0x3] =	stream.linear.gather [hbm4b:s13+s6], $0x140, $0x38;
	[tilespmem:$0x1F8C0] =	vst v63  }
0xc3: {  	s15 =	sadd.s32 s1, s26  }
0xc4: {  	[tilespmem:s20], [sflag:$0x3] =	stream.linear.gather [hbm4b:s15+s6], $0x140, $0x38;
	[tilespmem:$0x1F8C0] =	vst v63  }
0xc5: {  	_ =	swait.ge [sflag:s29], $0x2800  }
0xc6: {  	[sflag:s29] =	ssyncset.done $0x0  }
0xc7: {  	[sflag:s29] =	ssyncadd.s32 $0xFFFFD800  }
0xc8: {  	[spmem:s3] =	stream.indirect.scatter.add.f32 [tilespmem:s0], [sflag:$0x2], $0x20, s9, s19, $0xb8;
	[tilespmem:$0x1F8C0] =	vst v63  }
0xc9: {  	_ =	swait.ge [sflag:s21], $0x2800  }
0xca: {  	[sflag:s21] =	ssyncset.done $0x0  }
0xcb: {  	[sflag:s21] =	ssyncadd.s32 $0xFFFFD800  }
0xcc: {  	_ =	swait.ge [sflag:s16], $0x140  }
0xcd: {  	[sflag:s16] =	ssyncset.done $0x0  }
0xce: {  	[sflag:s16] =	ssyncadd.s32 $0xFFFFFEC0  }
0xcf: {  	_ =	swait.ge [sflag:s16], $0x140  }
0xd0: {  	[sflag:s16] =	ssyncset.done $0x0  }
0xd1: {  	[sflag:s16] =	ssyncadd.s32 $0xFFFFFEC0  }
0xd2: {  	v3 =	vld [tilespmem:$0x18B30]  }
0xd3: {  	v26 =	vld [tilespmem:$0x18B40]  }
0xd4: {  	v27 =	vld [tilespmem:$0x18B50]  }
0xd5: {  	v28 =	vld [tilespmem:$0x18B60]  }
0xd6: {  	v29 =	vld [tilespmem:$0x18B70]  }
0xd7: {  	v30 =	vld [tilespmem:$0x18B80];
	v3 =	vadd.s32 v0, v3  }
0xd8: {  	v31 =	vld [tilespmem:$0x18B90];
	[tilespmem:$0x18B30] =	vst v3;
	v3 =	vadd.s32 v0, v26  }
0xd9: {  	v32 =	vld [tilespmem:$0x18BA0];
	[tilespmem:$0x18B40] =	vst v3;
	v3 =	vadd.s32 v0, v27  }
0xda: {  	v33 =	vld [tilespmem:$0x18BB0];
	[tilespmem:$0x18B50] =	vst v3;
	v3 =	vadd.s32 v0, v28  }
0xdb: {  	v34 =	vld [tilespmem:$0x18BC0];
	[tilespmem:$0x18B60] =	vst v3;
	v3 =	vadd.s32 v0, v29  }
0xdc: {  	v35 =	vld [tilespmem:$0x18BD0];
	[tilespmem:$0x18B70] =	vst v3;
	v3 =	vadd.s32 v0, v30  }
0xdd: {  	v36 =	vld [tilespmem:$0x18BE0];
	[tilespmem:$0x18B80] =	vst v3;
	v3 =	vadd.s32 v0, v31  }
0xde: {  	v37 =	vld [tilespmem:$0x18BF0];
	[tilespmem:$0x18B90] =	vst v3;
	v3 =	vadd.s32 v0, v32  }
0xdf: {  	v38 =	vld [tilespmem:$0x18C00];
	[tilespmem:$0x18BA0] =	vst v3;
	v3 =	vadd.s32 v0, v33  }
0xe0: {  	v39 =	vld [tilespmem:$0x18C10];
	[tilespmem:$0x18BB0] =	vst v3;
	v3 =	vadd.s32 v0, v34  }
0xe1: {  	v40 =	vld [tilespmem:$0x18C20];
	[tilespmem:$0x18BC0] =	vst v3;
	v3 =	vadd.s32 v0, v35  }
0xe2: {  	v41 =	vld [tilespmem:$0x18C30];
	[tilespmem:$0x18BD0] =	vst v3;
	v3 =	vadd.s32 v0, v36  }
0xe3: {  	v42 =	vld [tilespmem:$0x18C40];
	[tilespmem:$0x18BE0] =	vst v3;
	v3 =	vadd.s32 v0, v37  }
0xe4: {  	v43 =	vld [tilespmem:$0x18C50];
	[tilespmem:$0x18BF0] =	vst v3;
	v3 =	vadd.s32 v0, v38  }
0xe5: {  	v44 =	vld [tilespmem:$0x18C60];
	[tilespmem:$0x18C00] =	vst v3;
	v3 =	vadd.s32 v0, v39  }
0xe6: {  	[tilespmem:$0x18C10] =	vst v3;
	v3 =	vadd.s32 v0, v40  }
0xe7: {  	[tilespmem:$0x18C20] =	vst v3;
	v3 =	vadd.s32 v0, v41  }
0xe8: {  	[tilespmem:$0x18C30] =	vst v3;
	v3 =	vadd.s32 v0, v42  }
0xe9: {  	s24 =	rddreg [dreg:$0x1b];
	[tilespmem:$0x18C40] =	vst v3;
	v3 =	vadd.s32 v0, v43  }
0xea: {  	p2 =	sge.u32 s31, s24;
	[tilespmem:$0x18C50] =	vst v3;
	v3 =	vadd.s32 v0, v44  }
0xeb: {  	s2 =	sshrl.u32 @!p2 s22, $0x3;
	[tilespmem:$0x18C60] =	vst v3  }
0xec: {  	[tilespmem:s30], [sflag:$0x1] =	stream.indirect.gather [hbm4b:s8+s19], $0x20, s7, s19, $0xb8;
	[tilespmem:$0x1F8C0] =	vst v63  }
0xed: {  	s13 =	simm.s32 @!p2 $0x0;
	s24 =	simm.s32 @!p2 $0x188B0;
	s2 =	sadd.s32 @!p2 s10, s2  }
0xee: {  	[tilespmem:s24], [sflag:$0x3] =	stream.linear.gather @!p2 [hbm4b:s2+s13], $0x140, $0x38;
	[tilespmem:$0x1F8C0] =	vst v63  }
0xef: {  	s2 =	sadd.s32 @!p2 s1, s25;
	s24 =	simm.s32 @!p2 $0x18DB0  }
0xf0: {  	[tilespmem:s24], [sflag:$0x3] =	stream.linear.gather @!p2 [hbm4b:s2+s13], $0x140, $0x38;
	[tilespmem:$0x1F8C0] =	vst v63  }
0xf1: {  	_ =	swait.ge [sflag:s29], $0x2800  }
0xf2: {  	[sflag:s29] =	ssyncset.done $0x0  }
0xf3: {  	s13 =	simm.s32 $0x19030;
	[sflag:s29] =	ssyncadd.s32 $0xFFFFD800  }
0xf4: {  	[spmem:s3] =	stream.indirect.scatter.add.f32 [tilespmem:s30], [sflag:$0x2], $0x20, s13, s19, $0xb8;
	[tilespmem:$0x1F8C0] =	vst v63  }
0xf5: {  	_ =	swait.ge [sflag:s21], $0x2800  }
0xf6: {  	[sflag:s21] =	ssyncset.done $0x0  }
0xf7: {  	[sflag:s21] =	ssyncadd.s32 $0xFFFFD800  }
0xf8: {  	_ =	swait.ge [sflag:s16], $0x140  }
0xf9: {  	[sflag:s16] =	ssyncset.done $0x0  }
0xfa: {  	[sflag:s16] =	ssyncadd.s32 $0xFFFFFEC0  }
0xfb: {  	_ =	swait.ge [sflag:s16], $0x140  }
0xfc: {  	[sflag:s16] =	ssyncset.done $0x0  }
0xfd: {  	[sflag:s16] =	ssyncadd.s32 $0xFFFFFEC0  }
0xfe: {  	v3 =	vld [tilespmem:$0x18C70]  }
0xff: {  	v45 =	vld [tilespmem:$0x18C80]  }
0x100: {  	v46 =	vld [tilespmem:$0x18C90]  }
0x101: {  	v47 =	vld [tilespmem:$0x18CA0]  }
0x102: {  	v48 =	vld [tilespmem:$0x18CB0]  }
0x103: {  	v49 =	vld [tilespmem:$0x18CC0];
	v3 =	vadd.s32 v0, v3  }
0x104: {  	v50 =	vld [tilespmem:$0x18CD0];
	[tilespmem:$0x18C70] =	vst v3;
	v3 =	vadd.s32 v0, v45  }
0x105: {  	v51 =	vld [tilespmem:$0x18CE0];
	[tilespmem:$0x18C80] =	vst v3;
	v3 =	vadd.s32 v0, v46  }
0x106: {  	v52 =	vld [tilespmem:$0x18CF0];
	[tilespmem:$0x18C90] =	vst v3;
	v3 =	vadd.s32 v0, v47  }
0x107: {  	v53 =	vld [tilespmem:$0x18D00];
	[tilespmem:$0x18CA0] =	vst v3;
	v3 =	vadd.s32 v0, v48  }
0x108: {  	v54 =	vld [tilespmem:$0x18D10];
	[tilespmem:$0x18CB0] =	vst v3;
	v3 =	vadd.s32 v0, v49  }
0x109: {  	v55 =	vld [tilespmem:$0x18D20];
	[tilespmem:$0x18CC0] =	vst v3;
	v3 =	vadd.s32 v0, v50  }
0x10a: {  	v56 =	vld [tilespmem:$0x18D30];
	[tilespmem:$0x18CD0] =	vst v3;
	v3 =	vadd.s32 v0, v51  }
0x10b: {  	v57 =	vld [tilespmem:$0x18D40];
	[tilespmem:$0x18CE0] =	vst v3;
	v3 =	vadd.s32 v0, v52  }
0x10c: {  	v58 =	vld [tilespmem:$0x18D50];
	[tilespmem:$0x18CF0] =	vst v3;
	v3 =	vadd.s32 v0, v53  }
0x10d: {  	v59 =	vld [tilespmem:$0x18D60];
	[tilespmem:$0x18D00] =	vst v3;
	v3 =	vadd.s32 v0, v54  }
0x10e: {  	v60 =	vld [tilespmem:$0x18D70];
	[tilespmem:$0x18D10] =	vst v3;
	v3 =	vadd.s32 v0, v55  }
0x10f: {  	v61 =	vld [tilespmem:$0x18D80];
	[tilespmem:$0x18D20] =	vst v3;
	v3 =	vadd.s32 v0, v56  }
0x110: {  	v62 =	vld [tilespmem:$0x18D90];
	[tilespmem:$0x18D30] =	vst v3;
	v3 =	vadd.s32 v0, v57  }
0x111: {  	v63 =	vld [tilespmem:$0x18DA0];
	[tilespmem:$0x18D40] =	vst v3;
	v3 =	vadd.s32 v0, v58  }
0x112: {  	[tilespmem:$0x18D50] =	vst v3;
	v3 =	vadd.s32 v0, v59  }
0x113: {  	[tilespmem:$0x18D60] =	vst v3;
	v3 =	vadd.s32 v0, v60  }
.Ltmp5:
0x114: {  	[tilespmem:$0x18D70] =	vst v3;
	v3 =	vadd.s32 v0, v61;
	(pc) =	sbr.rel @p2 .LBB2_8-.Ltmp5, $4  }
0x115: {  	[tilespmem:$0x18D80] =	vst v3;
	v3 =	vadd.s32 v0, v62  }
0x116: {  	[tilespmem:$0x18D90] =	vst v3;
	v3 =	vadd.s32 v0, v63  }
0x117: {  	s11 =	simm.s32 $0x18B30;
	s9 =	simm.s32 $0x189F0;
	s7 =	simm.s32 $0x18EF0;
	[tilespmem:$0x18DA0] =	vst v3  }
0x118: {  	[tilespmem:s0], [sflag:$0x1] =	stream.indirect.gather [hbm4b:s8+s19], $0x20, s4, s19, $0xb8;
	[tilespmem:$0x1F8C0] =	vst v63  }
0x119: {  	s2 =	rddreg [dreg:$0x10]  }
0x11a: {  	s24 =	rddreg [dreg:$0x11];
	s2 =	sadd.s32 s1, s2  }
0x11b: {  	[tilespmem:s9], [sflag:$0x3] =	stream.linear.gather [hbm4b:s2+s6], $0x140, $0x38;
	[tilespmem:$0x1F8C0] =	vst v63  }
0x11c: {  	s2 =	sadd.s32 s1, s24  }
0x11d: {  	[tilespmem:s7], [sflag:$0x3] =	stream.linear.gather [hbm4b:s2+s6], $0x140, $0x38;
	[tilespmem:$0x1F8C0] =	vst v63  }
0x11e: {  	_ =	swait.ge [sflag:s29], $0x2800  }
0x11f: {  	[sflag:s29] =	ssyncset.done $0x0  }
0x120: {  	[sflag:s29] =	ssyncadd.s32 $0xFFFFD800  }
0x121: {  	[spmem:s3] =	stream.indirect.scatter.add.f32 [tilespmem:s0], [sflag:$0x2], $0x20, s20, s19, $0xb8;
	[tilespmem:$0x1F8C0] =	vst v63  }
0x122: {  	_ =	swait.ge [sflag:s21], $0x2800  }
0x123: {  	[sflag:s21] =	ssyncset.done $0x0  }
0x124: {  	[sflag:s21] =	ssyncadd.s32 $0xFFFFD800  }
0x125: {  	_ =	swait.ge [sflag:s16], $0x140  }
0x126: {  	[sflag:s16] =	ssyncset.done $0x0  }
0x127: {  	[sflag:s16] =	ssyncadd.s32 $0xFFFFFEC0  }
0x128: {  	_ =	swait.ge [sflag:s16], $0x140  }
0x129: {  	[sflag:s16] =	ssyncset.done $0x0  }
0x12a: {  	[sflag:s16] =	ssyncadd.s32 $0xFFFFFEC0  }
0x12b: {  	v3 =	vld [tilespmem:$0x188B0]  }
0x12c: {  	v4 =	vld [tilespmem:$0x188C0]  }
0x12d: {  	v5 =	vld [tilespmem:$0x188D0]  }
0x12e: {  	v6 =	vld [tilespmem:$0x188E0]  }
0x12f: {  	v7 =	vld [tilespmem:$0x188F0]  }
0x130: {  	v8 =	vld [tilespmem:$0x18900];
	v3 =	vadd.s32 v0, v3  }
0x131: {  	v50 =	vld [tilespmem:$0x18910];
	[tilespmem:$0x188B0] =	vst v3;
	v3 =	vadd.s32 v0, v4  }
0x132: {  	v51 =	vld [tilespmem:$0x18920];
	[tilespmem:$0x188C0] =	vst v3;
	v3 =	vadd.s32 v0, v5  }
0x133: {  	v52 =	vld [tilespmem:$0x18930];
	[tilespmem:$0x188D0] =	vst v3;
	v3 =	vadd.s32 v0, v6  }
0x134: {  	v53 =	vld [tilespmem:$0x18940];
	[tilespmem:$0x188E0] =	vst v3;
	v3 =	vadd.s32 v0, v7  }
0x135: {  	v54 =	vld [tilespmem:$0x18950];
	[tilespmem:$0x188F0] =	vst v3;
	v3 =	vadd.s32 v0, v8  }
0x136: {  	v55 =	vld [tilespmem:$0x18960];
	[tilespmem:$0x18900] =	vst v3;
	v3 =	vadd.s32 v0, v50  }
0x137: {  	v56 =	vld [tilespmem:$0x18970];
	[tilespmem:$0x18910] =	vst v3;
	v3 =	vadd.s32 v0, v51  }
0x138: {  	v57 =	vld [tilespmem:$0x18980];
	[tilespmem:$0x18920] =	vst v3;
	v3 =	vadd.s32 v0, v52  }
0x139: {  	v58 =	vld [tilespmem:$0x18990];
	[tilespmem:$0x18930] =	vst v3;
	v3 =	vadd.s32 v0, v53  }
0x13a: {  	v59 =	vld [tilespmem:$0x189A0];
	[tilespmem:$0x18940] =	vst v3;
	v3 =	vadd.s32 v0, v54  }
0x13b: {  	v60 =	vld [tilespmem:$0x189B0];
	[tilespmem:$0x18950] =	vst v3;
	v3 =	vadd.s32 v0, v55  }
0x13c: {  	v61 =	vld [tilespmem:$0x189C0];
	[tilespmem:$0x18960] =	vst v3;
	v3 =	vadd.s32 v0, v56  }
0x13d: {  	v62 =	vld [tilespmem:$0x189D0];
	[tilespmem:$0x18970] =	vst v3;
	v3 =	vadd.s32 v0, v57  }
0x13e: {  	v63 =	vld [tilespmem:$0x189E0];
	[tilespmem:$0x18980] =	vst v3;
	v3 =	vadd.s32 v0, v58  }
0x13f: {  	[tilespmem:$0x18990] =	vst v3;
	v3 =	vadd.s32 v0, v59  }
0x140: {  	[tilespmem:$0x189A0] =	vst v3;
	v3 =	vadd.s32 v0, v60  }
0x141: {  	[tilespmem:$0x189B0] =	vst v3;
	v3 =	vadd.s32 v0, v61  }
0x142: {  	[tilespmem:$0x189C0] =	vst v3;
	v3 =	vadd.s32 v0, v62  }
0x143: {  	[tilespmem:$0x189D0] =	vst v3;
	v3 =	vadd.s32 v0, v63  }
0x144: {  	s9 =	simm.s32 $0x188B0;
	[tilespmem:$0x189E0] =	vst v3  }
0x145: {  	[tilespmem:s30], [sflag:$0x1] =	stream.indirect.gather [hbm4b:s8+s19], $0x20, s9, s19, $0xb8;
	[tilespmem:$0x1F8C0] =	vst v63  }
.Ltmp6:
0x146: {  	s7 =	simm.s32 $0x18B30;
	s15 =	rddreg [dreg:$0xe];
	(pc) =	sbr.rel .LBB2_9-.Ltmp6, $4  }
0x147: {  	s24 =	rddreg [dreg:$0xf];
	s2 =	sadd.s32 s1, s15;
	s15 =	simm.s32 $0x19030  }
0x148: {  	[tilespmem:s11], [sflag:$0x3] =	stream.linear.gather [hbm4b:s2+s6], $0x140, $0x38;
	[tilespmem:$0x1F8C0] =	vst v63  }
0x149: {  	s9 =	simm.s32 $0x18EF0;
	s2 =	sadd.s32 s1, s24;
	s24 =	simm.s32 $0x189F0  }
0x14a: {  	[tilespmem:s13], [sflag:$0x3] =	stream.linear.gather [hbm4b:s2+s6], $0x140, $0x38;
	[tilespmem:$0x1F8C0] =	vst v63  }
.LBB2_10:
0x14b: {  	_ =	swait.ge [sflag:s21], $0x2800  }
0x14c: {  	[sflag:s21] =	ssyncset.done $0x0  }
0x14d: {  	[sflag:s21] =	ssyncadd.s32 $0xFFFFD800  }
0x14e: {  	[bflag:$0x0] =	sbarrier.arrive $0xFFFF  }
0x14f: {  	v4 =	vld [tilespmem:$0x1F8B0];
	s9 =	rddreg [dreg:$0x18]  }
0x150: {  	s7 =	rddreg [dreg:$0x19]  }
0x151: {  	s22 =	simm.s32 $0x0;
	v3 =	vld [tilespmem:$0x1F8A0];
	s11 =	rddreg [dreg:$0x1a]  }
.LBB2_11:
0x152: {  	s1 =	sadd.s32 s11, s22  }
0x153: {  	s2 =	smul.u32 $0x2800, s1  }
0x154: {  	s1 =	smul.u32 $0x50, s1  }
0x155: {  	s2 =	sshra.s32 s2, $0x2  }
0x156: {  	s13 =	sadd.s32 s7, s1;
	s2 =	sadd.s32 s2, s3  }
0x157: {  	[tilespmem:s17], [sflag:$0x4] =	stream.linear.gather [spmem:s2], $0xA00, $0x38;
	[tilespmem:$0x1F8C0] =	vst v63  }
0x158: {  	s2 =	sshll.u32 s13, $0x2;
	_ =	swait.ge [sflag:s18], $0xA00  }
0x159: {  	s2 =	sand.u32 $0x1FFFFFC0, s2;
	[sflag:s18] =	ssyncset.done $0x0  }
0x15a: {  	s13 =	simm.s32 $0x1ECB0;
	s2 =	sadd.s32 s8, s2;
	[sflag:s18] =	ssyncadd.s32 $0xFFFFF600  }
0x15b: {  	[tilespmem:s13], [sflag:$0x4] =	stream.linear.gather [hbm4b:s2+s6], $0xA00, $0x38;
	[tilespmem:$0x1F8C0] =	vst v63  }
0x15c: {  	_ =	swait.ge [sflag:s18], $0xA00  }
0x15d: {  	s2 =	sshrl.u32 s1, $0x3;
	[sflag:s18] =	ssyncset.done $0x0  }
0x15e: {  	s1 =	simm.s32 $0x1F6B0;
	s24 =	sadd.s32 s9, s2;
	[sflag:s18] =	ssyncadd.s32 $0xFFFFF600  }
0x15f: {  	[tilespmem:s1], [sflag:$0x4] =	stream.linear.gather [hbm4b:s24+s6], $0x50, $0x38;
	[tilespmem:$0x1F8C0] =	vst v63  }
0x160: {  	_ =	swait.ge [sflag:s18], $0x50  }
0x161: {  	[sflag:s18] =	ssyncset.done $0x0  }
0x162: {  	[sflag:s18] =	ssyncadd.s32 $0xFFFFFFB0  }
0x163: {  	s24 =	rddreg [dreg:$0x1]  }
0x164: {  	s2 =	sadd.s32 s24, s2  }
0x165: {  	[tilespmem:s23], [sflag:$0x4] =	stream.linear.gather [hbm4b:s2+s6], $0x50, $0x38;
	[tilespmem:$0x1F8C0] =	vst v63  }
0x166: {  	_ =	swait.ge [sflag:s18], $0x50  }
0x167: {  	[sflag:s18] =	ssyncset.done $0x0  }
0x168: {  	s31 =	simm.s32 $0x1F0;
	[sflag:s18] =	ssyncadd.s32 $0xFFFFFFB0  }
0x169: {  	v8 =	vld [tilespmem:s31+$0x1EC70]  }
0x16a: {  	v9 =	vld [tilespmem:s31+$0x1ECA0]  }
0x16b: {  	v16 =	vld [tilespmem:s31+$0x1EC60]  }
0x16c: {  	v10 =	vld [tilespmem:s31+$0x1ECB0]  }
0x16d: {  	v11 =	vld [tilespmem:s31+$0x1EC80]  }
0x16e: {  	v12 =	vld [tilespmem:s31+$0x1E2A0]  }
0x16f: {  	v13 =	vld [tilespmem:s31+$0x1E2B0]  }
0x170: {  	v14 =	vld [tilespmem:s31+$0x1EB90]  }
0x171: {  	v15 =	vld [tilespmem:s31+$0x1EB70]  }
0x172: {  	v17 =	vld [tilespmem:s31+$0x1EB50]  }
0x173: {  	v18 =	vld [tilespmem:s31+$0x1E170]  }
0x174: {  	v19 =	vld [tilespmem:s31+$0x1E280]  }
0x175: {  	v21 =	vld [tilespmem:s31+$0x1E270]  }
0x176: {  	v22 =	vld [tilespmem:s31+$0x1E150]  }
0x177: {  	v23 =	vld [tilespmem:s31+$0x1E190]  }
0x178: {  	v24 =	vld [tilespmem:s31+$0x1EB80]  }
0x179: {  	v25 =	vld [tilespmem:s31+$0x1E180]  }
0x17a: {  	v26 =	vld [tilespmem:s31+$0x1EB10]  }
0x17b: {  	v27 =	vld [tilespmem:s31+$0x1E110]  }
0x17c: {  	v28 =	vld [tilespmem:s31+$0x1EB00]  }
0x17d: {  	v29 =	vld [tilespmem:s31+$0x1E100]  }
0x17e: {  	v20 =	vld [tilespmem:s31+$0x1E0D0]  }
0x17f: {  	v30 =	vld [tilespmem:s31+$0x1EAC0]  }
0x180: {  	v31 =	vld [tilespmem:s31+$0x1E0C0]  }
0x181: {  	v32 =	vld [tilespmem:s1+$0x0]  }
0x182: {  	v33 =	vld [tilespmem:s31+$0x1E1A0]  }
0x183: {  	v34 =	vld [tilespmem:s31+$0x1EBA0]  }
0x184: {  	v35 =	vld [tilespmem:s31+$0x1E1B0]  }
0x185: {  	v36 =	vld [tilespmem:s31+$0x1EBB0]  }
0x186: {  	v37 =	vld [tilespmem:s31+$0x1E1C0]  }
0x187: {  	v43 =	vld [tilespmem:s31+$0x1E1F0];
	v14 =	vadd.f32 v14, v23  }
0x188: {  	v44 =	vld [tilespmem:s31+$0x1EBF0];
	v10 =	vadd.f32 v10, v13;
	v15 =	vadd.f32 v15, v18  }
0x189: {  	v58 =	vld [tilespmem:s31+$0x1E230];
	v45 =	vadd.f32 v11, v19;
	v21 =	vadd.f32 v8, v21  }
0x18a: {  	v59 =	vld [tilespmem:s31+$0x1EC30];
	v38 =	vbroadcast v32, $0x6;
	v17 =	vadd.f32 v17, v22;
	v19 =	vadd.f32 v26, v27  }
0x18b: {  	v48 =	vld [tilespmem:s31+$0x1E260];
	v13 =	vbroadcast v32, $0xF;
	v11 =	vadd.f32 v24, v25;
	v24 =	vadd.f32 v30, v31  }
0x18c: {  	v54 =	vld [tilespmem:s31+$0x1EAD0];
	v26 =	vbroadcast v32, $0x7;
	v30 =	vadd.f32 v34, v33;
	v14 =	vmul.f32 v14, v38  }
0x18d: {  	v23 =	vld [tilespmem:s31+$0x1EBC0];
	v31 =	vbroadcast v32, $0x9;
	v56 =	vadd.f32 v44, v43;
	v35 =	vadd.f32 v36, v35  }
0x18e: {  	v18 =	vld [tilespmem:s31+$0x1E210];
	v57 =	vbroadcast v32, $0x2;
	v28 =	vadd.f32 v28, v29;
	v14 =	vadd.f32 v14, v4  }
0x18f: {  	v22 =	vld [tilespmem:s31+$0x1EC10];
	v60 =	vbroadcast v32, $0xA;
	v50 =	vbroadcast v32, $0xB;
	v33 =	vadd.f32 v59, v58  }
0x190: {  	v25 =	vld [tilespmem:s31+$0x1E220];
	v34 =	vadd.f32 v16, v48;
	v28 =	vmul.f32 v28, v57;
	v14 =	vmax.f32 v14, $0.0e+00  }
0x191: {  	v29 =	vmul.f32 v30, v26;
	v30 =	vmul.f32 v56, v31;
	[tilespmem:s31+$0x1E190] =	vst v14;
	v14 =	vadd.f32 v9, v12;
	v12 =	vld [tilespmem:s31+$0x1E200]  }
0x192: {  	v26 =	vmul.f32 v35, v26;
	v28 =	vadd.f32 v28, v3;
	v9 =	vmul.f32 v10, v13;
	v10 =	vld [tilespmem:s31+$0x1EC00]  }
0x193: {  	v27 =	vld [tilespmem:s31+$0x1EC20];
	v20 =	vadd.f32 v54, v20;
	v38 =	vmul.f32 v11, v38;
	v56 =	vbroadcast v32, $0xE  }
0x194: {  	v11 =	vbroadcast v32, $0x3;
	v30 =	vadd.f32 v30, v4;
	v28 =	vmax.f32 v28, $0.0e+00  }
0x195: {  	v39 =	vld [tilespmem:s31+$0x1E1D0];
	v59 =	vmul.f32 v45, v56;
	v23 =	vadd.f32 v23, v37;
	[tilespmem:s31+$0x1E100] =	vst v28;
	v28 =	vmul.f32 v33, v50  }
0x196: {  	v40 =	vld [tilespmem:s31+$0x1EBD0];
	v8 =	vadd.f32 v9, v4;
	v9 =	vbroadcast v32, $0x4;
	v63 =	vmul.f32 v14, v13  }
0x197: {  	v41 =	vld [tilespmem:s31+$0x1E1E0];
	v13 =	vadd.f32 v22, v18;
	v14 =	vmax.f32 v30, $0.0e+00;
	v10 =	vadd.f32 v10, v12  }
0x198: {  	v46 =	vld [tilespmem:s31+$0x1E250];
	v25 =	vadd.f32 v27, v25;
	[tilespmem:s31+$0x1E1F0] =	vst v14;
	v14 =	vbroadcast v32, $0x8;
	v12 =	vbroadcast v32, $0x0  }
0x199: {  	v33 =	vadd.f32 v59, v3;
	v30 =	vld [tilespmem:s31+$0x1EC50];
	v13 =	vmul.f32 v13, v60;
	v10 =	vmul.f32 v10, v60  }
0x19a: {  	v42 =	vld [tilespmem:s31+$0x1EBE0];
	v8 =	vmax.f32 v8, $0.0e+00;
	v17 =	vmul.f32 v17, v9;
	v18 =	vmul.f32 v24, v12  }
0x19b: {  	v61 =	vld [tilespmem:s31+$0x1E240];
	[tilespmem:s31+$0x1E2B0] =	vst v8;
	v8 =	vbroadcast v32, $0x1;
	v24 =	vadd.f32 v40, v39;
	v22 =	vadd.f32 v10, v3  }
0x19c: {  	v62 =	vld [tilespmem:s31+$0x1EC40];
	v23 =	vmul.f32 v23, v14;
	v10 =	vmul.f32 v19, v57;
	v18 =	vadd.f32 v18, v3  }
0x19d: {  	v52 =	vmul.f32 v24, v14;
	v24 =	vadd.f32 v13, v4;
	v19 =	vmax.f32 v22, $0.0e+00  }
0x19e: {  	v7 =	vld [tilespmem:s31+$0x1EB40];
	v30 =	vadd.f32 v30, v46;
	v14 =	vadd.f32 v29, v3;
	v18 =	vmax.f32 v18, $0.0e+00;
	[tilespmem:s31+$0x1E200] =	vst v19  }
0x19f: {  	v6 =	vld [tilespmem:s31+$0x1E130];
	v13 =	vadd.f32 v38, v3;
	v22 =	vadd.f32 v42, v41;
	v24 =	vmax.f32 v24, $0.0e+00;
	[tilespmem:s31+$0x1E0C0] =	vst v18  }
0x1a0: {  	v5 =	vld [tilespmem:s31+$0x1E0E0];
	v19 =	vbroadcast v32, $0x5;
	v18 =	vmul.f32 v25, v50;
	[tilespmem:s31+$0x1E210] =	vst v24;
	v24 =	vadd.f32 v23, v3  }
0x1a1: {  	v49 =	vld [tilespmem:s31+$0x1E160];
	v23 =	vadd.f32 v62, v61;
	v29 =	vmul.f32 v22, v31;
	v22 =	vadd.f32 v26, v4  }
0x1a2: {  	v51 =	vld [tilespmem:s31+$0x1EC90];
	v26 =	vbroadcast v32, $0xC;
	v25 =	vmul.f32 v15, v19;
	v15 =	vadd.f32 v17, v4  }
0x1a3: {  	v31 =	vld [tilespmem:s31+$0x1E290];
	v32 =	vbroadcast v32, $0xD;
	v17 =	vadd.f32 v18, v3;
	v18 =	vadd.f32 v52, v4  }
0x1a4: {  	v53 =	vld [tilespmem:s31+$0x1EB60];
	v23 =	vmul.f32 v23, v26;
	v26 =	vmul.f32 v30, v26;
	v30 =	vadd.f32 v28, v4  }
0x1a5: {  	v16 =	vld [tilespmem:s31+$0x1E140];
	v34 =	vmul.f32 v34, v32;
	v21 =	vmul.f32 v21, v32;
	v57 =	vadd.f32 v25, v4  }
0x1a6: {  	v27 =	vld [tilespmem:s31+$0x1E0F0];
	v55 =	vmax.f32 v17, $0.0e+00;
	v17 =	vadd.f32 v29, v3;
	v58 =	vadd.f32 v23, v3  }
0x1a7: {  	v29 =	vld [tilespmem:s31+$0x1EAF0];
	v25 =	vadd.f32 v63, v3;
	[tilespmem:s31+$0x1E220] =	vst v55;
	v26 =	vadd.f32 v26, v4;
	v61 =	vmax.f32 v57, $0.0e+00  }
0x1a8: {  	v28 =	vld [tilespmem:s31+$0x1E120];
	v62 =	vadd.f32 v34, v3;
	v63 =	vadd.f32 v51, v31;
	v60 =	vmax.f32 v58, $0.0e+00;
	[tilespmem:s31+$0x1E170] =	vst v61  }
0x1a9: {  	v32 =	vmax.f32 v33, $0.0e+00;
	v23 =	vld [tilespmem:s31+$0x1EB20];
	v34 =	vadd.f32 v53, v49;
	v31 =	vmax.f32 v26, $0.0e+00;
	[tilespmem:s31+$0x1E240] =	vst v60  }
0x1aa: {  	s2 =	simm.s32 $0xFC0;
	v26 =	vadd.f32 v21, v4;
	v21 =	vld [tilespmem:s31+$0x1EAE0];
	[tilespmem:s31+$0x1E250] =	vst v31;
	v31 =	vmax.f32 v62, $0.0e+00;
	v33 =	vmul.f32 v63, v56  }
.LBB2_12:
0x1ab: {  	s13 =	smov.u32 s2  }
0x1ac: {  	s24 =	sshra.s32 s2, $0x2;
	v27 =	vadd.f32 v29, v27;
	v29 =	vld [tilespmem:s31+$0x1EB30];
	v22 =	vmax.f32 v22, $0.0e+00;
	v30 =	vmax.f32 v30, $0.0e+00;
	[tilespmem:s31+$0x1E280] =	vst v32;
	s1 =	sadd.s32 $0x10, s1;
	s13 =	sadd.s32 $0x800, s2  }
0x1ad: {  	p2 =	sne.s32 s2, $0x27C0;
	v24 =	vmax.f32 v24, $0.0e+00;
	v19 =	vmul.f32 v34, v19;
	v32 =	vld [tilespmem:s24+$0x1EC70];
	[tilespmem:s31+$0x1E230] =	vst v30;
	v30 =	vadd.f32 v33, v4  }
0x1ae: {  	v27 =	vmul.f32 v27, v8;
	v7 =	vadd.f32 v7, v16;
	v33 =	vld [tilespmem:s24+$0x1ECA0];
	[tilespmem:s31+$0x1E1C0] =	vst v24;
	v24 =	vmax.f32 v25, $0.0e+00  }
0x1af: {  	v23 =	vadd.f32 v23, v28;
	v19 =	vadd.f32 v19, v3;
	v16 =	vld [tilespmem:s24+$0x1EC60];
	v25 =	vmax.f32 v30, $0.0e+00;
	[tilespmem:s31+$0x1E2A0] =	vst v24  }
0x1b0: {  	v12 =	vmul.f32 v20, v12;
	v20 =	vadd.f32 v27, v4;
	v7 =	vmul.f32 v7, v9;
	v24 =	vld [tilespmem:s24+$0x1ECB0];
	[tilespmem:s31+$0x1E1B0] =	vst v22  }
0x1b1: {  	v22 =	vmul.f32 v23, v11;
	v6 =	vadd.f32 v29, v6;
	v19 =	vmax.f32 v19, $0.0e+00;
	v9 =	vld [tilespmem:s24+$0x1EC80];
	[tilespmem:s31+$0x1E260] =	vst v31  }
0x1b2: {  	v12 =	vadd.f32 v12, v4;
	v20 =	vmax.f32 v20, $0.0e+00;
	v7 =	vadd.f32 v7, v3;
	v23 =	vld [tilespmem:s24+$0x1E2A0];
	[tilespmem:s31+$0x1E160] =	vst v19  }
0x1b3: {  	v5 =	vadd.f32 v21, v5;
	v21 =	vadd.f32 v22, v3;
	v22 =	vmax.f32 v26, $0.0e+00;
	v19 =	vld [tilespmem:s24+$0x1E2B0];
	[tilespmem:s31+$0x1E290] =	vst v25  }
0x1b4: {  	v12 =	vmax.f32 v12, $0.0e+00;
	v6 =	vmul.f32 v6, v11;
	v11 =	vmax.f32 v7, $0.0e+00;
	v25 =	vld [tilespmem:s24+$0x1EB90];
	[tilespmem:s31+$0x1E270] =	vst v22  }
0x1b5: {  	v5 =	vmul.f32 v5, v8;
	v7 =	vmax.f32 v18, $0.0e+00;
	v8 =	vmax.f32 v21, $0.0e+00;
	v22 =	vld [tilespmem:s24+$0x1EB70];
	[tilespmem:s31+$0x1E0F0] =	vst v20  }
0x1b6: {  	v15 =	vmax.f32 v15, $0.0e+00;
	v6 =	vadd.f32 v6, v4;
	v18 =	vld [tilespmem:s24+$0x1EB50];
	[tilespmem:s31+$0x1E1D0] =	vst v7;
	v7 =	vmax.f32 v17, $0.0e+00  }
0x1b7: {  	v14 =	vmax.f32 v14, $0.0e+00;
	v5 =	vadd.f32 v5, v3;
	v17 =	vld [tilespmem:s24+$0x1E170];
	v26 =	vadd.f32 v33, v23;
	[tilespmem:s31+$0x1E1E0] =	vst v7  }
0x1b8: {  	v6 =	vmax.f32 v6, $0.0e+00;
	v7 =	vadd.f32 v10, v4;
	v20 =	vld [tilespmem:s24+$0x1E280];
	v19 =	vadd.f32 v24, v19;
	[tilespmem:s31+$0x1E1A0] =	vst v14  }
0x1b9: {  	v13 =	vmax.f32 v13, $0.0e+00;
	v5 =	vmax.f32 v5, $0.0e+00;
	v10 =	vld [tilespmem:s24+$0x1E270];
	[tilespmem:s31+$0x1E150] =	vst v15  }
0x1ba: {  	v15 =	vmax.f32 v7, $0.0e+00;
	v14 =	vld [tilespmem:s24+$0x1E150];
	[tilespmem:s31+$0x1E180] =	vst v13  }
0x1bb: {  	v7 =	vld [tilespmem:s24+$0x1EB40];
	[tilespmem:s31+$0x1E140] =	vst v11  }
0x1bc: {  	v13 =	vadd.f32 v22, v17;
	v11 =	vld [tilespmem:s24+$0x1E190];
	[tilespmem:s31+$0x1E110] =	vst v15  }
0x1bd: {  	v15 =	vld [tilespmem:s24+$0x1EB80];
	v23 =	vadd.f32 v9, v20;
	[tilespmem:s31+$0x1E120] =	vst v8  }
0x1be: {  	v8 =	vld [tilespmem:s24+$0x1E180];
	v20 =	vadd.f32 v32, v10;
	[tilespmem:s31+$0x1E130] =	vst v6  }
0x1bf: {  	v9 =	vld [tilespmem:s24+$0x1EB10];
	v10 =	vadd.f32 v18, v14;
	[tilespmem:s31+$0x1E0E0] =	vst v5  }
0x1c0: {  	v6 =	vld [tilespmem:s24+$0x1E130];
	[tilespmem:s31+$0x1E0D0] =	vst v12;
	s31 =	smov.u32 s24  }
0x1c1: {  	v12 =	vld [tilespmem:s31+$0x1E110]  }
0x1c2: {  	v14 =	vld [tilespmem:s31+$0x1EB00]  }
0x1c3: {  	v17 =	vld [tilespmem:s31+$0x1E100]  }
0x1c4: {  	v5 =	vld [tilespmem:s31+$0x1E0E0]  }
0x1c5: {  	v21 =	vld [tilespmem:s31+$0x1E0D0]  }
0x1c6: {  	v18 =	vld [tilespmem:s31+$0x1EAC0];
	v22 =	vadd.f32 v9, v12  }
0x1c7: {  	v9 =	vld [tilespmem:s31+$0x1E0C0]  }
0x1c8: {  	v27 =	vld [tilespmem:s1+$0x0]  }
0x1c9: {  	v12 =	vld [tilespmem:s31+$0x1E1A0]  }
0x1ca: {  	v24 =	vld [tilespmem:s31+$0x1EBA0]  }
0x1cb: {  	v15 =	vadd.f32 v15, v8;
	v28 =	vld [tilespmem:s31+$0x1E1B0]  }
0x1cc: {  	v18 =	vadd.f32 v18, v9;
	v29 =	vld [tilespmem:s31+$0x1EBB0]  }
0x1cd: {  	v11 =	vadd.f32 v25, v11;
	v9 =	vbroadcast v27, $0x4;
	v30 =	vbroadcast v27, $0x6;
	v25 =	vld [tilespmem:s31+$0x1E1C0]  }
0x1ce: {  	v31 =	vbroadcast v27, $0x7;
	v33 =	vbroadcast v27, $0xF;
	v32 =	vld [tilespmem:s31+$0x1EBC0]  }
0x1cf: {  	v8 =	vbroadcast v27, $0x1;
	v34 =	vmul.f32 v11, v30;
	v12 =	vadd.f32 v24, v12;
	v24 =	vld [tilespmem:s31+$0x1E1D0]  }
0x1d0: {  	v14 =	vadd.f32 v14, v17;
	v17 =	vbroadcast v27, $0x2;
	v11 =	vbroadcast v27, $0x3;
	v35 =	vld [tilespmem:s31+$0x1EBD0]  }
0x1d1: {  	v36 =	vmul.f32 v10, v9;
	v37 =	vmul.f32 v12, v31;
	v28 =	vadd.f32 v29, v28;
	v29 =	vld [tilespmem:s31+$0x1E1E0]  }
0x1d2: {  	v38 =	vbroadcast v27, $0x8;
	v12 =	vbroadcast v27, $0x0;
	v34 =	vadd.f32 v34, v4;
	v39 =	vld [tilespmem:s31+$0x1EBE0]  }
0x1d3: {  	v10 =	vmul.f32 v22, v17;
	v22 =	vmul.f32 v28, v31;
	v25 =	vadd.f32 v32, v25;
	v28 =	vld [tilespmem:s31+$0x1E1F0]  }
0x1d4: {  	v15 =	vmul.f32 v15, v30;
	v30 =	vmax.f32 v34, $0.0e+00;
	v32 =	vmul.f32 v19, v33;
	v31 =	vld [tilespmem:s31+$0x1EBF0]  }
0x1d5: {  	v26 =	vmul.f32 v26, v33;
	[tilespmem:s31+$0x1E190] =	vst v30;
	v25 =	vmul.f32 v25, v38;
	v24 =	vadd.f32 v35, v24;
	v30 =	vld [tilespmem:s31+$0x1E200]  }
0x1d6: {  	v19 =	vbroadcast v27, $0x5;
	v33 =	vbroadcast v27, $0x9;
	v32 =	vadd.f32 v32, v4;
	v34 =	vld [tilespmem:s31+$0x1EC00]  }
0x1d7: {  	v35 =	vmul.f32 v14, v17;
	v17 =	vmul.f32 v24, v38;
	v24 =	vadd.f32 v39, v29;
	v29 =	vld [tilespmem:s31+$0x1E210]  }
0x1d8: {  	v38 =	vmul.f32 v18, v12;
	v39 =	vmul.f32 v13, v19;
	v18 =	vmax.f32 v32, $0.0e+00;
	v40 =	vld [tilespmem:s31+$0x1EC10]  }
0x1d9: {  	v14 =	vadd.f32 v37, v3;
	v32 =	vmul.f32 v24, v33;
	v24 =	vadd.f32 v31, v28;
	v28 =	vld [tilespmem:s31+$0x1E220]  }
0x1da: {  	v22 =	vadd.f32 v22, v4;
	v13 =	vadd.f32 v15, v3;
	v31 =	vbroadcast v27, $0xA;
	v37 =	vld [tilespmem:s31+$0x1EC20];
	[tilespmem:s31+$0x1E2B0] =	vst v18  }
0x1db: {  	v15 =	vadd.f32 v36, v4;
	v33 =	vmul.f32 v24, v33;
	v30 =	vadd.f32 v34, v30;
	v34 =	vld [tilespmem:s31+$0x1E230]  }
0x1dc: {  	v36 =	vbroadcast v27, $0xD;
	v18 =	vadd.f32 v17, v4;
	v24 =	vadd.f32 v25, v3;
	v25 =	vld [tilespmem:s31+$0x1EC30]  }
0x1dd: {  	v17 =	vadd.f32 v32, v3;
	v30 =	vmul.f32 v30, v31;
	v29 =	vadd.f32 v40, v29;
	v32 =	vld [tilespmem:s31+$0x1E240]  }
0x1de: {  	v39 =	vadd.f32 v39, v4;
	v33 =	vadd.f32 v33, v4;
	v40 =	vbroadcast v27, $0xB;
	v41 =	vld [tilespmem:s31+$0x1EC40]  }
0x1df: {  	v30 =	vadd.f32 v30, v3;
	v29 =	vmul.f32 v29, v31;
	v28 =	vadd.f32 v37, v28;
	v31 =	vld [tilespmem:s31+$0x1E250]  }
0x1e0: {  	v42 =	vbroadcast v27, $0xE;
	v37 =	vadd.f32 v38, v3;
	v33 =	vmax.f32 v33, $0.0e+00;
	v38 =	vld [tilespmem:s31+$0x1EC50]  }
0x1e1: {  	[tilespmem:s31+$0x1E1F0] =	vst v33;
	v29 =	vadd.f32 v29, v4;
	v28 =	vmul.f32 v28, v40;
	v25 =	vadd.f32 v25, v34;
	v33 =	vld [tilespmem:s31+$0x1E260]  }
0x1e2: {  	v43 =	vbroadcast v27, $0xC;
	v34 =	vmax.f32 v37, $0.0e+00;
	v30 =	vmax.f32 v30, $0.0e+00;
	v37 =	vld [tilespmem:s31+$0x1E160]  }
0x1e3: {  	[tilespmem:s31+$0x1E200] =	vst v30;
	v27 =	vadd.f32 v28, v3;
	v28 =	vmul.f32 v25, v40;
	v30 =	vadd.f32 v41, v32;
	v40 =	vld [tilespmem:s31+$0x1EC90]  }
0x1e4: {  	v32 =	vadd.f32 v35, v3;
	v29 =	vmax.f32 v29, $0.0e+00;
	v25 =	vadd.f32 v26, v3;
	[tilespmem:s31+$0x1E0C0] =	vst v34;
	v34 =	vld [tilespmem:s31+$0x1E290]  }
0x1e5: {  	v23 =	vmul.f32 v23, v42;
	v35 =	vld [tilespmem:s31+$0x1EB60];
	[tilespmem:s31+$0x1E210] =	vst v29;
	v26 =	vmul.f32 v30, v43;
	v29 =	vadd.f32 v38, v31  }
0x1e6: {  	v38 =	vmax.f32 v27, $0.0e+00;
	v30 =	vadd.f32 v28, v4;
	v31 =	vld [tilespmem:s31+$0x1EAD0];
	v16 =	vadd.f32 v16, v33  }
0x1e7: {  	v33 =	vadd.f32 v23, v3;
	v27 =	vld [tilespmem:s31+$0x1E0F0];
	[tilespmem:s31+$0x1E220] =	vst v38;
	v26 =	vadd.f32 v26, v3;
	v28 =	vmul.f32 v29, v43  }
.Ltmp7:
0x1e8: {  	v23 =	vmax.f32 v32, $0.0e+00;
	v29 =	vld [tilespmem:s31+$0x1EAF0];
	v38 =	vmul.f32 v16, v36;
	v36 =	vmul.f32 v20, v36;
	(pc) =	sbr.rel @p2 .LBB2_12-.Ltmp7, $4  }
0x1e9: {  	v32 =	vmax.f32 v33, $0.0e+00;
	[tilespmem:s31+$0x1E100] =	vst v23;
	v23 =	vld [tilespmem:s31+$0x1EB20];
	v20 =	vmax.f32 v26, $0.0e+00;
	v26 =	vadd.f32 v28, v4  }
0x1ea: {  	v33 =	vmax.f32 v39, $0.0e+00;
	v39 =	vadd.f32 v40, v34;
	v16 =	vld [tilespmem:s31+$0x1E140];
	[tilespmem:s31+$0x1E240] =	vst v20;
	v38 =	vadd.f32 v38, v3  }
0x1eb: {  	v20 =	vadd.f32 v31, v21;
	v28 =	vld [tilespmem:s31+$0x1E120];
	[tilespmem:s31+$0x1E170] =	vst v33;
	v31 =	vmax.f32 v26, $0.0e+00;
	v26 =	vadd.f32 v36, v4  }
0x1ec: {  	s2 =	smov.u32 s13;
	v34 =	vadd.f32 v35, v37;
	v33 =	vmul.f32 v39, v42;
	v21 =	vld [tilespmem:s31+$0x1EAE0];
	[tilespmem:s31+$0x1E250] =	vst v31;
	v31 =	vmax.f32 v38, $0.0e+00  }
0x1ed: {  	[tilespmem:s31+$0x1E280] =	vst v32  }
0x1ee: {  	v30 =	vmax.f32 v30, $0.0e+00;
	[tilespmem:s31+$0x1E260] =	vst v31  }
0x1ef: {  	v24 =	vmax.f32 v24, $0.0e+00;
	[tilespmem:s31+$0x1E230] =	vst v30  }
0x1f0: {  	v48 =	vmax.f32 v25, $0.0e+00;
	[tilespmem:s31+$0x1E1C0] =	vst v24  }
0x1f1: {  	v22 =	vmax.f32 v22, $0.0e+00;
	[tilespmem:s31+$0x1E2A0] =	vst v48  }
0x1f2: {  	v53 =	vmax.f32 v26, $0.0e+00;
	[tilespmem:s31+$0x1E1B0] =	vst v22  }
0x1f3: {  	v27 =	vadd.f32 v29, v27;
	v56 =	vmax.f32 v18, $0.0e+00;
	[tilespmem:s31+$0x1E270] =	vst v53  }
0x1f4: {  	v35 =	vld [tilespmem:s31+$0x1EB30];
	v57 =	vmax.f32 v17, $0.0e+00;
	v14 =	vmax.f32 v14, $0.0e+00;
	v59 =	vmax.f32 v15, $0.0e+00;
	[tilespmem:s31+$0x1E1D0] =	vst v56  }
0x1f5: {  	v10 =	vadd.f32 v10, v4;
	v60 =	vmax.f32 v13, $0.0e+00;
	v19 =	vmul.f32 v34, v19;
	[tilespmem:s31+$0x1E1E0] =	vst v57  }
0x1f6: {  	v49 =	vadd.f32 v33, v4;
	[tilespmem:s31+$0x1E1A0] =	vst v14;
	v50 =	vmul.f32 v27, v8;
	v7 =	vadd.f32 v7, v16  }
0x1f7: {  	[tilespmem:s31+$0x1E150] =	vst v59;
	v63 =	vmax.f32 v10, $0.0e+00;
	v19 =	vadd.f32 v19, v3;
	v55 =	vadd.f32 v23, v28  }
0x1f8: {  	[tilespmem:s31+$0x1E180] =	vst v60;
	v51 =	vmax.f32 v49, $0.0e+00;
	v7 =	vmul.f32 v7, v9;
	v5 =	vadd.f32 v21, v5  }
0x1f9: {  	[tilespmem:s31+$0x1E110] =	vst v63;
	v52 =	vadd.f32 v50, v4;
	v58 =	vmul.f32 v55, v11;
	v6 =	vadd.f32 v35, v6  }
0x1fa: {  	[tilespmem:s31+$0x1E290] =	vst v51;
	v19 =	vmax.f32 v19, $0.0e+00;
	v7 =	vadd.f32 v7, v3;
	v5 =	vmul.f32 v5, v8  }
0x1fb: {  	[tilespmem:s31+$0x1E160] =	vst v19;
	v54 =	vmax.f32 v52, $0.0e+00;
	v6 =	vmul.f32 v6, v11;
	v61 =	vadd.f32 v58, v3  }
0x1fc: {  	v62 =	vmul.f32 v20, v12;
	[tilespmem:s31+$0x1E0F0] =	vst v54;
	v7 =	vmax.f32 v7, $0.0e+00;
	v5 =	vadd.f32 v5, v3  }
0x1fd: {  	v6 =	vadd.f32 v6, v4;
	[tilespmem:s31+$0x1E140] =	vst v7;
	v7 =	vmax.f32 v61, $0.0e+00  }
0x1fe: {  	v8 =	vadd.f32 v62, v4;
	[tilespmem:s31+$0x1E120] =	vst v7;
	v5 =	vmax.f32 v5, $0.0e+00  }
0x1ff: {  	v6 =	vmax.f32 v6, $0.0e+00;
	[tilespmem:s31+$0x1E0E0] =	vst v5  }
0x200: {  	[tilespmem:s31+$0x1E130] =	vst v6;
	v6 =	vmax.f32 v8, $0.0e+00  }
0x201: {  	s1 =	rddreg [dreg:$0x5];
	[tilespmem:s31+$0x1E0D0] =	vst v6  }
0x202: {  	[spmem:s1] =	stream.indirect.scatter.add.f32 [tilespmem:s17], [sflag:$0x4], $0x20, s23, s5, $0xb8;
	[tilespmem:$0x1F8C0] =	vst v63  }
0x203: {  	_ =	swait.ge [sflag:s18], $0xA00  }
0x204: {  	s22 =	sadd.s32 $0x1, s22;
	[sflag:s18] =	ssyncset.done $0x0  }
0x205: {  	p2 =	sne.s32 s22, s12;
	[sflag:s18] =	ssyncadd.s32 $0xFFFFF600  }
.Ltmp8:
0x206: {  	s2 =	simm.s32 $0x1F750;
	s31 =	rddreg [dreg:$0x6];
	(pc) =	sbr.rel @p2 .LBB2_11-.Ltmp8, $4  }
0x207: {  	[spmem:s31] =	stream.indirect.scatter.add.f32 [tilespmem:s2], [sflag:$0x4], $0x1, s23, s5, $0xb8;
	[tilespmem:$0x1F8C0] =	vst v63  }
0x208: {  	_ =	swait.ge [sflag:s18], $0x50  }
0x209: {  	[sflag:s18] =	ssyncset.done $0x0  }
0x20a: {  	[sflag:s18] =	ssyncadd.s32 $0xFFFFFFB0  }
0x20b: {  	[bflag:$0x0] =	sbarrier.arrive $0xFFFF  }
0x20c: {  	s1 =	simm.s32 @!p1 $0x1F7A0;
	s2 =	rddreg [dreg:$0x6]  }
0x20d: {  	[tilespmem:s1], [sflag:$0x4] =	stream.linear.gather @!p1 [spmem:s2], $0x100, $0x38;
	[tilespmem:$0x1F8C0] =	vst v63  }
0x20e: {  	s2 =	simm.s32 @!p1 $0x4  }
0x20f: {  	_ =	swait.ge @!p1 [sflag:s2], $0x100  }
0x210: {  	[sflag:s2] =	ssyncset.done @!p1 $0x0  }
0x211: {  	[sflag:s2] =	ssyncadd.s32 @!p1 $0xFFFFFF00  }
0x212: {  	s13 =	simm.s32 @!p1 $0x0;
	s22 =	rddreg [dreg:$0x3]  }
0x213: {  	[hbm4b:s22+s13] =	stream.linear.scatter @!p1 [tilespmem:s1], [sflag:$0x4], $0x100, $0x38;
	[tilespmem:$0x1F8C0] =	vst v63  }
0x214: {  	_ =	swait.ge @!p1 [sflag:s2], $0x100  }
0x215: {  	[sflag:s2] =	ssyncset.done @!p1 $0x0  }
0x216: {  	[sflag:s2] =	ssyncadd.s32 @!p1 $0xFFFFFF00  }
0x217: {  	s1 =	simm.s32 @!p0 $0x192B0;
	s2 =	rddreg [dreg:$0x5]  }
0x218: {  	[tilespmem:s1], [sflag:$0x4] =	stream.linear.gather @!p0 [spmem:s2], $0x2000, $0x38;
	[tilespmem:$0x1F8C0] =	vst v63  }
0x219: {  	s2 =	simm.s32 @!p0 $0x4  }
0x21a: {  	_ =	swait.ge @!p0 [sflag:s2], $0x2000  }
0x21b: {  	[sflag:s2] =	ssyncset.done @!p0 $0x0  }
0x21c: {  	s13 =	simm.s32 @!p0 $0x0;
	s22 =	rddreg [dreg:$0xb];
	[sflag:s2] =	ssyncadd.s32 @!p0 $0xFFFFE000  }
0x21d: {  	[hbm4b:s22+s13] =	stream.linear.scatter @!p0 [tilespmem:s1], [sflag:$0x4], $0x2000, $0x38;
	[tilespmem:$0x1F8C0] =	vst v63  }
0x21e: {  	_ =	swait.ge @!p0 [sflag:s2], $0x2000  }
0x21f: {  	s24 =	rddreg [dreg:$0x1c]  }
0x220: {  	s31 =	rddreg [dreg:$0xc];
	s13 =	sadd.s32 $0x1, s24  }
0x221: {  	p2 =	sne.s32 s13, s31  }
.Ltmp9:
0x222: {  	_ = 	snop;
	(pc) =	sbr.rel @p2 .LBB2_1-.Ltmp9, $3  }
0x223: {  	_ =	sdelay $0x1  }
0x224: {  	[sflag:s2] =	ssyncset.done @!p0 $0x0  }
0x225: {  	[sflag:s2] =	ssyncadd.s32 @!p0 $0xFFFFE000;
	s24 =	simm.s32 $0x189F0  }
0x226: {  	_ =	sfence.sel $0x180000  }
0x227: {  	[bflag:$0x0] =	sbarrier.arrive $0xFFFF  }
0x228: {  	_ =	strace $0x9000004A  }
0x229: {  	[bflag:$0x2] =	sbarrier.arrive $0xFFFF  }
0x22a: {  	s0 =	rddreg [dreg:$0x7]  }
0x22b: {  	s0 =	sadd.s32 @!p0 $0x100000, s0  }
0x22c: {  	[sflag:s0] =	ssyncadd.tile.s32 @!p0 $0x1;
	_ =	shalt  }
.Lfunc_end2:
_tile_overlayer_lowered:
.L_overlay_start_2:
0x22d: {  	(tag) =	ssettag $0x2  }
0x22e: {  	s0 =	rddreg [dreg:$0x0];
	s2 =	stileid.u32  }
0x22f: {  	s1 =	rddreg [dreg:$0x1];
	p0 =	sne.s32 s2, $0x0  }
0x230: {  	s3 =	rddreg [dreg:$0x2];
	[bflag:$0x3] =	sbarrier.arrive $0xFFFF;
	s2 =	simm.s32 @!p0 $0x1C04  }
0x231: {  	[timem:s3], [sflag:s2] =	dma.local @!p0 [hbm:s0], s1  }
0x232: {  	s0 =	simm.s32 @!p0 $0x4  }
0x233: {  	_ =	swait.ge @!p0 [sflag:s0], s1  }
0x234: {  	s1 =	ssub.s32 @!p0 $0x0, s1;
	[sflag:s0] =	ssyncset.done @!p0 $0x0  }
0x235: {  	[sflag:s0] =	ssyncadd.s32 @!p0 s1  }
0x236: {  	[bflag:$0x3] =	sbarrier.arrive $0xFFFF  }
0x237: {  	_ =	shalt  }

</sc_bundles>
